<compile_context>
chip_gen: v7x
topology: tpu7x:2x2x1
jax: 0.10.2.dev20260603
libtpu: 0.0.44.dev20260713+nightly
codegen_flags: <defaults>
</compile_context>

<pallas_src>
import functools

import jax
import jax.numpy as jnp
from jax import lax
from jax.experimental import pallas as pl
from jax.experimental.pallas import tpu as pltpu
from jax.experimental.pallas import tpu_sc as plsc

VOCAB = 100000
D = 64
B = 4096
L = 200
N = B * L

NC = 2
NS = 16
NW = NC * NS
BW = B // NW
DB = D // 8
BLK = 4


def _sc_kernel(tok_hbm, table_hbm, pos_hbm, out_hbm,
               idx_v, gbuf, obuf, pos_v, sem_g, sem_s):
    wid = lax.axis_index("s") * NC + lax.axis_index("c")

    pltpu.sync_copy(pos_hbm, pos_v)
    pltpu.sync_copy(tok_hbm.at[:, pl.ds(wid * BW, BW)], idx_v)

    def fire_block(l0):
        half = (l0 // BLK) % 2
        for k in range(BLK):
            pltpu.async_copy(table_hbm.at[idx_v.at[l0 + k]],
                             gbuf.at[pl.ds((half * BLK + k) * BW, BW)],
                             sem_g)

    def wait_block():
        for _ in range(BLK):
            pltpu.make_async_copy(table_hbm.at[idx_v.at[0]],
                                  gbuf.at[pl.ds(0, BW)], sem_g).wait()

    def wait_scatter():
        pltpu.make_async_copy(obuf.at[pl.ds(0, DB)],
                              out_hbm.at[0, :, wid], sem_s).wait()

    fire_block(0)

    iota = lax.iota(jnp.int32, 16)

    def body(l, carry):
        @pl.when(l % BLK == 0)
        def _():
            wait_block()

            @pl.when(l + BLK < L)
            def _():
                fire_block(l + BLK)

        @pl.when(l >= 2)
        def _():
            wait_scatter()

        par = l % 2
        row0 = (((l // BLK) % 2) * BLK + (l % BLK)) * BW
        lanes = jnp.full((16,), l, jnp.int32)
        rowsv = [row0 + cb * 16 + iota for cb in range(8)]
        cvecs = [cb * 16 + iota for cb in range(8)]

        @plsc.parallel_loop(0, D // 16, 1, unroll=4)
        def db_body(db):
            for k in range(16):
                dvec = db * 16 + ((iota + k) & 15)
                p = plsc.load_gather(pos_v, [lanes, dvec])
                rv = (dvec >> 3) + par * DB
                ddv = dvec & 7
                vals = [plsc.load_gather(gbuf, [rowsv[cb], dvec])
                        for cb in range(8)]
                for cb in range(8):
                    g = vals[cb]
                    plsc.store_scatter(obuf, [rv, ddv, cvecs[cb]], g + g + p)

        pltpu.async_copy(obuf.at[pl.ds(par * DB, DB)],
                         out_hbm.at[l, :, wid], sem_s)
        return carry

    lax.fori_loop(0, L, body, 0, unroll=False)

    wait_scatter()
    wait_scatter()


def kernel(tokens, table, pos_emb):
    tok_t = tokens.T.astype(jnp.int32)
    mesh = plsc.VectorSubcoreMesh(core_axis_name="c", subcore_axis_name="s")
    run = functools.partial(
        pl.kernel,
        mesh=mesh,
        out_type=jax.ShapeDtypeStruct((L, DB, NW, 8, 128), jnp.float32),
        scratch_types=[
            pltpu.VMEM((L, BW), jnp.int32),
            pltpu.VMEM((2 * BLK * BW, D), jnp.float32),
            pltpu.VMEM((2 * DB, 8, 128), jnp.float32),
            pltpu.VMEM((L, D), jnp.float32),
            pltpu.SemaphoreType.DMA,
            pltpu.SemaphoreType.DMA,
        ],
        compiler_params=pltpu.CompilerParams(use_tc_tiling_on_sc=False,
                                             needs_layout_passes=False,
                                             disable_bounds_checks=True),
    )(_sc_kernel)
    out5 = run(tok_t, table, pos_emb)
    return out5.transpose(2, 4, 0, 1, 3).reshape(B, L, D)

# --- scband reference (transcript-rebuilt; emitter-appended) ---
"""Pipeline reference for scband-tokenizer-68762426409221 (READ-ONLY COPY).

The authoritative reference and input builder live on the scoring server;
editing this copy changes nothing except your own understanding.
"""

import jax, jax.numpy as jnp
import numpy as np

VOCAB = 100000
D = 64
B = 4096
L = 200


def make_pos_emb():
    # Faithful port of Positional_embedding.__init__
    pos = np.arange(0, L, dtype=np.float32)[:, None]
    div = np.power(1000.0, np.arange(0, D, 2, dtype=np.float32) / D)
    pe = np.zeros((L, D), dtype=np.float32)
    pe[:, 0::2] = np.sin(pos / div)
    pe[:, 1::2] = np.cos(pos / div)
    return jnp.asarray(pe)


def setup_inputs(seed: int = 0) -> dict:
    key = jax.random.key(seed)
    k1, k2 = jax.random.split(key)
    tokens = jax.random.randint(k1, (B, L), 0, VOCAB, dtype=jnp.int64 if jax.config.jax_enable_x64 else jnp.int32)
    table = jax.random.normal(k2, (VOCAB, D), dtype=jnp.float32)
    pos_emb = make_pos_emb()
    return {"tokens": tokens, "table": table, "pos_emb": pos_emb}


def reference(tokens, table, pos_emb):
    # Tokenizer.forward after batch_tokenization produced integer ids:
    #   x = embedding(tokens)
    #   pos = x + positional_embedding   (Positional_embedding.forward returns x + PE)
    #   out = dropout(x + pos)  -> identity at eval
    emb = jnp.take(table, tokens, axis=0)          # [B, L, D] gather (SparseCore embedding lookup)
    pos = emb + pos_emb[None, :, :]                # positional embedding add
    out = emb + pos                                # x + pos; dropout is identity in eval mode
    return out

if __name__ == "__main__":
    import jax
    _d = setup_inputs()
    print(jax.jit(kernel)(*tuple(_d.values())))

</pallas_src>

<mosaic_0001>
#map = affine_map<(d0, d1) -> (0, 0)>
#map1 = affine_map<(d0, d1) -> (0, 0, 0, 0, 0)>
module attributes {stable_mosaic.version = 14 : i64} {
  func.func @_sc_kernel(%arg0: i32, %arg1: i32, %arg2: memref<200x4096xi32, #tpu.memory_space<hbm>>, %arg3: memref<100000x64xf32, #tpu.memory_space<hbm>>, %arg4: memref<200x64xf32, #tpu.memory_space<hbm>>, %arg5: memref<200x8x32x8x128xf32, #tpu.memory_space<hbm>>, %arg6: memref<200x128xi32, #tpu.memory_space<vmem>>, %arg7: memref<1024x64xf32, #tpu.memory_space<vmem>>, %arg8: memref<16x8x128xf32, #tpu.memory_space<vmem>>, %arg9: memref<200x64xf32, #tpu.memory_space<vmem>>, %arg10: memref<!tpu.dma_semaphore, #tpu.memory_space<semaphore_mem>>, %arg11: memref<!tpu.dma_semaphore, #tpu.memory_space<semaphore_mem>>) attributes {dimension_semantics = [#tpu.dimension_semantics<core_parallel>, #tpu.dimension_semantics<subcore_parallel>], iteration_bounds = array<i64: 2, 16>, scalar_prefetch = 0 : i64, scratch_operands = 6 : i64, tpu.core_type = #tpu.core_type<sc_vector_subcore>, window_params = [{transform_indices = #map}, {transform_indices = #map}, {transform_indices = #map}, {transform_indices = #map1}]} {
    %mul3A = arith.constant 2 : i32
    %mul3A_0 = arith.muli %arg1, %mul3A : i32
    %add3A = arith.addi %mul3A_0, %arg0 : i32
    "tpu.region"() ({
      %run_scoped3A = tpu.sem_alloc : memref<!tpu.dma_semaphore, #tpu.memory_space<semaphore_mem>>
      tpu.enqueue_dma source(%arg4 : memref<200x64xf32, #tpu.memory_space<hbm>>) target(%arg9 : memref<200x64xf32, #tpu.memory_space<vmem>>) target_semaphore(%run_scoped3A : memref<!tpu.dma_semaphore, #tpu.memory_space<semaphore_mem>>)
      tpu.wait_dma2 semaphore(%run_scoped3A : memref<!tpu.dma_semaphore, #tpu.memory_space<semaphore_mem>>) src(%arg4 : memref<200x64xf32, #tpu.memory_space<hbm>>) dst(%arg9 : memref<200x64xf32, #tpu.memory_space<vmem>>)
      tpu.yield
    }) : () -> ()
    %mul3A_1 = arith.constant 128 : i32
    %mul3A_2 = arith.muli %add3A, %mul3A_1 : i32
    "tpu.region"() ({
      %run_scoped3A = tpu.sem_alloc : memref<!tpu.dma_semaphore, #tpu.memory_space<semaphore_mem>>
      %dma_start3A_84 = arith.constant 0 : i32
      %dma_start3A_85 = tpu.memref_slice %arg2[%dma_start3A_84, %mul3A_2] : memref<200x4096xi32, #tpu.memory_space<hbm>> -> memref<200x128xi32, #tpu.memory_space<hbm>>
      %dma_start3A_86 = arith.constant 0 : i32
      %dma_start3A_87 = tpu.memref_slice %arg2[%dma_start3A_86, %mul3A_2] : memref<200x4096xi32, #tpu.memory_space<hbm>> -> memref<200x128xi32, #tpu.memory_space<hbm>>
      tpu.enqueue_dma source(%dma_start3A_87 : memref<200x128xi32, #tpu.memory_space<hbm>>) target(%arg6 : memref<200x128xi32, #tpu.memory_space<vmem>>) target_semaphore(%run_scoped3A : memref<!tpu.dma_semaphore, #tpu.memory_space<semaphore_mem>>)
      %dma_wait3A_88 = arith.constant 0 : i32
      %dma_wait3A_89 = tpu.memref_slice %arg2[%dma_wait3A_88, %mul3A_2] : memref<200x4096xi32, #tpu.memory_space<hbm>> -> memref<200x128xi32, #tpu.memory_space<hbm>>
      %dma_wait3A_90 = arith.constant 0 : i32
      %dma_wait3A_91 = tpu.memref_slice %arg2[%dma_wait3A_90, %mul3A_2] : memref<200x4096xi32, #tpu.memory_space<hbm>> -> memref<200x128xi32, #tpu.memory_space<hbm>>
      tpu.wait_dma2 semaphore(%run_scoped3A : memref<!tpu.dma_semaphore, #tpu.memory_space<semaphore_mem>>) src(%dma_wait3A_91 : memref<200x128xi32, #tpu.memory_space<hbm>>) dst(%arg6 : memref<200x128xi32, #tpu.memory_space<vmem>>)
      tpu.yield
    }) : () -> ()
    %dma_start3A = arith.constant 0 : i32
    %dma_start3A_3 = arith.constant 0 : i32
    %dma_start3A_4 = arith.constant 0 : i32
    %dma_start3A_5 = tpu.memref_slice %arg7[%dma_start3A_3, %dma_start3A_4] : memref<1024x64xf32, #tpu.memory_space<vmem>> -> memref<128x64xf32, #tpu.memory_space<vmem>>
    %dma_start3A_6 = arith.constant 0 : i32
    %dma_start3A_7 = tpu.memref_slice %arg6[%dma_start3A, %dma_start3A_6] : memref<200x128xi32, #tpu.memory_space<vmem>> -> memref<1x128xi32, #tpu.memory_space<vmem>>
    %dma_start3A_8 = tpu.memref_squeeze %dma_start3A_7 : memref<1x128xi32, #tpu.memory_space<vmem>> -> memref<128xi32, #tpu.memory_space<vmem>>
    %dma_start3A_9 = arith.constant 0 : i32
    %dma_start3A_10 = arith.constant 0 : i32
    %dma_start3A_11 = tpu.memref_slice %arg3[%dma_start3A_9, %dma_start3A_10] : memref<100000x64xf32, #tpu.memory_space<hbm>> -> memref<100000x64xf32, #tpu.memory_space<hbm>>
    tpu.enqueue_indirect_dma source(%dma_start3A_11 : memref<100000x64xf32, #tpu.memory_space<hbm>>) target(%dma_start3A_5 : memref<128x64xf32, #tpu.memory_space<vmem>>) offsets(%dma_start3A_8 : memref<128xi32, #tpu.memory_space<vmem>>) semaphore(%arg10 : memref<!tpu.dma_semaphore, #tpu.memory_space<semaphore_mem>>)
    %dma_start3A_12 = arith.constant 1 : i32
    %dma_start3A_13 = arith.constant 128 : i32
    %dma_start3A_14 = arith.constant 0 : i32
    %dma_start3A_15 = tpu.memref_slice %arg7[%dma_start3A_13, %dma_start3A_14] : memref<1024x64xf32, #tpu.memory_space<vmem>> -> memref<128x64xf32, #tpu.memory_space<vmem>>
    %dma_start3A_16 = arith.constant 0 : i32
    %dma_start3A_17 = tpu.memref_slice %arg6[%dma_start3A_12, %dma_start3A_16] : memref<200x128xi32, #tpu.memory_space<vmem>> -> memref<1x128xi32, #tpu.memory_space<vmem>>
    %dma_start3A_18 = tpu.memref_squeeze %dma_start3A_17 : memref<1x128xi32, #tpu.memory_space<vmem>> -> memref<128xi32, #tpu.memory_space<vmem>>
    %dma_start3A_19 = arith.constant 0 : i32
    %dma_start3A_20 = arith.constant 0 : i32
    %dma_start3A_21 = tpu.memref_slice %arg3[%dma_start3A_19, %dma_start3A_20] : memref<100000x64xf32, #tpu.memory_space<hbm>> -> memref<100000x64xf32, #tpu.memory_space<hbm>>
    tpu.enqueue_indirect_dma source(%dma_start3A_21 : memref<100000x64xf32, #tpu.memory_space<hbm>>) target(%dma_start3A_15 : memref<128x64xf32, #tpu.memory_space<vmem>>) offsets(%dma_start3A_18 : memref<128xi32, #tpu.memory_space<vmem>>) semaphore(%arg10 : memref<!tpu.dma_semaphore, #tpu.memory_space<semaphore_mem>>)
    %dma_start3A_22 = arith.constant 2 : i32
    %dma_start3A_23 = arith.constant 256 : i32
    %dma_start3A_24 = arith.constant 0 : i32
    %dma_start3A_25 = tpu.memref_slice %arg7[%dma_start3A_23, %dma_start3A_24] : memref<1024x64xf32, #tpu.memory_space<vmem>> -> memref<128x64xf32, #tpu.memory_space<vmem>>
    %dma_start3A_26 = arith.constant 0 : i32
    %dma_start3A_27 = tpu.memref_slice %arg6[%dma_start3A_22, %dma_start3A_26] : memref<200x128xi32, #tpu.memory_space<vmem>> -> memref<1x128xi32, #tpu.memory_space<vmem>>
    %dma_start3A_28 = tpu.memref_squeeze %dma_start3A_27 : memref<1x128xi32, #tpu.memory_space<vmem>> -> memref<128xi32, #tpu.memory_space<vmem>>
    %dma_start3A_29 = arith.constant 0 : i32
    %dma_start3A_30 = arith.constant 0 : i32
    %dma_start3A_31 = tpu.memref_slice %arg3[%dma_start3A_29, %dma_start3A_30] : memref<100000x64xf32, #tpu.memory_space<hbm>> -> memref<100000x64xf32, #tpu.memory_space<hbm>>
    tpu.enqueue_indirect_dma source(%dma_start3A_31 : memref<100000x64xf32, #tpu.memory_space<hbm>>) target(%dma_start3A_25 : memref<128x64xf32, #tpu.memory_space<vmem>>) offsets(%dma_start3A_28 : memref<128xi32, #tpu.memory_space<vmem>>) semaphore(%arg10 : memref<!tpu.dma_semaphore, #tpu.memory_space<semaphore_mem>>)
    %dma_start3A_32 = arith.constant 3 : i32
    %dma_start3A_33 = arith.constant 384 : i32
    %dma_start3A_34 = arith.constant 0 : i32
    %dma_start3A_35 = tpu.memref_slice %arg7[%dma_start3A_33, %dma_start3A_34] : memref<1024x64xf32, #tpu.memory_space<vmem>> -> memref<128x64xf32, #tpu.memory_space<vmem>>
    %dma_start3A_36 = arith.constant 0 : i32
    %dma_start3A_37 = tpu.memref_slice %arg6[%dma_start3A_32, %dma_start3A_36] : memref<200x128xi32, #tpu.memory_space<vmem>> -> memref<1x128xi32, #tpu.memory_space<vmem>>
    %dma_start3A_38 = tpu.memref_squeeze %dma_start3A_37 : memref<1x128xi32, #tpu.memory_space<vmem>> -> memref<128xi32, #tpu.memory_space<vmem>>
    %dma_start3A_39 = arith.constant 0 : i32
    %dma_start3A_40 = arith.constant 0 : i32
    %dma_start3A_41 = tpu.memref_slice %arg3[%dma_start3A_39, %dma_start3A_40] : memref<100000x64xf32, #tpu.memory_space<hbm>> -> memref<100000x64xf32, #tpu.memory_space<hbm>>
    tpu.enqueue_indirect_dma source(%dma_start3A_41 : memref<100000x64xf32, #tpu.memory_space<hbm>>) target(%dma_start3A_35 : memref<128x64xf32, #tpu.memory_space<vmem>>) offsets(%dma_start3A_38 : memref<128xi32, #tpu.memory_space<vmem>>) semaphore(%arg10 : memref<!tpu.dma_semaphore, #tpu.memory_space<semaphore_mem>>)
    %iota3A = tpu.iota {dimensions = array<i32: 0>} : vector<16xi32>
    %scan3A = arith.constant 0 : i32
    %scan3A_42 = arith.constant 0 : i32
    %scan3A_43 = arith.constant 200 : i32
    %scan3A_44 = arith.addi %scan3A_42, %scan3A_43 : i32
    %scan3A_45 = arith.constant 1 : i32
    scf.for %scan3A_84 = %scan3A_42 to %scan3A_44 step %scan3A_45  : i32 {
      %jit3A = arith.constant 4 : i32
      %eq3A = arith.constant 0 : i32
      %eq3A_85 = arith.cmpi eq, %jit3A, %eq3A : i32
      %jit3A_86 = arith.constant 1 : i32
      %select_n3A = arith.select %eq3A_85, %jit3A_86, %jit3A : i32
      %rem3A = arith.remsi %scan3A_84, %select_n3A : i32
      %ne3A = arith.constant 0 : i32
      %ne3A_87 = arith.cmpi ne, %rem3A, %ne3A : i32
      %lt3A = arith.constant 0 : i32
      %lt3A_88 = arith.cmpi slt, %rem3A, %lt3A : i32
      %lt3A_89 = arith.constant 0 : i32
      %lt3A_90 = arith.cmpi slt, %select_n3A, %lt3A_89 : i32
      %ne3A_91 = arith.xori %lt3A_88, %lt3A_90 : i1
      %and3A = arith.andi %ne3A_91, %ne3A_87 : i1
      %add3A_92 = arith.addi %rem3A, %select_n3A : i32
      %select_n3A_93 = arith.select %and3A, %add3A_92, %rem3A : i32
      %eq3A_94 = arith.constant 0 : i32
      %eq3A_95 = arith.cmpi eq, %select_n3A_93, %eq3A_94 : i32
      %convert_element_type3A = arith.extui %eq3A_95 : i1 to i32
      %cond3A = arith.constant 0 : i32
      %cond3A_96 = arith.cmpi ne, %convert_element_type3A, %cond3A : i32
      scf.if %cond3A_96 {
        %dma_wait3A_251 = arith.constant 0 : i32
        %dma_wait3A_252 = arith.constant 0 : i32
        %dma_wait3A_253 = arith.constant 0 : i32
        %dma_wait3A_254 = tpu.memref_slice %arg7[%dma_wait3A_252, %dma_wait3A_253] : memref<1024x64xf32, #tpu.memory_space<vmem>> -> memref<128x64xf32, #tpu.memory_space<vmem>>
        %dma_wait3A_255 = arith.constant 0 : i32
        %dma_wait3A_256 = tpu.memref_slice %arg6[%dma_wait3A_251, %dma_wait3A_255] : memref<200x128xi32, #tpu.memory_space<vmem>> -> memref<1x128xi32, #tpu.memory_space<vmem>>
        %dma_wait3A_257 = tpu.memref_squeeze %dma_wait3A_256 : memref<1x128xi32, #tpu.memory_space<vmem>> -> memref<128xi32, #tpu.memory_space<vmem>>
        %dma_wait3A_258 = arith.constant 0 : i32
        %dma_wait3A_259 = arith.constant 0 : i32
        %dma_wait3A_260 = tpu.memref_slice %arg3[%dma_wait3A_258, %dma_wait3A_259] : memref<100000x64xf32, #tpu.memory_space<hbm>> -> memref<100000x64xf32, #tpu.memory_space<hbm>>
        tpu.wait_indirect_dma semaphore(%arg10 : memref<!tpu.dma_semaphore, #tpu.memory_space<semaphore_mem>>) src(%dma_wait3A_260 : memref<100000x64xf32, #tpu.memory_space<hbm>>) dst(%dma_wait3A_254 : memref<128x64xf32, #tpu.memory_space<vmem>>)
        %dma_wait3A_261 = arith.constant 0 : i32
        %dma_wait3A_262 = arith.constant 0 : i32
        %dma_wait3A_263 = arith.constant 0 : i32
        %dma_wait3A_264 = tpu.memref_slice %arg7[%dma_wait3A_262, %dma_wait3A_263] : memref<1024x64xf32, #tpu.memory_space<vmem>> -> memref<128x64xf32, #tpu.memory_space<vmem>>
        %dma_wait3A_265 = arith.constant 0 : i32
        %dma_wait3A_266 = tpu.memref_slice %arg6[%dma_wait3A_261, %dma_wait3A_265] : memref<200x128xi32, #tpu.memory_space<vmem>> -> memref<1x128xi32, #tpu.memory_space<vmem>>
        %dma_wait3A_267 = tpu.memref_squeeze %dma_wait3A_266 : memref<1x128xi32, #tpu.memory_space<vmem>> -> memref<128xi32, #tpu.memory_space<vmem>>
        %dma_wait3A_268 = arith.constant 0 : i32
        %dma_wait3A_269 = arith.constant 0 : i32
        %dma_wait3A_270 = tpu.memref_slice %arg3[%dma_wait3A_268, %dma_wait3A_269] : memref<100000x64xf32, #tpu.memory_space<hbm>> -> memref<100000x64xf32, #tpu.memory_space<hbm>>
        tpu.wait_indirect_dma semaphore(%arg10 : memref<!tpu.dma_semaphore, #tpu.memory_space<semaphore_mem>>) src(%dma_wait3A_270 : memref<100000x64xf32, #tpu.memory_space<hbm>>) dst(%dma_wait3A_264 : memref<128x64xf32, #tpu.memory_space<vmem>>)
        %dma_wait3A_271 = arith.constant 0 : i32
        %dma_wait3A_272 = arith.constant 0 : i32
        %dma_wait3A_273 = arith.constant 0 : i32
        %dma_wait3A_274 = tpu.memref_slice %arg7[%dma_wait3A_272, %dma_wait3A_273] : memref<1024x64xf32, #tpu.memory_space<vmem>> -> memref<128x64xf32, #tpu.memory_space<vmem>>
        %dma_wait3A_275 = arith.constant 0 : i32
        %dma_wait3A_276 = tpu.memref_slice %arg6[%dma_wait3A_271, %dma_wait3A_275] : memref<200x128xi32, #tpu.memory_space<vmem>> -> memref<1x128xi32, #tpu.memory_space<vmem>>
        %dma_wait3A_277 = tpu.memref_squeeze %dma_wait3A_276 : memref<1x128xi32, #tpu.memory_space<vmem>> -> memref<128xi32, #tpu.memory_space<vmem>>
        %dma_wait3A_278 = arith.constant 0 : i32
        %dma_wait3A_279 = arith.constant 0 : i32
        %dma_wait3A_280 = tpu.memref_slice %arg3[%dma_wait3A_278, %dma_wait3A_279] : memref<100000x64xf32, #tpu.memory_space<hbm>> -> memref<100000x64xf32, #tpu.memory_space<hbm>>
        tpu.wait_indirect_dma semaphore(%arg10 : memref<!tpu.dma_semaphore, #tpu.memory_space<semaphore_mem>>) src(%dma_wait3A_280 : memref<100000x64xf32, #tpu.memory_space<hbm>>) dst(%dma_wait3A_274 : memref<128x64xf32, #tpu.memory_space<vmem>>)
        %dma_wait3A_281 = arith.constant 0 : i32
        %dma_wait3A_282 = arith.constant 0 : i32
        %dma_wait3A_283 = arith.constant 0 : i32
        %dma_wait3A_284 = tpu.memref_slice %arg7[%dma_wait3A_282, %dma_wait3A_283] : memref<1024x64xf32, #tpu.memory_space<vmem>> -> memref<128x64xf32, #tpu.memory_space<vmem>>
        %dma_wait3A_285 = arith.constant 0 : i32
        %dma_wait3A_286 = tpu.memref_slice %arg6[%dma_wait3A_281, %dma_wait3A_285] : memref<200x128xi32, #tpu.memory_space<vmem>> -> memref<1x128xi32, #tpu.memory_space<vmem>>
        %dma_wait3A_287 = tpu.memref_squeeze %dma_wait3A_286 : memref<1x128xi32, #tpu.memory_space<vmem>> -> memref<128xi32, #tpu.memory_space<vmem>>
        %dma_wait3A_288 = arith.constant 0 : i32
        %dma_wait3A_289 = arith.constant 0 : i32
        %dma_wait3A_290 = tpu.memref_slice %arg3[%dma_wait3A_288, %dma_wait3A_289] : memref<100000x64xf32, #tpu.memory_space<hbm>> -> memref<100000x64xf32, #tpu.memory_space<hbm>>
        tpu.wait_indirect_dma semaphore(%arg10 : memref<!tpu.dma_semaphore, #tpu.memory_space<semaphore_mem>>) src(%dma_wait3A_290 : memref<100000x64xf32, #tpu.memory_space<hbm>>) dst(%dma_wait3A_284 : memref<128x64xf32, #tpu.memory_space<vmem>>)
        %add3A_291 = arith.constant 4 : i32
        %add3A_292 = arith.addi %scan3A_84, %add3A_291 : i32
        %lt3A_293 = arith.constant 200 : i32
        %lt3A_294 = arith.cmpi slt, %add3A_292, %lt3A_293 : i32
        %convert_element_type3A_295 = arith.extui %lt3A_294 : i1 to i32
        %cond3A_296 = arith.constant 0 : i32
        %cond3A_297 = arith.cmpi ne, %convert_element_type3A_295, %cond3A_296 : i32
        scf.if %cond3A_297 {
          %add3A_298 = arith.constant 4 : i32
          %add3A_299 = arith.addi %scan3A_84, %add3A_298 : i32
          %jit3A_300 = arith.constant 4 : i32
          %div3A_301 = arith.divsi %add3A_299, %jit3A_300 : i32
          %sign3A_302 = arith.constant 0 : i32
          %sign3A_303 = arith.cmpi sgt, %add3A_299, %sign3A_302 : i32
          %sign3A_304 = arith.extui %sign3A_303 : i1 to i32
          %sign3A_305 = arith.constant 0 : i32
          %sign3A_306 = arith.cmpi slt, %add3A_299, %sign3A_305 : i32
          %sign3A_307 = arith.extui %sign3A_306 : i1 to i32
          %sign3A_308 = arith.subi %sign3A_304, %sign3A_307 : i32
          %sign3A_309 = arith.constant 0 : i32
          %sign3A_310 = arith.cmpi sgt, %jit3A_300, %sign3A_309 : i32
          %sign3A_311 = arith.extui %sign3A_310 : i1 to i32
          %sign3A_312 = arith.constant 0 : i32
          %sign3A_313 = arith.cmpi slt, %jit3A_300, %sign3A_312 : i32
          %sign3A_314 = arith.extui %sign3A_313 : i1 to i32
          %sign3A_315 = arith.subi %sign3A_311, %sign3A_314 : i32
          %ne3A_316 = arith.cmpi ne, %sign3A_308, %sign3A_315 : i32
          %rem3A_317 = arith.remsi %add3A_299, %jit3A_300 : i32
          %ne3A_318 = arith.constant 0 : i32
          %ne3A_319 = arith.cmpi ne, %rem3A_317, %ne3A_318 : i32
          %and3A_320 = arith.andi %ne3A_316, %ne3A_319 : i1
          %sub3A_321 = arith.constant 1 : i32
          %sub3A_322 = arith.subi %div3A_301, %sub3A_321 : i32
          %select_n3A_323 = arith.select %and3A_320, %sub3A_322, %div3A_301 : i32
          %jit3A_324 = arith.constant 2 : i32
          %eq3A_325 = arith.constant 0 : i32
          %eq3A_326 = arith.cmpi eq, %jit3A_324, %eq3A_325 : i32
          %jit3A_327 = arith.constant 1 : i32
          %select_n3A_328 = arith.select %eq3A_326, %jit3A_327, %jit3A_324 : i32
          %rem3A_329 = arith.remsi %select_n3A_323, %select_n3A_328 : i32
          %ne3A_330 = arith.constant 0 : i32
          %ne3A_331 = arith.cmpi ne, %rem3A_329, %ne3A_330 : i32
          %lt3A_332 = arith.constant 0 : i32
          %lt3A_333 = arith.cmpi slt, %rem3A_329, %lt3A_332 : i32
          %lt3A_334 = arith.constant 0 : i32
          %lt3A_335 = arith.cmpi slt, %select_n3A_328, %lt3A_334 : i32
          %ne3A_336 = arith.xori %lt3A_333, %lt3A_335 : i1
          %and3A_337 = arith.andi %ne3A_336, %ne3A_331 : i1
          %add3A_338 = arith.addi %rem3A_329, %select_n3A_328 : i32
          %select_n3A_339 = arith.select %and3A_337, %add3A_338, %rem3A_329 : i32
          %add3A_340 = arith.constant 0 : i32
          %add3A_341 = arith.addi %add3A_299, %add3A_340 : i32
          %mul3A_342 = arith.constant 4 : i32
          %mul3A_343 = arith.muli %select_n3A_339, %mul3A_342 : i32
          %add3A_344 = arith.constant 0 : i32
          %add3A_345 = arith.addi %mul3A_343, %add3A_344 : i32
          %mul3A_346 = arith.constant 128 : i32
          %mul3A_347 = arith.muli %add3A_345, %mul3A_346 : i32
          %dma_start3A_348 = arith.constant 0 : i32
          %dma_start3A_349 = tpu.memref_slice %arg7[%mul3A_347, %dma_start3A_348] : memref<1024x64xf32, #tpu.memory_space<vmem>> -> memref<128x64xf32, #tpu.memory_space<vmem>>
          %dma_start3A_350 = arith.constant 0 : i32
          %dma_start3A_351 = tpu.memref_slice %arg6[%add3A_341, %dma_start3A_350] : memref<200x128xi32, #tpu.memory_space<vmem>> -> memref<1x128xi32, #tpu.memory_space<vmem>>
          %dma_start3A_352 = tpu.memref_squeeze %dma_start3A_351 : memref<1x128xi32, #tpu.memory_space<vmem>> -> memref<128xi32, #tpu.memory_space<vmem>>
          %dma_start3A_353 = arith.constant 0 : i32
          %dma_start3A_354 = arith.constant 0 : i32
          %dma_start3A_355 = tpu.memref_slice %arg3[%dma_start3A_353, %dma_start3A_354] : memref<100000x64xf32, #tpu.memory_space<hbm>> -> memref<100000x64xf32, #tpu.memory_space<hbm>>
          tpu.enqueue_indirect_dma source(%dma_start3A_355 : memref<100000x64xf32, #tpu.memory_space<hbm>>) target(%dma_start3A_349 : memref<128x64xf32, #tpu.memory_space<vmem>>) offsets(%dma_start3A_352 : memref<128xi32, #tpu.memory_space<vmem>>) semaphore(%arg10 : memref<!tpu.dma_semaphore, #tpu.memory_space<semaphore_mem>>)
          %add3A_356 = arith.constant 1 : i32
          %add3A_357 = arith.addi %add3A_299, %add3A_356 : i32
          %mul3A_358 = arith.constant 4 : i32
          %mul3A_359 = arith.muli %select_n3A_339, %mul3A_358 : i32
          %add3A_360 = arith.constant 1 : i32
          %add3A_361 = arith.addi %mul3A_359, %add3A_360 : i32
          %mul3A_362 = arith.constant 128 : i32
          %mul3A_363 = arith.muli %add3A_361, %mul3A_362 : i32
          %dma_start3A_364 = arith.constant 0 : i32
          %dma_start3A_365 = tpu.memref_slice %arg7[%mul3A_363, %dma_start3A_364] : memref<1024x64xf32, #tpu.memory_space<vmem>> -> memref<128x64xf32, #tpu.memory_space<vmem>>
          %dma_start3A_366 = arith.constant 0 : i32
          %dma_start3A_367 = tpu.memref_slice %arg6[%add3A_357, %dma_start3A_366] : memref<200x128xi32, #tpu.memory_space<vmem>> -> memref<1x128xi32, #tpu.memory_space<vmem>>
          %dma_start3A_368 = tpu.memref_squeeze %dma_start3A_367 : memref<1x128xi32, #tpu.memory_space<vmem>> -> memref<128xi32, #tpu.memory_space<vmem>>
          %dma_start3A_369 = arith.constant 0 : i32
          %dma_start3A_370 = arith.constant 0 : i32
          %dma_start3A_371 = tpu.memref_slice %arg3[%dma_start3A_369, %dma_start3A_370] : memref<100000x64xf32, #tpu.memory_space<hbm>> -> memref<100000x64xf32, #tpu.memory_space<hbm>>
          tpu.enqueue_indirect_dma source(%dma_start3A_371 : memref<100000x64xf32, #tpu.memory_space<hbm>>) target(%dma_start3A_365 : memref<128x64xf32, #tpu.memory_space<vmem>>) offsets(%dma_start3A_368 : memref<128xi32, #tpu.memory_space<vmem>>) semaphore(%arg10 : memref<!tpu.dma_semaphore, #tpu.memory_space<semaphore_mem>>)
          %add3A_372 = arith.constant 2 : i32
          %add3A_373 = arith.addi %add3A_299, %add3A_372 : i32
          %mul3A_374 = arith.constant 4 : i32
          %mul3A_375 = arith.muli %select_n3A_339, %mul3A_374 : i32
          %add3A_376 = arith.constant 2 : i32
          %add3A_377 = arith.addi %mul3A_375, %add3A_376 : i32
          %mul3A_378 = arith.constant 128 : i32
          %mul3A_379 = arith.muli %add3A_377, %mul3A_378 : i32
          %dma_start3A_380 = arith.constant 0 : i32
          %dma_start3A_381 = tpu.memref_slice %arg7[%mul3A_379, %dma_start3A_380] : memref<1024x64xf32, #tpu.memory_space<vmem>> -> memref<128x64xf32, #tpu.memory_space<vmem>>
          %dma_start3A_382 = arith.constant 0 : i32
          %dma_start3A_383 = tpu.memref_slice %arg6[%add3A_373, %dma_start3A_382] : memref<200x128xi32, #tpu.memory_space<vmem>> -> memref<1x128xi32, #tpu.memory_space<vmem>>
          %dma_start3A_384 = tpu.memref_squeeze %dma_start3A_383 : memref<1x128xi32, #tpu.memory_space<vmem>> -> memref<128xi32, #tpu.memory_space<vmem>>
          %dma_start3A_385 = arith.constant 0 : i32
          %dma_start3A_386 = arith.constant 0 : i32
          %dma_start3A_387 = tpu.memref_slice %arg3[%dma_start3A_385, %dma_start3A_386] : memref<100000x64xf32, #tpu.memory_space<hbm>> -> memref<100000x64xf32, #tpu.memory_space<hbm>>
          tpu.enqueue_indirect_dma source(%dma_start3A_387 : memref<100000x64xf32, #tpu.memory_space<hbm>>) target(%dma_start3A_381 : memref<128x64xf32, #tpu.memory_space<vmem>>) offsets(%dma_start3A_384 : memref<128xi32, #tpu.memory_space<vmem>>) semaphore(%arg10 : memref<!tpu.dma_semaphore, #tpu.memory_space<semaphore_mem>>)
          %add3A_388 = arith.constant 3 : i32
          %add3A_389 = arith.addi %add3A_299, %add3A_388 : i32
          %mul3A_390 = arith.constant 4 : i32
          %mul3A_391 = arith.muli %select_n3A_339, %mul3A_390 : i32
          %add3A_392 = arith.constant 3 : i32
          %add3A_393 = arith.addi %mul3A_391, %add3A_392 : i32
          %mul3A_394 = arith.constant 128 : i32
          %mul3A_395 = arith.muli %add3A_393, %mul3A_394 : i32
          %dma_start3A_396 = arith.constant 0 : i32
          %dma_start3A_397 = tpu.memref_slice %arg7[%mul3A_395, %dma_start3A_396] : memref<1024x64xf32, #tpu.memory_space<vmem>> -> memref<128x64xf32, #tpu.memory_space<vmem>>
          %dma_start3A_398 = arith.constant 0 : i32
          %dma_start3A_399 = tpu.memref_slice %arg6[%add3A_389, %dma_start3A_398] : memref<200x128xi32, #tpu.memory_space<vmem>> -> memref<1x128xi32, #tpu.memory_space<vmem>>
          %dma_start3A_400 = tpu.memref_squeeze %dma_start3A_399 : memref<1x128xi32, #tpu.memory_space<vmem>> -> memref<128xi32, #tpu.memory_space<vmem>>
          %dma_start3A_401 = arith.constant 0 : i32
          %dma_start3A_402 = arith.constant 0 : i32
          %dma_start3A_403 = tpu.memref_slice %arg3[%dma_start3A_401, %dma_start3A_402] : memref<100000x64xf32, #tpu.memory_space<hbm>> -> memref<100000x64xf32, #tpu.memory_space<hbm>>
          tpu.enqueue_indirect_dma source(%dma_start3A_403 : memref<100000x64xf32, #tpu.memory_space<hbm>>) target(%dma_start3A_397 : memref<128x64xf32, #tpu.memory_space<vmem>>) offsets(%dma_start3A_400 : memref<128xi32, #tpu.memory_space<vmem>>) semaphore(%arg10 : memref<!tpu.dma_semaphore, #tpu.memory_space<semaphore_mem>>)
        } else {
        }
      } else {
      }
      %ge3A = arith.constant 2 : i32
      %ge3A_97 = arith.cmpi sge, %scan3A_84, %ge3A : i32
      %convert_element_type3A_98 = arith.extui %ge3A_97 : i1 to i32
      %cond3A_99 = arith.constant 0 : i32
      %cond3A_100 = arith.cmpi ne, %convert_element_type3A_98, %cond3A_99 : i32
      scf.if %cond3A_100 {
        %dma_wait3A_251 = arith.constant 0 : i32
        %dma_wait3A_252 = arith.constant 0 : i32
        %dma_wait3A_253 = arith.constant 0 : i32
        %dma_wait3A_254 = arith.constant 0 : i32
        %dma_wait3A_255 = tpu.memref_slice %arg8[%dma_wait3A_252, %dma_wait3A_253, %dma_wait3A_254] : memref<16x8x128xf32, #tpu.memory_space<vmem>> -> memref<8x8x128xf32, #tpu.memory_space<vmem>>
        %dma_wait3A_256 = arith.constant 0 : i32
        %dma_wait3A_257 = arith.constant 0 : i32
        %dma_wait3A_258 = arith.constant 0 : i32
        %dma_wait3A_259 = tpu.memref_slice %arg5[%dma_wait3A_251, %dma_wait3A_256, %add3A, %dma_wait3A_257, %dma_wait3A_258] : memref<200x8x32x8x128xf32, #tpu.memory_space<hbm>> -> memref<1x8x1x8x128xf32, #tpu.memory_space<hbm>>
        %dma_wait3A_260 = tpu.memref_squeeze %dma_wait3A_259 : memref<1x8x1x8x128xf32, #tpu.memory_space<hbm>> -> memref<8x8x128xf32, #tpu.memory_space<hbm>>
        %dma_wait3A_261 = arith.constant 0 : i32
        %dma_wait3A_262 = arith.constant 0 : i32
        %dma_wait3A_263 = arith.constant 0 : i32
        %dma_wait3A_264 = tpu.memref_slice %arg5[%dma_wait3A_251, %dma_wait3A_261, %add3A, %dma_wait3A_262, %dma_wait3A_263] : memref<200x8x32x8x128xf32, #tpu.memory_space<hbm>> -> memref<1x8x1x8x128xf32, #tpu.memory_space<hbm>>
        %dma_wait3A_265 = tpu.memref_squeeze %dma_wait3A_264 : memref<1x8x1x8x128xf32, #tpu.memory_space<hbm>> -> memref<8x8x128xf32, #tpu.memory_space<hbm>>
        %dma_wait3A_266 = arith.constant 0 : i32
        %dma_wait3A_267 = arith.constant 0 : i32
        %dma_wait3A_268 = arith.constant 0 : i32
        %dma_wait3A_269 = tpu.memref_slice %arg8[%dma_wait3A_266, %dma_wait3A_267, %dma_wait3A_268] : memref<16x8x128xf32, #tpu.memory_space<vmem>> -> memref<8x8x128xf32, #tpu.memory_space<vmem>>
        tpu.wait_dma2 semaphore(%arg11 : memref<!tpu.dma_semaphore, #tpu.memory_space<semaphore_mem>>) src(%dma_wait3A_269 : memref<8x8x128xf32, #tpu.memory_space<vmem>>) dst(%dma_wait3A_265 : memref<8x8x128xf32, #tpu.memory_space<hbm>>)
      } else {
      }
      %jit3A_101 = arith.constant 2 : i32
      %eq3A_102 = arith.constant 0 : i32
      %eq3A_103 = arith.cmpi eq, %jit3A_101, %eq3A_102 : i32
      %jit3A_104 = arith.constant 1 : i32
      %select_n3A_105 = arith.select %eq3A_103, %jit3A_104, %jit3A_101 : i32
      %rem3A_106 = arith.remsi %scan3A_84, %select_n3A_105 : i32
      %ne3A_107 = arith.constant 0 : i32
      %ne3A_108 = arith.cmpi ne, %rem3A_106, %ne3A_107 : i32
      %lt3A_109 = arith.constant 0 : i32
      %lt3A_110 = arith.cmpi slt, %rem3A_106, %lt3A_109 : i32
      %lt3A_111 = arith.constant 0 : i32
      %lt3A_112 = arith.cmpi slt, %select_n3A_105, %lt3A_111 : i32
      %ne3A_113 = arith.xori %lt3A_110, %lt3A_112 : i1
      %and3A_114 = arith.andi %ne3A_113, %ne3A_108 : i1
      %add3A_115 = arith.addi %rem3A_106, %select_n3A_105 : i32
      %select_n3A_116 = arith.select %and3A_114, %add3A_115, %rem3A_106 : i32
      %jit3A_117 = arith.constant 4 : i32
      %div3A = arith.divsi %scan3A_84, %jit3A_117 : i32
      %sign3A = arith.constant 0 : i32
      %sign3A_118 = arith.cmpi sgt, %scan3A_84, %sign3A : i32
      %sign3A_119 = arith.extui %sign3A_118 : i1 to i32
      %sign3A_120 = arith.constant 0 : i32
      %sign3A_121 = arith.cmpi slt, %scan3A_84, %sign3A_120 : i32
      %sign3A_122 = arith.extui %sign3A_121 : i1 to i32
      %sign3A_123 = arith.subi %sign3A_119, %sign3A_122 : i32
      %sign3A_124 = arith.constant 0 : i32
      %sign3A_125 = arith.cmpi sgt, %jit3A_117, %sign3A_124 : i32
      %sign3A_126 = arith.extui %sign3A_125 : i1 to i32
      %sign3A_127 = arith.constant 0 : i32
      %sign3A_128 = arith.cmpi slt, %jit3A_117, %sign3A_127 : i32
      %sign3A_129 = arith.extui %sign3A_128 : i1 to i32
      %sign3A_130 = arith.subi %sign3A_126, %sign3A_129 : i32
      %ne3A_131 = arith.cmpi ne, %sign3A_123, %sign3A_130 : i32
      %rem3A_132 = arith.remsi %scan3A_84, %jit3A_117 : i32
      %ne3A_133 = arith.constant 0 : i32
      %ne3A_134 = arith.cmpi ne, %rem3A_132, %ne3A_133 : i32
      %and3A_135 = arith.andi %ne3A_131, %ne3A_134 : i1
      %sub3A = arith.constant 1 : i32
      %sub3A_136 = arith.subi %div3A, %sub3A : i32
      %select_n3A_137 = arith.select %and3A_135, %sub3A_136, %div3A : i32
      %jit3A_138 = arith.constant 2 : i32
      %eq3A_139 = arith.constant 0 : i32
      %eq3A_140 = arith.cmpi eq, %jit3A_138, %eq3A_139 : i32
      %jit3A_141 = arith.constant 1 : i32
      %select_n3A_142 = arith.select %eq3A_140, %jit3A_141, %jit3A_138 : i32
      %rem3A_143 = arith.remsi %select_n3A_137, %select_n3A_142 : i32
      %ne3A_144 = arith.constant 0 : i32
      %ne3A_145 = arith.cmpi ne, %rem3A_143, %ne3A_144 : i32
      %lt3A_146 = arith.constant 0 : i32
      %lt3A_147 = arith.cmpi slt, %rem3A_143, %lt3A_146 : i32
      %lt3A_148 = arith.constant 0 : i32
      %lt3A_149 = arith.cmpi slt, %select_n3A_142, %lt3A_148 : i32
      %ne3A_150 = arith.xori %lt3A_147, %lt3A_149 : i1
      %and3A_151 = arith.andi %ne3A_150, %ne3A_145 : i1
      %add3A_152 = arith.addi %rem3A_143, %select_n3A_142 : i32
      %select_n3A_153 = arith.select %and3A_151, %add3A_152, %rem3A_143 : i32
      %mul3A_154 = arith.constant 4 : i32
      %mul3A_155 = arith.muli %select_n3A_153, %mul3A_154 : i32
      %jit3A_156 = arith.constant 4 : i32
      %eq3A_157 = arith.constant 0 : i32
      %eq3A_158 = arith.cmpi eq, %jit3A_156, %eq3A_157 : i32
      %jit3A_159 = arith.constant 1 : i32
      %select_n3A_160 = arith.select %eq3A_158, %jit3A_159, %jit3A_156 : i32
      %rem3A_161 = arith.remsi %scan3A_84, %select_n3A_160 : i32
      %ne3A_162 = arith.constant 0 : i32
      %ne3A_163 = arith.cmpi ne, %rem3A_161, %ne3A_162 : i32
      %lt3A_164 = arith.constant 0 : i32
      %lt3A_165 = arith.cmpi slt, %rem3A_161, %lt3A_164 : i32
      %lt3A_166 = arith.constant 0 : i32
      %lt3A_167 = arith.cmpi slt, %select_n3A_160, %lt3A_166 : i32
      %ne3A_168 = arith.xori %lt3A_165, %lt3A_167 : i1
      %and3A_169 = arith.andi %ne3A_168, %ne3A_163 : i1
      %add3A_170 = arith.addi %rem3A_161, %select_n3A_160 : i32
      %select_n3A_171 = arith.select %and3A_169, %add3A_170, %rem3A_161 : i32
      %add3A_172 = arith.addi %mul3A_155, %select_n3A_171 : i32
      %mul3A_173 = arith.constant 128 : i32
      %mul3A_174 = arith.muli %add3A_172, %mul3A_173 : i32
      %broadcast_in_dim3A = vector.broadcast %scan3A_84 : i32 to vector<16xi32>
      %add3A_175 = arith.constant 0 : i32
      %add3A_176 = arith.addi %mul3A_174, %add3A_175 : i32
      %add3A_177 = vector.broadcast %add3A_176 : i32 to vector<16xi32>
      %add3A_178 = arith.addi %add3A_177, %iota3A : vector<16xi32>
      %add3A_179 = arith.constant 16 : i32
      %add3A_180 = arith.addi %mul3A_174, %add3A_179 : i32
      %add3A_181 = vector.broadcast %add3A_180 : i32 to vector<16xi32>
      %add3A_182 = arith.addi %add3A_181, %iota3A : vector<16xi32>
      %add3A_183 = arith.constant 32 : i32
      %add3A_184 = arith.addi %mul3A_174, %add3A_183 : i32
      %add3A_185 = vector.broadcast %add3A_184 : i32 to vector<16xi32>
      %add3A_186 = arith.addi %add3A_185, %iota3A : vector<16xi32>
      %add3A_187 = arith.constant 48 : i32
      %add3A_188 = arith.addi %mul3A_174, %add3A_187 : i32
      %add3A_189 = vector.broadcast %add3A_188 : i32 to vector<16xi32>
      %add3A_190 = arith.addi %add3A_189, %iota3A : vector<16xi32>
      %add3A_191 = arith.constant 64 : i32
      %add3A_192 = arith.addi %mul3A_174, %add3A_191 : i32
      %add3A_193 = vector.broadcast %add3A_192 : i32 to vector<16xi32>
      %add3A_194 = arith.addi %add3A_193, %iota3A : vector<16xi32>
      %add3A_195 = arith.constant 80 : i32
      %add3A_196 = arith.addi %mul3A_174, %add3A_195 : i32
      %add3A_197 = vector.broadcast %add3A_196 : i32 to vector<16xi32>
      %add3A_198 = arith.addi %add3A_197, %iota3A : vector<16xi32>
      %add3A_199 = arith.constant 96 : i32
      %add3A_200 = arith.addi %mul3A_174, %add3A_199 : i32
      %add3A_201 = vector.broadcast %add3A_200 : i32 to vector<16xi32>
      %add3A_202 = arith.addi %add3A_201, %iota3A : vector<16xi32>
      %add3A_203 = arith.constant 112 : i32
      %add3A_204 = arith.addi %mul3A_174, %add3A_203 : i32
      %add3A_205 = vector.broadcast %add3A_204 : i32 to vector<16xi32>
      %add3A_206 = arith.addi %add3A_205, %iota3A : vector<16xi32>
      %add3A_207 = arith.constant 0 : i32
      %add3A_208 = vector.broadcast %add3A_207 : i32 to vector<16xi32>
      %add3A_209 = arith.addi %add3A_208, %iota3A : vector<16xi32>
      %add3A_210 = arith.constant 16 : i32
      %add3A_211 = vector.broadcast %add3A_210 : i32 to vector<16xi32>
      %add3A_212 = arith.addi %add3A_211, %iota3A : vector<16xi32>
      %add3A_213 = arith.constant 32 : i32
      %add3A_214 = vector.broadcast %add3A_213 : i32 to vector<16xi32>
      %add3A_215 = arith.addi %add3A_214, %iota3A : vector<16xi32>
      %add3A_216 = arith.constant 48 : i32
      %add3A_217 = vector.broadcast %add3A_216 : i32 to vector<16xi32>
      %add3A_218 = arith.addi %add3A_217, %iota3A : vector<16xi32>
      %add3A_219 = arith.constant 64 : i32
      %add3A_220 = vector.broadcast %add3A_219 : i32 to vector<16xi32>
      %add3A_221 = arith.addi %add3A_220, %iota3A : vector<16xi32>
      %add3A_222 = arith.constant 80 : i32
      %add3A_223 = vector.broadcast %add3A_222 : i32 to vector<16xi32>
      %add3A_224 = arith.addi %add3A_223, %iota3A : vector<16xi32>
      %add3A_225 = arith.constant 96 : i32
      %add3A_226 = vector.broadcast %add3A_225 : i32 to vector<16xi32>
      %add3A_227 = arith.addi %add3A_226, %iota3A : vector<16xi32>
      %add3A_228 = arith.constant 112 : i32
      %add3A_229 = vector.broadcast %add3A_228 : i32 to vector<16xi32>
      %add3A_230 = arith.addi %add3A_229, %iota3A : vector<16xi32>
      %parallel_loop3A = arith.constant 0 : i32
      %parallel_loop3A_231 = arith.constant 4 : i32
      %parallel_loop3A_232 = arith.constant 1 : i32
      scf.for %parallel_loop3A_251 = %parallel_loop3A to %parallel_loop3A_231 step %parallel_loop3A_232  : i32 {
        %parallel_loop3A_252 = arith.constant 16 : i32
        %parallel_loop3A_253 = arith.muli %parallel_loop3A_251, %parallel_loop3A_252 : i32
        %parallel_loop3A_254 = arith.constant 0 : i32
        %parallel_loop3A_255 = vector.broadcast %parallel_loop3A_254 : i32 to vector<16xi32>
        %parallel_loop3A_256 = arith.addi %iota3A, %parallel_loop3A_255 : vector<16xi32>
        %parallel_loop3A_257 = arith.constant 15 : i32
        %parallel_loop3A_258 = vector.broadcast %parallel_loop3A_257 : i32 to vector<16xi32>
        %parallel_loop3A_259 = arith.andi %parallel_loop3A_256, %parallel_loop3A_258 : vector<16xi32>
        %parallel_loop3A_260 = vector.broadcast %parallel_loop3A_253 : i32 to vector<16xi32>
        %parallel_loop3A_261 = arith.addi %parallel_loop3A_260, %parallel_loop3A_259 : vector<16xi32>
        %parallel_loop3A_262 = tpu.vector_load_idx %arg9[%broadcast_in_dim3A, %parallel_loop3A_261] : memref<200x64xf32, #tpu.memory_space<vmem>>[vector<16xi32>, vector<16xi32>], vector<16xf32>,
        %parallel_loop3A_263 = arith.constant 3 : i32
        %parallel_loop3A_264 = vector.broadcast %parallel_loop3A_263 : i32 to vector<16xi32>
        %parallel_loop3A_265 = arith.shrsi %parallel_loop3A_261, %parallel_loop3A_264 : vector<16xi32>
        %parallel_loop3A_266 = arith.constant 8 : i32
        %parallel_loop3A_267 = arith.muli %select_n3A_116, %parallel_loop3A_266 : i32
        %parallel_loop3A_268 = vector.broadcast %parallel_loop3A_267 : i32 to vector<16xi32>
        %parallel_loop3A_269 = arith.addi %parallel_loop3A_265, %parallel_loop3A_268 : vector<16xi32>
        %parallel_loop3A_270 = arith.constant 7 : i32
        %parallel_loop3A_271 = vector.broadcast %parallel_loop3A_270 : i32 to vector<16xi32>
        %parallel_loop3A_272 = arith.andi %parallel_loop3A_261, %parallel_loop3A_271 : vector<16xi32>
        %parallel_loop3A_273 = tpu.vector_load_idx %arg7[%add3A_178, %parallel_loop3A_261] : memref<1024x64xf32, #tpu.memory_space<vmem>>[vector<16xi32>, vector<16xi32>], vector<16xf32>,
        %parallel_loop3A_274 = tpu.vector_load_idx %arg7[%add3A_182, %parallel_loop3A_261] : memref<1024x64xf32, #tpu.memory_space<vmem>>[vector<16xi32>, vector<16xi32>], vector<16xf32>,
        %parallel_loop3A_275 = tpu.vector_load_idx %arg7[%add3A_186, %parallel_loop3A_261] : memref<1024x64xf32, #tpu.memory_space<vmem>>[vector<16xi32>, vector<16xi32>], vector<16xf32>,
        %parallel_loop3A_276 = tpu.vector_load_idx %arg7[%add3A_190, %parallel_loop3A_261] : memref<1024x64xf32, #tpu.memory_space<vmem>>[vector<16xi32>, vector<16xi32>], vector<16xf32>,
        %parallel_loop3A_277 = tpu.vector_load_idx %arg7[%add3A_194, %parallel_loop3A_261] : memref<1024x64xf32, #tpu.memory_space<vmem>>[vector<16xi32>, vector<16xi32>], vector<16xf32>,
        %parallel_loop3A_278 = tpu.vector_load_idx %arg7[%add3A_198, %parallel_loop3A_261] : memref<1024x64xf32, #tpu.memory_space<vmem>>[vector<16xi32>, vector<16xi32>], vector<16xf32>,
        %parallel_loop3A_279 = tpu.vector_load_idx %arg7[%add3A_202, %parallel_loop3A_261] : memref<1024x64xf32, #tpu.memory_space<vmem>>[vector<16xi32>, vector<16xi32>], vector<16xf32>,
        %parallel_loop3A_280 = tpu.vector_load_idx %arg7[%add3A_206, %parallel_loop3A_261] : memref<1024x64xf32, #tpu.memory_space<vmem>>[vector<16xi32>, vector<16xi32>], vector<16xf32>,
        %parallel_loop3A_281 = arith.addf %parallel_loop3A_273, %parallel_loop3A_273 : vector<16xf32>
        %parallel_loop3A_282 = arith.addf %parallel_loop3A_281, %parallel_loop3A_262 : vector<16xf32>
        tpu.vector_store_idx %arg8[%parallel_loop3A_269, %parallel_loop3A_272, %add3A_209], %parallel_loop3A_282 : memref<16x8x128xf32, #tpu.memory_space<vmem>>[vector<16xi32>, vector<16xi32>, vector<16xi32>], vector<16xf32>,
        %parallel_loop3A_283 = arith.addf %parallel_loop3A_274, %parallel_loop3A_274 : vector<16xf32>
        %parallel_loop3A_284 = arith.addf %parallel_loop3A_283, %parallel_loop3A_262 : vector<16xf32>
        tpu.vector_store_idx %arg8[%parallel_loop3A_269, %parallel_loop3A_272, %add3A_212], %parallel_loop3A_284 : memref<16x8x128xf32, #tpu.memory_space<vmem>>[vector<16xi32>, vector<16xi32>, vector<16xi32>], vector<16xf32>,
        %parallel_loop3A_285 = arith.addf %parallel_loop3A_275, %parallel_loop3A_275 : vector<16xf32>
        %parallel_loop3A_286 = arith.addf %parallel_loop3A_285, %parallel_loop3A_262 : vector<16xf32>
        tpu.vector_store_idx %arg8[%parallel_loop3A_269, %parallel_loop3A_272, %add3A_215], %parallel_loop3A_286 : memref<16x8x128xf32, #tpu.memory_space<vmem>>[vector<16xi32>, vector<16xi32>, vector<16xi32>], vector<16xf32>,
        %parallel_loop3A_287 = arith.addf %parallel_loop3A_276, %parallel_loop3A_276 : vector<16xf32>
        %parallel_loop3A_288 = arith.addf %parallel_loop3A_287, %parallel_loop3A_262 : vector<16xf32>
        tpu.vector_store_idx %arg8[%parallel_loop3A_269, %parallel_loop3A_272, %add3A_218], %parallel_loop3A_288 : memref<16x8x128xf32, #tpu.memory_space<vmem>>[vector<16xi32>, vector<16xi32>, vector<16xi32>], vector<16xf32>,
        %parallel_loop3A_289 = arith.addf %parallel_loop3A_277, %parallel_loop3A_277 : vector<16xf32>
        %parallel_loop3A_290 = arith.addf %parallel_loop3A_289, %parallel_loop3A_262 : vector<16xf32>
        tpu.vector_store_idx %arg8[%parallel_loop3A_269, %parallel_loop3A_272, %add3A_221], %parallel_loop3A_290 : memref<16x8x128xf32, #tpu.memory_space<vmem>>[vector<16xi32>, vector<16xi32>, vector<16xi32>], vector<16xf32>,
        %parallel_loop3A_291 = arith.addf %parallel_loop3A_278, %parallel_loop3A_278 : vector<16xf32>
        %parallel_loop3A_292 = arith.addf %parallel_loop3A_291, %parallel_loop3A_262 : vector<16xf32>
        tpu.vector_store_idx %arg8[%parallel_loop3A_269, %parallel_loop3A_272, %add3A_224], %parallel_loop3A_292 : memref<16x8x128xf32, #tpu.memory_space<vmem>>[vector<16xi32>, vector<16xi32>, vector<16xi32>], vector<16xf32>,
        %parallel_loop3A_293 = arith.addf %parallel_loop3A_279, %parallel_loop3A_279 : vector<16xf32>
        %parallel_loop3A_294 = arith.addf %parallel_loop3A_293, %parallel_loop3A_262 : vector<16xf32>
        tpu.vector_store_idx %arg8[%parallel_loop3A_269, %parallel_loop3A_272, %add3A_227], %parallel_loop3A_294 : memref<16x8x128xf32, #tpu.memory_space<vmem>>[vector<16xi32>, vector<16xi32>, vector<16xi32>], vector<16xf32>,
        %parallel_loop3A_295 = arith.addf %parallel_loop3A_280, %parallel_loop3A_280 : vector<16xf32>
        %parallel_loop3A_296 = arith.addf %parallel_loop3A_295, %parallel_loop3A_262 : vector<16xf32>
        tpu.vector_store_idx %arg8[%parallel_loop3A_269, %parallel_loop3A_272, %add3A_230], %parallel_loop3A_296 : memref<16x8x128xf32, #tpu.memory_space<vmem>>[vector<16xi32>, vector<16xi32>, vector<16xi32>], vector<16xf32>,
        %parallel_loop3A_297 = arith.constant 16 : i32
        %parallel_loop3A_298 = arith.muli %parallel_loop3A_251, %parallel_loop3A_297 : i32
        %parallel_loop3A_299 = arith.constant 1 : i32
        %parallel_loop3A_300 = vector.broadcast %parallel_loop3A_299 : i32 to vector<16xi32>
        %parallel_loop3A_301 = arith.addi %iota3A, %parallel_loop3A_300 : vector<16xi32>
        %parallel_loop3A_302 = arith.constant 15 : i32
        %parallel_loop3A_303 = vector.broadcast %parallel_loop3A_302 : i32 to vector<16xi32>
        %parallel_loop3A_304 = arith.andi %parallel_loop3A_301, %parallel_loop3A_303 : vector<16xi32>
        %parallel_loop3A_305 = vector.broadcast %parallel_loop3A_298 : i32 to vector<16xi32>
        %parallel_loop3A_306 = arith.addi %parallel_loop3A_305, %parallel_loop3A_304 : vector<16xi32>
        %parallel_loop3A_307 = tpu.vector_load_idx %arg9[%broadcast_in_dim3A, %parallel_loop3A_306] : memref<200x64xf32, #tpu.memory_space<vmem>>[vector<16xi32>, vector<16xi32>], vector<16xf32>,
        %parallel_loop3A_308 = arith.constant 3 : i32
        %parallel_loop3A_309 = vector.broadcast %parallel_loop3A_308 : i32 to vector<16xi32>
        %parallel_loop3A_310 = arith.shrsi %parallel_loop3A_306, %parallel_loop3A_309 : vector<16xi32>
        %parallel_loop3A_311 = arith.constant 8 : i32
        %parallel_loop3A_312 = arith.muli %select_n3A_116, %parallel_loop3A_311 : i32
        %parallel_loop3A_313 = vector.broadcast %parallel_loop3A_312 : i32 to vector<16xi32>
        %parallel_loop3A_314 = arith.addi %parallel_loop3A_310, %parallel_loop3A_313 : vector<16xi32>
        %parallel_loop3A_315 = arith.constant 7 : i32
        %parallel_loop3A_316 = vector.broadcast %parallel_loop3A_315 : i32 to vector<16xi32>
        %parallel_loop3A_317 = arith.andi %parallel_loop3A_306, %parallel_loop3A_316 : vector<16xi32>
        %parallel_loop3A_318 = tpu.vector_load_idx %arg7[%add3A_178, %parallel_loop3A_306] : memref<1024x64xf32, #tpu.memory_space<vmem>>[vector<16xi32>, vector<16xi32>], vector<16xf32>,
        %parallel_loop3A_319 = tpu.vector_load_idx %arg7[%add3A_182, %parallel_loop3A_306] : memref<1024x64xf32, #tpu.memory_space<vmem>>[vector<16xi32>, vector<16xi32>], vector<16xf32>,
        %parallel_loop3A_320 = tpu.vector_load_idx %arg7[%add3A_186, %parallel_loop3A_306] : memref<1024x64xf32, #tpu.memory_space<vmem>>[vector<16xi32>, vector<16xi32>], vector<16xf32>,
        %parallel_loop3A_321 = tpu.vector_load_idx %arg7[%add3A_190, %parallel_loop3A_306] : memref<1024x64xf32, #tpu.memory_space<vmem>>[vector<16xi32>, vector<16xi32>], vector<16xf32>,
        %parallel_loop3A_322 = tpu.vector_load_idx %arg7[%add3A_194, %parallel_loop3A_306] : memref<1024x64xf32, #tpu.memory_space<vmem>>[vector<16xi32>, vector<16xi32>], vector<16xf32>,
        %parallel_loop3A_323 = tpu.vector_load_idx %arg7[%add3A_198, %parallel_loop3A_306] : memref<1024x64xf32, #tpu.memory_space<vmem>>[vector<16xi32>, vector<16xi32>], vector<16xf32>,
        %parallel_loop3A_324 = tpu.vector_load_idx %arg7[%add3A_202, %parallel_loop3A_306] : memref<1024x64xf32, #tpu.memory_space<vmem>>[vector<16xi32>, vector<16xi32>], vector<16xf32>,
        %parallel_loop3A_325 = tpu.vector_load_idx %arg7[%add3A_206, %parallel_loop3A_306] : memref<1024x64xf32, #tpu.memory_space<vmem>>[vector<16xi32>, vector<16xi32>], vector<16xf32>,
        %parallel_loop3A_326 = arith.addf %parallel_loop3A_318, %parallel_loop3A_318 : vector<16xf32>
        %parallel_loop3A_327 = arith.addf %parallel_loop3A_326, %parallel_loop3A_307 : vector<16xf32>
        tpu.vector_store_idx %arg8[%parallel_loop3A_314, %parallel_loop3A_317, %add3A_209], %parallel_loop3A_327 : memref<16x8x128xf32, #tpu.memory_space<vmem>>[vector<16xi32>, vector<16xi32>, vector<16xi32>], vector<16xf32>,
        %parallel_loop3A_328 = arith.addf %parallel_loop3A_319, %parallel_loop3A_319 : vector<16xf32>
        %parallel_loop3A_329 = arith.addf %parallel_loop3A_328, %parallel_loop3A_307 : vector<16xf32>
        tpu.vector_store_idx %arg8[%parallel_loop3A_314, %parallel_loop3A_317, %add3A_212], %parallel_loop3A_329 : memref<16x8x128xf32, #tpu.memory_space<vmem>>[vector<16xi32>, vector<16xi32>, vector<16xi32>], vector<16xf32>,
        %parallel_loop3A_330 = arith.addf %parallel_loop3A_320, %parallel_loop3A_320 : vector<16xf32>
        %parallel_loop3A_331 = arith.addf %parallel_loop3A_330, %parallel_loop3A_307 : vector<16xf32>
        tpu.vector_store_idx %arg8[%parallel_loop3A_314, %parallel_loop3A_317, %add3A_215], %parallel_loop3A_331 : memref<16x8x128xf32, #tpu.memory_space<vmem>>[vector<16xi32>, vector<16xi32>, vector<16xi32>], vector<16xf32>,
        %parallel_loop3A_332 = arith.addf %parallel_loop3A_321, %parallel_loop3A_321 : vector<16xf32>
        %parallel_loop3A_333 = arith.addf %parallel_loop3A_332, %parallel_loop3A_307 : vector<16xf32>
        tpu.vector_store_idx %arg8[%parallel_loop3A_314, %parallel_loop3A_317, %add3A_218], %parallel_loop3A_333 : memref<16x8x128xf32, #tpu.memory_space<vmem>>[vector<16xi32>, vector<16xi32>, vector<16xi32>], vector<16xf32>,
        %parallel_loop3A_334 = arith.addf %parallel_loop3A_322, %parallel_loop3A_322 : vector<16xf32>
        %parallel_loop3A_335 = arith.addf %parallel_loop3A_334, %parallel_loop3A_307 : vector<16xf32>
        tpu.vector_store_idx %arg8[%parallel_loop3A_314, %parallel_loop3A_317, %add3A_221], %parallel_loop3A_335 : memref<16x8x128xf32, #tpu.memory_space<vmem>>[vector<16xi32>, vector<16xi32>, vector<16xi32>], vector<16xf32>,
        %parallel_loop3A_336 = arith.addf %parallel_loop3A_323, %parallel_loop3A_323 : vector<16xf32>
        %parallel_loop3A_337 = arith.addf %parallel_loop3A_336, %parallel_loop3A_307 : vector<16xf32>
        tpu.vector_store_idx %arg8[%parallel_loop3A_314, %parallel_loop3A_317, %add3A_224], %parallel_loop3A_337 : memref<16x8x128xf32, #tpu.memory_space<vmem>>[vector<16xi32>, vector<16xi32>, vector<16xi32>], vector<16xf32>,
        %parallel_loop3A_338 = arith.addf %parallel_loop3A_324, %parallel_loop3A_324 : vector<16xf32>
        %parallel_loop3A_339 = arith.addf %parallel_loop3A_338, %parallel_loop3A_307 : vector<16xf32>
        tpu.vector_store_idx %arg8[%parallel_loop3A_314, %parallel_loop3A_317, %add3A_227], %parallel_loop3A_339 : memref<16x8x128xf32, #tpu.memory_space<vmem>>[vector<16xi32>, vector<16xi32>, vector<16xi32>], vector<16xf32>,
        %parallel_loop3A_340 = arith.addf %parallel_loop3A_325, %parallel_loop3A_325 : vector<16xf32>
        %parallel_loop3A_341 = arith.addf %parallel_loop3A_340, %parallel_loop3A_307 : vector<16xf32>
        tpu.vector_store_idx %arg8[%parallel_loop3A_314, %parallel_loop3A_317, %add3A_230], %parallel_loop3A_341 : memref<16x8x128xf32, #tpu.memory_space<vmem>>[vector<16xi32>, vector<16xi32>, vector<16xi32>], vector<16xf32>,
        %parallel_loop3A_342 = arith.constant 16 : i32
        %parallel_loop3A_343 = arith.muli %parallel_loop3A_251, %parallel_loop3A_342 : i32
        %parallel_loop3A_344 = arith.constant 2 : i32
        %parallel_loop3A_345 = vector.broadcast %parallel_loop3A_344 : i32 to vector<16xi32>
        %parallel_loop3A_346 = arith.addi %iota3A, %parallel_loop3A_345 : vector<16xi32>
        %parallel_loop3A_347 = arith.constant 15 : i32
        %parallel_loop3A_348 = vector.broadcast %parallel_loop3A_347 : i32 to vector<16xi32>
        %parallel_loop3A_349 = arith.andi %parallel_loop3A_346, %parallel_loop3A_348 : vector<16xi32>
        %parallel_loop3A_350 = vector.broadcast %parallel_loop3A_343 : i32 to vector<16xi32>
        %parallel_loop3A_351 = arith.addi %parallel_loop3A_350, %parallel_loop3A_349 : vector<16xi32>
        %parallel_loop3A_352 = tpu.vector_load_idx %arg9[%broadcast_in_dim3A, %parallel_loop3A_351] : memref<200x64xf32, #tpu.memory_space<vmem>>[vector<16xi32>, vector<16xi32>], vector<16xf32>,
        %parallel_loop3A_353 = arith.constant 3 : i32
        %parallel_loop3A_354 = vector.broadcast %parallel_loop3A_353 : i32 to vector<16xi32>
        %parallel_loop3A_355 = arith.shrsi %parallel_loop3A_351, %parallel_loop3A_354 : vector<16xi32>
        %parallel_loop3A_356 = arith.constant 8 : i32
        %parallel_loop3A_357 = arith.muli %select_n3A_116, %parallel_loop3A_356 : i32
        %parallel_loop3A_358 = vector.broadcast %parallel_loop3A_357 : i32 to vector<16xi32>
        %parallel_loop3A_359 = arith.addi %parallel_loop3A_355, %parallel_loop3A_358 : vector<16xi32>
        %parallel_loop3A_360 = arith.constant 7 : i32
        %parallel_loop3A_361 = vector.broadcast %parallel_loop3A_360 : i32 to vector<16xi32>
        %parallel_loop3A_362 = arith.andi %parallel_loop3A_351, %parallel_loop3A_361 : vector<16xi32>
        %parallel_loop3A_363 = tpu.vector_load_idx %arg7[%add3A_178, %parallel_loop3A_351] : memref<1024x64xf32, #tpu.memory_space<vmem>>[vector<16xi32>, vector<16xi32>], vector<16xf32>,
        %parallel_loop3A_364 = tpu.vector_load_idx %arg7[%add3A_182, %parallel_loop3A_351] : memref<1024x64xf32, #tpu.memory_space<vmem>>[vector<16xi32>, vector<16xi32>], vector<16xf32>,
        %parallel_loop3A_365 = tpu.vector_load_idx %arg7[%add3A_186, %parallel_loop3A_351] : memref<1024x64xf32, #tpu.memory_space<vmem>>[vector<16xi32>, vector<16xi32>], vector<16xf32>,
        %parallel_loop3A_366 = tpu.vector_load_idx %arg7[%add3A_190, %parallel_loop3A_351] : memref<1024x64xf32, #tpu.memory_space<vmem>>[vector<16xi32>, vector<16xi32>], vector<16xf32>,
        %parallel_loop3A_367 = tpu.vector_load_idx %arg7[%add3A_194, %parallel_loop3A_351] : memref<1024x64xf32, #tpu.memory_space<vmem>>[vector<16xi32>, vector<16xi32>], vector<16xf32>,
        %parallel_loop3A_368 = tpu.vector_load_idx %arg7[%add3A_198, %parallel_loop3A_351] : memref<1024x64xf32, #tpu.memory_space<vmem>>[vector<16xi32>, vector<16xi32>], vector<16xf32>,
        %parallel_loop3A_369 = tpu.vector_load_idx %arg7[%add3A_202, %parallel_loop3A_351] : memref<1024x64xf32, #tpu.memory_space<vmem>>[vector<16xi32>, vector<16xi32>], vector<16xf32>,
        %parallel_loop3A_370 = tpu.vector_load_idx %arg7[%add3A_206, %parallel_loop3A_351] : memref<1024x64xf32, #tpu.memory_space<vmem>>[vector<16xi32>, vector<16xi32>], vector<16xf32>,
        %parallel_loop3A_371 = arith.addf %parallel_loop3A_363, %parallel_loop3A_363 : vector<16xf32>
        %parallel_loop3A_372 = arith.addf %parallel_loop3A_371, %parallel_loop3A_352 : vector<16xf32>
        tpu.vector_store_idx %arg8[%parallel_loop3A_359, %parallel_loop3A_362, %add3A_209], %parallel_loop3A_372 : memref<16x8x128xf32, #tpu.memory_space<vmem>>[vector<16xi32>, vector<16xi32>, vector<16xi32>], vector<16xf32>,
        %parallel_loop3A_373 = arith.addf %parallel_loop3A_364, %parallel_loop3A_364 : vector<16xf32>
        %parallel_loop3A_374 = arith.addf %parallel_loop3A_373, %parallel_loop3A_352 : vector<16xf32>
        tpu.vector_store_idx %arg8[%parallel_loop3A_359, %parallel_loop3A_362, %add3A_212], %parallel_loop3A_374 : memref<16x8x128xf32, #tpu.memory_space<vmem>>[vector<16xi32>, vector<16xi32>, vector<16xi32>], vector<16xf32>,
        %parallel_loop3A_375 = arith.addf %parallel_loop3A_365, %parallel_loop3A_365 : vector<16xf32>
        %parallel_loop3A_376 = arith.addf %parallel_loop3A_375, %parallel_loop3A_352 : vector<16xf32>
        tpu.vector_store_idx %arg8[%parallel_loop3A_359, %parallel_loop3A_362, %add3A_215], %parallel_loop3A_376 : memref<16x8x128xf32, #tpu.memory_space<vmem>>[vector<16xi32>, vector<16xi32>, vector<16xi32>], vector<16xf32>,
        %parallel_loop3A_377 = arith.addf %parallel_loop3A_366, %parallel_loop3A_366 : vector<16xf32>
        %parallel_loop3A_378 = arith.addf %parallel_loop3A_377, %parallel_loop3A_352 : vector<16xf32>
        tpu.vector_store_idx %arg8[%parallel_loop3A_359, %parallel_loop3A_362, %add3A_218], %parallel_loop3A_378 : memref<16x8x128xf32, #tpu.memory_space<vmem>>[vector<16xi32>, vector<16xi32>, vector<16xi32>], vector<16xf32>,
        %parallel_loop3A_379 = arith.addf %parallel_loop3A_367, %parallel_loop3A_367 : vector<16xf32>
        %parallel_loop3A_380 = arith.addf %parallel_loop3A_379, %parallel_loop3A_352 : vector<16xf32>
        tpu.vector_store_idx %arg8[%parallel_loop3A_359, %parallel_loop3A_362, %add3A_221], %parallel_loop3A_380 : memref<16x8x128xf32, #tpu.memory_space<vmem>>[vector<16xi32>, vector<16xi32>, vector<16xi32>], vector<16xf32>,
        %parallel_loop3A_381 = arith.addf %parallel_loop3A_368, %parallel_loop3A_368 : vector<16xf32>
        %parallel_loop3A_382 = arith.addf %parallel_loop3A_381, %parallel_loop3A_352 : vector<16xf32>
        tpu.vector_store_idx %arg8[%parallel_loop3A_359, %parallel_loop3A_362, %add3A_224], %parallel_loop3A_382 : memref<16x8x128xf32, #tpu.memory_space<vmem>>[vector<16xi32>, vector<16xi32>, vector<16xi32>], vector<16xf32>,
        %parallel_loop3A_383 = arith.addf %parallel_loop3A_369, %parallel_loop3A_369 : vector<16xf32>
        %parallel_loop3A_384 = arith.addf %parallel_loop3A_383, %parallel_loop3A_352 : vector<16xf32>
        tpu.vector_store_idx %arg8[%parallel_loop3A_359, %parallel_loop3A_362, %add3A_227], %parallel_loop3A_384 : memref<16x8x128xf32, #tpu.memory_space<vmem>>[vector<16xi32>, vector<16xi32>, vector<16xi32>], vector<16xf32>,
        %parallel_loop3A_385 = arith.addf %parallel_loop3A_370, %parallel_loop3A_370 : vector<16xf32>
        %parallel_loop3A_386 = arith.addf %parallel_loop3A_385, %parallel_loop3A_352 : vector<16xf32>
        tpu.vector_store_idx %arg8[%parallel_loop3A_359, %parallel_loop3A_362, %add3A_230], %parallel_loop3A_386 : memref<16x8x128xf32, #tpu.memory_space<vmem>>[vector<16xi32>, vector<16xi32>, vector<16xi32>], vector<16xf32>,
        %parallel_loop3A_387 = arith.constant 16 : i32
        %parallel_loop3A_388 = arith.muli %parallel_loop3A_251, %parallel_loop3A_387 : i32
        %parallel_loop3A_389 = arith.constant 3 : i32
        %parallel_loop3A_390 = vector.broadcast %parallel_loop3A_389 : i32 to vector<16xi32>
        %parallel_loop3A_391 = arith.addi %iota3A, %parallel_loop3A_390 : vector<16xi32>
        %parallel_loop3A_392 = arith.constant 15 : i32
        %parallel_loop3A_393 = vector.broadcast %parallel_loop3A_392 : i32 to vector<16xi32>
        %parallel_loop3A_394 = arith.andi %parallel_loop3A_391, %parallel_loop3A_393 : vector<16xi32>
        %parallel_loop3A_395 = vector.broadcast %parallel_loop3A_388 : i32 to vector<16xi32>
        %parallel_loop3A_396 = arith.addi %parallel_loop3A_395, %parallel_loop3A_394 : vector<16xi32>
        %parallel_loop3A_397 = tpu.vector_load_idx %arg9[%broadcast_in_dim3A, %parallel_loop3A_396] : memref<200x64xf32, #tpu.memory_space<vmem>>[vector<16xi32>, vector<16xi32>], vector<16xf32>,
        %parallel_loop3A_398 = arith.constant 3 : i32
        %parallel_loop3A_399 = vector.broadcast %parallel_loop3A_398 : i32 to vector<16xi32>
        %parallel_loop3A_400 = arith.shrsi %parallel_loop3A_396, %parallel_loop3A_399 : vector<16xi32>
        %parallel_loop3A_401 = arith.constant 8 : i32
        %parallel_loop3A_402 = arith.muli %select_n3A_116, %parallel_loop3A_401 : i32
        %parallel_loop3A_403 = vector.broadcast %parallel_loop3A_402 : i32 to vector<16xi32>
        %parallel_loop3A_404 = arith.addi %parallel_loop3A_400, %parallel_loop3A_403 : vector<16xi32>
        %parallel_loop3A_405 = arith.constant 7 : i32
        %parallel_loop3A_406 = vector.broadcast %parallel_loop3A_405 : i32 to vector<16xi32>
        %parallel_loop3A_407 = arith.andi %parallel_loop3A_396, %parallel_loop3A_406 : vector<16xi32>
        %parallel_loop3A_408 = tpu.vector_load_idx %arg7[%add3A_178, %parallel_loop3A_396] : memref<1024x64xf32, #tpu.memory_space<vmem>>[vector<16xi32>, vector<16xi32>], vector<16xf32>,
        %parallel_loop3A_409 = tpu.vector_load_idx %arg7[%add3A_182, %parallel_loop3A_396] : memref<1024x64xf32, #tpu.memory_space<vmem>>[vector<16xi32>, vector<16xi32>], vector<16xf32>,
        %parallel_loop3A_410 = tpu.vector_load_idx %arg7[%add3A_186, %parallel_loop3A_396] : memref<1024x64xf32, #tpu.memory_space<vmem>>[vector<16xi32>, vector<16xi32>], vector<16xf32>,
        %parallel_loop3A_411 = tpu.vector_load_idx %arg7[%add3A_190, %parallel_loop3A_396] : memref<1024x64xf32, #tpu.memory_space<vmem>>[vector<16xi32>, vector<16xi32>], vector<16xf32>,
        %parallel_loop3A_412 = tpu.vector_load_idx %arg7[%add3A_194, %parallel_loop3A_396] : memref<1024x64xf32, #tpu.memory_space<vmem>>[vector<16xi32>, vector<16xi32>], vector<16xf32>,
        %parallel_loop3A_413 = tpu.vector_load_idx %arg7[%add3A_198, %parallel_loop3A_396] : memref<1024x64xf32, #tpu.memory_space<vmem>>[vector<16xi32>, vector<16xi32>], vector<16xf32>,
        %parallel_loop3A_414 = tpu.vector_load_idx %arg7[%add3A_202, %parallel_loop3A_396] : memref<1024x64xf32, #tpu.memory_space<vmem>>[vector<16xi32>, vector<16xi32>], vector<16xf32>,
        %parallel_loop3A_415 = tpu.vector_load_idx %arg7[%add3A_206, %parallel_loop3A_396] : memref<1024x64xf32, #tpu.memory_space<vmem>>[vector<16xi32>, vector<16xi32>], vector<16xf32>,
        %parallel_loop3A_416 = arith.addf %parallel_loop3A_408, %parallel_loop3A_408 : vector<16xf32>
        %parallel_loop3A_417 = arith.addf %parallel_loop3A_416, %parallel_loop3A_397 : vector<16xf32>
        tpu.vector_store_idx %arg8[%parallel_loop3A_404, %parallel_loop3A_407, %add3A_209], %parallel_loop3A_417 : memref<16x8x128xf32, #tpu.memory_space<vmem>>[vector<16xi32>, vector<16xi32>, vector<16xi32>], vector<16xf32>,
        %parallel_loop3A_418 = arith.addf %parallel_loop3A_409, %parallel_loop3A_409 : vector<16xf32>
        %parallel_loop3A_419 = arith.addf %parallel_loop3A_418, %parallel_loop3A_397 : vector<16xf32>
        tpu.vector_store_idx %arg8[%parallel_loop3A_404, %parallel_loop3A_407, %add3A_212], %parallel_loop3A_419 : memref<16x8x128xf32, #tpu.memory_space<vmem>>[vector<16xi32>, vector<16xi32>, vector<16xi32>], vector<16xf32>,
        %parallel_loop3A_420 = arith.addf %parallel_loop3A_410, %parallel_loop3A_410 : vector<16xf32>
        %parallel_loop3A_421 = arith.addf %parallel_loop3A_420, %parallel_loop3A_397 : vector<16xf32>
        tpu.vector_store_idx %arg8[%parallel_loop3A_404, %parallel_loop3A_407, %add3A_215], %parallel_loop3A_421 : memref<16x8x128xf32, #tpu.memory_space<vmem>>[vector<16xi32>, vector<16xi32>, vector<16xi32>], vector<16xf32>,
        %parallel_loop3A_422 = arith.addf %parallel_loop3A_411, %parallel_loop3A_411 : vector<16xf32>
        %parallel_loop3A_423 = arith.addf %parallel_loop3A_422, %parallel_loop3A_397 : vector<16xf32>
        tpu.vector_store_idx %arg8[%parallel_loop3A_404, %parallel_loop3A_407, %add3A_218], %parallel_loop3A_423 : memref<16x8x128xf32, #tpu.memory_space<vmem>>[vector<16xi32>, vector<16xi32>, vector<16xi32>], vector<16xf32>,
        %parallel_loop3A_424 = arith.addf %parallel_loop3A_412, %parallel_loop3A_412 : vector<16xf32>
        %parallel_loop3A_425 = arith.addf %parallel_loop3A_424, %parallel_loop3A_397 : vector<16xf32>
        tpu.vector_store_idx %arg8[%parallel_loop3A_404, %parallel_loop3A_407, %add3A_221], %parallel_loop3A_425 : memref<16x8x128xf32, #tpu.memory_space<vmem>>[vector<16xi32>, vector<16xi32>, vector<16xi32>], vector<16xf32>,
        %parallel_loop3A_426 = arith.addf %parallel_loop3A_413, %parallel_loop3A_413 : vector<16xf32>
        %parallel_loop3A_427 = arith.addf %parallel_loop3A_426, %parallel_loop3A_397 : vector<16xf32>
        tpu.vector_store_idx %arg8[%parallel_loop3A_404, %parallel_loop3A_407, %add3A_224], %parallel_loop3A_427 : memref<16x8x128xf32, #tpu.memory_space<vmem>>[vector<16xi32>, vector<16xi32>, vector<16xi32>], vector<16xf32>,
        %parallel_loop3A_428 = arith.addf %parallel_loop3A_414, %parallel_loop3A_414 : vector<16xf32>
        %parallel_loop3A_429 = arith.addf %parallel_loop3A_428, %parallel_loop3A_397 : vector<16xf32>
        tpu.vector_store_idx %arg8[%parallel_loop3A_404, %parallel_loop3A_407, %add3A_227], %parallel_loop3A_429 : memref<16x8x128xf32, #tpu.memory_space<vmem>>[vector<16xi32>, vector<16xi32>, vector<16xi32>], vector<16xf32>,
        %parallel_loop3A_430 = arith.addf %parallel_loop3A_415, %parallel_loop3A_415 : vector<16xf32>
        %parallel_loop3A_431 = arith.addf %parallel_loop3A_430, %parallel_loop3A_397 : vector<16xf32>
        tpu.vector_store_idx %arg8[%parallel_loop3A_404, %parallel_loop3A_407, %add3A_230], %parallel_loop3A_431 : memref<16x8x128xf32, #tpu.memory_space<vmem>>[vector<16xi32>, vector<16xi32>, vector<16xi32>], vector<16xf32>,
        %parallel_loop3A_432 = arith.constant 16 : i32
        %parallel_loop3A_433 = arith.muli %parallel_loop3A_251, %parallel_loop3A_432 : i32
        %parallel_loop3A_434 = arith.constant 4 : i32
        %parallel_loop3A_435 = vector.broadcast %parallel_loop3A_434 : i32 to vector<16xi32>
        %parallel_loop3A_436 = arith.addi %iota3A, %parallel_loop3A_435 : vector<16xi32>
        %parallel_loop3A_437 = arith.constant 15 : i32
        %parallel_loop3A_438 = vector.broadcast %parallel_loop3A_437 : i32 to vector<16xi32>
        %parallel_loop3A_439 = arith.andi %parallel_loop3A_436, %parallel_loop3A_438 : vector<16xi32>
        %parallel_loop3A_440 = vector.broadcast %parallel_loop3A_433 : i32 to vector<16xi32>
        %parallel_loop3A_441 = arith.addi %parallel_loop3A_440, %parallel_loop3A_439 : vector<16xi32>
        %parallel_loop3A_442 = tpu.vector_load_idx %arg9[%broadcast_in_dim3A, %parallel_loop3A_441] : memref<200x64xf32, #tpu.memory_space<vmem>>[vector<16xi32>, vector<16xi32>], vector<16xf32>,
        %parallel_loop3A_443 = arith.constant 3 : i32
        %parallel_loop3A_444 = vector.broadcast %parallel_loop3A_443 : i32 to vector<16xi32>
        %parallel_loop3A_445 = arith.shrsi %parallel_loop3A_441, %parallel_loop3A_444 : vector<16xi32>
        %parallel_loop3A_446 = arith.constant 8 : i32
        %parallel_loop3A_447 = arith.muli %select_n3A_116, %parallel_loop3A_446 : i32
        %parallel_loop3A_448 = vector.broadcast %parallel_loop3A_447 : i32 to vector<16xi32>
        %parallel_loop3A_449 = arith.addi %parallel_loop3A_445, %parallel_loop3A_448 : vector<16xi32>
        %parallel_loop3A_450 = arith.constant 7 : i32
        %parallel_loop3A_451 = vector.broadcast %parallel_loop3A_450 : i32 to vector<16xi32>
        %parallel_loop3A_452 = arith.andi %parallel_loop3A_441, %parallel_loop3A_451 : vector<16xi32>
        %parallel_loop3A_453 = tpu.vector_load_idx %arg7[%add3A_178, %parallel_loop3A_441] : memref<1024x64xf32, #tpu.memory_space<vmem>>[vector<16xi32>, vector<16xi32>], vector<16xf32>,
        %parallel_loop3A_454 = tpu.vector_load_idx %arg7[%add3A_182, %parallel_loop3A_441] : memref<1024x64xf32, #tpu.memory_space<vmem>>[vector<16xi32>, vector<16xi32>], vector<16xf32>,
        %parallel_loop3A_455 = tpu.vector_load_idx %arg7[%add3A_186, %parallel_loop3A_441] : memref<1024x64xf32, #tpu.memory_space<vmem>>[vector<16xi32>, vector<16xi32>], vector<16xf32>,
        %parallel_loop3A_456 = tpu.vector_load_idx %arg7[%add3A_190, %parallel_loop3A_441] : memref<1024x64xf32, #tpu.memory_space<vmem>>[vector<16xi32>, vector<16xi32>], vector<16xf32>,
        %parallel_loop3A_457 = tpu.vector_load_idx %arg7[%add3A_194, %parallel_loop3A_441] : memref<1024x64xf32, #tpu.memory_space<vmem>>[vector<16xi32>, vector<16xi32>], vector<16xf32>,
        %parallel_loop3A_458 = tpu.vector_load_idx %arg7[%add3A_198, %parallel_loop3A_441] : memref<1024x64xf32, #tpu.memory_space<vmem>>[vector<16xi32>, vector<16xi32>], vector<16xf32>,
        %parallel_loop3A_459 = tpu.vector_load_idx %arg7[%add3A_202, %parallel_loop3A_441] : memref<1024x64xf32, #tpu.memory_space<vmem>>[vector<16xi32>, vector<16xi32>], vector<16xf32>,
        %parallel_loop3A_460 = tpu.vector_load_idx %arg7[%add3A_206, %parallel_loop3A_441] : memref<1024x64xf32, #tpu.memory_space<vmem>>[vector<16xi32>, vector<16xi32>], vector<16xf32>,
        %parallel_loop3A_461 = arith.addf %parallel_loop3A_453, %parallel_loop3A_453 : vector<16xf32>
        %parallel_loop3A_462 = arith.addf %parallel_loop3A_461, %parallel_loop3A_442 : vector<16xf32>
        tpu.vector_store_idx %arg8[%parallel_loop3A_449, %parallel_loop3A_452, %add3A_209], %parallel_loop3A_462 : memref<16x8x128xf32, #tpu.memory_space<vmem>>[vector<16xi32>, vector<16xi32>, vector<16xi32>], vector<16xf32>,
        %parallel_loop3A_463 = arith.addf %parallel_loop3A_454, %parallel_loop3A_454 : vector<16xf32>
        %parallel_loop3A_464 = arith.addf %parallel_loop3A_463, %parallel_loop3A_442 : vector<16xf32>
        tpu.vector_store_idx %arg8[%parallel_loop3A_449, %parallel_loop3A_452, %add3A_212], %parallel_loop3A_464 : memref<16x8x128xf32, #tpu.memory_space<vmem>>[vector<16xi32>, vector<16xi32>, vector<16xi32>], vector<16xf32>,
        %parallel_loop3A_465 = arith.addf %parallel_loop3A_455, %parallel_loop3A_455 : vector<16xf32>
        %parallel_loop3A_466 = arith.addf %parallel_loop3A_465, %parallel_loop3A_442 : vector<16xf32>
        tpu.vector_store_idx %arg8[%parallel_loop3A_449, %parallel_loop3A_452, %add3A_215], %parallel_loop3A_466 : memref<16x8x128xf32, #tpu.memory_space<vmem>>[vector<16xi32>, vector<16xi32>, vector<16xi32>], vector<16xf32>,
        %parallel_loop3A_467 = arith.addf %parallel_loop3A_456, %parallel_loop3A_456 : vector<16xf32>
        %parallel_loop3A_468 = arith.addf %parallel_loop3A_467, %parallel_loop3A_442 : vector<16xf32>
        tpu.vector_store_idx %arg8[%parallel_loop3A_449, %parallel_loop3A_452, %add3A_218], %parallel_loop3A_468 : memref<16x8x128xf32, #tpu.memory_space<vmem>>[vector<16xi32>, vector<16xi32>, vector<16xi32>], vector<16xf32>,
        %parallel_loop3A_469 = arith.addf %parallel_loop3A_457, %parallel_loop3A_457 : vector<16xf32>
        %parallel_loop3A_470 = arith.addf %parallel_loop3A_469, %parallel_loop3A_442 : vector<16xf32>
        tpu.vector_store_idx %arg8[%parallel_loop3A_449, %parallel_loop3A_452, %add3A_221], %parallel_loop3A_470 : memref<16x8x128xf32, #tpu.memory_space<vmem>>[vector<16xi32>, vector<16xi32>, vector<16xi32>], vector<16xf32>,
        %parallel_loop3A_471 = arith.addf %parallel_loop3A_458, %parallel_loop3A_458 : vector<16xf32>
        %parallel_loop3A_472 = arith.addf %parallel_loop3A_471, %parallel_loop3A_442 : vector<16xf32>
        tpu.vector_store_idx %arg8[%parallel_loop3A_449, %parallel_loop3A_452, %add3A_224], %parallel_loop3A_472 : memref<16x8x128xf32, #tpu.memory_space<vmem>>[vector<16xi32>, vector<16xi32>, vector<16xi32>], vector<16xf32>,
        %parallel_loop3A_473 = arith.addf %parallel_loop3A_459, %parallel_loop3A_459 : vector<16xf32>
        %parallel_loop3A_474 = arith.addf %parallel_loop3A_473, %parallel_loop3A_442 : vector<16xf32>
        tpu.vector_store_idx %arg8[%parallel_loop3A_449, %parallel_loop3A_452, %add3A_227], %parallel_loop3A_474 : memref<16x8x128xf32, #tpu.memory_space<vmem>>[vector<16xi32>, vector<16xi32>, vector<16xi32>], vector<16xf32>,
        %parallel_loop3A_475 = arith.addf %parallel_loop3A_460, %parallel_loop3A_460 : vector<16xf32>
        %parallel_loop3A_476 = arith.addf %parallel_loop3A_475, %parallel_loop3A_442 : vector<16xf32>
        tpu.vector_store_idx %arg8[%parallel_loop3A_449, %parallel_loop3A_452, %add3A_230], %parallel_loop3A_476 : memref<16x8x128xf32, #tpu.memory_space<vmem>>[vector<16xi32>, vector<16xi32>, vector<16xi32>], vector<16xf32>,
        %parallel_loop3A_477 = arith.constant 16 : i32
        %parallel_loop3A_478 = arith.muli %parallel_loop3A_251, %parallel_loop3A_477 : i32
        %parallel_loop3A_479 = arith.constant 5 : i32
        %parallel_loop3A_480 = vector.broadcast %parallel_loop3A_479 : i32 to vector<16xi32>
        %parallel_loop3A_481 = arith.addi %iota3A, %parallel_loop3A_480 : vector<16xi32>
        %parallel_loop3A_482 = arith.constant 15 : i32
        %parallel_loop3A_483 = vector.broadcast %parallel_loop3A_482 : i32 to vector<16xi32>
        %parallel_loop3A_484 = arith.andi %parallel_loop3A_481, %parallel_loop3A_483 : vector<16xi32>
        %parallel_loop3A_485 = vector.broadcast %parallel_loop3A_478 : i32 to vector<16xi32>
        %parallel_loop3A_486 = arith.addi %parallel_loop3A_485, %parallel_loop3A_484 : vector<16xi32>
        %parallel_loop3A_487 = tpu.vector_load_idx %arg9[%broadcast_in_dim3A, %parallel_loop3A_486] : memref<200x64xf32, #tpu.memory_space<vmem>>[vector<16xi32>, vector<16xi32>], vector<16xf32>,
        %parallel_loop3A_488 = arith.constant 3 : i32
        %parallel_loop3A_489 = vector.broadcast %parallel_loop3A_488 : i32 to vector<16xi32>
        %parallel_loop3A_490 = arith.shrsi %parallel_loop3A_486, %parallel_loop3A_489 : vector<16xi32>
        %parallel_loop3A_491 = arith.constant 8 : i32
        %parallel_loop3A_492 = arith.muli %select_n3A_116, %parallel_loop3A_491 : i32
        %parallel_loop3A_493 = vector.broadcast %parallel_loop3A_492 : i32 to vector<16xi32>
        %parallel_loop3A_494 = arith.addi %parallel_loop3A_490, %parallel_loop3A_493 : vector<16xi32>
        %parallel_loop3A_495 = arith.constant 7 : i32
        %parallel_loop3A_496 = vector.broadcast %parallel_loop3A_495 : i32 to vector<16xi32>
        %parallel_loop3A_497 = arith.andi %parallel_loop3A_486, %parallel_loop3A_496 : vector<16xi32>
        %parallel_loop3A_498 = tpu.vector_load_idx %arg7[%add3A_178, %parallel_loop3A_486] : memref<1024x64xf32, #tpu.memory_space<vmem>>[vector<16xi32>, vector<16xi32>], vector<16xf32>,
        %parallel_loop3A_499 = tpu.vector_load_idx %arg7[%add3A_182, %parallel_loop3A_486] : memref<1024x64xf32, #tpu.memory_space<vmem>>[vector<16xi32>, vector<16xi32>], vector<16xf32>,
        %parallel_loop3A_500 = tpu.vector_load_idx %arg7[%add3A_186, %parallel_loop3A_486] : memref<1024x64xf32, #tpu.memory_space<vmem>>[vector<16xi32>, vector<16xi32>], vector<16xf32>,
        %parallel_loop3A_501 = tpu.vector_load_idx %arg7[%add3A_190, %parallel_loop3A_486] : memref<1024x64xf32, #tpu.memory_space<vmem>>[vector<16xi32>, vector<16xi32>], vector<16xf32>,
        %parallel_loop3A_502 = tpu.vector_load_idx %arg7[%add3A_194, %parallel_loop3A_486] : memref<1024x64xf32, #tpu.memory_space<vmem>>[vector<16xi32>, vector<16xi32>], vector<16xf32>,
        %parallel_loop3A_503 = tpu.vector_load_idx %arg7[%add3A_198, %parallel_loop3A_486] : memref<1024x64xf32, #tpu.memory_space<vmem>>[vector<16xi32>, vector<16xi32>], vector<16xf32>,
        %parallel_loop3A_504 = tpu.vector_load_idx %arg7[%add3A_202, %parallel_loop3A_486] : memref<1024x64xf32, #tpu.memory_space<vmem>>[vector<16xi32>, vector<16xi32>], vector<16xf32>,
        %parallel_loop3A_505 = tpu.vector_load_idx %arg7[%add3A_206, %parallel_loop3A_486] : memref<1024x64xf32, #tpu.memory_space<vmem>>[vector<16xi32>, vector<16xi32>], vector<16xf32>,
        %parallel_loop3A_506 = arith.addf %parallel_loop3A_498, %parallel_loop3A_498 : vector<16xf32>
        %parallel_loop3A_507 = arith.addf %parallel_loop3A_506, %parallel_loop3A_487 : vector<16xf32>
        tpu.vector_store_idx %arg8[%parallel_loop3A_494, %parallel_loop3A_497, %add3A_209], %parallel_loop3A_507 : memref<16x8x128xf32, #tpu.memory_space<vmem>>[vector<16xi32>, vector<16xi32>, vector<16xi32>], vector<16xf32>,
        %parallel_loop3A_508 = arith.addf %parallel_loop3A_499, %parallel_loop3A_499 : vector<16xf32>
        %parallel_loop3A_509 = arith.addf %parallel_loop3A_508, %parallel_loop3A_487 : vector<16xf32>
        tpu.vector_store_idx %arg8[%parallel_loop3A_494, %parallel_loop3A_497, %add3A_212], %parallel_loop3A_509 : memref<16x8x128xf32, #tpu.memory_space<vmem>>[vector<16xi32>, vector<16xi32>, vector<16xi32>], vector<16xf32>,
        %parallel_loop3A_510 = arith.addf %parallel_loop3A_500, %parallel_loop3A_500 : vector<16xf32>
        %parallel_loop3A_511 = arith.addf %parallel_loop3A_510, %parallel_loop3A_487 : vector<16xf32>
        tpu.vector_store_idx %arg8[%parallel_loop3A_494, %parallel_loop3A_497, %add3A_215], %parallel_loop3A_511 : memref<16x8x128xf32, #tpu.memory_space<vmem>>[vector<16xi32>, vector<16xi32>, vector<16xi32>], vector<16xf32>,
        %parallel_loop3A_512 = arith.addf %parallel_loop3A_501, %parallel_loop3A_501 : vector<16xf32>
        %parallel_loop3A_513 = arith.addf %parallel_loop3A_512, %parallel_loop3A_487 : vector<16xf32>
        tpu.vector_store_idx %arg8[%parallel_loop3A_494, %parallel_loop3A_497, %add3A_218], %parallel_loop3A_513 : memref<16x8x128xf32, #tpu.memory_space<vmem>>[vector<16xi32>, vector<16xi32>, vector<16xi32>], vector<16xf32>,
        %parallel_loop3A_514 = arith.addf %parallel_loop3A_502, %parallel_loop3A_502 : vector<16xf32>
        %parallel_loop3A_515 = arith.addf %parallel_loop3A_514, %parallel_loop3A_487 : vector<16xf32>
        tpu.vector_store_idx %arg8[%parallel_loop3A_494, %parallel_loop3A_497, %add3A_221], %parallel_loop3A_515 : memref<16x8x128xf32, #tpu.memory_space<vmem>>[vector<16xi32>, vector<16xi32>, vector<16xi32>], vector<16xf32>,
        %parallel_loop3A_516 = arith.addf %parallel_loop3A_503, %parallel_loop3A_503 : vector<16xf32>
        %parallel_loop3A_517 = arith.addf %parallel_loop3A_516, %parallel_loop3A_487 : vector<16xf32>
        tpu.vector_store_idx %arg8[%parallel_loop3A_494, %parallel_loop3A_497, %add3A_224], %parallel_loop3A_517 : memref<16x8x128xf32, #tpu.memory_space<vmem>>[vector<16xi32>, vector<16xi32>, vector<16xi32>], vector<16xf32>,
        %parallel_loop3A_518 = arith.addf %parallel_loop3A_504, %parallel_loop3A_504 : vector<16xf32>
        %parallel_loop3A_519 = arith.addf %parallel_loop3A_518, %parallel_loop3A_487 : vector<16xf32>
        tpu.vector_store_idx %arg8[%parallel_loop3A_494, %parallel_loop3A_497, %add3A_227], %parallel_loop3A_519 : memref<16x8x128xf32, #tpu.memory_space<vmem>>[vector<16xi32>, vector<16xi32>, vector<16xi32>], vector<16xf32>,
        %parallel_loop3A_520 = arith.addf %parallel_loop3A_505, %parallel_loop3A_505 : vector<16xf32>
        %parallel_loop3A_521 = arith.addf %parallel_loop3A_520, %parallel_loop3A_487 : vector<16xf32>
        tpu.vector_store_idx %arg8[%parallel_loop3A_494, %parallel_loop3A_497, %add3A_230], %parallel_loop3A_521 : memref<16x8x128xf32, #tpu.memory_space<vmem>>[vector<16xi32>, vector<16xi32>, vector<16xi32>], vector<16xf32>,
        %parallel_loop3A_522 = arith.constant 16 : i32
        %parallel_loop3A_523 = arith.muli %parallel_loop3A_251, %parallel_loop3A_522 : i32
        %parallel_loop3A_524 = arith.constant 6 : i32
        %parallel_loop3A_525 = vector.broadcast %parallel_loop3A_524 : i32 to vector<16xi32>
        %parallel_loop3A_526 = arith.addi %iota3A, %parallel_loop3A_525 : vector<16xi32>
        %parallel_loop3A_527 = arith.constant 15 : i32
        %parallel_loop3A_528 = vector.broadcast %parallel_loop3A_527 : i32 to vector<16xi32>
        %parallel_loop3A_529 = arith.andi %parallel_loop3A_526, %parallel_loop3A_528 : vector<16xi32>
        %parallel_loop3A_530 = vector.broadcast %parallel_loop3A_523 : i32 to vector<16xi32>
        %parallel_loop3A_531 = arith.addi %parallel_loop3A_530, %parallel_loop3A_529 : vector<16xi32>
        %parallel_loop3A_532 = tpu.vector_load_idx %arg9[%broadcast_in_dim3A, %parallel_loop3A_531] : memref<200x64xf32, #tpu.memory_space<vmem>>[vector<16xi32>, vector<16xi32>], vector<16xf32>,
        %parallel_loop3A_533 = arith.constant 3 : i32
        %parallel_loop3A_534 = vector.broadcast %parallel_loop3A_533 : i32 to vector<16xi32>
        %parallel_loop3A_535 = arith.shrsi %parallel_loop3A_531, %parallel_loop3A_534 : vector<16xi32>
        %parallel_loop3A_536 = arith.constant 8 : i32
        %parallel_loop3A_537 = arith.muli %select_n3A_116, %parallel_loop3A_536 : i32
        %parallel_loop3A_538 = vector.broadcast %parallel_loop3A_537 : i32 to vector<16xi32>
        %parallel_loop3A_539 = arith.addi %parallel_loop3A_535, %parallel_loop3A_538 : vector<16xi32>
        %parallel_loop3A_540 = arith.constant 7 : i32
        %parallel_loop3A_541 = vector.broadcast %parallel_loop3A_540 : i32 to vector<16xi32>
        %parallel_loop3A_542 = arith.andi %parallel_loop3A_531, %parallel_loop3A_541 : vector<16xi32>
        %parallel_loop3A_543 = tpu.vector_load_idx %arg7[%add3A_178, %parallel_loop3A_531] : memref<1024x64xf32, #tpu.memory_space<vmem>>[vector<16xi32>, vector<16xi32>], vector<16xf32>,
        %parallel_loop3A_544 = tpu.vector_load_idx %arg7[%add3A_182, %parallel_loop3A_531] : memref<1024x64xf32, #tpu.memory_space<vmem>>[vector<16xi32>, vector<16xi32>], vector<16xf32>,
        %parallel_loop3A_545 = tpu.vector_load_idx %arg7[%add3A_186, %parallel_loop3A_531] : memref<1024x64xf32, #tpu.memory_space<vmem>>[vector<16xi32>, vector<16xi32>], vector<16xf32>,
        %parallel_loop3A_546 = tpu.vector_load_idx %arg7[%add3A_190, %parallel_loop3A_531] : memref<1024x64xf32, #tpu.memory_space<vmem>>[vector<16xi32>, vector<16xi32>], vector<16xf32>,
        %parallel_loop3A_547 = tpu.vector_load_idx %arg7[%add3A_194, %parallel_loop3A_531] : memref<1024x64xf32, #tpu.memory_space<vmem>>[vector<16xi32>, vector<16xi32>], vector<16xf32>,
        %parallel_loop3A_548 = tpu.vector_load_idx %arg7[%add3A_198, %parallel_loop3A_531] : memref<1024x64xf32, #tpu.memory_space<vmem>>[vector<16xi32>, vector<16xi32>], vector<16xf32>,
        %parallel_loop3A_549 = tpu.vector_load_idx %arg7[%add3A_202, %parallel_loop3A_531] : memref<1024x64xf32, #tpu.memory_space<vmem>>[vector<16xi32>, vector<16xi32>], vector<16xf32>,
        %parallel_loop3A_550 = tpu.vector_load_idx %arg7[%add3A_206, %parallel_loop3A_531] : memref<1024x64xf32, #tpu.memory_space<vmem>>[vector<16xi32>, vector<16xi32>], vector<16xf32>,
        %parallel_loop3A_551 = arith.addf %parallel_loop3A_543, %parallel_loop3A_543 : vector<16xf32>
        %parallel_loop3A_552 = arith.addf %parallel_loop3A_551, %parallel_loop3A_532 : vector<16xf32>
        tpu.vector_store_idx %arg8[%parallel_loop3A_539, %parallel_loop3A_542, %add3A_209], %parallel_loop3A_552 : memref<16x8x128xf32, #tpu.memory_space<vmem>>[vector<16xi32>, vector<16xi32>, vector<16xi32>], vector<16xf32>,
        %parallel_loop3A_553 = arith.addf %parallel_loop3A_544, %parallel_loop3A_544 : vector<16xf32>
        %parallel_loop3A_554 = arith.addf %parallel_loop3A_553, %parallel_loop3A_532 : vector<16xf32>
        tpu.vector_store_idx %arg8[%parallel_loop3A_539, %parallel_loop3A_542, %add3A_212], %parallel_loop3A_554 : memref<16x8x128xf32, #tpu.memory_space<vmem>>[vector<16xi32>, vector<16xi32>, vector<16xi32>], vector<16xf32>,
        %parallel_loop3A_555 = arith.addf %parallel_loop3A_545, %parallel_loop3A_545 : vector<16xf32>
        %parallel_loop3A_556 = arith.addf %parallel_loop3A_555, %parallel_loop3A_532 : vector<16xf32>
        tpu.vector_store_idx %arg8[%parallel_loop3A_539, %parallel_loop3A_542, %add3A_215], %parallel_loop3A_556 : memref<16x8x128xf32, #tpu.memory_space<vmem>>[vector<16xi32>, vector<16xi32>, vector<16xi32>], vector<16xf32>,
        %parallel_loop3A_557 = arith.addf %parallel_loop3A_546, %parallel_loop3A_546 : vector<16xf32>
        %parallel_loop3A_558 = arith.addf %parallel_loop3A_557, %parallel_loop3A_532 : vector<16xf32>
        tpu.vector_store_idx %arg8[%parallel_loop3A_539, %parallel_loop3A_542, %add3A_218], %parallel_loop3A_558 : memref<16x8x128xf32, #tpu.memory_space<vmem>>[vector<16xi32>, vector<16xi32>, vector<16xi32>], vector<16xf32>,
        %parallel_loop3A_559 = arith.addf %parallel_loop3A_547, %parallel_loop3A_547 : vector<16xf32>
        %parallel_loop3A_560 = arith.addf %parallel_loop3A_559, %parallel_loop3A_532 : vector<16xf32>
        tpu.vector_store_idx %arg8[%parallel_loop3A_539, %parallel_loop3A_542, %add3A_221], %parallel_loop3A_560 : memref<16x8x128xf32, #tpu.memory_space<vmem>>[vector<16xi32>, vector<16xi32>, vector<16xi32>], vector<16xf32>,
        %parallel_loop3A_561 = arith.addf %parallel_loop3A_548, %parallel_loop3A_548 : vector<16xf32>
        %parallel_loop3A_562 = arith.addf %parallel_loop3A_561, %parallel_loop3A_532 : vector<16xf32>
        tpu.vector_store_idx %arg8[%parallel_loop3A_539, %parallel_loop3A_542, %add3A_224], %parallel_loop3A_562 : memref<16x8x128xf32, #tpu.memory_space<vmem>>[vector<16xi32>, vector<16xi32>, vector<16xi32>], vector<16xf32>,
        %parallel_loop3A_563 = arith.addf %parallel_loop3A_549, %parallel_loop3A_549 : vector<16xf32>
        %parallel_loop3A_564 = arith.addf %parallel_loop3A_563, %parallel_loop3A_532 : vector<16xf32>
        tpu.vector_store_idx %arg8[%parallel_loop3A_539, %parallel_loop3A_542, %add3A_227], %parallel_loop3A_564 : memref<16x8x128xf32, #tpu.memory_space<vmem>>[vector<16xi32>, vector<16xi32>, vector<16xi32>], vector<16xf32>,
        %parallel_loop3A_565 = arith.addf %parallel_loop3A_550, %parallel_loop3A_550 : vector<16xf32>
        %parallel_loop3A_566 = arith.addf %parallel_loop3A_565, %parallel_loop3A_532 : vector<16xf32>
        tpu.vector_store_idx %arg8[%parallel_loop3A_539, %parallel_loop3A_542, %add3A_230], %parallel_loop3A_566 : memref<16x8x128xf32, #tpu.memory_space<vmem>>[vector<16xi32>, vector<16xi32>, vector<16xi32>], vector<16xf32>,
        %parallel_loop3A_567 = arith.constant 16 : i32
        %parallel_loop3A_568 = arith.muli %parallel_loop3A_251, %parallel_loop3A_567 : i32
        %parallel_loop3A_569 = arith.constant 7 : i32
        %parallel_loop3A_570 = vector.broadcast %parallel_loop3A_569 : i32 to vector<16xi32>
        %parallel_loop3A_571 = arith.addi %iota3A, %parallel_loop3A_570 : vector<16xi32>
        %parallel_loop3A_572 = arith.constant 15 : i32
        %parallel_loop3A_573 = vector.broadcast %parallel_loop3A_572 : i32 to vector<16xi32>
        %parallel_loop3A_574 = arith.andi %parallel_loop3A_571, %parallel_loop3A_573 : vector<16xi32>
        %parallel_loop3A_575 = vector.broadcast %parallel_loop3A_568 : i32 to vector<16xi32>
        %parallel_loop3A_576 = arith.addi %parallel_loop3A_575, %parallel_loop3A_574 : vector<16xi32>
        %parallel_loop3A_577 = tpu.vector_load_idx %arg9[%broadcast_in_dim3A, %parallel_loop3A_576] : memref<200x64xf32, #tpu.memory_space<vmem>>[vector<16xi32>, vector<16xi32>], vector<16xf32>,
        %parallel_loop3A_578 = arith.constant 3 : i32
        %parallel_loop3A_579 = vector.broadcast %parallel_loop3A_578 : i32 to vector<16xi32>
        %parallel_loop3A_580 = arith.shrsi %parallel_loop3A_576, %parallel_loop3A_579 : vector<16xi32>
        %parallel_loop3A_581 = arith.constant 8 : i32
        %parallel_loop3A_582 = arith.muli %select_n3A_116, %parallel_loop3A_581 : i32
        %parallel_loop3A_583 = vector.broadcast %parallel_loop3A_582 : i32 to vector<16xi32>
        %parallel_loop3A_584 = arith.addi %parallel_loop3A_580, %parallel_loop3A_583 : vector<16xi32>
        %parallel_loop3A_585 = arith.constant 7 : i32
        %parallel_loop3A_586 = vector.broadcast %parallel_loop3A_585 : i32 to vector<16xi32>
        %parallel_loop3A_587 = arith.andi %parallel_loop3A_576, %parallel_loop3A_586 : vector<16xi32>
        %parallel_loop3A_588 = tpu.vector_load_idx %arg7[%add3A_178, %parallel_loop3A_576] : memref<1024x64xf32, #tpu.memory_space<vmem>>[vector<16xi32>, vector<16xi32>], vector<16xf32>,
        %parallel_loop3A_589 = tpu.vector_load_idx %arg7[%add3A_182, %parallel_loop3A_576] : memref<1024x64xf32, #tpu.memory_space<vmem>>[vector<16xi32>, vector<16xi32>], vector<16xf32>,
        %parallel_loop3A_590 = tpu.vector_load_idx %arg7[%add3A_186, %parallel_loop3A_576] : memref<1024x64xf32, #tpu.memory_space<vmem>>[vector<16xi32>, vector<16xi32>], vector<16xf32>,
        %parallel_loop3A_591 = tpu.vector_load_idx %arg7[%add3A_190, %parallel_loop3A_576] : memref<1024x64xf32, #tpu.memory_space<vmem>>[vector<16xi32>, vector<16xi32>], vector<16xf32>,
        %parallel_loop3A_592 = tpu.vector_load_idx %arg7[%add3A_194, %parallel_loop3A_576] : memref<1024x64xf32, #tpu.memory_space<vmem>>[vector<16xi32>, vector<16xi32>], vector<16xf32>,
        %parallel_loop3A_593 = tpu.vector_load_idx %arg7[%add3A_198, %parallel_loop3A_576] : memref<1024x64xf32, #tpu.memory_space<vmem>>[vector<16xi32>, vector<16xi32>], vector<16xf32>,
        %parallel_loop3A_594 = tpu.vector_load_idx %arg7[%add3A_202, %parallel_loop3A_576] : memref<1024x64xf32, #tpu.memory_space<vmem>>[vector<16xi32>, vector<16xi32>], vector<16xf32>,
        %parallel_loop3A_595 = tpu.vector_load_idx %arg7[%add3A_206, %parallel_loop3A_576] : memref<1024x64xf32, #tpu.memory_space<vmem>>[vector<16xi32>, vector<16xi32>], vector<16xf32>,
        %parallel_loop3A_596 = arith.addf %parallel_loop3A_588, %parallel_loop3A_588 : vector<16xf32>
        %parallel_loop3A_597 = arith.addf %parallel_loop3A_596, %parallel_loop3A_577 : vector<16xf32>
        tpu.vector_store_idx %arg8[%parallel_loop3A_584, %parallel_loop3A_587, %add3A_209], %parallel_loop3A_597 : memref<16x8x128xf32, #tpu.memory_space<vmem>>[vector<16xi32>, vector<16xi32>, vector<16xi32>], vector<16xf32>,
        %parallel_loop3A_598 = arith.addf %parallel_loop3A_589, %parallel_loop3A_589 : vector<16xf32>
        %parallel_loop3A_599 = arith.addf %parallel_loop3A_598, %parallel_loop3A_577 : vector<16xf32>
        tpu.vector_store_idx %arg8[%parallel_loop3A_584, %parallel_loop3A_587, %add3A_212], %parallel_loop3A_599 : memref<16x8x128xf32, #tpu.memory_space<vmem>>[vector<16xi32>, vector<16xi32>, vector<16xi32>], vector<16xf32>,
        %parallel_loop3A_600 = arith.addf %parallel_loop3A_590, %parallel_loop3A_590 : vector<16xf32>
        %parallel_loop3A_601 = arith.addf %parallel_loop3A_600, %parallel_loop3A_577 : vector<16xf32>
        tpu.vector_store_idx %arg8[%parallel_loop3A_584, %parallel_loop3A_587, %add3A_215], %parallel_loop3A_601 : memref<16x8x128xf32, #tpu.memory_space<vmem>>[vector<16xi32>, vector<16xi32>, vector<16xi32>], vector<16xf32>,
        %parallel_loop3A_602 = arith.addf %parallel_loop3A_591, %parallel_loop3A_591 : vector<16xf32>
        %parallel_loop3A_603 = arith.addf %parallel_loop3A_602, %parallel_loop3A_577 : vector<16xf32>
        tpu.vector_store_idx %arg8[%parallel_loop3A_584, %parallel_loop3A_587, %add3A_218], %parallel_loop3A_603 : memref<16x8x128xf32, #tpu.memory_space<vmem>>[vector<16xi32>, vector<16xi32>, vector<16xi32>], vector<16xf32>,
        %parallel_loop3A_604 = arith.addf %parallel_loop3A_592, %parallel_loop3A_592 : vector<16xf32>
        %parallel_loop3A_605 = arith.addf %parallel_loop3A_604, %parallel_loop3A_577 : vector<16xf32>
        tpu.vector_store_idx %arg8[%parallel_loop3A_584, %parallel_loop3A_587, %add3A_221], %parallel_loop3A_605 : memref<16x8x128xf32, #tpu.memory_space<vmem>>[vector<16xi32>, vector<16xi32>, vector<16xi32>], vector<16xf32>,
        %parallel_loop3A_606 = arith.addf %parallel_loop3A_593, %parallel_loop3A_593 : vector<16xf32>
        %parallel_loop3A_607 = arith.addf %parallel_loop3A_606, %parallel_loop3A_577 : vector<16xf32>
        tpu.vector_store_idx %arg8[%parallel_loop3A_584, %parallel_loop3A_587, %add3A_224], %parallel_loop3A_607 : memref<16x8x128xf32, #tpu.memory_space<vmem>>[vector<16xi32>, vector<16xi32>, vector<16xi32>], vector<16xf32>,
        %parallel_loop3A_608 = arith.addf %parallel_loop3A_594, %parallel_loop3A_594 : vector<16xf32>
        %parallel_loop3A_609 = arith.addf %parallel_loop3A_608, %parallel_loop3A_577 : vector<16xf32>
        tpu.vector_store_idx %arg8[%parallel_loop3A_584, %parallel_loop3A_587, %add3A_227], %parallel_loop3A_609 : memref<16x8x128xf32, #tpu.memory_space<vmem>>[vector<16xi32>, vector<16xi32>, vector<16xi32>], vector<16xf32>,
        %parallel_loop3A_610 = arith.addf %parallel_loop3A_595, %parallel_loop3A_595 : vector<16xf32>
        %parallel_loop3A_611 = arith.addf %parallel_loop3A_610, %parallel_loop3A_577 : vector<16xf32>
        tpu.vector_store_idx %arg8[%parallel_loop3A_584, %parallel_loop3A_587, %add3A_230], %parallel_loop3A_611 : memref<16x8x128xf32, #tpu.memory_space<vmem>>[vector<16xi32>, vector<16xi32>, vector<16xi32>], vector<16xf32>,
        %parallel_loop3A_612 = arith.constant 16 : i32
        %parallel_loop3A_613 = arith.muli %parallel_loop3A_251, %parallel_loop3A_612 : i32
        %parallel_loop3A_614 = arith.constant 8 : i32
        %parallel_loop3A_615 = vector.broadcast %parallel_loop3A_614 : i32 to vector<16xi32>
        %parallel_loop3A_616 = arith.addi %iota3A, %parallel_loop3A_615 : vector<16xi32>
        %parallel_loop3A_617 = arith.constant 15 : i32
        %parallel_loop3A_618 = vector.broadcast %parallel_loop3A_617 : i32 to vector<16xi32>
        %parallel_loop3A_619 = arith.andi %parallel_loop3A_616, %parallel_loop3A_618 : vector<16xi32>
        %parallel_loop3A_620 = vector.broadcast %parallel_loop3A_613 : i32 to vector<16xi32>
        %parallel_loop3A_621 = arith.addi %parallel_loop3A_620, %parallel_loop3A_619 : vector<16xi32>
        %parallel_loop3A_622 = tpu.vector_load_idx %arg9[%broadcast_in_dim3A, %parallel_loop3A_621] : memref<200x64xf32, #tpu.memory_space<vmem>>[vector<16xi32>, vector<16xi32>], vector<16xf32>,
        %parallel_loop3A_623 = arith.constant 3 : i32
        %parallel_loop3A_624 = vector.broadcast %parallel_loop3A_623 : i32 to vector<16xi32>
        %parallel_loop3A_625 = arith.shrsi %parallel_loop3A_621, %parallel_loop3A_624 : vector<16xi32>
        %parallel_loop3A_626 = arith.constant 8 : i32
        %parallel_loop3A_627 = arith.muli %select_n3A_116, %parallel_loop3A_626 : i32
        %parallel_loop3A_628 = vector.broadcast %parallel_loop3A_627 : i32 to vector<16xi32>
        %parallel_loop3A_629 = arith.addi %parallel_loop3A_625, %parallel_loop3A_628 : vector<16xi32>
        %parallel_loop3A_630 = arith.constant 7 : i32
        %parallel_loop3A_631 = vector.broadcast %parallel_loop3A_630 : i32 to vector<16xi32>
        %parallel_loop3A_632 = arith.andi %parallel_loop3A_621, %parallel_loop3A_631 : vector<16xi32>
        %parallel_loop3A_633 = tpu.vector_load_idx %arg7[%add3A_178, %parallel_loop3A_621] : memref<1024x64xf32, #tpu.memory_space<vmem>>[vector<16xi32>, vector<16xi32>], vector<16xf32>,
        %parallel_loop3A_634 = tpu.vector_load_idx %arg7[%add3A_182, %parallel_loop3A_621] : memref<1024x64xf32, #tpu.memory_space<vmem>>[vector<16xi32>, vector<16xi32>], vector<16xf32>,
        %parallel_loop3A_635 = tpu.vector_load_idx %arg7[%add3A_186, %parallel_loop3A_621] : memref<1024x64xf32, #tpu.memory_space<vmem>>[vector<16xi32>, vector<16xi32>], vector<16xf32>,
        %parallel_loop3A_636 = tpu.vector_load_idx %arg7[%add3A_190, %parallel_loop3A_621] : memref<1024x64xf32, #tpu.memory_space<vmem>>[vector<16xi32>, vector<16xi32>], vector<16xf32>,
        %parallel_loop3A_637 = tpu.vector_load_idx %arg7[%add3A_194, %parallel_loop3A_621] : memref<1024x64xf32, #tpu.memory_space<vmem>>[vector<16xi32>, vector<16xi32>], vector<16xf32>,
        %parallel_loop3A_638 = tpu.vector_load_idx %arg7[%add3A_198, %parallel_loop3A_621] : memref<1024x64xf32, #tpu.memory_space<vmem>>[vector<16xi32>, vector<16xi32>], vector<16xf32>,
        %parallel_loop3A_639 = tpu.vector_load_idx %arg7[%add3A_202, %parallel_loop3A_621] : memref<1024x64xf32, #tpu.memory_space<vmem>>[vector<16xi32>, vector<16xi32>], vector<16xf32>,
        %parallel_loop3A_640 = tpu.vector_load_idx %arg7[%add3A_206, %parallel_loop3A_621] : memref<1024x64xf32, #tpu.memory_space<vmem>>[vector<16xi32>, vector<16xi32>], vector<16xf32>,
        %parallel_loop3A_641 = arith.addf %parallel_loop3A_633, %parallel_loop3A_633 : vector<16xf32>
        %parallel_loop3A_642 = arith.addf %parallel_loop3A_641, %parallel_loop3A_622 : vector<16xf32>
        tpu.vector_store_idx %arg8[%parallel_loop3A_629, %parallel_loop3A_632, %add3A_209], %parallel_loop3A_642 : memref<16x8x128xf32, #tpu.memory_space<vmem>>[vector<16xi32>, vector<16xi32>, vector<16xi32>], vector<16xf32>,
        %parallel_loop3A_643 = arith.addf %parallel_loop3A_634, %parallel_loop3A_634 : vector<16xf32>
        %parallel_loop3A_644 = arith.addf %parallel_loop3A_643, %parallel_loop3A_622 : vector<16xf32>
        tpu.vector_store_idx %arg8[%parallel_loop3A_629, %parallel_loop3A_632, %add3A_212], %parallel_loop3A_644 : memref<16x8x128xf32, #tpu.memory_space<vmem>>[vector<16xi32>, vector<16xi32>, vector<16xi32>], vector<16xf32>,
        %parallel_loop3A_645 = arith.addf %parallel_loop3A_635, %parallel_loop3A_635 : vector<16xf32>
        %parallel_loop3A_646 = arith.addf %parallel_loop3A_645, %parallel_loop3A_622 : vector<16xf32>
        tpu.vector_store_idx %arg8[%parallel_loop3A_629, %parallel_loop3A_632, %add3A_215], %parallel_loop3A_646 : memref<16x8x128xf32, #tpu.memory_space<vmem>>[vector<16xi32>, vector<16xi32>, vector<16xi32>], vector<16xf32>,
        %parallel_loop3A_647 = arith.addf %parallel_loop3A_636, %parallel_loop3A_636 : vector<16xf32>
        %parallel_loop3A_648 = arith.addf %parallel_loop3A_647, %parallel_loop3A_622 : vector<16xf32>
        tpu.vector_store_idx %arg8[%parallel_loop3A_629, %parallel_loop3A_632, %add3A_218], %parallel_loop3A_648 : memref<16x8x128xf32, #tpu.memory_space<vmem>>[vector<16xi32>, vector<16xi32>, vector<16xi32>], vector<16xf32>,
        %parallel_loop3A_649 = arith.addf %parallel_loop3A_637, %parallel_loop3A_637 : vector<16xf32>
        %parallel_loop3A_650 = arith.addf %parallel_loop3A_649, %parallel_loop3A_622 : vector<16xf32>
        tpu.vector_store_idx %arg8[%parallel_loop3A_629, %parallel_loop3A_632, %add3A_221], %parallel_loop3A_650 : memref<16x8x128xf32, #tpu.memory_space<vmem>>[vector<16xi32>, vector<16xi32>, vector<16xi32>], vector<16xf32>,
        %parallel_loop3A_651 = arith.addf %parallel_loop3A_638, %parallel_loop3A_638 : vector<16xf32>
        %parallel_loop3A_652 = arith.addf %parallel_loop3A_651, %parallel_loop3A_622 : vector<16xf32>
        tpu.vector_store_idx %arg8[%parallel_loop3A_629, %parallel_loop3A_632, %add3A_224], %parallel_loop3A_652 : memref<16x8x128xf32, #tpu.memory_space<vmem>>[vector<16xi32>, vector<16xi32>, vector<16xi32>], vector<16xf32>,
        %parallel_loop3A_653 = arith.addf %parallel_loop3A_639, %parallel_loop3A_639 : vector<16xf32>
        %parallel_loop3A_654 = arith.addf %parallel_loop3A_653, %parallel_loop3A_622 : vector<16xf32>
        tpu.vector_store_idx %arg8[%parallel_loop3A_629, %parallel_loop3A_632, %add3A_227], %parallel_loop3A_654 : memref<16x8x128xf32, #tpu.memory_space<vmem>>[vector<16xi32>, vector<16xi32>, vector<16xi32>], vector<16xf32>,
        %parallel_loop3A_655 = arith.addf %parallel_loop3A_640, %parallel_loop3A_640 : vector<16xf32>
        %parallel_loop3A_656 = arith.addf %parallel_loop3A_655, %parallel_loop3A_622 : vector<16xf32>
        tpu.vector_store_idx %arg8[%parallel_loop3A_629, %parallel_loop3A_632, %add3A_230], %parallel_loop3A_656 : memref<16x8x128xf32, #tpu.memory_space<vmem>>[vector<16xi32>, vector<16xi32>, vector<16xi32>], vector<16xf32>,
        %parallel_loop3A_657 = arith.constant 16 : i32
        %parallel_loop3A_658 = arith.muli %parallel_loop3A_251, %parallel_loop3A_657 : i32
        %parallel_loop3A_659 = arith.constant 9 : i32
        %parallel_loop3A_660 = vector.broadcast %parallel_loop3A_659 : i32 to vector<16xi32>
        %parallel_loop3A_661 = arith.addi %iota3A, %parallel_loop3A_660 : vector<16xi32>
        %parallel_loop3A_662 = arith.constant 15 : i32
        %parallel_loop3A_663 = vector.broadcast %parallel_loop3A_662 : i32 to vector<16xi32>
        %parallel_loop3A_664 = arith.andi %parallel_loop3A_661, %parallel_loop3A_663 : vector<16xi32>
        %parallel_loop3A_665 = vector.broadcast %parallel_loop3A_658 : i32 to vector<16xi32>
        %parallel_loop3A_666 = arith.addi %parallel_loop3A_665, %parallel_loop3A_664 : vector<16xi32>
        %parallel_loop3A_667 = tpu.vector_load_idx %arg9[%broadcast_in_dim3A, %parallel_loop3A_666] : memref<200x64xf32, #tpu.memory_space<vmem>>[vector<16xi32>, vector<16xi32>], vector<16xf32>,
        %parallel_loop3A_668 = arith.constant 3 : i32
        %parallel_loop3A_669 = vector.broadcast %parallel_loop3A_668 : i32 to vector<16xi32>
        %parallel_loop3A_670 = arith.shrsi %parallel_loop3A_666, %parallel_loop3A_669 : vector<16xi32>
        %parallel_loop3A_671 = arith.constant 8 : i32
        %parallel_loop3A_672 = arith.muli %select_n3A_116, %parallel_loop3A_671 : i32
        %parallel_loop3A_673 = vector.broadcast %parallel_loop3A_672 : i32 to vector<16xi32>
        %parallel_loop3A_674 = arith.addi %parallel_loop3A_670, %parallel_loop3A_673 : vector<16xi32>
        %parallel_loop3A_675 = arith.constant 7 : i32
        %parallel_loop3A_676 = vector.broadcast %parallel_loop3A_675 : i32 to vector<16xi32>
        %parallel_loop3A_677 = arith.andi %parallel_loop3A_666, %parallel_loop3A_676 : vector<16xi32>
        %parallel_loop3A_678 = tpu.vector_load_idx %arg7[%add3A_178, %parallel_loop3A_666] : memref<1024x64xf32, #tpu.memory_space<vmem>>[vector<16xi32>, vector<16xi32>], vector<16xf32>,
        %parallel_loop3A_679 = tpu.vector_load_idx %arg7[%add3A_182, %parallel_loop3A_666] : memref<1024x64xf32, #tpu.memory_space<vmem>>[vector<16xi32>, vector<16xi32>], vector<16xf32>,
        %parallel_loop3A_680 = tpu.vector_load_idx %arg7[%add3A_186, %parallel_loop3A_666] : memref<1024x64xf32, #tpu.memory_space<vmem>>[vector<16xi32>, vector<16xi32>], vector<16xf32>,
        %parallel_loop3A_681 = tpu.vector_load_idx %arg7[%add3A_190, %parallel_loop3A_666] : memref<1024x64xf32, #tpu.memory_space<vmem>>[vector<16xi32>, vector<16xi32>], vector<16xf32>,
        %parallel_loop3A_682 = tpu.vector_load_idx %arg7[%add3A_194, %parallel_loop3A_666] : memref<1024x64xf32, #tpu.memory_space<vmem>>[vector<16xi32>, vector<16xi32>], vector<16xf32>,
        %parallel_loop3A_683 = tpu.vector_load_idx %arg7[%add3A_198, %parallel_loop3A_666] : memref<1024x64xf32, #tpu.memory_space<vmem>>[vector<16xi32>, vector<16xi32>], vector<16xf32>,
        %parallel_loop3A_684 = tpu.vector_load_idx %arg7[%add3A_202, %parallel_loop3A_666] : memref<1024x64xf32, #tpu.memory_space<vmem>>[vector<16xi32>, vector<16xi32>], vector<16xf32>,
        %parallel_loop3A_685 = tpu.vector_load_idx %arg7[%add3A_206, %parallel_loop3A_666] : memref<1024x64xf32, #tpu.memory_space<vmem>>[vector<16xi32>, vector<16xi32>], vector<16xf32>,
        %parallel_loop3A_686 = arith.addf %parallel_loop3A_678, %parallel_loop3A_678 : vector<16xf32>
        %parallel_loop3A_687 = arith.addf %parallel_loop3A_686, %parallel_loop3A_667 : vector<16xf32>
        tpu.vector_store_idx %arg8[%parallel_loop3A_674, %parallel_loop3A_677, %add3A_209], %parallel_loop3A_687 : memref<16x8x128xf32, #tpu.memory_space<vmem>>[vector<16xi32>, vector<16xi32>, vector<16xi32>], vector<16xf32>,
        %parallel_loop3A_688 = arith.addf %parallel_loop3A_679, %parallel_loop3A_679 : vector<16xf32>
        %parallel_loop3A_689 = arith.addf %parallel_loop3A_688, %parallel_loop3A_667 : vector<16xf32>
        tpu.vector_store_idx %arg8[%parallel_loop3A_674, %parallel_loop3A_677, %add3A_212], %parallel_loop3A_689 : memref<16x8x128xf32, #tpu.memory_space<vmem>>[vector<16xi32>, vector<16xi32>, vector<16xi32>], vector<16xf32>,
        %parallel_loop3A_690 = arith.addf %parallel_loop3A_680, %parallel_loop3A_680 : vector<16xf32>
        %parallel_loop3A_691 = arith.addf %parallel_loop3A_690, %parallel_loop3A_667 : vector<16xf32>
        tpu.vector_store_idx %arg8[%parallel_loop3A_674, %parallel_loop3A_677, %add3A_215], %parallel_loop3A_691 : memref<16x8x128xf32, #tpu.memory_space<vmem>>[vector<16xi32>, vector<16xi32>, vector<16xi32>], vector<16xf32>,
        %parallel_loop3A_692 = arith.addf %parallel_loop3A_681, %parallel_loop3A_681 : vector<16xf32>
        %parallel_loop3A_693 = arith.addf %parallel_loop3A_692, %parallel_loop3A_667 : vector<16xf32>
        tpu.vector_store_idx %arg8[%parallel_loop3A_674, %parallel_loop3A_677, %add3A_218], %parallel_loop3A_693 : memref<16x8x128xf32, #tpu.memory_space<vmem>>[vector<16xi32>, vector<16xi32>, vector<16xi32>], vector<16xf32>,
        %parallel_loop3A_694 = arith.addf %parallel_loop3A_682, %parallel_loop3A_682 : vector<16xf32>
        %parallel_loop3A_695 = arith.addf %parallel_loop3A_694, %parallel_loop3A_667 : vector<16xf32>
        tpu.vector_store_idx %arg8[%parallel_loop3A_674, %parallel_loop3A_677, %add3A_221], %parallel_loop3A_695 : memref<16x8x128xf32, #tpu.memory_space<vmem>>[vector<16xi32>, vector<16xi32>, vector<16xi32>], vector<16xf32>,
        %parallel_loop3A_696 = arith.addf %parallel_loop3A_683, %parallel_loop3A_683 : vector<16xf32>
        %parallel_loop3A_697 = arith.addf %parallel_loop3A_696, %parallel_loop3A_667 : vector<16xf32>
        tpu.vector_store_idx %arg8[%parallel_loop3A_674, %parallel_loop3A_677, %add3A_224], %parallel_loop3A_697 : memref<16x8x128xf32, #tpu.memory_space<vmem>>[vector<16xi32>, vector<16xi32>, vector<16xi32>], vector<16xf32>,
        %parallel_loop3A_698 = arith.addf %parallel_loop3A_684, %parallel_loop3A_684 : vector<16xf32>
        %parallel_loop3A_699 = arith.addf %parallel_loop3A_698, %parallel_loop3A_667 : vector<16xf32>
        tpu.vector_store_idx %arg8[%parallel_loop3A_674, %parallel_loop3A_677, %add3A_227], %parallel_loop3A_699 : memref<16x8x128xf32, #tpu.memory_space<vmem>>[vector<16xi32>, vector<16xi32>, vector<16xi32>], vector<16xf32>,
        %parallel_loop3A_700 = arith.addf %parallel_loop3A_685, %parallel_loop3A_685 : vector<16xf32>
        %parallel_loop3A_701 = arith.addf %parallel_loop3A_700, %parallel_loop3A_667 : vector<16xf32>
        tpu.vector_store_idx %arg8[%parallel_loop3A_674, %parallel_loop3A_677, %add3A_230], %parallel_loop3A_701 : memref<16x8x128xf32, #tpu.memory_space<vmem>>[vector<16xi32>, vector<16xi32>, vector<16xi32>], vector<16xf32>,
        %parallel_loop3A_702 = arith.constant 16 : i32
        %parallel_loop3A_703 = arith.muli %parallel_loop3A_251, %parallel_loop3A_702 : i32
        %parallel_loop3A_704 = arith.constant 10 : i32
        %parallel_loop3A_705 = vector.broadcast %parallel_loop3A_704 : i32 to vector<16xi32>
        %parallel_loop3A_706 = arith.addi %iota3A, %parallel_loop3A_705 : vector<16xi32>
        %parallel_loop3A_707 = arith.constant 15 : i32
        %parallel_loop3A_708 = vector.broadcast %parallel_loop3A_707 : i32 to vector<16xi32>
        %parallel_loop3A_709 = arith.andi %parallel_loop3A_706, %parallel_loop3A_708 : vector<16xi32>
        %parallel_loop3A_710 = vector.broadcast %parallel_loop3A_703 : i32 to vector<16xi32>
        %parallel_loop3A_711 = arith.addi %parallel_loop3A_710, %parallel_loop3A_709 : vector<16xi32>
        %parallel_loop3A_712 = tpu.vector_load_idx %arg9[%broadcast_in_dim3A, %parallel_loop3A_711] : memref<200x64xf32, #tpu.memory_space<vmem>>[vector<16xi32>, vector<16xi32>], vector<16xf32>,
        %parallel_loop3A_713 = arith.constant 3 : i32
        %parallel_loop3A_714 = vector.broadcast %parallel_loop3A_713 : i32 to vector<16xi32>
        %parallel_loop3A_715 = arith.shrsi %parallel_loop3A_711, %parallel_loop3A_714 : vector<16xi32>
        %parallel_loop3A_716 = arith.constant 8 : i32
        %parallel_loop3A_717 = arith.muli %select_n3A_116, %parallel_loop3A_716 : i32
        %parallel_loop3A_718 = vector.broadcast %parallel_loop3A_717 : i32 to vector<16xi32>
        %parallel_loop3A_719 = arith.addi %parallel_loop3A_715, %parallel_loop3A_718 : vector<16xi32>
        %parallel_loop3A_720 = arith.constant 7 : i32
        %parallel_loop3A_721 = vector.broadcast %parallel_loop3A_720 : i32 to vector<16xi32>
        %parallel_loop3A_722 = arith.andi %parallel_loop3A_711, %parallel_loop3A_721 : vector<16xi32>
        %parallel_loop3A_723 = tpu.vector_load_idx %arg7[%add3A_178, %parallel_loop3A_711] : memref<1024x64xf32, #tpu.memory_space<vmem>>[vector<16xi32>, vector<16xi32>], vector<16xf32>,
        %parallel_loop3A_724 = tpu.vector_load_idx %arg7[%add3A_182, %parallel_loop3A_711] : memref<1024x64xf32, #tpu.memory_space<vmem>>[vector<16xi32>, vector<16xi32>], vector<16xf32>,
        %parallel_loop3A_725 = tpu.vector_load_idx %arg7[%add3A_186, %parallel_loop3A_711] : memref<1024x64xf32, #tpu.memory_space<vmem>>[vector<16xi32>, vector<16xi32>], vector<16xf32>,
        %parallel_loop3A_726 = tpu.vector_load_idx %arg7[%add3A_190, %parallel_loop3A_711] : memref<1024x64xf32, #tpu.memory_space<vmem>>[vector<16xi32>, vector<16xi32>], vector<16xf32>,
        %parallel_loop3A_727 = tpu.vector_load_idx %arg7[%add3A_194, %parallel_loop3A_711] : memref<1024x64xf32, #tpu.memory_space<vmem>>[vector<16xi32>, vector<16xi32>], vector<16xf32>,
        %parallel_loop3A_728 = tpu.vector_load_idx %arg7[%add3A_198, %parallel_loop3A_711] : memref<1024x64xf32, #tpu.memory_space<vmem>>[vector<16xi32>, vector<16xi32>], vector<16xf32>,
        %parallel_loop3A_729 = tpu.vector_load_idx %arg7[%add3A_202, %parallel_loop3A_711] : memref<1024x64xf32, #tpu.memory_space<vmem>>[vector<16xi32>, vector<16xi32>], vector<16xf32>,
        %parallel_loop3A_730 = tpu.vector_load_idx %arg7[%add3A_206, %parallel_loop3A_711] : memref<1024x64xf32, #tpu.memory_space<vmem>>[vector<16xi32>, vector<16xi32>], vector<16xf32>,
        %parallel_loop3A_731 = arith.addf %parallel_loop3A_723, %parallel_loop3A_723 : vector<16xf32>
        %parallel_loop3A_732 = arith.addf %parallel_loop3A_731, %parallel_loop3A_712 : vector<16xf32>
        tpu.vector_store_idx %arg8[%parallel_loop3A_719, %parallel_loop3A_722, %add3A_209], %parallel_loop3A_732 : memref<16x8x128xf32, #tpu.memory_space<vmem>>[vector<16xi32>, vector<16xi32>, vector<16xi32>], vector<16xf32>,
        %parallel_loop3A_733 = arith.addf %parallel_loop3A_724, %parallel_loop3A_724 : vector<16xf32>
        %parallel_loop3A_734 = arith.addf %parallel_loop3A_733, %parallel_loop3A_712 : vector<16xf32>
        tpu.vector_store_idx %arg8[%parallel_loop3A_719, %parallel_loop3A_722, %add3A_212], %parallel_loop3A_734 : memref<16x8x128xf32, #tpu.memory_space<vmem>>[vector<16xi32>, vector<16xi32>, vector<16xi32>], vector<16xf32>,
        %parallel_loop3A_735 = arith.addf %parallel_loop3A_725, %parallel_loop3A_725 : vector<16xf32>
        %parallel_loop3A_736 = arith.addf %parallel_loop3A_735, %parallel_loop3A_712 : vector<16xf32>
        tpu.vector_store_idx %arg8[%parallel_loop3A_719, %parallel_loop3A_722, %add3A_215], %parallel_loop3A_736 : memref<16x8x128xf32, #tpu.memory_space<vmem>>[vector<16xi32>, vector<16xi32>, vector<16xi32>], vector<16xf32>,
        %parallel_loop3A_737 = arith.addf %parallel_loop3A_726, %parallel_loop3A_726 : vector<16xf32>
        %parallel_loop3A_738 = arith.addf %parallel_loop3A_737, %parallel_loop3A_712 : vector<16xf32>
        tpu.vector_store_idx %arg8[%parallel_loop3A_719, %parallel_loop3A_722, %add3A_218], %parallel_loop3A_738 : memref<16x8x128xf32, #tpu.memory_space<vmem>>[vector<16xi32>, vector<16xi32>, vector<16xi32>], vector<16xf32>,
        %parallel_loop3A_739 = arith.addf %parallel_loop3A_727, %parallel_loop3A_727 : vector<16xf32>
        %parallel_loop3A_740 = arith.addf %parallel_loop3A_739, %parallel_loop3A_712 : vector<16xf32>
        tpu.vector_store_idx %arg8[%parallel_loop3A_719, %parallel_loop3A_722, %add3A_221], %parallel_loop3A_740 : memref<16x8x128xf32, #tpu.memory_space<vmem>>[vector<16xi32>, vector<16xi32>, vector<16xi32>], vector<16xf32>,
        %parallel_loop3A_741 = arith.addf %parallel_loop3A_728, %parallel_loop3A_728 : vector<16xf32>
        %parallel_loop3A_742 = arith.addf %parallel_loop3A_741, %parallel_loop3A_712 : vector<16xf32>
        tpu.vector_store_idx %arg8[%parallel_loop3A_719, %parallel_loop3A_722, %add3A_224], %parallel_loop3A_742 : memref<16x8x128xf32, #tpu.memory_space<vmem>>[vector<16xi32>, vector<16xi32>, vector<16xi32>], vector<16xf32>,
        %parallel_loop3A_743 = arith.addf %parallel_loop3A_729, %parallel_loop3A_729 : vector<16xf32>
        %parallel_loop3A_744 = arith.addf %parallel_loop3A_743, %parallel_loop3A_712 : vector<16xf32>
        tpu.vector_store_idx %arg8[%parallel_loop3A_719, %parallel_loop3A_722, %add3A_227], %parallel_loop3A_744 : memref<16x8x128xf32, #tpu.memory_space<vmem>>[vector<16xi32>, vector<16xi32>, vector<16xi32>], vector<16xf32>,
        %parallel_loop3A_745 = arith.addf %parallel_loop3A_730, %parallel_loop3A_730 : vector<16xf32>
        %parallel_loop3A_746 = arith.addf %parallel_loop3A_745, %parallel_loop3A_712 : vector<16xf32>
        tpu.vector_store_idx %arg8[%parallel_loop3A_719, %parallel_loop3A_722, %add3A_230], %parallel_loop3A_746 : memref<16x8x128xf32, #tpu.memory_space<vmem>>[vector<16xi32>, vector<16xi32>, vector<16xi32>], vector<16xf32>,
        %parallel_loop3A_747 = arith.constant 16 : i32
        %parallel_loop3A_748 = arith.muli %parallel_loop3A_251, %parallel_loop3A_747 : i32
        %parallel_loop3A_749 = arith.constant 11 : i32
        %parallel_loop3A_750 = vector.broadcast %parallel_loop3A_749 : i32 to vector<16xi32>
        %parallel_loop3A_751 = arith.addi %iota3A, %parallel_loop3A_750 : vector<16xi32>
        %parallel_loop3A_752 = arith.constant 15 : i32
        %parallel_loop3A_753 = vector.broadcast %parallel_loop3A_752 : i32 to vector<16xi32>
        %parallel_loop3A_754 = arith.andi %parallel_loop3A_751, %parallel_loop3A_753 : vector<16xi32>
        %parallel_loop3A_755 = vector.broadcast %parallel_loop3A_748 : i32 to vector<16xi32>
        %parallel_loop3A_756 = arith.addi %parallel_loop3A_755, %parallel_loop3A_754 : vector<16xi32>
        %parallel_loop3A_757 = tpu.vector_load_idx %arg9[%broadcast_in_dim3A, %parallel_loop3A_756] : memref<200x64xf32, #tpu.memory_space<vmem>>[vector<16xi32>, vector<16xi32>], vector<16xf32>,
        %parallel_loop3A_758 = arith.constant 3 : i32
        %parallel_loop3A_759 = vector.broadcast %parallel_loop3A_758 : i32 to vector<16xi32>
        %parallel_loop3A_760 = arith.shrsi %parallel_loop3A_756, %parallel_loop3A_759 : vector<16xi32>
        %parallel_loop3A_761 = arith.constant 8 : i32
        %parallel_loop3A_762 = arith.muli %select_n3A_116, %parallel_loop3A_761 : i32
        %parallel_loop3A_763 = vector.broadcast %parallel_loop3A_762 : i32 to vector<16xi32>
        %parallel_loop3A_764 = arith.addi %parallel_loop3A_760, %parallel_loop3A_763 : vector<16xi32>
        %parallel_loop3A_765 = arith.constant 7 : i32
        %parallel_loop3A_766 = vector.broadcast %parallel_loop3A_765 : i32 to vector<16xi32>
        %parallel_loop3A_767 = arith.andi %parallel_loop3A_756, %parallel_loop3A_766 : vector<16xi32>
        %parallel_loop3A_768 = tpu.vector_load_idx %arg7[%add3A_178, %parallel_loop3A_756] : memref<1024x64xf32, #tpu.memory_space<vmem>>[vector<16xi32>, vector<16xi32>], vector<16xf32>,
        %parallel_loop3A_769 = tpu.vector_load_idx %arg7[%add3A_182, %parallel_loop3A_756] : memref<1024x64xf32, #tpu.memory_space<vmem>>[vector<16xi32>, vector<16xi32>], vector<16xf32>,
        %parallel_loop3A_770 = tpu.vector_load_idx %arg7[%add3A_186, %parallel_loop3A_756] : memref<1024x64xf32, #tpu.memory_space<vmem>>[vector<16xi32>, vector<16xi32>], vector<16xf32>,
        %parallel_loop3A_771 = tpu.vector_load_idx %arg7[%add3A_190, %parallel_loop3A_756] : memref<1024x64xf32, #tpu.memory_space<vmem>>[vector<16xi32>, vector<16xi32>], vector<16xf32>,
        %parallel_loop3A_772 = tpu.vector_load_idx %arg7[%add3A_194, %parallel_loop3A_756] : memref<1024x64xf32, #tpu.memory_space<vmem>>[vector<16xi32>, vector<16xi32>], vector<16xf32>,
        %parallel_loop3A_773 = tpu.vector_load_idx %arg7[%add3A_198, %parallel_loop3A_756] : memref<1024x64xf32, #tpu.memory_space<vmem>>[vector<16xi32>, vector<16xi32>], vector<16xf32>,
        %parallel_loop3A_774 = tpu.vector_load_idx %arg7[%add3A_202, %parallel_loop3A_756] : memref<1024x64xf32, #tpu.memory_space<vmem>>[vector<16xi32>, vector<16xi32>], vector<16xf32>,
        %parallel_loop3A_775 = tpu.vector_load_idx %arg7[%add3A_206, %parallel_loop3A_756] : memref<1024x64xf32, #tpu.memory_space<vmem>>[vector<16xi32>, vector<16xi32>], vector<16xf32>,
        %parallel_loop3A_776 = arith.addf %parallel_loop3A_768, %parallel_loop3A_768 : vector<16xf32>
        %parallel_loop3A_777 = arith.addf %parallel_loop3A_776, %parallel_loop3A_757 : vector<16xf32>
        tpu.vector_store_idx %arg8[%parallel_loop3A_764, %parallel_loop3A_767, %add3A_209], %parallel_loop3A_777 : memref<16x8x128xf32, #tpu.memory_space<vmem>>[vector<16xi32>, vector<16xi32>, vector<16xi32>], vector<16xf32>,
        %parallel_loop3A_778 = arith.addf %parallel_loop3A_769, %parallel_loop3A_769 : vector<16xf32>
        %parallel_loop3A_779 = arith.addf %parallel_loop3A_778, %parallel_loop3A_757 : vector<16xf32>
        tpu.vector_store_idx %arg8[%parallel_loop3A_764, %parallel_loop3A_767, %add3A_212], %parallel_loop3A_779 : memref<16x8x128xf32, #tpu.memory_space<vmem>>[vector<16xi32>, vector<16xi32>, vector<16xi32>], vector<16xf32>,
        %parallel_loop3A_780 = arith.addf %parallel_loop3A_770, %parallel_loop3A_770 : vector<16xf32>
        %parallel_loop3A_781 = arith.addf %parallel_loop3A_780, %parallel_loop3A_757 : vector<16xf32>
        tpu.vector_store_idx %arg8[%parallel_loop3A_764, %parallel_loop3A_767, %add3A_215], %parallel_loop3A_781 : memref<16x8x128xf32, #tpu.memory_space<vmem>>[vector<16xi32>, vector<16xi32>, vector<16xi32>], vector<16xf32>,
        %parallel_loop3A_782 = arith.addf %parallel_loop3A_771, %parallel_loop3A_771 : vector<16xf32>
        %parallel_loop3A_783 = arith.addf %parallel_loop3A_782, %parallel_loop3A_757 : vector<16xf32>
        tpu.vector_store_idx %arg8[%parallel_loop3A_764, %parallel_loop3A_767, %add3A_218], %parallel_loop3A_783 : memref<16x8x128xf32, #tpu.memory_space<vmem>>[vector<16xi32>, vector<16xi32>, vector<16xi32>], vector<16xf32>,
        %parallel_loop3A_784 = arith.addf %parallel_loop3A_772, %parallel_loop3A_772 : vector<16xf32>
        %parallel_loop3A_785 = arith.addf %parallel_loop3A_784, %parallel_loop3A_757 : vector<16xf32>
        tpu.vector_store_idx %arg8[%parallel_loop3A_764, %parallel_loop3A_767, %add3A_221], %parallel_loop3A_785 : memref<16x8x128xf32, #tpu.memory_space<vmem>>[vector<16xi32>, vector<16xi32>, vector<16xi32>], vector<16xf32>,
        %parallel_loop3A_786 = arith.addf %parallel_loop3A_773, %parallel_loop3A_773 : vector<16xf32>
        %parallel_loop3A_787 = arith.addf %parallel_loop3A_786, %parallel_loop3A_757 : vector<16xf32>
        tpu.vector_store_idx %arg8[%parallel_loop3A_764, %parallel_loop3A_767, %add3A_224], %parallel_loop3A_787 : memref<16x8x128xf32, #tpu.memory_space<vmem>>[vector<16xi32>, vector<16xi32>, vector<16xi32>], vector<16xf32>,
        %parallel_loop3A_788 = arith.addf %parallel_loop3A_774, %parallel_loop3A_774 : vector<16xf32>
        %parallel_loop3A_789 = arith.addf %parallel_loop3A_788, %parallel_loop3A_757 : vector<16xf32>
        tpu.vector_store_idx %arg8[%parallel_loop3A_764, %parallel_loop3A_767, %add3A_227], %parallel_loop3A_789 : memref<16x8x128xf32, #tpu.memory_space<vmem>>[vector<16xi32>, vector<16xi32>, vector<16xi32>], vector<16xf32>,
        %parallel_loop3A_790 = arith.addf %parallel_loop3A_775, %parallel_loop3A_775 : vector<16xf32>
        %parallel_loop3A_791 = arith.addf %parallel_loop3A_790, %parallel_loop3A_757 : vector<16xf32>
        tpu.vector_store_idx %arg8[%parallel_loop3A_764, %parallel_loop3A_767, %add3A_230], %parallel_loop3A_791 : memref<16x8x128xf32, #tpu.memory_space<vmem>>[vector<16xi32>, vector<16xi32>, vector<16xi32>], vector<16xf32>,
        %parallel_loop3A_792 = arith.constant 16 : i32
        %parallel_loop3A_793 = arith.muli %parallel_loop3A_251, %parallel_loop3A_792 : i32
        %parallel_loop3A_794 = arith.constant 12 : i32
        %parallel_loop3A_795 = vector.broadcast %parallel_loop3A_794 : i32 to vector<16xi32>
        %parallel_loop3A_796 = arith.addi %iota3A, %parallel_loop3A_795 : vector<16xi32>
        %parallel_loop3A_797 = arith.constant 15 : i32
        %parallel_loop3A_798 = vector.broadcast %parallel_loop3A_797 : i32 to vector<16xi32>
        %parallel_loop3A_799 = arith.andi %parallel_loop3A_796, %parallel_loop3A_798 : vector<16xi32>
        %parallel_loop3A_800 = vector.broadcast %parallel_loop3A_793 : i32 to vector<16xi32>
        %parallel_loop3A_801 = arith.addi %parallel_loop3A_800, %parallel_loop3A_799 : vector<16xi32>
        %parallel_loop3A_802 = tpu.vector_load_idx %arg9[%broadcast_in_dim3A, %parallel_loop3A_801] : memref<200x64xf32, #tpu.memory_space<vmem>>[vector<16xi32>, vector<16xi32>], vector<16xf32>,
        %parallel_loop3A_803 = arith.constant 3 : i32
        %parallel_loop3A_804 = vector.broadcast %parallel_loop3A_803 : i32 to vector<16xi32>
        %parallel_loop3A_805 = arith.shrsi %parallel_loop3A_801, %parallel_loop3A_804 : vector<16xi32>
        %parallel_loop3A_806 = arith.constant 8 : i32
        %parallel_loop3A_807 = arith.muli %select_n3A_116, %parallel_loop3A_806 : i32
        %parallel_loop3A_808 = vector.broadcast %parallel_loop3A_807 : i32 to vector<16xi32>
        %parallel_loop3A_809 = arith.addi %parallel_loop3A_805, %parallel_loop3A_808 : vector<16xi32>
        %parallel_loop3A_810 = arith.constant 7 : i32
        %parallel_loop3A_811 = vector.broadcast %parallel_loop3A_810 : i32 to vector<16xi32>
        %parallel_loop3A_812 = arith.andi %parallel_loop3A_801, %parallel_loop3A_811 : vector<16xi32>
        %parallel_loop3A_813 = tpu.vector_load_idx %arg7[%add3A_178, %parallel_loop3A_801] : memref<1024x64xf32, #tpu.memory_space<vmem>>[vector<16xi32>, vector<16xi32>], vector<16xf32>,
        %parallel_loop3A_814 = tpu.vector_load_idx %arg7[%add3A_182, %parallel_loop3A_801] : memref<1024x64xf32, #tpu.memory_space<vmem>>[vector<16xi32>, vector<16xi32>], vector<16xf32>,
        %parallel_loop3A_815 = tpu.vector_load_idx %arg7[%add3A_186, %parallel_loop3A_801] : memref<1024x64xf32, #tpu.memory_space<vmem>>[vector<16xi32>, vector<16xi32>], vector<16xf32>,
        %parallel_loop3A_816 = tpu.vector_load_idx %arg7[%add3A_190, %parallel_loop3A_801] : memref<1024x64xf32, #tpu.memory_space<vmem>>[vector<16xi32>, vector<16xi32>], vector<16xf32>,
        %parallel_loop3A_817 = tpu.vector_load_idx %arg7[%add3A_194, %parallel_loop3A_801] : memref<1024x64xf32, #tpu.memory_space<vmem>>[vector<16xi32>, vector<16xi32>], vector<16xf32>,
        %parallel_loop3A_818 = tpu.vector_load_idx %arg7[%add3A_198, %parallel_loop3A_801] : memref<1024x64xf32, #tpu.memory_space<vmem>>[vector<16xi32>, vector<16xi32>], vector<16xf32>,
        %parallel_loop3A_819 = tpu.vector_load_idx %arg7[%add3A_202, %parallel_loop3A_801] : memref<1024x64xf32, #tpu.memory_space<vmem>>[vector<16xi32>, vector<16xi32>], vector<16xf32>,
        %parallel_loop3A_820 = tpu.vector_load_idx %arg7[%add3A_206, %parallel_loop3A_801] : memref<1024x64xf32, #tpu.memory_space<vmem>>[vector<16xi32>, vector<16xi32>], vector<16xf32>,
        %parallel_loop3A_821 = arith.addf %parallel_loop3A_813, %parallel_loop3A_813 : vector<16xf32>
        %parallel_loop3A_822 = arith.addf %parallel_loop3A_821, %parallel_loop3A_802 : vector<16xf32>
        tpu.vector_store_idx %arg8[%parallel_loop3A_809, %parallel_loop3A_812, %add3A_209], %parallel_loop3A_822 : memref<16x8x128xf32, #tpu.memory_space<vmem>>[vector<16xi32>, vector<16xi32>, vector<16xi32>], vector<16xf32>,
        %parallel_loop3A_823 = arith.addf %parallel_loop3A_814, %parallel_loop3A_814 : vector<16xf32>
        %parallel_loop3A_824 = arith.addf %parallel_loop3A_823, %parallel_loop3A_802 : vector<16xf32>
        tpu.vector_store_idx %arg8[%parallel_loop3A_809, %parallel_loop3A_812, %add3A_212], %parallel_loop3A_824 : memref<16x8x128xf32, #tpu.memory_space<vmem>>[vector<16xi32>, vector<16xi32>, vector<16xi32>], vector<16xf32>,
        %parallel_loop3A_825 = arith.addf %parallel_loop3A_815, %parallel_loop3A_815 : vector<16xf32>
        %parallel_loop3A_826 = arith.addf %parallel_loop3A_825, %parallel_loop3A_802 : vector<16xf32>
        tpu.vector_store_idx %arg8[%parallel_loop3A_809, %parallel_loop3A_812, %add3A_215], %parallel_loop3A_826 : memref<16x8x128xf32, #tpu.memory_space<vmem>>[vector<16xi32>, vector<16xi32>, vector<16xi32>], vector<16xf32>,
        %parallel_loop3A_827 = arith.addf %parallel_loop3A_816, %parallel_loop3A_816 : vector<16xf32>
        %parallel_loop3A_828 = arith.addf %parallel_loop3A_827, %parallel_loop3A_802 : vector<16xf32>
        tpu.vector_store_idx %arg8[%parallel_loop3A_809, %parallel_loop3A_812, %add3A_218], %parallel_loop3A_828 : memref<16x8x128xf32, #tpu.memory_space<vmem>>[vector<16xi32>, vector<16xi32>, vector<16xi32>], vector<16xf32>,
        %parallel_loop3A_829 = arith.addf %parallel_loop3A_817, %parallel_loop3A_817 : vector<16xf32>
        %parallel_loop3A_830 = arith.addf %parallel_loop3A_829, %parallel_loop3A_802 : vector<16xf32>
        tpu.vector_store_idx %arg8[%parallel_loop3A_809, %parallel_loop3A_812, %add3A_221], %parallel_loop3A_830 : memref<16x8x128xf32, #tpu.memory_space<vmem>>[vector<16xi32>, vector<16xi32>, vector<16xi32>], vector<16xf32>,
        %parallel_loop3A_831 = arith.addf %parallel_loop3A_818, %parallel_loop3A_818 : vector<16xf32>
        %parallel_loop3A_832 = arith.addf %parallel_loop3A_831, %parallel_loop3A_802 : vector<16xf32>
        tpu.vector_store_idx %arg8[%parallel_loop3A_809, %parallel_loop3A_812, %add3A_224], %parallel_loop3A_832 : memref<16x8x128xf32, #tpu.memory_space<vmem>>[vector<16xi32>, vector<16xi32>, vector<16xi32>], vector<16xf32>,
        %parallel_loop3A_833 = arith.addf %parallel_loop3A_819, %parallel_loop3A_819 : vector<16xf32>
        %parallel_loop3A_834 = arith.addf %parallel_loop3A_833, %parallel_loop3A_802 : vector<16xf32>
        tpu.vector_store_idx %arg8[%parallel_loop3A_809, %parallel_loop3A_812, %add3A_227], %parallel_loop3A_834 : memref<16x8x128xf32, #tpu.memory_space<vmem>>[vector<16xi32>, vector<16xi32>, vector<16xi32>], vector<16xf32>,
        %parallel_loop3A_835 = arith.addf %parallel_loop3A_820, %parallel_loop3A_820 : vector<16xf32>
        %parallel_loop3A_836 = arith.addf %parallel_loop3A_835, %parallel_loop3A_802 : vector<16xf32>
        tpu.vector_store_idx %arg8[%parallel_loop3A_809, %parallel_loop3A_812, %add3A_230], %parallel_loop3A_836 : memref<16x8x128xf32, #tpu.memory_space<vmem>>[vector<16xi32>, vector<16xi32>, vector<16xi32>], vector<16xf32>,
        %parallel_loop3A_837 = arith.constant 16 : i32
        %parallel_loop3A_838 = arith.muli %parallel_loop3A_251, %parallel_loop3A_837 : i32
        %parallel_loop3A_839 = arith.constant 13 : i32
        %parallel_loop3A_840 = vector.broadcast %parallel_loop3A_839 : i32 to vector<16xi32>
        %parallel_loop3A_841 = arith.addi %iota3A, %parallel_loop3A_840 : vector<16xi32>
        %parallel_loop3A_842 = arith.constant 15 : i32
        %parallel_loop3A_843 = vector.broadcast %parallel_loop3A_842 : i32 to vector<16xi32>
        %parallel_loop3A_844 = arith.andi %parallel_loop3A_841, %parallel_loop3A_843 : vector<16xi32>
        %parallel_loop3A_845 = vector.broadcast %parallel_loop3A_838 : i32 to vector<16xi32>
        %parallel_loop3A_846 = arith.addi %parallel_loop3A_845, %parallel_loop3A_844 : vector<16xi32>
        %parallel_loop3A_847 = tpu.vector_load_idx %arg9[%broadcast_in_dim3A, %parallel_loop3A_846] : memref<200x64xf32, #tpu.memory_space<vmem>>[vector<16xi32>, vector<16xi32>], vector<16xf32>,
        %parallel_loop3A_848 = arith.constant 3 : i32
        %parallel_loop3A_849 = vector.broadcast %parallel_loop3A_848 : i32 to vector<16xi32>
        %parallel_loop3A_850 = arith.shrsi %parallel_loop3A_846, %parallel_loop3A_849 : vector<16xi32>
        %parallel_loop3A_851 = arith.constant 8 : i32
        %parallel_loop3A_852 = arith.muli %select_n3A_116, %parallel_loop3A_851 : i32
        %parallel_loop3A_853 = vector.broadcast %parallel_loop3A_852 : i32 to vector<16xi32>
        %parallel_loop3A_854 = arith.addi %parallel_loop3A_850, %parallel_loop3A_853 : vector<16xi32>
        %parallel_loop3A_855 = arith.constant 7 : i32
        %parallel_loop3A_856 = vector.broadcast %parallel_loop3A_855 : i32 to vector<16xi32>
        %parallel_loop3A_857 = arith.andi %parallel_loop3A_846, %parallel_loop3A_856 : vector<16xi32>
        %parallel_loop3A_858 = tpu.vector_load_idx %arg7[%add3A_178, %parallel_loop3A_846] : memref<1024x64xf32, #tpu.memory_space<vmem>>[vector<16xi32>, vector<16xi32>], vector<16xf32>,
        %parallel_loop3A_859 = tpu.vector_load_idx %arg7[%add3A_182, %parallel_loop3A_846] : memref<1024x64xf32, #tpu.memory_space<vmem>>[vector<16xi32>, vector<16xi32>], vector<16xf32>,
        %parallel_loop3A_860 = tpu.vector_load_idx %arg7[%add3A_186, %parallel_loop3A_846] : memref<1024x64xf32, #tpu.memory_space<vmem>>[vector<16xi32>, vector<16xi32>], vector<16xf32>,
        %parallel_loop3A_861 = tpu.vector_load_idx %arg7[%add3A_190, %parallel_loop3A_846] : memref<1024x64xf32, #tpu.memory_space<vmem>>[vector<16xi32>, vector<16xi32>], vector<16xf32>,
        %parallel_loop3A_862 = tpu.vector_load_idx %arg7[%add3A_194, %parallel_loop3A_846] : memref<1024x64xf32, #tpu.memory_space<vmem>>[vector<16xi32>, vector<16xi32>], vector<16xf32>,
        %parallel_loop3A_863 = tpu.vector_load_idx %arg7[%add3A_198, %parallel_loop3A_846] : memref<1024x64xf32, #tpu.memory_space<vmem>>[vector<16xi32>, vector<16xi32>], vector<16xf32>,
        %parallel_loop3A_864 = tpu.vector_load_idx %arg7[%add3A_202, %parallel_loop3A_846] : memref<1024x64xf32, #tpu.memory_space<vmem>>[vector<16xi32>, vector<16xi32>], vector<16xf32>,
        %parallel_loop3A_865 = tpu.vector_load_idx %arg7[%add3A_206, %parallel_loop3A_846] : memref<1024x64xf32, #tpu.memory_space<vmem>>[vector<16xi32>, vector<16xi32>], vector<16xf32>,
        %parallel_loop3A_866 = arith.addf %parallel_loop3A_858, %parallel_loop3A_858 : vector<16xf32>
        %parallel_loop3A_867 = arith.addf %parallel_loop3A_866, %parallel_loop3A_847 : vector<16xf32>
        tpu.vector_store_idx %arg8[%parallel_loop3A_854, %parallel_loop3A_857, %add3A_209], %parallel_loop3A_867 : memref<16x8x128xf32, #tpu.memory_space<vmem>>[vector<16xi32>, vector<16xi32>, vector<16xi32>], vector<16xf32>,
        %parallel_loop3A_868 = arith.addf %parallel_loop3A_859, %parallel_loop3A_859 : vector<16xf32>
        %parallel_loop3A_869 = arith.addf %parallel_loop3A_868, %parallel_loop3A_847 : vector<16xf32>
        tpu.vector_store_idx %arg8[%parallel_loop3A_854, %parallel_loop3A_857, %add3A_212], %parallel_loop3A_869 : memref<16x8x128xf32, #tpu.memory_space<vmem>>[vector<16xi32>, vector<16xi32>, vector<16xi32>], vector<16xf32>,
        %parallel_loop3A_870 = arith.addf %parallel_loop3A_860, %parallel_loop3A_860 : vector<16xf32>
        %parallel_loop3A_871 = arith.addf %parallel_loop3A_870, %parallel_loop3A_847 : vector<16xf32>
        tpu.vector_store_idx %arg8[%parallel_loop3A_854, %parallel_loop3A_857, %add3A_215], %parallel_loop3A_871 : memref<16x8x128xf32, #tpu.memory_space<vmem>>[vector<16xi32>, vector<16xi32>, vector<16xi32>], vector<16xf32>,
        %parallel_loop3A_872 = arith.addf %parallel_loop3A_861, %parallel_loop3A_861 : vector<16xf32>
        %parallel_loop3A_873 = arith.addf %parallel_loop3A_872, %parallel_loop3A_847 : vector<16xf32>
        tpu.vector_store_idx %arg8[%parallel_loop3A_854, %parallel_loop3A_857, %add3A_218], %parallel_loop3A_873 : memref<16x8x128xf32, #tpu.memory_space<vmem>>[vector<16xi32>, vector<16xi32>, vector<16xi32>], vector<16xf32>,
        %parallel_loop3A_874 = arith.addf %parallel_loop3A_862, %parallel_loop3A_862 : vector<16xf32>
        %parallel_loop3A_875 = arith.addf %parallel_loop3A_874, %parallel_loop3A_847 : vector<16xf32>
        tpu.vector_store_idx %arg8[%parallel_loop3A_854, %parallel_loop3A_857, %add3A_221], %parallel_loop3A_875 : memref<16x8x128xf32, #tpu.memory_space<vmem>>[vector<16xi32>, vector<16xi32>, vector<16xi32>], vector<16xf32>,
        %parallel_loop3A_876 = arith.addf %parallel_loop3A_863, %parallel_loop3A_863 : vector<16xf32>
        %parallel_loop3A_877 = arith.addf %parallel_loop3A_876, %parallel_loop3A_847 : vector<16xf32>
        tpu.vector_store_idx %arg8[%parallel_loop3A_854, %parallel_loop3A_857, %add3A_224], %parallel_loop3A_877 : memref<16x8x128xf32, #tpu.memory_space<vmem>>[vector<16xi32>, vector<16xi32>, vector<16xi32>], vector<16xf32>,
        %parallel_loop3A_878 = arith.addf %parallel_loop3A_864, %parallel_loop3A_864 : vector<16xf32>
        %parallel_loop3A_879 = arith.addf %parallel_loop3A_878, %parallel_loop3A_847 : vector<16xf32>
        tpu.vector_store_idx %arg8[%parallel_loop3A_854, %parallel_loop3A_857, %add3A_227], %parallel_loop3A_879 : memref<16x8x128xf32, #tpu.memory_space<vmem>>[vector<16xi32>, vector<16xi32>, vector<16xi32>], vector<16xf32>,
        %parallel_loop3A_880 = arith.addf %parallel_loop3A_865, %parallel_loop3A_865 : vector<16xf32>
        %parallel_loop3A_881 = arith.addf %parallel_loop3A_880, %parallel_loop3A_847 : vector<16xf32>
        tpu.vector_store_idx %arg8[%parallel_loop3A_854, %parallel_loop3A_857, %add3A_230], %parallel_loop3A_881 : memref<16x8x128xf32, #tpu.memory_space<vmem>>[vector<16xi32>, vector<16xi32>, vector<16xi32>], vector<16xf32>,
        %parallel_loop3A_882 = arith.constant 16 : i32
        %parallel_loop3A_883 = arith.muli %parallel_loop3A_251, %parallel_loop3A_882 : i32
        %parallel_loop3A_884 = arith.constant 14 : i32
        %parallel_loop3A_885 = vector.broadcast %parallel_loop3A_884 : i32 to vector<16xi32>
        %parallel_loop3A_886 = arith.addi %iota3A, %parallel_loop3A_885 : vector<16xi32>
        %parallel_loop3A_887 = arith.constant 15 : i32
        %parallel_loop3A_888 = vector.broadcast %parallel_loop3A_887 : i32 to vector<16xi32>
        %parallel_loop3A_889 = arith.andi %parallel_loop3A_886, %parallel_loop3A_888 : vector<16xi32>
        %parallel_loop3A_890 = vector.broadcast %parallel_loop3A_883 : i32 to vector<16xi32>
        %parallel_loop3A_891 = arith.addi %parallel_loop3A_890, %parallel_loop3A_889 : vector<16xi32>
        %parallel_loop3A_892 = tpu.vector_load_idx %arg9[%broadcast_in_dim3A, %parallel_loop3A_891] : memref<200x64xf32, #tpu.memory_space<vmem>>[vector<16xi32>, vector<16xi32>], vector<16xf32>,
        %parallel_loop3A_893 = arith.constant 3 : i32
        %parallel_loop3A_894 = vector.broadcast %parallel_loop3A_893 : i32 to vector<16xi32>
        %parallel_loop3A_895 = arith.shrsi %parallel_loop3A_891, %parallel_loop3A_894 : vector<16xi32>
        %parallel_loop3A_896 = arith.constant 8 : i32
        %parallel_loop3A_897 = arith.muli %select_n3A_116, %parallel_loop3A_896 : i32
        %parallel_loop3A_898 = vector.broadcast %parallel_loop3A_897 : i32 to vector<16xi32>
        %parallel_loop3A_899 = arith.addi %parallel_loop3A_895, %parallel_loop3A_898 : vector<16xi32>
        %parallel_loop3A_900 = arith.constant 7 : i32
        %parallel_loop3A_901 = vector.broadcast %parallel_loop3A_900 : i32 to vector<16xi32>
        %parallel_loop3A_902 = arith.andi %parallel_loop3A_891, %parallel_loop3A_901 : vector<16xi32>
        %parallel_loop3A_903 = tpu.vector_load_idx %arg7[%add3A_178, %parallel_loop3A_891] : memref<1024x64xf32, #tpu.memory_space<vmem>>[vector<16xi32>, vector<16xi32>], vector<16xf32>,
        %parallel_loop3A_904 = tpu.vector_load_idx %arg7[%add3A_182, %parallel_loop3A_891] : memref<1024x64xf32, #tpu.memory_space<vmem>>[vector<16xi32>, vector<16xi32>], vector<16xf32>,
        %parallel_loop3A_905 = tpu.vector_load_idx %arg7[%add3A_186, %parallel_loop3A_891] : memref<1024x64xf32, #tpu.memory_space<vmem>>[vector<16xi32>, vector<16xi32>], vector<16xf32>,
        %parallel_loop3A_906 = tpu.vector_load_idx %arg7[%add3A_190, %parallel_loop3A_891] : memref<1024x64xf32, #tpu.memory_space<vmem>>[vector<16xi32>, vector<16xi32>], vector<16xf32>,
        %parallel_loop3A_907 = tpu.vector_load_idx %arg7[%add3A_194, %parallel_loop3A_891] : memref<1024x64xf32, #tpu.memory_space<vmem>>[vector<16xi32>, vector<16xi32>], vector<16xf32>,
        %parallel_loop3A_908 = tpu.vector_load_idx %arg7[%add3A_198, %parallel_loop3A_891] : memref<1024x64xf32, #tpu.memory_space<vmem>>[vector<16xi32>, vector<16xi32>], vector<16xf32>,
        %parallel_loop3A_909 = tpu.vector_load_idx %arg7[%add3A_202, %parallel_loop3A_891] : memref<1024x64xf32, #tpu.memory_space<vmem>>[vector<16xi32>, vector<16xi32>], vector<16xf32>,
        %parallel_loop3A_910 = tpu.vector_load_idx %arg7[%add3A_206, %parallel_loop3A_891] : memref<1024x64xf32, #tpu.memory_space<vmem>>[vector<16xi32>, vector<16xi32>], vector<16xf32>,
        %parallel_loop3A_911 = arith.addf %parallel_loop3A_903, %parallel_loop3A_903 : vector<16xf32>
        %parallel_loop3A_912 = arith.addf %parallel_loop3A_911, %parallel_loop3A_892 : vector<16xf32>
        tpu.vector_store_idx %arg8[%parallel_loop3A_899, %parallel_loop3A_902, %add3A_209], %parallel_loop3A_912 : memref<16x8x128xf32, #tpu.memory_space<vmem>>[vector<16xi32>, vector<16xi32>, vector<16xi32>], vector<16xf32>,
        %parallel_loop3A_913 = arith.addf %parallel_loop3A_904, %parallel_loop3A_904 : vector<16xf32>
        %parallel_loop3A_914 = arith.addf %parallel_loop3A_913, %parallel_loop3A_892 : vector<16xf32>
        tpu.vector_store_idx %arg8[%parallel_loop3A_899, %parallel_loop3A_902, %add3A_212], %parallel_loop3A_914 : memref<16x8x128xf32, #tpu.memory_space<vmem>>[vector<16xi32>, vector<16xi32>, vector<16xi32>], vector<16xf32>,
        %parallel_loop3A_915 = arith.addf %parallel_loop3A_905, %parallel_loop3A_905 : vector<16xf32>
        %parallel_loop3A_916 = arith.addf %parallel_loop3A_915, %parallel_loop3A_892 : vector<16xf32>
        tpu.vector_store_idx %arg8[%parallel_loop3A_899, %parallel_loop3A_902, %add3A_215], %parallel_loop3A_916 : memref<16x8x128xf32, #tpu.memory_space<vmem>>[vector<16xi32>, vector<16xi32>, vector<16xi32>], vector<16xf32>,
        %parallel_loop3A_917 = arith.addf %parallel_loop3A_906, %parallel_loop3A_906 : vector<16xf32>
        %parallel_loop3A_918 = arith.addf %parallel_loop3A_917, %parallel_loop3A_892 : vector<16xf32>
        tpu.vector_store_idx %arg8[%parallel_loop3A_899, %parallel_loop3A_902, %add3A_218], %parallel_loop3A_918 : memref<16x8x128xf32, #tpu.memory_space<vmem>>[vector<16xi32>, vector<16xi32>, vector<16xi32>], vector<16xf32>,
        %parallel_loop3A_919 = arith.addf %parallel_loop3A_907, %parallel_loop3A_907 : vector<16xf32>
        %parallel_loop3A_920 = arith.addf %parallel_loop3A_919, %parallel_loop3A_892 : vector<16xf32>
        tpu.vector_store_idx %arg8[%parallel_loop3A_899, %parallel_loop3A_902, %add3A_221], %parallel_loop3A_920 : memref<16x8x128xf32, #tpu.memory_space<vmem>>[vector<16xi32>, vector<16xi32>, vector<16xi32>], vector<16xf32>,
        %parallel_loop3A_921 = arith.addf %parallel_loop3A_908, %parallel_loop3A_908 : vector<16xf32>
        %parallel_loop3A_922 = arith.addf %parallel_loop3A_921, %parallel_loop3A_892 : vector<16xf32>
        tpu.vector_store_idx %arg8[%parallel_loop3A_899, %parallel_loop3A_902, %add3A_224], %parallel_loop3A_922 : memref<16x8x128xf32, #tpu.memory_space<vmem>>[vector<16xi32>, vector<16xi32>, vector<16xi32>], vector<16xf32>,
        %parallel_loop3A_923 = arith.addf %parallel_loop3A_909, %parallel_loop3A_909 : vector<16xf32>
        %parallel_loop3A_924 = arith.addf %parallel_loop3A_923, %parallel_loop3A_892 : vector<16xf32>
        tpu.vector_store_idx %arg8[%parallel_loop3A_899, %parallel_loop3A_902, %add3A_227], %parallel_loop3A_924 : memref<16x8x128xf32, #tpu.memory_space<vmem>>[vector<16xi32>, vector<16xi32>, vector<16xi32>], vector<16xf32>,
        %parallel_loop3A_925 = arith.addf %parallel_loop3A_910, %parallel_loop3A_910 : vector<16xf32>
        %parallel_loop3A_926 = arith.addf %parallel_loop3A_925, %parallel_loop3A_892 : vector<16xf32>
        tpu.vector_store_idx %arg8[%parallel_loop3A_899, %parallel_loop3A_902, %add3A_230], %parallel_loop3A_926 : memref<16x8x128xf32, #tpu.memory_space<vmem>>[vector<16xi32>, vector<16xi32>, vector<16xi32>], vector<16xf32>,
        %parallel_loop3A_927 = arith.constant 16 : i32
        %parallel_loop3A_928 = arith.muli %parallel_loop3A_251, %parallel_loop3A_927 : i32
        %parallel_loop3A_929 = arith.constant 15 : i32
        %parallel_loop3A_930 = vector.broadcast %parallel_loop3A_929 : i32 to vector<16xi32>
        %parallel_loop3A_931 = arith.addi %iota3A, %parallel_loop3A_930 : vector<16xi32>
        %parallel_loop3A_932 = arith.constant 15 : i32
        %parallel_loop3A_933 = vector.broadcast %parallel_loop3A_932 : i32 to vector<16xi32>
        %parallel_loop3A_934 = arith.andi %parallel_loop3A_931, %parallel_loop3A_933 : vector<16xi32>
        %parallel_loop3A_935 = vector.broadcast %parallel_loop3A_928 : i32 to vector<16xi32>
        %parallel_loop3A_936 = arith.addi %parallel_loop3A_935, %parallel_loop3A_934 : vector<16xi32>
        %parallel_loop3A_937 = tpu.vector_load_idx %arg9[%broadcast_in_dim3A, %parallel_loop3A_936] : memref<200x64xf32, #tpu.memory_space<vmem>>[vector<16xi32>, vector<16xi32>], vector<16xf32>,
        %parallel_loop3A_938 = arith.constant 3 : i32
        %parallel_loop3A_939 = vector.broadcast %parallel_loop3A_938 : i32 to vector<16xi32>
        %parallel_loop3A_940 = arith.shrsi %parallel_loop3A_936, %parallel_loop3A_939 : vector<16xi32>
        %parallel_loop3A_941 = arith.constant 8 : i32
        %parallel_loop3A_942 = arith.muli %select_n3A_116, %parallel_loop3A_941 : i32
        %parallel_loop3A_943 = vector.broadcast %parallel_loop3A_942 : i32 to vector<16xi32>
        %parallel_loop3A_944 = arith.addi %parallel_loop3A_940, %parallel_loop3A_943 : vector<16xi32>
        %parallel_loop3A_945 = arith.constant 7 : i32
        %parallel_loop3A_946 = vector.broadcast %parallel_loop3A_945 : i32 to vector<16xi32>
        %parallel_loop3A_947 = arith.andi %parallel_loop3A_936, %parallel_loop3A_946 : vector<16xi32>
        %parallel_loop3A_948 = tpu.vector_load_idx %arg7[%add3A_178, %parallel_loop3A_936] : memref<1024x64xf32, #tpu.memory_space<vmem>>[vector<16xi32>, vector<16xi32>], vector<16xf32>,
        %parallel_loop3A_949 = tpu.vector_load_idx %arg7[%add3A_182, %parallel_loop3A_936] : memref<1024x64xf32, #tpu.memory_space<vmem>>[vector<16xi32>, vector<16xi32>], vector<16xf32>,
        %parallel_loop3A_950 = tpu.vector_load_idx %arg7[%add3A_186, %parallel_loop3A_936] : memref<1024x64xf32, #tpu.memory_space<vmem>>[vector<16xi32>, vector<16xi32>], vector<16xf32>,
        %parallel_loop3A_951 = tpu.vector_load_idx %arg7[%add3A_190, %parallel_loop3A_936] : memref<1024x64xf32, #tpu.memory_space<vmem>>[vector<16xi32>, vector<16xi32>], vector<16xf32>,
        %parallel_loop3A_952 = tpu.vector_load_idx %arg7[%add3A_194, %parallel_loop3A_936] : memref<1024x64xf32, #tpu.memory_space<vmem>>[vector<16xi32>, vector<16xi32>], vector<16xf32>,
        %parallel_loop3A_953 = tpu.vector_load_idx %arg7[%add3A_198, %parallel_loop3A_936] : memref<1024x64xf32, #tpu.memory_space<vmem>>[vector<16xi32>, vector<16xi32>], vector<16xf32>,
        %parallel_loop3A_954 = tpu.vector_load_idx %arg7[%add3A_202, %parallel_loop3A_936] : memref<1024x64xf32, #tpu.memory_space<vmem>>[vector<16xi32>, vector<16xi32>], vector<16xf32>,
        %parallel_loop3A_955 = tpu.vector_load_idx %arg7[%add3A_206, %parallel_loop3A_936] : memref<1024x64xf32, #tpu.memory_space<vmem>>[vector<16xi32>, vector<16xi32>], vector<16xf32>,
        %parallel_loop3A_956 = arith.addf %parallel_loop3A_948, %parallel_loop3A_948 : vector<16xf32>
        %parallel_loop3A_957 = arith.addf %parallel_loop3A_956, %parallel_loop3A_937 : vector<16xf32>
        tpu.vector_store_idx %arg8[%parallel_loop3A_944, %parallel_loop3A_947, %add3A_209], %parallel_loop3A_957 : memref<16x8x128xf32, #tpu.memory_space<vmem>>[vector<16xi32>, vector<16xi32>, vector<16xi32>], vector<16xf32>,
        %parallel_loop3A_958 = arith.addf %parallel_loop3A_949, %parallel_loop3A_949 : vector<16xf32>
        %parallel_loop3A_959 = arith.addf %parallel_loop3A_958, %parallel_loop3A_937 : vector<16xf32>
        tpu.vector_store_idx %arg8[%parallel_loop3A_944, %parallel_loop3A_947, %add3A_212], %parallel_loop3A_959 : memref<16x8x128xf32, #tpu.memory_space<vmem>>[vector<16xi32>, vector<16xi32>, vector<16xi32>], vector<16xf32>,
        %parallel_loop3A_960 = arith.addf %parallel_loop3A_950, %parallel_loop3A_950 : vector<16xf32>
        %parallel_loop3A_961 = arith.addf %parallel_loop3A_960, %parallel_loop3A_937 : vector<16xf32>
        tpu.vector_store_idx %arg8[%parallel_loop3A_944, %parallel_loop3A_947, %add3A_215], %parallel_loop3A_961 : memref<16x8x128xf32, #tpu.memory_space<vmem>>[vector<16xi32>, vector<16xi32>, vector<16xi32>], vector<16xf32>,
        %parallel_loop3A_962 = arith.addf %parallel_loop3A_951, %parallel_loop3A_951 : vector<16xf32>
        %parallel_loop3A_963 = arith.addf %parallel_loop3A_962, %parallel_loop3A_937 : vector<16xf32>
        tpu.vector_store_idx %arg8[%parallel_loop3A_944, %parallel_loop3A_947, %add3A_218], %parallel_loop3A_963 : memref<16x8x128xf32, #tpu.memory_space<vmem>>[vector<16xi32>, vector<16xi32>, vector<16xi32>], vector<16xf32>,
        %parallel_loop3A_964 = arith.addf %parallel_loop3A_952, %parallel_loop3A_952 : vector<16xf32>
        %parallel_loop3A_965 = arith.addf %parallel_loop3A_964, %parallel_loop3A_937 : vector<16xf32>
        tpu.vector_store_idx %arg8[%parallel_loop3A_944, %parallel_loop3A_947, %add3A_221], %parallel_loop3A_965 : memref<16x8x128xf32, #tpu.memory_space<vmem>>[vector<16xi32>, vector<16xi32>, vector<16xi32>], vector<16xf32>,
        %parallel_loop3A_966 = arith.addf %parallel_loop3A_953, %parallel_loop3A_953 : vector<16xf32>
        %parallel_loop3A_967 = arith.addf %parallel_loop3A_966, %parallel_loop3A_937 : vector<16xf32>
        tpu.vector_store_idx %arg8[%parallel_loop3A_944, %parallel_loop3A_947, %add3A_224], %parallel_loop3A_967 : memref<16x8x128xf32, #tpu.memory_space<vmem>>[vector<16xi32>, vector<16xi32>, vector<16xi32>], vector<16xf32>,
        %parallel_loop3A_968 = arith.addf %parallel_loop3A_954, %parallel_loop3A_954 : vector<16xf32>
        %parallel_loop3A_969 = arith.addf %parallel_loop3A_968, %parallel_loop3A_937 : vector<16xf32>
        tpu.vector_store_idx %arg8[%parallel_loop3A_944, %parallel_loop3A_947, %add3A_227], %parallel_loop3A_969 : memref<16x8x128xf32, #tpu.memory_space<vmem>>[vector<16xi32>, vector<16xi32>, vector<16xi32>], vector<16xf32>,
        %parallel_loop3A_970 = arith.addf %parallel_loop3A_955, %parallel_loop3A_955 : vector<16xf32>
        %parallel_loop3A_971 = arith.addf %parallel_loop3A_970, %parallel_loop3A_937 : vector<16xf32>
        tpu.vector_store_idx %arg8[%parallel_loop3A_944, %parallel_loop3A_947, %add3A_230], %parallel_loop3A_971 : memref<16x8x128xf32, #tpu.memory_space<vmem>>[vector<16xi32>, vector<16xi32>, vector<16xi32>], vector<16xf32>,
      } {sc.loop_unroll_factor = 4 : i64, sc.parallel_access}
      %mul3A_233 = arith.constant 8 : i32
      %mul3A_234 = arith.muli %select_n3A_116, %mul3A_233 : i32
      %dma_start3A_235 = arith.constant 0 : i32
      %dma_start3A_236 = arith.constant 0 : i32
      %dma_start3A_237 = tpu.memref_slice %arg8[%mul3A_234, %dma_start3A_235, %dma_start3A_236] : memref<16x8x128xf32, #tpu.memory_space<vmem>> -> memref<8x8x128xf32, #tpu.memory_space<vmem>>
      %dma_start3A_238 = arith.constant 0 : i32
      %dma_start3A_239 = arith.constant 0 : i32
      %dma_start3A_240 = arith.constant 0 : i32
      %dma_start3A_241 = tpu.memref_slice %arg5[%scan3A_84, %dma_start3A_238, %add3A, %dma_start3A_239, %dma_start3A_240] : memref<200x8x32x8x128xf32, #tpu.memory_space<hbm>> -> memref<1x8x1x8x128xf32, #tpu.memory_space<hbm>>
      %dma_start3A_242 = tpu.memref_squeeze %dma_start3A_241 : memref<1x8x1x8x128xf32, #tpu.memory_space<hbm>> -> memref<8x8x128xf32, #tpu.memory_space<hbm>>
      %dma_start3A_243 = arith.constant 0 : i32
      %dma_start3A_244 = arith.constant 0 : i32
      %dma_start3A_245 = arith.constant 0 : i32
      %dma_start3A_246 = tpu.memref_slice %arg5[%scan3A_84, %dma_start3A_243, %add3A, %dma_start3A_244, %dma_start3A_245] : memref<200x8x32x8x128xf32, #tpu.memory_space<hbm>> -> memref<1x8x1x8x128xf32, #tpu.memory_space<hbm>>
      %dma_start3A_247 = tpu.memref_squeeze %dma_start3A_246 : memref<1x8x1x8x128xf32, #tpu.memory_space<hbm>> -> memref<8x8x128xf32, #tpu.memory_space<hbm>>
      %dma_start3A_248 = arith.constant 0 : i32
      %dma_start3A_249 = arith.constant 0 : i32
      %dma_start3A_250 = tpu.memref_slice %arg8[%mul3A_234, %dma_start3A_248, %dma_start3A_249] : memref<16x8x128xf32, #tpu.memory_space<vmem>> -> memref<8x8x128xf32, #tpu.memory_space<vmem>>
      tpu.enqueue_dma source(%dma_start3A_250 : memref<8x8x128xf32, #tpu.memory_space<vmem>>) target(%dma_start3A_247 : memref<8x8x128xf32, #tpu.memory_space<hbm>>) target_semaphore(%arg11 : memref<!tpu.dma_semaphore, #tpu.memory_space<semaphore_mem>>)
    }
    %scan3A_46 = arith.constant 200 : i32
    %dma_wait3A = arith.constant 0 : i32
    %dma_wait3A_47 = arith.constant 0 : i32
    %dma_wait3A_48 = arith.constant 0 : i32
    %dma_wait3A_49 = arith.constant 0 : i32
    %dma_wait3A_50 = tpu.memref_slice %arg8[%dma_wait3A_47, %dma_wait3A_48, %dma_wait3A_49] : memref<16x8x128xf32, #tpu.memory_space<vmem>> -> memref<8x8x128xf32, #tpu.memory_space<vmem>>
    %dma_wait3A_51 = arith.constant 0 : i32
    %dma_wait3A_52 = arith.constant 0 : i32
    %dma_wait3A_53 = arith.constant 0 : i32
    %dma_wait3A_54 = tpu.memref_slice %arg5[%dma_wait3A, %dma_wait3A_51, %add3A, %dma_wait3A_52, %dma_wait3A_53] : memref<200x8x32x8x128xf32, #tpu.memory_space<hbm>> -> memref<1x8x1x8x128xf32, #tpu.memory_space<hbm>>
    %dma_wait3A_55 = tpu.memref_squeeze %dma_wait3A_54 : memref<1x8x1x8x128xf32, #tpu.memory_space<hbm>> -> memref<8x8x128xf32, #tpu.memory_space<hbm>>
    %dma_wait3A_56 = arith.constant 0 : i32
    %dma_wait3A_57 = arith.constant 0 : i32
    %dma_wait3A_58 = arith.constant 0 : i32
    %dma_wait3A_59 = tpu.memref_slice %arg5[%dma_wait3A, %dma_wait3A_56, %add3A, %dma_wait3A_57, %dma_wait3A_58] : memref<200x8x32x8x128xf32, #tpu.memory_space<hbm>> -> memref<1x8x1x8x128xf32, #tpu.memory_space<hbm>>
    %dma_wait3A_60 = tpu.memref_squeeze %dma_wait3A_59 : memref<1x8x1x8x128xf32, #tpu.memory_space<hbm>> -> memref<8x8x128xf32, #tpu.memory_space<hbm>>
    %dma_wait3A_61 = arith.constant 0 : i32
    %dma_wait3A_62 = arith.constant 0 : i32
    %dma_wait3A_63 = arith.constant 0 : i32
    %dma_wait3A_64 = tpu.memref_slice %arg8[%dma_wait3A_61, %dma_wait3A_62, %dma_wait3A_63] : memref<16x8x128xf32, #tpu.memory_space<vmem>> -> memref<8x8x128xf32, #tpu.memory_space<vmem>>
    tpu.wait_dma2 semaphore(%arg11 : memref<!tpu.dma_semaphore, #tpu.memory_space<semaphore_mem>>) src(%dma_wait3A_64 : memref<8x8x128xf32, #tpu.memory_space<vmem>>) dst(%dma_wait3A_60 : memref<8x8x128xf32, #tpu.memory_space<hbm>>)
    %dma_wait3A_65 = arith.constant 0 : i32
    %dma_wait3A_66 = arith.constant 0 : i32
    %dma_wait3A_67 = arith.constant 0 : i32
    %dma_wait3A_68 = arith.constant 0 : i32
    %dma_wait3A_69 = tpu.memref_slice %arg8[%dma_wait3A_66, %dma_wait3A_67, %dma_wait3A_68] : memref<16x8x128xf32, #tpu.memory_space<vmem>> -> memref<8x8x128xf32, #tpu.memory_space<vmem>>
    %dma_wait3A_70 = arith.constant 0 : i32
    %dma_wait3A_71 = arith.constant 0 : i32
    %dma_wait3A_72 = arith.constant 0 : i32
    %dma_wait3A_73 = tpu.memref_slice %arg5[%dma_wait3A_65, %dma_wait3A_70, %add3A, %dma_wait3A_71, %dma_wait3A_72] : memref<200x8x32x8x128xf32, #tpu.memory_space<hbm>> -> memref<1x8x1x8x128xf32, #tpu.memory_space<hbm>>
    %dma_wait3A_74 = tpu.memref_squeeze %dma_wait3A_73 : memref<1x8x1x8x128xf32, #tpu.memory_space<hbm>> -> memref<8x8x128xf32, #tpu.memory_space<hbm>>
    %dma_wait3A_75 = arith.constant 0 : i32
    %dma_wait3A_76 = arith.constant 0 : i32
    %dma_wait3A_77 = arith.constant 0 : i32
    %dma_wait3A_78 = tpu.memref_slice %arg5[%dma_wait3A_65, %dma_wait3A_75, %add3A, %dma_wait3A_76, %dma_wait3A_77] : memref<200x8x32x8x128xf32, #tpu.memory_space<hbm>> -> memref<1x8x1x8x128xf32, #tpu.memory_space<hbm>>
    %dma_wait3A_79 = tpu.memref_squeeze %dma_wait3A_78 : memref<1x8x1x8x128xf32, #tpu.memory_space<hbm>> -> memref<8x8x128xf32, #tpu.memory_space<hbm>>
    %dma_wait3A_80 = arith.constant 0 : i32
    %dma_wait3A_81 = arith.constant 0 : i32
    %dma_wait3A_82 = arith.constant 0 : i32
    %dma_wait3A_83 = tpu.memref_slice %arg8[%dma_wait3A_80, %dma_wait3A_81, %dma_wait3A_82] : memref<16x8x128xf32, #tpu.memory_space<vmem>> -> memref<8x8x128xf32, #tpu.memory_space<vmem>>
    tpu.wait_dma2 semaphore(%arg11 : memref<!tpu.dma_semaphore, #tpu.memory_space<semaphore_mem>>) src(%dma_wait3A_83 : memref<8x8x128xf32, #tpu.memory_space<vmem>>) dst(%dma_wait3A_79 : memref<8x8x128xf32, #tpu.memory_space<hbm>>)
    return
  }
}

</mosaic_0001>

<sc_bundles>
// kernel: kernel.3.cloned.1.call-start
scs
__scs_entry_jumppad:
0x0: {  	(pc) =	sbr.rel $0x88, $3  }
0x1: {  	(tag) =	ssettag $0x0;
	lr =	simm.s32 $0x1  }
0x2: {  	[smem:$0x3F9E] =	sst lr;
	_ =	strace $0xD0000000  }
0x3: {  	_ = 	snop  }
0x4: {  	_ = 	snop  }
0x5: {  	_ = 	snop  }
0x6: {  	_ = 	snop  }
0x7: {  	_ = 	snop  }
__scs_overlays_trampoline_lowered:
0x8: {  	[smem:$0x3FAD] =	sst s0  }
0x9: {  	[smem:$0x3FAE] =	sst s1  }
0xa: {  	[smem:$0x3FAF] =	sst s2  }
0xb: {  	[smem:$0x3FB0] =	sst s3  }
0xc: {  	[smem:$0x3FB1] =	sst s4  }
0xd: {  	[smem:$0x3FB2] =	sst s5  }
0xe: {  	[smem:$0x3FB3] =	sst s6  }
0xf: {  	[smem:$0x3FB4] =	sst s7  }
0x10: {  	[smem:$0x3FB5] =	sst s8  }
0x11: {  	[smem:$0x3FB6] =	sst s9;
	s0 =	simm.s32 @!p0 $0x0  }
0x12: {  	s1 =	sld [smem:$0x3F9C];
	s0 =	simm.s32 @p0 $0x1  }
0x13: {  	[smem:$0x3FB7] =	sst s0;
	s0 =	simm.s32 @!p1 $0x0  }
0x14: {  	s2 =	sld [smem:$0x3F9B];
	s0 =	simm.s32 @p1 $0x1  }
0x15: {  	[smem:$0x3FB8] =	sst s0;
	s0 =	simm.s32 @!p2 $0x0  }
0x16: {  	s3 =	sld [smem:$0x3FDB];
	s0 =	simm.s32 @p2 $0x1  }
0x17: {  	s4 =	simm.s32 $0x1BF5;
	[smem:$0x3FBA] =	sst s0  }
0x18: {  	s0 =	sld [smem:$0x3F9D];
	_ =	swait.ge [sflag:s4], $0x0  }
0x19: {  	s7 =	sld [smem:$0x3F9E]  }
0x1a: {  	s8 =	sadd.s32 $0xFFFFE003, lr  }
0x1b: {  	s9 =	sadd.s32 $0xFFFFFEF7, lr;
	s5 =	simm.s32 $0xFFFFFFFF;
	p2 =	slt.u32 s8, $0xFFFFF086  }
0x1c: {  	p1 =	slt.u32 s9, $0xF7A;
	s5 =	simm.s32 @!p2 $0x0  }
0x1d: {  	s5 =	simm.s32 @p1 $0x1;
	p0 =	seq.s32 s7, s2  }
0x1e: {  	s7 =	smul.u32 @!p0 $0xF7A, s2;
	p2 =	seq.s32 @!p0 s5, $0x0  }
0x1f: {  	s9 =	smul.u32 $0xF7A, s1;
	s8 =	simm.s32 @!p0 $0x1BF5;
	p2 =	por !p2, p0  }
0x20: {  	[sflag:s8] =	ssyncset.s32 @!p0 $0xFFFFF086;
	s6 =	sadd.s32 @!p0 s3, s7;
	s7 =	simm.s32 @!p0 $0x108  }
0x21: {  	s3 =	sadd.s32 s3, s9;
	s6 =	sadd.s32 @!p0 $0x88, s6;
	s7 =	simm.s32 @p2 $0x1082  }
0x22: {  	[simem:s7], [sflag:s8] =	dma.local @!p0 [hbm:s6], $0xF7A  }
0x23: {  	s9 =	sor.u32 $0xD0000000, s2;
	s6 =	simm.s32 $0x108;
	_ =	swait.ge @!p0 [sflag:s8], $0x0  }
0x24: {  	s3 =	sadd.s32 $0x88, s3;
	s6 =	simm.s32 @!p1 $0x1082;
	[sflag:s4] =	ssyncset.s32 $0xFFFFF086  }
0x25: {  	[simem:s6], [sflag:s4] =	dma.local [hbm:s3], $0xF7A  }
0x26: {  	[smem:$0x3F9E] =	sst s1;
	(tag) =	ssettag s2;
	_ =	strace s9  }
0x27: {  	s1 =	sld [smem:$0x3FAE]  }
0x28: {  	s2 =	sld [smem:$0x3FAF]  }
0x29: {  	s4 =	sld [smem:$0x3FB1]  }
0x2a: {  	p0 =	seq.s32 s5, $0x0;
	s5 =	sld [smem:$0x3FB2]  }
0x2b: {  	s6 =	sld [smem:$0x3FB3]  }
0x2c: {  	s7 =	sld [smem:$0x3FB4]  }
0x2d: {  	s3 =	simm.s32 $0x108;
	s8 =	sld [smem:$0x3FB5]  }
0x2e: {  	s3 =	simm.s32 @!p0 $0x1082;
	s9 =	sld [smem:$0x3FB6]  }
0x2f: {  	lr =	sadd.s32 s0, s3;
	s0 =	sld [smem:$0x3FAD]  }
0x30: {  	s3 =	sld [smem:$0x3FB0]  }
0x31: {  	[smem:$0x3FB9] =	sst s10  }
0x32: {  	s10 =	sld [smem:$0x3FB7];
	_ =	sdelay $0x3  }
0x33: {  	p0 =	seq.s32 s10, $0x1;
	s10 =	sld [smem:$0x3FB9];
	_ =	sdelay $0x3  }
0x34: {  	[smem:$0x3FB9] =	sst s10  }
0x35: {  	s10 =	sld [smem:$0x3FB8];
	_ =	sdelay $0x3  }
0x36: {  	p1 =	seq.s32 s10, $0x1;
	s10 =	sld [smem:$0x3FB9];
	_ =	sdelay $0x3  }
0x37: {  	[smem:$0x3FB9] =	sst s10  }
0x38: {  	s10 =	sld [smem:$0x3FBA]  }
0x39: {  	_ = 	snop;
	(pc) =	sbr.ind lr, $3  }
0x3a: {  	_ = 	snop  }
0x3b: {  	_ = 	snop  }
0x3c: {  	p2 =	seq.s32 s10, $0x1;
	s10 =	sld [smem:$0x3FB9]  }
0x3d: {  	_ =	shalt  }
0x3e: {  	_ =	shalt  }
0x3f: {  	_ =	shalt  }
0x40: {  	_ =	shalt  }
0x41: {  	_ =	shalt  }
0x42: {  	_ =	shalt  }
0x43: {  	_ =	shalt  }
0x44: {  	_ =	shalt  }
0x45: {  	_ =	shalt  }
0x46: {  	_ =	shalt  }
0x47: {  	_ =	shalt  }
0x48: {  	_ =	shalt  }
0x49: {  	_ =	shalt  }
0x4a: {  	_ =	shalt  }
0x4b: {  	_ =	shalt  }
0x4c: {  	_ =	shalt  }
0x4d: {  	_ =	shalt  }
0x4e: {  	_ =	shalt  }
0x4f: {  	_ =	shalt  }
0x50: {  	_ =	shalt  }
0x51: {  	_ =	shalt  }
0x52: {  	_ =	shalt  }
0x53: {  	_ =	shalt  }
0x54: {  	_ =	shalt  }
0x55: {  	_ =	shalt  }
0x56: {  	_ =	shalt  }
0x57: {  	_ =	shalt  }
0x58: {  	_ =	shalt  }
0x59: {  	_ =	shalt  }
0x5a: {  	_ =	shalt  }
0x5b: {  	_ =	shalt  }
0x5c: {  	_ =	shalt  }
0x5d: {  	_ =	shalt  }
0x5e: {  	_ =	shalt  }
0x5f: {  	_ =	shalt  }
0x60: {  	_ =	shalt  }
0x61: {  	_ =	shalt  }
0x62: {  	_ =	shalt  }
0x63: {  	_ =	shalt  }
0x64: {  	_ =	shalt  }
0x65: {  	_ =	shalt  }
0x66: {  	_ =	shalt  }
0x67: {  	_ =	shalt  }
0x68: {  	_ =	shalt  }
0x69: {  	_ =	shalt  }
0x6a: {  	_ =	shalt  }
0x6b: {  	_ =	shalt  }
0x6c: {  	_ =	shalt  }
0x6d: {  	_ =	shalt  }
0x6e: {  	_ =	shalt  }
0x6f: {  	_ =	shalt  }
0x70: {  	_ =	shalt  }
0x71: {  	_ =	shalt  }
0x72: {  	_ =	shalt  }
0x73: {  	_ =	shalt  }
0x74: {  	_ =	shalt  }
0x75: {  	_ =	shalt  }
0x76: {  	_ =	shalt  }
0x77: {  	_ =	shalt  }
0x78: {  	_ =	shalt  }
0x79: {  	_ =	shalt  }
0x7a: {  	_ =	shalt  }
0x7b: {  	_ =	shalt  }
0x7c: {  	_ =	shalt  }
0x7d: {  	_ =	shalt  }
0x7e: {  	_ =	shalt  }
0x7f: {  	_ =	shalt  }
0x80: {  	_ =	shalt  }
0x81: {  	_ =	shalt  }
0x82: {  	_ =	shalt  }
0x83: {  	_ =	shalt  }
0x84: {  	_ =	shalt  }
0x85: {  	_ =	shalt  }
0x86: {  	_ =	shalt  }
0x87: {  	_ =	shalt  }
.Lfunc_end0:
.L_simem_size_0:
called_computation_lowered:
.L_overlay_start_0:
0x88: {  	s2 =	sld [smem:$0x3FD9]  }
0x89: {  	s3 =	sld [smem:$0x3FFE];
	_ =	sdelay $0x1  }
0x8a: {  	s1 =	srdreg.scid  }
0x8b: {  	s0 =	sand.u32 $0x1, s1  }
0x8c: {  	s17 =	sshll.u32 s0, $0xA;
	s2 =	sadd.s32 s3, s2  }
0x8d: {  	s2 =	sadd.s32 s2, s17  }
0x8e: {  	[smem:$0x3FC5] =	sst s2  }
0x8f: {  	_ = 	snop  }
0x90: {  	s2 =	sld [smem:$0x3FD0];
	(tm) =	ssettm $0x1  }
0x91: {  	s18 =	sld [smem:$0x3FFB];
	_ =	sdelay $0x3  }
0x92: {  	_ =	strace s18  }
0x93: {  	s3 =	sld [smem:$0x3FFC];
	_ =	sdelay $0x3  }
0x94: {  	_ =	strace s3  }
0x95: {  	s3 =	sld [smem:$0x3FFD];
	_ =	sdelay $0x3  }
0x96: {  	_ =	strace s3  }
0x97: {  	_ =	strace $0x8FFFFFFF  }
0x98: {  	s19 =	sld [smem:$0x3FDB];
	_ =	sdelay $0x1  }
0x99: {  	s4 =	simm.s32 $_scs_section_size  }
0x9a: {  	s5 =	simm.s32 $_size__tile_overlayer_lowered;
	s6 =	simm.s32 $_tile_overlayer_lowered  }
0x9b: {  	s22 =	simm.s32 $0x1BFF;
	s21 =	sshll.u32 s6, $0x1;
	s3 =	sadd.s32 s4, s19  }
0x9c: {  	s7 =	simm.s32 $0x0;
	s20 =	sshll.u32 s5, $0x1;
	s5 =	sadd.s32 s21, s3  }
0x9d: {  	[timem:s7], [sflag:s22] =	dma.local [hbm:s5], s20  }
0x9e: {  	_ =	swait.ge [sflag:s22], s20  }
0x9f: {  	s4 =	ssub.s32 $0x0, s20;
	[sflag:s22] =	ssyncset.done $0x0  }
0xa0: {  	[sflag:s22] =	ssyncadd.s32 s4;
	_ =	sdelay $0x1  }
0xa1: {  	s23 =	simm.s32 $0x1B8B  }
0xa2: {  	_ =	swait.ge [sflag:s23], $0x1  }
0xa3: {  	[sflag:s23] =	ssyncset.done $0x0  }
0xa4: {  	s25 =	simm.s32 $0x1B8E;
	s24 =	sld [smem:$0x3FFE];
	[sflag:s23] =	ssyncadd.s32 $0xFFFFFFFF  }
0xa5: {  	s26 =	simm.s32 $execute0_lowered;
	[smem:$0x3FD2] =	sst s25  }
0xa6: {  	s5 =	sshll.u32 s26, $0x1;
	_ =	strace $0x80000046;
	[dreg:$0x1] =	wrdreg $0xFFFFFFFF  }
0xa7: {  	s28 =	simm.s32 $_size_execute0_lowered;
	s3 =	sadd.s32 s3, s5;
	[dreg:$0x0] =	wrdreg $0x0  }
0xa8: {  	s5 =	sshll.u32 s28, $0x1;
	[dreg:$0x2] =	wrdreg s3  }
0xa9: {  	[dreg:$0x3] =	wrdreg s5  }
0xaa: {  	[dreg:$0x4] =	wrdreg $0xC0  }
0xab: {  	_ =	task [dreg:s7], $0x5FFFF  }
0xac: {  	[dreg:$0x1] =	wrdreg $0xFFFFFFFF  }
0xad: {  	[dreg:$0x0] =	wrdreg $0x60  }
0xae: {  	[dreg:$0x2] =	wrdreg s24  }
0xaf: {  	[dreg:$0x3] =	wrdreg s2  }
0xb0: {  	[dreg:$0x4] =	wrdreg $0x9  }
0xb1: {  	_ =	task.clear_ibuf [dreg:s7], $0x5FFFF;
	_ =	strace $0x90000046  }
0xb2: {  	s29 =	simm.s32 $0x9;
	_ =	strace $0x80000048  }
0xb3: {  	_ =	swait.ge [sflag:s29], $0x1  }
0xb4: {  	[sflag:s29] =	ssyncadd.s32 $0xFFFFFFFF  }
0xb5: {  	_ =	strace $0x90000048  }
0xb6: {  	_ =	sfence  }
0xb7: {  	s30 =	sld [smem:$0x0];
	_ =	sdelay $0x2  }
0xb8: {  	s31 =	sshll.u32 s1, $0xD;
	s1 =	sshrl.u32 s1, $0x2  }
0xb9: {  	s3 =	sand.u32 $0x4000, s31;
	s1 =	sadd.s32 s1, s30  }
0xba: {  	s0 =	sor.u32 s3, s0;
	s1 =	sshll.u32 s1, $0x11  }
0xbb: {  	s0 =	sor.u32 s1, s0  }
0xbc: {  	s0 =	sadd.s32 $0x8F2B, s0  }
0xbd: {  	[sflag:s0] =	ssyncadd.remote.s32 $0x1  }
0xbe: {  	_ =	sfence.sel $0xFFFF  }
0xbf: {  	[dreg:$0x0] =	wrdreg $0xFFFFFFFF;
	(pc) =	sbr.abs _section_cstart, $3  }
0xc0: {  	[dreg:$0x1] =	wrdreg $0xFFFFFFFF  }
0xc1: {  	_ =	task.clear_ibuf [dreg:s7], $0x2FFFF;
	_ =	strace $0x9FFFFFFF  }
0xc2: {  	(tm) =	ssettm $0x7FFFFFFF  }
0xc3: {  	_ =	shalt  }
tec
execute0_lowered:
.L_overlay_start_1:
0x0: {  	(tag) =	ssettag $0x1  }
0x1: {  	v0 =	vimm.s32 $0x38F;
	vm6 =	vcmask $0x300;
	vm7 =	vcmask $0x704  }
0x2: {  	vm2 =	vcmask $0xB08;
	vm5 =	vcmask $0x2304;
	vm1 =	vcmask $0xF0C  }
0x3: {  	vm3 =	vcmask $0x2708;
	vm4 =	vcmask $0x2B0C;
	vm0 =	vcmask $0x1310  }
0x4: {  	v1 =	vimm.s32 $0x39F;
	v2 =	vimm.s32 $0x3AF;
	v3 =	vimm.s32 $0x3BF  }
0x5: {  	v4 =	vimm.s32 $0x3CF;
	v5 =	vimm.s32 $0x3DF;
	v6 =	vimm.s32 $0x3EF  }
0x6: {  	v7 =	vimm.s32 $0x3FF;
	v8 =	vimm.s32 $0xF;
	v9 =	vimm.s32 $0x1F  }
0x7: {  	v10 =	vimm.s32 $0x2F;
	v11 =	vimm.s32 $0x3F;
	v12 =	vimm.s32 $0x4F  }
0x8: {  	v13 =	vimm.s32 $0x5F;
	v14 =	vimm.s32 $0x6F;
	v15 =	vimm.s32 $0x7F  }
0x9: {  	v16 =	vimm.s32 $0x8F;
	v17 =	vimm.s32 $0x9F;
	v18 =	vimm.s32 $0xAF  }
0xa: {  	v19 =	vimm.s32 $0xBF;
	v20 =	vimm.s32 $0xCF;
	v21 =	vimm.s32 $0xDF  }
0xb: {  	v22 =	vimm.s32 $0xEF;
	v23 =	vimm.s32 $0xFF;
	v24 =	vimm.s32 $0x10F  }
0xc: {  	v25 =	vimm.s32 $0x11F;
	v26 =	vimm.s32 $0x12F;
	v27 =	vimm.s32 $0x13F  }
0xd: {  	v28 =	vimm.s32 $0x14F;
	v29 =	vimm.s32 $0x15F;
	v30 =	vimm.s32 $0x16F  }
0xe: {  	v31 =	vimm.s32 $0x17F;
	v32 =	vimm.s32 $0x18F;
	v33 =	vimm.s32 $0x19F  }
0xf: {  	v34 =	vimm.s32 $0x1AF;
	v35 =	vimm.s32 $0x1BF;
	v36 =	vimm.s32 $0x1CF  }
0x10: {  	v37 =	vimm.s32 $0x1DF;
	v38 =	vimm.s32 $0x1EF;
	v39 =	vimm.s32 $0x1FF  }
0x11: {  	v40 =	vimm.s32 $0x20F;
	v41 =	vimm.s32 $0x21F;
	v42 =	vimm.s32 $0x22F  }
0x12: {  	v43 =	vimm.s32 $0x23F;
	v44 =	vimm.s32 $0x24F;
	v45 =	vimm.s32 $0x25F  }
0x13: {  	v46 =	vimm.s32 $0x26F;
	v47 =	vimm.s32 $0x27F;
	v48 =	vimm.s32 $0x28F  }
0x14: {  	v49 =	vimm.s32 $0x29F;
	v50 =	vimm.s32 $0x2AF;
	v51 =	vimm.s32 $0x2BF  }
0x15: {  	v52 =	vimm.s32 $0x2CF;
	v53 =	vimm.s32 $0x2DF;
	v54 =	vimm.s32 $0x2EF  }
0x16: {  	v55 =	vimm.s32 $0x2FF;
	v56 =	vimm.s32 $0x30F;
	v57 =	vimm.s32 $0xFEDCBA98  }
0x17: {  	v58 =	vimm.s32 $0x31F;
	v59 =	vimm.s32 $0x76543210;
	v60 =	vimm.s32 $0x32F  }
0x18: {  	v61 =	vimm.s32 $0x33F;
	v62 =	vimm.s32 $0x34F;
	v63 =	vimm.s32 $0x35F  }
0x19: {  	vm14 =	vcmask $0x2F10;
	vm8 =	vcmask $0x1714;
	vm15 =	vcmask $0x3314  }
0x1a: {  	v0 =	vsel vm6, $0x0, v0;
	v1 =	vsel vm6, $0x10, v1;
	v2 =	vsel vm6, $0x20, v2  }
0x1b: {  	v3 =	vsel vm6, $0x30, v3;
	v4 =	vsel vm6, $0x40, v4;
	v5 =	vsel vm6, $0x50, v5  }
0x1c: {  	v6 =	vsel vm6, $0x60, v6;
	v7 =	vsel vm6, $0x70, v7;
	v8 =	vsel vm6, $0x80, v8  }
0x1d: {  	v9 =	vsel vm6, $0x90, v9;
	v10 =	vsel vm6, $0xA0, v10;
	v11 =	vsel vm6, $0xB0, v11  }
0x1e: {  	v12 =	vsel vm6, $0xC0, v12;
	v13 =	vsel vm6, $0xD0, v13;
	v14 =	vsel vm6, $0xE0, v14  }
0x1f: {  	v15 =	vsel vm6, $0xF0, v15;
	v16 =	vsel vm6, $0x100, v16;
	v17 =	vsel vm6, $0x110, v17  }
0x20: {  	v18 =	vsel vm6, $0x120, v18;
	v19 =	vsel vm6, $0x130, v19;
	v20 =	vsel vm6, $0x140, v20  }
0x21: {  	v21 =	vsel vm6, $0x150, v21;
	v22 =	vsel vm6, $0x160, v22;
	v23 =	vsel vm6, $0x170, v23  }
0x22: {  	v24 =	vsel vm6, $0x180, v24;
	v25 =	vsel vm6, $0x190, v25;
	v26 =	vsel vm6, $0x1A0, v26  }
0x23: {  	v27 =	vsel vm6, $0x1B0, v27;
	v28 =	vsel vm6, $0x1C0, v28;
	v29 =	vsel vm6, $0x1D0, v29  }
0x24: {  	v30 =	vsel vm6, $0x1E0, v30;
	v31 =	vsel vm6, $0x1F0, v31;
	v32 =	vsel vm6, $0x200, v32  }
0x25: {  	v33 =	vsel vm6, $0x210, v33;
	v34 =	vsel vm6, $0x220, v34;
	v35 =	vsel vm6, $0x230, v35  }
0x26: {  	v36 =	vsel vm6, $0x240, v36;
	v37 =	vsel vm6, $0x250, v37;
	v38 =	vsel vm6, $0x260, v38  }
0x27: {  	v39 =	vsel vm6, $0x270, v39;
	v40 =	vsel vm6, $0x280, v40;
	v41 =	vsel vm6, $0x290, v41  }
0x28: {  	v42 =	vsel vm6, $0x2A0, v42;
	v43 =	vsel vm6, $0x2B0, v43;
	v44 =	vsel vm6, $0x2C0, v44  }
0x29: {  	v45 =	vsel vm6, $0x2D0, v45;
	v46 =	vsel vm6, $0x2E0, v46;
	v47 =	vsel vm6, $0x2F0, v47  }
0x2a: {  	v48 =	vsel vm6, $0x300, v48;
	v49 =	vsel vm6, $0x310, v49;
	v50 =	vsel vm6, $0x320, v50  }
0x2b: {  	v51 =	vsel vm6, $0x330, v51;
	v52 =	vsel vm6, $0x340, v52;
	v53 =	vsel vm6, $0x350, v53  }
0x2c: {  	v54 =	vsel vm6, $0x360, v54;
	v55 =	vsel vm6, $0x370, v55;
	v56 =	vsel vm6, $0x380, v56  }
0x2d: {  	v57 =	vunpack.c.l.s4.s8 v57;
	v58 =	vsel vm6, $0x390, v58;
	v59 =	vunpack.c.l.s4.s8 v59  }
0x2e: {  	v60 =	vsel vm6, $0x3A0, v60;
	v61 =	vsel vm6, $0x3B0, v61;
	v62 =	vsel vm6, $0x3C0, v62  }
0x2f: {  	v63 =	vsel vm6, $0x3D0, v63;
	v0 =	vsel vm7, $0x81, v0;
	v1 =	vsel vm7, $0x91, v1  }
0x30: {  	v2 =	vsel vm7, $0xA1, v2;
	v3 =	vsel vm7, $0xB1, v3;
	v4 =	vsel vm7, $0xC1, v4  }
0x31: {  	v5 =	vsel vm7, $0xD1, v5;
	v6 =	vsel vm7, $0xE1, v6;
	v7 =	vsel vm7, $0xF1, v7  }
0x32: {  	v8 =	vsel vm7, $0x101, v8;
	v9 =	vsel vm7, $0x111, v9;
	v10 =	vsel vm7, $0x121, v10  }
0x33: {  	v11 =	vsel vm7, $0x131, v11;
	v12 =	vsel vm7, $0x141, v12;
	v13 =	vsel vm7, $0x151, v13  }
0x34: {  	v14 =	vsel vm7, $0x161, v14;
	v15 =	vsel vm7, $0x171, v15;
	v16 =	vsel vm7, $0x181, v16  }
0x35: {  	v17 =	vsel vm7, $0x191, v17;
	v18 =	vsel vm7, $0x1A1, v18;
	v19 =	vsel vm7, $0x1B1, v19  }
0x36: {  	v20 =	vsel vm7, $0x1C1, v20;
	v21 =	vsel vm7, $0x1D1, v21;
	v22 =	vsel vm7, $0x1E1, v22  }
0x37: {  	v23 =	vsel vm7, $0x1F1, v23;
	v24 =	vsel vm7, $0x201, v24;
	v25 =	vsel vm7, $0x211, v25  }
0x38: {  	v26 =	vsel vm7, $0x221, v26;
	v27 =	vsel vm7, $0x231, v27;
	v28 =	vsel vm7, $0x241, v28  }
0x39: {  	v29 =	vsel vm7, $0x251, v29;
	v30 =	vsel vm7, $0x261, v30;
	v31 =	vsel vm7, $0x271, v31  }
0x3a: {  	v32 =	vsel vm7, $0x281, v32;
	v33 =	vsel vm7, $0x291, v33;
	v34 =	vsel vm7, $0x2A1, v34  }
0x3b: {  	v35 =	vsel vm7, $0x2B1, v35;
	v36 =	vsel vm7, $0x2C1, v36;
	v37 =	vsel vm7, $0x2D1, v37  }
0x3c: {  	v38 =	vsel vm7, $0x2E1, v38;
	v39 =	vsel vm7, $0x2F1, v39;
	v40 =	vsel vm7, $0x301, v40  }
0x3d: {  	v41 =	vsel vm7, $0x311, v41;
	v42 =	vsel vm7, $0x321, v42;
	v43 =	vsel vm7, $0x331, v43  }
0x3e: {  	v44 =	vsel vm7, $0x341, v44;
	v45 =	vsel vm7, $0x351, v45;
	v46 =	vsel vm7, $0x361, v46  }
0x3f: {  	v47 =	vsel vm7, $0x371, v47;
	v48 =	vsel vm7, $0x381, v48;
	v49 =	vsel vm7, $0x391, v49  }
0x40: {  	v50 =	vsel vm7, $0x3A1, v50;
	v51 =	vsel vm7, $0x3B1, v51;
	v52 =	vsel vm7, $0x3C1, v52  }
0x41: {  	v53 =	vsel vm7, $0x3D1, v53;
	v54 =	vsel vm7, $0x3E1, v54;
	v55 =	vsel vm7, $0x3F1, v55  }
0x42: {  	v56 =	vsel vm7, $0x1, v56;
	v58 =	vsel vm7, $0x11, v58;
	v60 =	vsel vm7, $0x21, v60  }
0x43: {  	v61 =	vsel vm7, $0x31, v61;
	v62 =	vsel vm7, $0x41, v62;
	v63 =	vsel vm7, $0x51, v63  }
0x44: {  	v0 =	vsel vm2, $0x102, v0;
	v57 =	vunpack.c.0.s8.s32 v57;
	v59 =	vunpack.c.0.s8.s32 v59  }
0x45: {  	v1 =	vsel vm2, $0x112, v1;
	v2 =	vsel vm2, $0x122, v2;
	v3 =	vsel vm2, $0x132, v3  }
0x46: {  	v4 =	vsel vm2, $0x142, v4;
	v5 =	vsel vm2, $0x152, v5;
	v6 =	vsel vm2, $0x162, v6  }
0x47: {  	v7 =	vsel vm2, $0x172, v7;
	v8 =	vsel vm2, $0x182, v8;
	v9 =	vsel vm2, $0x192, v9  }
0x48: {  	v10 =	vsel vm2, $0x1A2, v10;
	v11 =	vsel vm2, $0x1B2, v11;
	v12 =	vsel vm2, $0x1C2, v12  }
0x49: {  	v13 =	vsel vm2, $0x1D2, v13;
	v14 =	vsel vm2, $0x1E2, v14;
	v15 =	vsel vm2, $0x1F2, v15  }
0x4a: {  	v16 =	vsel vm2, $0x202, v16;
	v17 =	vsel vm2, $0x212, v17;
	v18 =	vsel vm2, $0x222, v18  }
0x4b: {  	v19 =	vsel vm2, $0x232, v19;
	v20 =	vsel vm2, $0x242, v20;
	v21 =	vsel vm2, $0x252, v21  }
0x4c: {  	v22 =	vsel vm2, $0x262, v22;
	v23 =	vsel vm2, $0x272, v23;
	v24 =	vsel vm2, $0x282, v24  }
0x4d: {  	v25 =	vsel vm2, $0x292, v25;
	v26 =	vsel vm2, $0x2A2, v26;
	v27 =	vsel vm2, $0x2B2, v27  }
0x4e: {  	v28 =	vsel vm2, $0x2C2, v28;
	v29 =	vsel vm2, $0x2D2, v29;
	v30 =	vsel vm2, $0x2E2, v30  }
0x4f: {  	v31 =	vsel vm2, $0x2F2, v31;
	v32 =	vsel vm2, $0x302, v32;
	v33 =	vsel vm2, $0x312, v33  }
0x50: {  	v34 =	vsel vm2, $0x322, v34;
	v35 =	vsel vm2, $0x332, v35;
	v36 =	vsel vm2, $0x342, v36  }
0x51: {  	v37 =	vsel vm2, $0x352, v37;
	v38 =	vsel vm2, $0x362, v38;
	v39 =	vsel vm2, $0x372, v39  }
0x52: {  	v40 =	vsel vm2, $0x382, v40;
	v41 =	vsel vm2, $0x392, v41;
	v42 =	vsel vm2, $0x3A2, v42  }
0x53: {  	v43 =	vsel vm2, $0x3B2, v43;
	v44 =	vsel vm2, $0x3C2, v44;
	v45 =	vsel vm2, $0x3D2, v45  }
0x54: {  	v46 =	vsel vm2, $0x3E2, v46;
	v47 =	vsel vm2, $0x3F2, v47;
	v48 =	vsel vm2, $0x2, v48  }
0x55: {  	v49 =	vsel vm2, $0x12, v49;
	v50 =	vsel vm2, $0x22, v50;
	v51 =	vsel vm2, $0x32, v51  }
0x56: {  	v52 =	vsel vm2, $0x42, v52;
	v53 =	vsel vm2, $0x52, v53;
	v54 =	vsel vm2, $0x62, v54  }
0x57: {  	v55 =	vsel vm2, $0x72, v55;
	v56 =	vsel vm2, $0x82, v56;
	v58 =	vsel vm2, $0x92, v58  }
0x58: {  	v60 =	vsel vm2, $0xA2, v60;
	v61 =	vsel vm2, $0xB2, v61;
	v62 =	vsel vm2, $0xC2, v62  }
0x59: {  	v63 =	vsel vm2, $0xD2, v63;
	v0 =	vsel vm1, $0x183, v0;
	v1 =	vsel vm1, $0x193, v1  }
0x5a: {  	v2 =	vsel vm1, $0x1A3, v2;
	v3 =	vsel vm1, $0x1B3, v3;
	v4 =	vsel vm1, $0x1C3, v4  }
0x5b: {  	v5 =	vsel vm1, $0x1D3, v5;
	v6 =	vsel vm1, $0x1E3, v6;
	v7 =	vsel vm1, $0x1F3, v7  }
0x5c: {  	v8 =	vsel vm1, $0x203, v8;
	v9 =	vsel vm1, $0x213, v9;
	v10 =	vsel vm1, $0x223, v10  }
0x5d: {  	v11 =	vsel vm1, $0x233, v11;
	v12 =	vsel vm1, $0x243, v12;
	v13 =	vsel vm1, $0x253, v13  }
0x5e: {  	v14 =	vsel vm1, $0x263, v14;
	v15 =	vsel vm1, $0x273, v15;
	v16 =	vsel vm1, $0x283, v16  }
0x5f: {  	v17 =	vsel vm1, $0x293, v17;
	v18 =	vsel vm1, $0x2A3, v18;
	v19 =	vsel vm1, $0x2B3, v19  }
0x60: {  	v20 =	vsel vm1, $0x2C3, v20;
	v21 =	vsel vm1, $0x2D3, v21;
	v22 =	vsel vm1, $0x2E3, v22  }
0x61: {  	v23 =	vsel vm1, $0x2F3, v23;
	v24 =	vsel vm1, $0x303, v24;
	v25 =	vsel vm1, $0x313, v25  }
0x62: {  	v26 =	vsel vm1, $0x323, v26;
	v27 =	vsel vm1, $0x333, v27;
	v28 =	vsel vm1, $0x343, v28  }
0x63: {  	v29 =	vsel vm1, $0x353, v29;
	v30 =	vsel vm1, $0x363, v30;
	v31 =	vsel vm1, $0x373, v31  }
0x64: {  	v32 =	vsel vm1, $0x383, v32;
	v33 =	vsel vm1, $0x393, v33;
	v34 =	vsel vm1, $0x3A3, v34  }
0x65: {  	v35 =	vsel vm1, $0x3B3, v35;
	v36 =	vsel vm1, $0x3C3, v36;
	v37 =	vsel vm1, $0x3D3, v37  }
0x66: {  	v38 =	vsel vm1, $0x3E3, v38;
	v39 =	vsel vm1, $0x3F3, v39;
	v40 =	vsel vm1, $0x3, v40  }
0x67: {  	v41 =	vsel vm1, $0x13, v41;
	v42 =	vsel vm1, $0x23, v42;
	v43 =	vsel vm1, $0x33, v43  }
0x68: {  	v44 =	vsel vm1, $0x43, v44;
	v45 =	vsel vm1, $0x53, v45;
	v46 =	vsel vm1, $0x63, v46  }
0x69: {  	v47 =	vsel vm1, $0x73, v47;
	v48 =	vsel vm1, $0x83, v48;
	v49 =	vsel vm1, $0x93, v49  }
0x6a: {  	v50 =	vsel vm1, $0xA3, v50;
	v51 =	vsel vm1, $0xB3, v51;
	v52 =	vsel vm1, $0xC3, v52  }
0x6b: {  	v53 =	vsel vm1, $0xD3, v53;
	v54 =	vsel vm1, $0xE3, v54;
	v55 =	vsel vm1, $0xF3, v55  }
0x6c: {  	v56 =	vsel vm1, $0x103, v56;
	v58 =	vsel vm1, $0x113, v58;
	v60 =	vsel vm1, $0x123, v60  }
0x6d: {  	v61 =	vsel vm1, $0x133, v61;
	v62 =	vsel vm1, $0x143, v62;
	v63 =	vsel vm1, $0x153, v63  }
0x6e: {  	v57 =	vand.u32 $0xF, v57;
	v0 =	vsel vm0, $0x204, v0;
	v1 =	vsel vm0, $0x214, v1  }
0x6f: {  	v2 =	vsel vm0, $0x224, v2;
	v3 =	vsel vm0, $0x234, v3;
	v4 =	vsel vm0, $0x244, v4  }
0x70: {  	v5 =	vsel vm0, $0x254, v5;
	v6 =	vsel vm0, $0x264, v6;
	v7 =	vsel vm0, $0x274, v7  }
0x71: {  	v8 =	vsel vm0, $0x284, v8;
	v9 =	vsel vm0, $0x294, v9;
	v10 =	vsel vm0, $0x2A4, v10  }
0x72: {  	v11 =	vsel vm0, $0x2B4, v11;
	v12 =	vsel vm0, $0x2C4, v12;
	v13 =	vsel vm0, $0x2D4, v13  }
0x73: {  	v14 =	vsel vm0, $0x2E4, v14;
	v15 =	vsel vm0, $0x2F4, v15;
	v16 =	vsel vm0, $0x304, v16  }
0x74: {  	v17 =	vsel vm0, $0x314, v17;
	v18 =	vsel vm0, $0x324, v18;
	v19 =	vsel vm0, $0x334, v19  }
0x75: {  	v20 =	vsel vm0, $0x344, v20;
	v21 =	vsel vm0, $0x354, v21;
	v22 =	vsel vm0, $0x364, v22  }
0x76: {  	v23 =	vsel vm0, $0x374, v23;
	v24 =	vsel vm0, $0x384, v24;
	v25 =	vsel vm0, $0x394, v25  }
0x77: {  	v26 =	vsel vm0, $0x3A4, v26;
	v27 =	vsel vm0, $0x3B4, v27;
	v28 =	vsel vm0, $0x3C4, v28  }
0x78: {  	v29 =	vsel vm0, $0x3D4, v29;
	v30 =	vsel vm0, $0x3E4, v30;
	v31 =	vsel vm0, $0x3F4, v31  }
0x79: {  	v32 =	vsel vm0, $0x4, v32;
	v33 =	vsel vm0, $0x14, v33;
	v34 =	vsel vm0, $0x24, v34  }
0x7a: {  	v35 =	vsel vm0, $0x34, v35;
	v36 =	vsel vm0, $0x44, v36;
	v37 =	vsel vm0, $0x54, v37  }
0x7b: {  	v38 =	vsel vm0, $0x64, v38;
	v39 =	vsel vm0, $0x74, v39;
	v40 =	vsel vm0, $0x84, v40  }
0x7c: {  	v41 =	vsel vm0, $0x94, v41;
	v42 =	vsel vm0, $0xA4, v42;
	v43 =	vsel vm0, $0xB4, v43  }
0x7d: {  	v44 =	vsel vm0, $0xC4, v44;
	v45 =	vsel vm0, $0xD4, v45;
	v46 =	vsel vm0, $0xE4, v46  }
0x7e: {  	v47 =	vsel vm0, $0xF4, v47;
	v48 =	vsel vm0, $0x104, v48;
	v49 =	vsel vm0, $0x114, v49  }
0x7f: {  	v50 =	vsel vm0, $0x124, v50;
	v51 =	vsel vm0, $0x134, v51;
	v52 =	vsel vm0, $0x144, v52  }
0x80: {  	v53 =	vsel vm0, $0x154, v53;
	v54 =	vsel vm0, $0x164, v54;
	v55 =	vsel vm0, $0x174, v55  }
0x81: {  	v56 =	vsel vm0, $0x184, v56;
	v58 =	vsel vm0, $0x194, v58;
	v60 =	vsel vm0, $0x1A4, v60  }
0x82: {  	v61 =	vsel vm0, $0x1B4, v61;
	v62 =	vsel vm0, $0x1C4, v62;
	v63 =	vsel vm0, $0x1D4, v63  }
0x83: {  	v57 =	vcombine.low v57, v59;
	v59 =	vimm.s32 $0x37F;
	v0 =	vsel vm8, $0x285, v0  }
0x84: {  	v1 =	vsel vm8, $0x295, v1;
	v2 =	vsel vm8, $0x2A5, v2;
	v3 =	vsel vm8, $0x2B5, v3  }
0x85: {  	v4 =	vsel vm8, $0x2C5, v4;
	v5 =	vsel vm8, $0x2D5, v5;
	v6 =	vsel vm8, $0x2E5, v6  }
0x86: {  	v7 =	vsel vm8, $0x2F5, v7;
	v8 =	vsel vm8, $0x305, v8;
	v9 =	vsel vm8, $0x315, v9  }
0x87: {  	v10 =	vsel vm8, $0x325, v10;
	v11 =	vsel vm8, $0x335, v11;
	v12 =	vsel vm8, $0x345, v12  }
0x88: {  	v13 =	vsel vm8, $0x355, v13;
	v14 =	vsel vm8, $0x365, v14;
	v15 =	vsel vm8, $0x375, v15  }
0x89: {  	v16 =	vsel vm8, $0x385, v16;
	v17 =	vsel vm8, $0x395, v17;
	v18 =	vsel vm8, $0x3A5, v18  }
0x8a: {  	v19 =	vsel vm8, $0x3B5, v19;
	v20 =	vsel vm8, $0x3C5, v20;
	v21 =	vsel vm8, $0x3D5, v21  }
0x8b: {  	v22 =	vsel vm8, $0x3E5, v22;
	v23 =	vsel vm8, $0x3F5, v23;
	v24 =	vsel vm8, $0x5, v24  }
0x8c: {  	v25 =	vsel vm8, $0x15, v25;
	v26 =	vsel vm8, $0x25, v26;
	v27 =	vsel vm8, $0x35, v27  }
0x8d: {  	v28 =	vsel vm8, $0x45, v28;
	v29 =	vsel vm8, $0x55, v29;
	v30 =	vsel vm8, $0x65, v30  }
0x8e: {  	v31 =	vsel vm8, $0x75, v31;
	v32 =	vsel vm8, $0x85, v32;
	v33 =	vsel vm8, $0x95, v33  }
0x8f: {  	v34 =	vsel vm8, $0xA5, v34;
	v35 =	vsel vm8, $0xB5, v35;
	v36 =	vsel vm8, $0xC5, v36  }
0x90: {  	v37 =	vsel vm8, $0xD5, v37;
	v38 =	vsel vm8, $0xE5, v38;
	v39 =	vsel vm8, $0xF5, v39  }
0x91: {  	v40 =	vsel vm8, $0x105, v40;
	v41 =	vsel vm8, $0x115, v41;
	v42 =	vsel vm8, $0x125, v42  }
0x92: {  	v43 =	vsel vm8, $0x135, v43;
	v44 =	vsel vm8, $0x145, v44;
	v45 =	vsel vm8, $0x155, v45  }
0x93: {  	v46 =	vsel vm8, $0x165, v46;
	v47 =	vsel vm8, $0x175, v47;
	v48 =	vsel vm8, $0x185, v48  }
0x94: {  	v49 =	vsel vm8, $0x195, v49;
	v50 =	vsel vm8, $0x1A5, v50;
	v51 =	vsel vm8, $0x1B5, v51  }
0x95: {  	v52 =	vsel vm8, $0x1C5, v52;
	v53 =	vsel vm8, $0x1D5, v53;
	v54 =	vsel vm8, $0x1E5, v54  }
0x96: {  	v55 =	vsel vm8, $0x1F5, v55;
	v56 =	vsel vm8, $0x205, v56;
	v58 =	vsel vm8, $0x215, v58  }
0x97: {  	v60 =	vsel vm8, $0x225, v60;
	v59 =	vsel vm6, $0x3F0, v59;
	[tilespmem:$0x1F420] =	vst v57;
	v57 =	vimm.s32 $0x36F  }
0x98: {  	v61 =	vsel vm8, $0x235, v61;
	v59 =	vsel vm7, $0x71, v59;
	v57 =	vsel vm6, $0x3E0, v57  }
0x99: {  	v62 =	vsel vm8, $0x245, v62;
	v59 =	vsel vm2, $0xF2, v59;
	v57 =	vsel vm7, $0x61, v57  }
0x9a: {  	v63 =	vsel vm8, $0x255, v63;
	v59 =	vsel vm1, $0x173, v59;
	v57 =	vsel vm2, $0xE2, v57  }
0x9b: {  	v59 =	vsel vm0, $0x1F4, v59;
	vm2 =	vcmask $0x1F1C;
	v57 =	vsel vm1, $0x163, v57  }
0x9c: {  	vm1 =	vcmask $0x1B18;
	v59 =	vsel vm8, $0x275, v59;
	v57 =	vsel vm0, $0x1E4, v57  }
0x9d: {  	vm0 =	vcmask $0x3718;
	v0 =	vsel vm1, $0x306, v0;
	v1 =	vsel vm1, $0x316, v1  }
0x9e: {  	v2 =	vsel vm1, $0x326, v2;
	v3 =	vsel vm1, $0x336, v3;
	v4 =	vsel vm1, $0x346, v4  }
0x9f: {  	v5 =	vsel vm1, $0x356, v5;
	v6 =	vsel vm1, $0x366, v6;
	v7 =	vsel vm1, $0x376, v7  }
0xa0: {  	v8 =	vsel vm1, $0x386, v8;
	v9 =	vsel vm1, $0x396, v9;
	v10 =	vsel vm1, $0x3A6, v10  }
0xa1: {  	v11 =	vsel vm1, $0x3B6, v11;
	v12 =	vsel vm1, $0x3C6, v12;
	v13 =	vsel vm1, $0x3D6, v13  }
0xa2: {  	v14 =	vsel vm1, $0x3E6, v14;
	v15 =	vsel vm1, $0x3F6, v15;
	v16 =	vsel vm1, $0x6, v16  }
0xa3: {  	v17 =	vsel vm1, $0x16, v17;
	v18 =	vsel vm1, $0x26, v18;
	v19 =	vsel vm1, $0x36, v19  }
0xa4: {  	v20 =	vsel vm1, $0x46, v20;
	v21 =	vsel vm1, $0x56, v21;
	v22 =	vsel vm1, $0x66, v22  }
0xa5: {  	v23 =	vsel vm1, $0x76, v23;
	v24 =	vsel vm1, $0x86, v24;
	v25 =	vsel vm1, $0x96, v25  }
0xa6: {  	v26 =	vsel vm1, $0xA6, v26;
	v27 =	vsel vm1, $0xB6, v27;
	v28 =	vsel vm1, $0xC6, v28  }
0xa7: {  	v29 =	vsel vm1, $0xD6, v29;
	v30 =	vsel vm1, $0xE6, v30;
	v31 =	vsel vm1, $0xF6, v31  }
0xa8: {  	v32 =	vsel vm1, $0x106, v32;
	v33 =	vsel vm1, $0x116, v33;
	v34 =	vsel vm1, $0x126, v34  }
0xa9: {  	v35 =	vsel vm1, $0x136, v35;
	v36 =	vsel vm1, $0x146, v36;
	v37 =	vsel vm1, $0x156, v37  }
0xaa: {  	v38 =	vsel vm1, $0x166, v38;
	v39 =	vsel vm1, $0x176, v39;
	v40 =	vsel vm1, $0x186, v40  }
0xab: {  	v41 =	vsel vm1, $0x196, v41;
	v42 =	vsel vm1, $0x1A6, v42;
	v43 =	vsel vm1, $0x1B6, v43  }
0xac: {  	v44 =	vsel vm1, $0x1C6, v44;
	v45 =	vsel vm1, $0x1D6, v45;
	v46 =	vsel vm1, $0x1E6, v46  }
0xad: {  	v47 =	vsel vm1, $0x1F6, v47;
	v48 =	vsel vm1, $0x206, v48;
	v49 =	vsel vm1, $0x216, v49  }
0xae: {  	v50 =	vsel vm1, $0x226, v50;
	v51 =	vsel vm1, $0x236, v51;
	v52 =	vsel vm1, $0x246, v52  }
0xaf: {  	v53 =	vsel vm1, $0x256, v53;
	v54 =	vsel vm1, $0x266, v54;
	v55 =	vsel vm1, $0x276, v55  }
0xb0: {  	v56 =	vsel vm1, $0x286, v56;
	v58 =	vsel vm1, $0x296, v58;
	v60 =	vsel vm1, $0x2A6, v60  }
0xb1: {  	v61 =	vsel vm1, $0x2B6, v61;
	v62 =	vsel vm1, $0x2C6, v62;
	v63 =	vsel vm1, $0x2D6, v63  }
0xb2: {  	v59 =	vsel vm1, $0x2F6, v59;
	v57 =	vsel vm8, $0x265, v57;
	v0 =	vsel vm2, $0x387, v0  }
0xb3: {  	v1 =	vsel vm2, $0x397, v1;
	v2 =	vsel vm2, $0x3A7, v2;
	v3 =	vsel vm2, $0x3B7, v3  }
0xb4: {  	v4 =	vsel vm2, $0x3C7, v4;
	v5 =	vsel vm2, $0x3D7, v5;
	v6 =	vsel vm2, $0x3E7, v6  }
0xb5: {  	v7 =	vsel vm2, $0x3F7, v7;
	v8 =	vsel vm2, $0x7, v8;
	v9 =	vsel vm2, $0x17, v9  }
0xb6: {  	v10 =	vsel vm2, $0x27, v10;
	v11 =	vsel vm2, $0x37, v11;
	v12 =	vsel vm2, $0x47, v12  }
0xb7: {  	v13 =	vsel vm2, $0x57, v13;
	v14 =	vsel vm2, $0x67, v14;
	v15 =	vsel vm2, $0x77, v15  }
0xb8: {  	v16 =	vsel vm2, $0x87, v16;
	v17 =	vsel vm2, $0x97, v17;
	v18 =	vsel vm2, $0xA7, v18  }
0xb9: {  	v19 =	vsel vm2, $0xB7, v19;
	v20 =	vsel vm2, $0xC7, v20;
	v21 =	vsel vm2, $0xD7, v21  }
0xba: {  	v22 =	vsel vm2, $0xE7, v22;
	v23 =	vsel vm2, $0xF7, v23;
	v24 =	vsel vm2, $0x107, v24  }
0xbb: {  	v25 =	vsel vm2, $0x117, v25;
	v26 =	vsel vm2, $0x127, v26;
	v27 =	vsel vm2, $0x137, v27  }
0xbc: {  	v28 =	vsel vm2, $0x147, v28;
	v29 =	vsel vm2, $0x157, v29;
	v30 =	vsel vm2, $0x167, v30  }
0xbd: {  	v31 =	vsel vm2, $0x177, v31;
	v32 =	vsel vm2, $0x187, v32;
	v33 =	vsel vm2, $0x197, v33  }
0xbe: {  	v34 =	vsel vm2, $0x1A7, v34;
	v35 =	vsel vm2, $0x1B7, v35;
	v36 =	vsel vm2, $0x1C7, v36  }
0xbf: {  	v37 =	vsel vm2, $0x1D7, v37;
	v38 =	vsel vm2, $0x1E7, v38;
	v39 =	vsel vm2, $0x1F7, v39  }
0xc0: {  	v40 =	vsel vm2, $0x207, v40;
	v41 =	vsel vm2, $0x217, v41;
	v42 =	vsel vm2, $0x227, v42  }
0xc1: {  	v43 =	vsel vm2, $0x237, v43;
	v44 =	vsel vm2, $0x247, v44;
	v45 =	vsel vm2, $0x257, v45  }
0xc2: {  	v46 =	vsel vm2, $0x267, v46;
	v47 =	vsel vm2, $0x277, v47;
	v48 =	vsel vm2, $0x287, v48  }
0xc3: {  	v49 =	vsel vm2, $0x297, v49;
	v50 =	vsel vm2, $0x2A7, v50;
	v51 =	vsel vm2, $0x2B7, v51  }
0xc4: {  	v52 =	vsel vm2, $0x2C7, v52;
	v53 =	vsel vm2, $0x2D7, v53;
	v54 =	vsel vm2, $0x2E7, v54  }
0xc5: {  	v55 =	vsel vm2, $0x2F7, v55;
	v56 =	vsel vm2, $0x307, v56;
	v58 =	vsel vm2, $0x317, v58  }
0xc6: {  	v60 =	vsel vm2, $0x327, v60;
	v61 =	vsel vm2, $0x337, v61;
	v62 =	vsel vm2, $0x347, v62  }
0xc7: {  	v63 =	vsel vm2, $0x357, v63;
	v59 =	vsel vm2, $0x377, v59;
	v57 =	vsel vm1, $0x2E6, v57  }
0xc8: {  	vm1 =	vcmask $0x3B1C;
	v57 =	vsel vm2, $0x367, v57;
	vm2 =	vcmask $0x2320  }
0xc9: {  	v0 =	vsel vm2, $0x8, v0;
	v2 =	vsel vm2, $0x28, v2;
	v3 =	vsel vm2, $0x38, v3  }
0xca: {  	v4 =	vsel vm2, $0x48, v4;
	v5 =	vsel vm2, $0x58, v5;
	v6 =	vsel vm2, $0x68, v6  }
0xcb: {  	v7 =	vsel vm2, $0x78, v7;
	v8 =	vsel vm2, $0x88, v8;
	v9 =	vsel vm2, $0x98, v9  }
0xcc: {  	v10 =	vsel vm2, $0xA8, v10;
	v11 =	vsel vm2, $0xB8, v11;
	v12 =	vsel vm2, $0xC8, v12  }
0xcd: {  	v13 =	vsel vm2, $0xD8, v13;
	v14 =	vsel vm2, $0xE8, v14;
	v15 =	vsel vm2, $0xF8, v15  }
0xce: {  	v16 =	vsel vm2, $0x108, v16;
	v17 =	vsel vm2, $0x118, v17;
	v18 =	vsel vm2, $0x128, v18  }
0xcf: {  	v19 =	vsel vm2, $0x138, v19;
	v20 =	vsel vm2, $0x148, v20;
	v21 =	vsel vm2, $0x158, v21  }
0xd0: {  	v22 =	vsel vm2, $0x168, v22;
	v23 =	vsel vm2, $0x178, v23;
	v24 =	vsel vm2, $0x188, v24  }
0xd1: {  	v25 =	vsel vm2, $0x198, v25;
	v26 =	vsel vm2, $0x1A8, v26;
	v27 =	vsel vm2, $0x1B8, v27  }
0xd2: {  	v28 =	vsel vm2, $0x1C8, v28;
	v29 =	vsel vm2, $0x1D8, v29;
	v30 =	vsel vm2, $0x1E8, v30  }
0xd3: {  	v31 =	vsel vm2, $0x1F8, v31;
	v32 =	vsel vm2, $0x208, v32;
	v33 =	vsel vm2, $0x218, v33  }
0xd4: {  	v34 =	vsel vm2, $0x228, v34;
	v35 =	vsel vm2, $0x238, v35;
	v36 =	vsel vm2, $0x248, v36  }
0xd5: {  	v37 =	vsel vm2, $0x258, v37;
	v38 =	vsel vm2, $0x268, v38;
	v39 =	vsel vm2, $0x278, v39  }
0xd6: {  	v40 =	vsel vm2, $0x288, v40;
	v41 =	vsel vm2, $0x298, v41;
	v42 =	vsel vm2, $0x2A8, v42  }
0xd7: {  	v43 =	vsel vm2, $0x2B8, v43;
	v44 =	vsel vm2, $0x2C8, v44;
	v45 =	vsel vm2, $0x2D8, v45  }
0xd8: {  	v46 =	vsel vm2, $0x2E8, v46;
	v47 =	vsel vm2, $0x2F8, v47;
	v48 =	vsel vm2, $0x308, v48  }
0xd9: {  	v49 =	vsel vm2, $0x318, v49;
	v50 =	vsel vm2, $0x328, v50;
	v51 =	vsel vm2, $0x338, v51  }
0xda: {  	v52 =	vsel vm2, $0x348, v52;
	v53 =	vsel vm2, $0x358, v53;
	v54 =	vsel vm2, $0x368, v54  }
0xdb: {  	v55 =	vsel vm2, $0x378, v55;
	v56 =	vsel vm2, $0x388, v56;
	v58 =	vsel vm2, $0x398, v58  }
0xdc: {  	v60 =	vsel vm2, $0x3A8, v60;
	v61 =	vsel vm2, $0x3B8, v61;
	v62 =	vsel vm2, $0x3C8, v62  }
0xdd: {  	v63 =	vsel vm2, $0x3D8, v63;
	v57 =	vsel vm2, $0x3E8, v57;
	[tilespmem:$0x1F4A0] =	vst v0;
	v0 =	vsel vm2, $0x18, v1  }
0xde: {  	v59 =	vsel vm2, $0x3F8, v59;
	vm2 =	vcmask $0x2724;
	[tilespmem:$0x1F4B0] =	vst v0;
	v0 =	vimm.s32 $0x1C00  }
0xdf: {  	v2 =	vsel vm2, $0xA9, v2;
	v3 =	vsel vm2, $0xB9, v3;
	v4 =	vsel vm2, $0xC9, v4  }
0xe0: {  	v5 =	vsel vm2, $0xD9, v5;
	v6 =	vsel vm2, $0xE9, v6;
	v7 =	vsel vm2, $0xF9, v7  }
0xe1: {  	v8 =	vsel vm2, $0x109, v8;
	v9 =	vsel vm2, $0x119, v9;
	v10 =	vsel vm2, $0x129, v10  }
0xe2: {  	v11 =	vsel vm2, $0x139, v11;
	v12 =	vsel vm2, $0x149, v12;
	v13 =	vsel vm2, $0x159, v13  }
0xe3: {  	v14 =	vsel vm2, $0x169, v14;
	v15 =	vsel vm2, $0x179, v15;
	v16 =	vsel vm2, $0x189, v16  }
0xe4: {  	v17 =	vsel vm2, $0x199, v17;
	v18 =	vsel vm2, $0x1A9, v18;
	v19 =	vsel vm2, $0x1B9, v19  }
0xe5: {  	v20 =	vsel vm2, $0x1C9, v20;
	v21 =	vsel vm2, $0x1D9, v21;
	v22 =	vsel vm2, $0x1E9, v22  }
0xe6: {  	v23 =	vsel vm2, $0x1F9, v23;
	v24 =	vsel vm2, $0x209, v24;
	v25 =	vsel vm2, $0x219, v25  }
0xe7: {  	v26 =	vsel vm2, $0x229, v26;
	v27 =	vsel vm2, $0x239, v27;
	v28 =	vsel vm2, $0x249, v28  }
0xe8: {  	v29 =	vsel vm2, $0x259, v29;
	v30 =	vsel vm2, $0x269, v30;
	v31 =	vsel vm2, $0x279, v31  }
0xe9: {  	v32 =	vsel vm2, $0x289, v32;
	v33 =	vsel vm2, $0x299, v33;
	v34 =	vsel vm2, $0x2A9, v34  }
0xea: {  	v35 =	vsel vm2, $0x2B9, v35;
	v36 =	vsel vm2, $0x2C9, v36;
	v1 =	vsel vm5, $0x1800, v0  }
0xeb: {  	v37 =	vsel vm2, $0x2D9, v37;
	v38 =	vsel vm2, $0x2E9, v38;
	[tilespmem:$0x1F430] =	vst v1;
	v1 =	vsel vm3, $0x1800, v0  }
0xec: {  	v39 =	vsel vm2, $0x2F9, v39;
	v40 =	vsel vm2, $0x309, v40;
	[tilespmem:$0x1F440] =	vst v1;
	v1 =	vsel vm4, $0x1800, v0  }
0xed: {  	v41 =	vsel vm2, $0x319, v41;
	v42 =	vsel vm2, $0x329, v42;
	[tilespmem:$0x1F450] =	vst v1;
	v1 =	vsel vm14, $0x1800, v0  }
0xee: {  	v43 =	vsel vm2, $0x339, v43;
	v44 =	vsel vm2, $0x349, v44;
	[tilespmem:$0x1F460] =	vst v1;
	v1 =	vsel vm15, $0x1800, v0  }
0xef: {  	v45 =	vsel vm2, $0x359, v45;
	[tilespmem:$0x1F470] =	vst v1;
	v1 =	vsel vm0, $0x1800, v0;
	v0 =	vsel vm1, $0x1800, v0  }
0xf0: {  	v46 =	vsel vm2, $0x369, v46;
	v47 =	vsel vm2, $0x379, v47;
	v48 =	vsel vm2, $0x389, v48;
	[tilespmem:$0x1F490] =	vst v0;
	v0 =	vld [tilespmem:$0x1F4A0]  }
0xf1: {  	v49 =	vsel vm2, $0x399, v49;
	v50 =	vsel vm2, $0x3A9, v50;
	v51 =	vsel vm2, $0x3B9, v51;
	[tilespmem:$0x1F480] =	vst v1;
	v1 =	vld [tilespmem:$0x1F4B0]  }
0xf2: {  	v52 =	vsel vm2, $0x3C9, v52;
	v53 =	vsel vm2, $0x3D9, v53;
	v54 =	vsel vm2, $0x3E9, v54  }
0xf3: {  	v55 =	vsel vm2, $0x3F9, v55;
	v56 =	vsel vm2, $0x9, v56;
	v58 =	vsel vm2, $0x19, v58  }
0xf4: {  	v60 =	vsel vm2, $0x29, v60;
	v61 =	vsel vm2, $0x39, v61;
	v62 =	vsel vm2, $0x49, v62  }
0xf5: {  	v63 =	vsel vm2, $0x59, v63;
	v57 =	vsel vm2, $0x69, v57;
	v59 =	vsel vm2, $0x79, v59  }
0xf6: {  	v0 =	vsel vm2, $0x89, v0;
	v1 =	vsel vm2, $0x99, v1;
	vm2 =	vcmask $0x2B28  }
0xf7: {  	v0 =	vsel vm2, $0x10A, v0;
	v2 =	vsel vm2, $0x12A, v2;
	v3 =	vsel vm2, $0x13A, v3  }
0xf8: {  	v4 =	vsel vm2, $0x14A, v4;
	v5 =	vsel vm2, $0x15A, v5;
	v6 =	vsel vm2, $0x16A, v6  }
0xf9: {  	v7 =	vsel vm2, $0x17A, v7;
	v8 =	vsel vm2, $0x18A, v8;
	v9 =	vsel vm2, $0x19A, v9  }
0xfa: {  	v10 =	vsel vm2, $0x1AA, v10;
	v11 =	vsel vm2, $0x1BA, v11;
	v12 =	vsel vm2, $0x1CA, v12  }
0xfb: {  	v13 =	vsel vm2, $0x1DA, v13;
	v14 =	vsel vm2, $0x1EA, v14;
	v15 =	vsel vm2, $0x1FA, v15  }
0xfc: {  	v16 =	vsel vm2, $0x20A, v16;
	v17 =	vsel vm2, $0x21A, v17;
	v18 =	vsel vm2, $0x22A, v18  }
0xfd: {  	v19 =	vsel vm2, $0x23A, v19;
	v20 =	vsel vm2, $0x24A, v20;
	v21 =	vsel vm2, $0x25A, v21  }
0xfe: {  	v22 =	vsel vm2, $0x26A, v22;
	v23 =	vsel vm2, $0x27A, v23;
	v24 =	vsel vm2, $0x28A, v24  }
0xff: {  	v25 =	vsel vm2, $0x29A, v25;
	v26 =	vsel vm2, $0x2AA, v26;
	v27 =	vsel vm2, $0x2BA, v27  }
0x100: {  	v28 =	vsel vm2, $0x2CA, v28;
	v29 =	vsel vm2, $0x2DA, v29;
	v30 =	vsel vm2, $0x2EA, v30  }
0x101: {  	v31 =	vsel vm2, $0x2FA, v31;
	v32 =	vsel vm2, $0x30A, v32;
	v33 =	vsel vm2, $0x31A, v33  }
0x102: {  	v34 =	vsel vm2, $0x32A, v34;
	v35 =	vsel vm2, $0x33A, v35;
	v36 =	vsel vm2, $0x34A, v36  }
0x103: {  	v37 =	vsel vm2, $0x35A, v37;
	v38 =	vsel vm2, $0x36A, v38;
	v39 =	vsel vm2, $0x37A, v39  }
0x104: {  	v40 =	vsel vm2, $0x38A, v40;
	v41 =	vsel vm2, $0x39A, v41;
	v42 =	vsel vm2, $0x3AA, v42  }
0x105: {  	v43 =	vsel vm2, $0x3BA, v43;
	v44 =	vsel vm2, $0x3CA, v44;
	v45 =	vsel vm2, $0x3DA, v45  }
0x106: {  	v46 =	vsel vm2, $0x3EA, v46;
	v47 =	vsel vm2, $0x3FA, v47;
	v48 =	vsel vm2, $0xA, v48  }
0x107: {  	v49 =	vsel vm2, $0x1A, v49;
	v50 =	vsel vm2, $0x2A, v50;
	v51 =	vsel vm2, $0x3A, v51  }
0x108: {  	v52 =	vsel vm2, $0x4A, v52;
	v53 =	vsel vm2, $0x5A, v53;
	v54 =	vsel vm2, $0x6A, v54  }
0x109: {  	v55 =	vsel vm2, $0x7A, v55;
	v56 =	vsel vm2, $0x8A, v56;
	v58 =	vsel vm2, $0x9A, v58  }
0x10a: {  	v60 =	vsel vm2, $0xAA, v60;
	v61 =	vsel vm2, $0xBA, v61;
	v62 =	vsel vm2, $0xCA, v62  }
0x10b: {  	v63 =	vsel vm2, $0xDA, v63;
	v57 =	vsel vm2, $0xEA, v57;
	[tilespmem:$0x1F530] =	vst v0;
	v0 =	vsel vm2, $0x11A, v1  }
0x10c: {  	v59 =	vsel vm2, $0xFA, v59;
	vm2 =	vcmask $0x2F2C;
	[tilespmem:$0x1F540] =	vst v0;
	v0 =	vimm.s32 $0x1800  }
0x10d: {  	v2 =	vsel vm2, $0x1AB, v2;
	v3 =	vsel vm2, $0x1BB, v3;
	v4 =	vsel vm2, $0x1CB, v4  }
0x10e: {  	v5 =	vsel vm2, $0x1DB, v5;
	v6 =	vsel vm2, $0x1EB, v6;
	v7 =	vsel vm2, $0x1FB, v7  }
0x10f: {  	v8 =	vsel vm2, $0x20B, v8;
	v9 =	vsel vm2, $0x21B, v9;
	v10 =	vsel vm2, $0x22B, v10  }
0x110: {  	v11 =	vsel vm2, $0x23B, v11;
	v12 =	vsel vm2, $0x24B, v12;
	v13 =	vsel vm2, $0x25B, v13  }
0x111: {  	v14 =	vsel vm2, $0x26B, v14;
	v15 =	vsel vm2, $0x27B, v15;
	v16 =	vsel vm2, $0x28B, v16  }
0x112: {  	v17 =	vsel vm2, $0x29B, v17;
	v18 =	vsel vm2, $0x2AB, v18;
	v19 =	vsel vm2, $0x2BB, v19  }
0x113: {  	v20 =	vsel vm2, $0x2CB, v20;
	v21 =	vsel vm2, $0x2DB, v21;
	v22 =	vsel vm2, $0x2EB, v22  }
0x114: {  	v23 =	vsel vm2, $0x2FB, v23;
	v24 =	vsel vm2, $0x30B, v24;
	v25 =	vsel vm2, $0x31B, v25  }
0x115: {  	v26 =	vsel vm2, $0x32B, v26;
	v27 =	vsel vm2, $0x33B, v27;
	v28 =	vsel vm2, $0x34B, v28  }
0x116: {  	v29 =	vsel vm2, $0x35B, v29;
	v30 =	vsel vm2, $0x36B, v30;
	v31 =	vsel vm2, $0x37B, v31  }
0x117: {  	v32 =	vsel vm2, $0x38B, v32;
	v33 =	vsel vm2, $0x39B, v33;
	v34 =	vsel vm2, $0x3AB, v34  }
0x118: {  	v35 =	vsel vm2, $0x3BB, v35;
	v36 =	vsel vm2, $0x3CB, v36;
	v1 =	vsel vm5, $0x1C00, v0  }
0x119: {  	v37 =	vsel vm2, $0x3DB, v37;
	v38 =	vsel vm2, $0x3EB, v38;
	[tilespmem:$0x1F4C0] =	vst v1;
	v1 =	vsel vm3, $0x1C00, v0  }
0x11a: {  	v39 =	vsel vm2, $0x3FB, v39;
	v40 =	vsel vm2, $0xB, v40;
	[tilespmem:$0x1F4D0] =	vst v1;
	v1 =	vsel vm4, $0x1C00, v0  }
0x11b: {  	v41 =	vsel vm2, $0x1B, v41;
	v42 =	vsel vm2, $0x2B, v42;
	[tilespmem:$0x1F4E0] =	vst v1;
	v1 =	vsel vm14, $0x1C00, v0  }
0x11c: {  	v43 =	vsel vm2, $0x3B, v43;
	v44 =	vsel vm2, $0x4B, v44;
	[tilespmem:$0x1F4F0] =	vst v1;
	v1 =	vsel vm15, $0x1C00, v0  }
0x11d: {  	v45 =	vsel vm2, $0x5B, v45;
	[tilespmem:$0x1F500] =	vst v1;
	v1 =	vsel vm0, $0x1C00, v0;
	v0 =	vsel vm1, $0x1C00, v0  }
0x11e: {  	v46 =	vsel vm2, $0x6B, v46;
	v47 =	vsel vm2, $0x7B, v47;
	v48 =	vsel vm2, $0x8B, v48;
	[tilespmem:$0x1F520] =	vst v0;
	v0 =	vld [tilespmem:$0x1F530]  }
0x11f: {  	v49 =	vsel vm2, $0x9B, v49;
	v50 =	vsel vm2, $0xAB, v50;
	v51 =	vsel vm2, $0xBB, v51;
	[tilespmem:$0x1F510] =	vst v1;
	v1 =	vld [tilespmem:$0x1F540]  }
0x120: {  	v52 =	vsel vm2, $0xCB, v52;
	v53 =	vsel vm2, $0xDB, v53;
	v54 =	vsel vm2, $0xEB, v54  }
0x121: {  	v55 =	vsel vm2, $0xFB, v55;
	v56 =	vsel vm2, $0x10B, v56;
	v58 =	vsel vm2, $0x11B, v58  }
0x122: {  	v60 =	vsel vm2, $0x12B, v60;
	v61 =	vsel vm2, $0x13B, v61;
	v62 =	vsel vm2, $0x14B, v62  }
0x123: {  	v63 =	vsel vm2, $0x15B, v63;
	v57 =	vsel vm2, $0x16B, v57;
	v59 =	vsel vm2, $0x17B, v59  }
0x124: {  	v0 =	vsel vm2, $0x18B, v0;
	v1 =	vsel vm2, $0x19B, v1;
	vm2 =	vcmask $0x3330  }
0x125: {  	v0 =	vsel vm2, $0x20C, v0;
	v2 =	vsel vm2, $0x22C, v2;
	v3 =	vsel vm2, $0x23C, v3  }
0x126: {  	v4 =	vsel vm2, $0x24C, v4;
	v5 =	vsel vm2, $0x25C, v5;
	v6 =	vsel vm2, $0x26C, v6  }
0x127: {  	v7 =	vsel vm2, $0x27C, v7;
	v8 =	vsel vm2, $0x28C, v8;
	v9 =	vsel vm2, $0x29C, v9  }
0x128: {  	v10 =	vsel vm2, $0x2AC, v10;
	v11 =	vsel vm2, $0x2BC, v11;
	v12 =	vsel vm2, $0x2CC, v12  }
0x129: {  	v13 =	vsel vm2, $0x2DC, v13;
	v14 =	vsel vm2, $0x2EC, v14;
	v15 =	vsel vm2, $0x2FC, v15  }
0x12a: {  	v16 =	vsel vm2, $0x30C, v16;
	v17 =	vsel vm2, $0x31C, v17;
	v18 =	vsel vm2, $0x32C, v18  }
0x12b: {  	v19 =	vsel vm2, $0x33C, v19;
	v20 =	vsel vm2, $0x34C, v20;
	v21 =	vsel vm2, $0x35C, v21  }
0x12c: {  	v22 =	vsel vm2, $0x36C, v22;
	v23 =	vsel vm2, $0x37C, v23;
	v24 =	vsel vm2, $0x38C, v24  }
0x12d: {  	v25 =	vsel vm2, $0x39C, v25;
	v26 =	vsel vm2, $0x3AC, v26;
	v27 =	vsel vm2, $0x3BC, v27  }
0x12e: {  	v28 =	vsel vm2, $0x3CC, v28;
	v29 =	vsel vm2, $0x3DC, v29;
	v30 =	vsel vm2, $0x3EC, v30  }
0x12f: {  	v31 =	vsel vm2, $0x3FC, v31;
	v32 =	vsel vm2, $0xC, v32;
	v33 =	vsel vm2, $0x1C, v33  }
0x130: {  	v34 =	vsel vm2, $0x2C, v34;
	v35 =	vsel vm2, $0x3C, v35;
	v36 =	vsel vm2, $0x4C, v36  }
0x131: {  	v37 =	vsel vm2, $0x5C, v37;
	v38 =	vsel vm2, $0x6C, v38;
	v39 =	vsel vm2, $0x7C, v39  }
0x132: {  	v40 =	vsel vm2, $0x8C, v40;
	v41 =	vsel vm2, $0x9C, v41;
	v42 =	vsel vm2, $0xAC, v42  }
0x133: {  	v43 =	vsel vm2, $0xBC, v43;
	v44 =	vsel vm2, $0xCC, v44;
	v45 =	vsel vm2, $0xDC, v45  }
0x134: {  	v46 =	vsel vm2, $0xEC, v46;
	v47 =	vsel vm2, $0xFC, v47;
	v48 =	vsel vm2, $0x10C, v48  }
0x135: {  	v49 =	vsel vm2, $0x11C, v49;
	v50 =	vsel vm2, $0x12C, v50;
	v51 =	vsel vm2, $0x13C, v51  }
0x136: {  	v52 =	vsel vm2, $0x14C, v52;
	v53 =	vsel vm2, $0x15C, v53;
	v54 =	vsel vm2, $0x16C, v54  }
0x137: {  	v55 =	vsel vm2, $0x17C, v55;
	v56 =	vsel vm2, $0x18C, v56;
	v58 =	vsel vm2, $0x19C, v58  }
0x138: {  	v60 =	vsel vm2, $0x1AC, v60;
	v61 =	vsel vm2, $0x1BC, v61;
	v62 =	vsel vm2, $0x1CC, v62  }
0x139: {  	v63 =	vsel vm2, $0x1DC, v63;
	v57 =	vsel vm2, $0x1EC, v57;
	[tilespmem:$0x1F5C0] =	vst v0;
	v0 =	vsel vm2, $0x21C, v1  }
0x13a: {  	v59 =	vsel vm2, $0x1FC, v59;
	vm2 =	vcmask $0x3734;
	[tilespmem:$0x1F5D0] =	vst v0;
	v0 =	vimm.s32 $0x1400  }
0x13b: {  	v2 =	vsel vm2, $0x2AD, v2;
	v3 =	vsel vm2, $0x2BD, v3;
	v4 =	vsel vm2, $0x2CD, v4  }
0x13c: {  	v5 =	vsel vm2, $0x2DD, v5;
	v6 =	vsel vm2, $0x2ED, v6;
	v7 =	vsel vm2, $0x2FD, v7  }
0x13d: {  	v8 =	vsel vm2, $0x30D, v8;
	v9 =	vsel vm2, $0x31D, v9;
	v10 =	vsel vm2, $0x32D, v10  }
0x13e: {  	v11 =	vsel vm2, $0x33D, v11;
	v12 =	vsel vm2, $0x34D, v12;
	v13 =	vsel vm2, $0x35D, v13  }
0x13f: {  	v14 =	vsel vm2, $0x36D, v14;
	v15 =	vsel vm2, $0x37D, v15;
	v16 =	vsel vm2, $0x38D, v16  }
0x140: {  	v17 =	vsel vm2, $0x39D, v17;
	v18 =	vsel vm2, $0x3AD, v18;
	v19 =	vsel vm2, $0x3BD, v19  }
0x141: {  	v20 =	vsel vm2, $0x3CD, v20;
	v21 =	vsel vm2, $0x3DD, v21;
	v22 =	vsel vm2, $0x3ED, v22  }
0x142: {  	v23 =	vsel vm2, $0x3FD, v23;
	v24 =	vsel vm2, $0xD, v24;
	v25 =	vsel vm2, $0x1D, v25  }
0x143: {  	v26 =	vsel vm2, $0x2D, v26;
	v27 =	vsel vm2, $0x3D, v27;
	v28 =	vsel vm2, $0x4D, v28  }
0x144: {  	v29 =	vsel vm2, $0x5D, v29;
	v30 =	vsel vm2, $0x6D, v30;
	v31 =	vsel vm2, $0x7D, v31  }
0x145: {  	v32 =	vsel vm2, $0x8D, v32;
	v33 =	vsel vm2, $0x9D, v33;
	v34 =	vsel vm2, $0xAD, v34  }
0x146: {  	v35 =	vsel vm2, $0xBD, v35;
	v36 =	vsel vm2, $0xCD, v36;
	v1 =	vsel vm5, $0x1000, v0  }
0x147: {  	v37 =	vsel vm2, $0xDD, v37;
	v38 =	vsel vm2, $0xED, v38;
	[tilespmem:$0x1F550] =	vst v1;
	v1 =	vsel vm3, $0x1000, v0  }
0x148: {  	v39 =	vsel vm2, $0xFD, v39;
	v40 =	vsel vm2, $0x10D, v40;
	[tilespmem:$0x1F560] =	vst v1;
	v1 =	vsel vm4, $0x1000, v0  }
0x149: {  	v41 =	vsel vm2, $0x11D, v41;
	v42 =	vsel vm2, $0x12D, v42;
	[tilespmem:$0x1F570] =	vst v1;
	v1 =	vsel vm14, $0x1000, v0  }
0x14a: {  	v43 =	vsel vm2, $0x13D, v43;
	v44 =	vsel vm2, $0x14D, v44;
	[tilespmem:$0x1F580] =	vst v1;
	v1 =	vsel vm15, $0x1000, v0  }
0x14b: {  	v45 =	vsel vm2, $0x15D, v45;
	[tilespmem:$0x1F590] =	vst v1;
	v1 =	vsel vm0, $0x1000, v0;
	v0 =	vsel vm1, $0x1000, v0  }
0x14c: {  	v46 =	vsel vm2, $0x16D, v46;
	v47 =	vsel vm2, $0x17D, v47;
	v48 =	vsel vm2, $0x18D, v48;
	[tilespmem:$0x1F5B0] =	vst v0;
	v0 =	vld [tilespmem:$0x1F5C0]  }
0x14d: {  	v49 =	vsel vm2, $0x19D, v49;
	v50 =	vsel vm2, $0x1AD, v50;
	v51 =	vsel vm2, $0x1BD, v51;
	[tilespmem:$0x1F5A0] =	vst v1;
	v1 =	vld [tilespmem:$0x1F5D0]  }
0x14e: {  	v52 =	vsel vm2, $0x1CD, v52;
	v53 =	vsel vm2, $0x1DD, v53;
	v55 =	vsel vm2, $0x1FD, v55  }
0x14f: {  	v56 =	vsel vm2, $0x20D, v56;
	v58 =	vsel vm2, $0x21D, v58;
	v60 =	vsel vm2, $0x22D, v60  }
0x150: {  	v61 =	vsel vm2, $0x23D, v61;
	v62 =	vsel vm2, $0x24D, v62;
	[tilespmem:$0x1F930] =	vst v53;
	v53 =	vsel vm2, $0x1ED, v54  }
0x151: {  	v63 =	vsel vm2, $0x25D, v63;
	v54 =	vsel vm2, $0x27D, v59;
	[tilespmem:$0x1F950] =	vst v53;
	v53 =	vsel vm2, $0x26D, v57  }
0x152: {  	v0 =	vsel vm2, $0x28D, v0;
	v1 =	vsel vm2, $0x29D, v1;
	vm2 =	vcmask $0x3B38  }
0x153: {  	v0 =	vsel vm2, $0x30E, v0  }
0x154: {  	v59 =	vsel vm2, $0x31E, v1;
	[tilespmem:$0x1F5E0] =	vst v0  }
0x155: {  	v57 =	vsel vm2, $0x32E, v2;
	[tilespmem:$0x1F5F0] =	vst v59  }
0x156: {  	v55 =	vsel vm2, $0x27E, v55;
	[tilespmem:$0x1F600] =	vst v57  }
0x157: {  	v60 =	vsel vm2, $0x2AE, v60;
	[tilespmem:$0x1F970] =	vst v55  }
0x158: {  	v61 =	vsel vm2, $0x2BE, v61;
	[tilespmem:$0x1F9A0] =	vst v60  }
0x159: {  	v59 =	vsel vm2, $0x33E, v3;
	[tilespmem:$0x1F9B0] =	vst v61  }
0x15a: {  	v57 =	vsel vm2, $0x34E, v4;
	[tilespmem:$0x1F610] =	vst v59  }
0x15b: {  	v4 =	vsel vm2, $0x36E, v6;
	[tilespmem:$0x1F620] =	vst v57  }
0x15c: {  	v6 =	vsel vm2, $0x38E, v8;
	[tilespmem:$0x1F640] =	vst v4  }
0x15d: {  	v8 =	vsel vm2, $0x3AE, v10;
	[tilespmem:$0x1F660] =	vst v6  }
0x15e: {  	v10 =	vsel vm2, $0x3CE, v12;
	[tilespmem:$0x1F680] =	vst v8  }
0x15f: {  	v12 =	vsel vm2, $0x3EE, v14;
	[tilespmem:$0x1F6A0] =	vst v10  }
0x160: {  	v14 =	vsel vm2, $0xE, v16;
	[tilespmem:$0x1F6C0] =	vst v12  }
0x161: {  	v16 =	vsel vm2, $0x2E, v18;
	[tilespmem:$0x1F6E0] =	vst v14  }
0x162: {  	v18 =	vsel vm2, $0x4E, v20;
	[tilespmem:$0x1F700] =	vst v16  }
0x163: {  	v20 =	vsel vm2, $0x6E, v22;
	[tilespmem:$0x1F720] =	vst v18  }
0x164: {  	v22 =	vsel vm2, $0x8E, v24;
	[tilespmem:$0x1F740] =	vst v20  }
0x165: {  	v24 =	vsel vm2, $0xAE, v26;
	[tilespmem:$0x1F760] =	vst v22  }
0x166: {  	v26 =	vsel vm2, $0xCE, v28;
	[tilespmem:$0x1F780] =	vst v24  }
0x167: {  	v28 =	vsel vm2, $0xEE, v30;
	[tilespmem:$0x1F7A0] =	vst v26  }
0x168: {  	v30 =	vsel vm2, $0x10E, v32;
	[tilespmem:$0x1F7C0] =	vst v28  }
0x169: {  	v32 =	vsel vm2, $0x12E, v34;
	[tilespmem:$0x1F7E0] =	vst v30  }
0x16a: {  	v34 =	vsel vm2, $0x14E, v36;
	[tilespmem:$0x1F800] =	vst v32  }
0x16b: {  	v36 =	vsel vm2, $0x16E, v38;
	[tilespmem:$0x1F820] =	vst v34  }
0x16c: {  	v38 =	vsel vm2, $0x18E, v40;
	[tilespmem:$0x1F840] =	vst v36  }
0x16d: {  	v40 =	vsel vm2, $0x1AE, v42;
	[tilespmem:$0x1F860] =	vst v38  }
0x16e: {  	v42 =	vsel vm2, $0x1CE, v44;
	[tilespmem:$0x1F880] =	vst v40  }
0x16f: {  	v44 =	vsel vm2, $0x1EE, v46;
	[tilespmem:$0x1F8A0] =	vst v42  }
0x170: {  	v46 =	vsel vm2, $0x20E, v48;
	[tilespmem:$0x1F8C0] =	vst v44  }
0x171: {  	v48 =	vsel vm2, $0x22E, v50;
	[tilespmem:$0x1F8E0] =	vst v46  }
0x172: {  	v50 =	vsel vm2, $0x24E, v52;
	[tilespmem:$0x1F900] =	vst v48  }
0x173: {  	v59 =	vsel vm2, $0x35E, v5;
	[tilespmem:$0x1F920] =	vst v50  }
0x174: {  	v5 =	vsel vm2, $0x37E, v7;
	[tilespmem:$0x1F630] =	vst v59  }
0x175: {  	v7 =	vsel vm2, $0x39E, v9;
	[tilespmem:$0x1F650] =	vst v5  }
0x176: {  	v9 =	vsel vm2, $0x3BE, v11;
	[tilespmem:$0x1F670] =	vst v7  }
0x177: {  	v11 =	vsel vm2, $0x3DE, v13;
	[tilespmem:$0x1F690] =	vst v9  }
0x178: {  	v13 =	vsel vm2, $0x3FE, v15;
	[tilespmem:$0x1F6B0] =	vst v11  }
0x179: {  	v15 =	vsel vm2, $0x1E, v17;
	[tilespmem:$0x1F6D0] =	vst v13  }
0x17a: {  	v17 =	vsel vm2, $0x3E, v19;
	[tilespmem:$0x1F6F0] =	vst v15  }
0x17b: {  	v19 =	vsel vm2, $0x5E, v21;
	[tilespmem:$0x1F710] =	vst v17  }
0x17c: {  	v21 =	vsel vm2, $0x7E, v23;
	[tilespmem:$0x1F730] =	vst v19  }
0x17d: {  	v23 =	vsel vm2, $0x9E, v25;
	[tilespmem:$0x1F750] =	vst v21  }
0x17e: {  	v25 =	vsel vm2, $0xBE, v27;
	[tilespmem:$0x1F770] =	vst v23  }
0x17f: {  	v27 =	vsel vm2, $0xDE, v29;
	[tilespmem:$0x1F790] =	vst v25  }
0x180: {  	v29 =	vsel vm2, $0xFE, v31;
	[tilespmem:$0x1F7B0] =	vst v27  }
0x181: {  	v31 =	vsel vm2, $0x11E, v33;
	[tilespmem:$0x1F7D0] =	vst v29  }
0x182: {  	v33 =	vsel vm2, $0x13E, v35;
	[tilespmem:$0x1F7F0] =	vst v31  }
0x183: {  	v35 =	vsel vm2, $0x15E, v37;
	[tilespmem:$0x1F810] =	vst v33  }
0x184: {  	v37 =	vsel vm2, $0x17E, v39;
	[tilespmem:$0x1F830] =	vst v35  }
0x185: {  	v39 =	vsel vm2, $0x19E, v41;
	[tilespmem:$0x1F850] =	vst v37  }
0x186: {  	v41 =	vsel vm2, $0x1BE, v43;
	[tilespmem:$0x1F870] =	vst v39  }
0x187: {  	v43 =	vsel vm2, $0x1DE, v45;
	[tilespmem:$0x1F890] =	vst v41  }
0x188: {  	v45 =	vsel vm2, $0x1FE, v47;
	[tilespmem:$0x1F8B0] =	vst v43  }
0x189: {  	v47 =	vsel vm2, $0x21E, v49;
	[tilespmem:$0x1F8D0] =	vst v45  }
0x18a: {  	v49 =	vsel vm2, $0x23E, v51;
	[tilespmem:$0x1F8F0] =	vst v47  }
0x18b: {  	v57 =	vsel vm2, $0x28E, v56;
	[tilespmem:$0x1F910] =	vst v49  }
0x18c: {  	v4 =	vsel vm2, $0x2CE, v62;
	[tilespmem:$0x1F980] =	vst v57  }
0x18d: {  	v8 =	vsel vm2, $0x2FE, v54;
	[tilespmem:$0x1F9C0] =	vst v4  }
0x18e: {  	v59 =	vsel vm2, $0x29E, v58;
	[tilespmem:$0x1F9F0] =	vst v8  }
0x18f: {  	v5 =	vsel vm2, $0x2DE, v63;
	[tilespmem:$0x1F990] =	vst v59  }
0x190: {  	v6 =	vimm.s32 $0x1000;
	v7 =	vsel vm2, $0x2EE, v53;
	[tilespmem:$0x1F9D0] =	vst v5  }
0x191: {  	v9 =	vsel vm5, $0x1400, v6;
	[tilespmem:$0x1F9E0] =	vst v7  }
0x192: {  	v10 =	vsel vm3, $0x1400, v6;
	[tilespmem:$0x1FA00] =	vst v9  }
0x193: {  	v11 =	vsel vm4, $0x1400, v6;
	[tilespmem:$0x1FA10] =	vst v10  }
0x194: {  	v12 =	vsel vm14, $0x1400, v6;
	[tilespmem:$0x1FA20] =	vst v11  }
0x195: {  	v13 =	vsel vm15, $0x1400, v6;
	[tilespmem:$0x1FA30] =	vst v12  }
0x196: {  	v14 =	vsel vm0, $0x1400, v6;
	[tilespmem:$0x1FA40] =	vst v13  }
0x197: {  	v15 =	vimm.s32 $0xC00;
	v16 =	vsel vm1, $0x1400, v6;
	[tilespmem:$0x1FA50] =	vst v14  }
0x198: {  	[tilespmem:$0x1FA60] =	vst v16;
	v17 =	vsel vm5, $0x800, v15  }
0x199: {  	v18 =	vsel vm3, $0x800, v15;
	[tilespmem:$0x1FA70] =	vst v17  }
0x19a: {  	v19 =	vsel vm4, $0x800, v15;
	[tilespmem:$0x1FA80] =	vst v18  }
0x19b: {  	v20 =	vsel vm14, $0x800, v15;
	[tilespmem:$0x1FA90] =	vst v19  }
0x19c: {  	v21 =	vsel vm15, $0x800, v15;
	[tilespmem:$0x1FAA0] =	vst v20  }
0x19d: {  	v22 =	vsel vm0, $0x800, v15;
	[tilespmem:$0x1FAB0] =	vst v21  }
0x19e: {  	v25 =	vimm.s32 $0x800;
	v24 =	vsel vm1, $0x800, v15;
	[tilespmem:$0x1FAC0] =	vst v22  }
0x19f: {  	v26 =	vsel vm5, $0xC00, v25;
	[tilespmem:$0x1FAD0] =	vst v24  }
0x1a0: {  	v27 =	vsel vm3, $0xC00, v25;
	[tilespmem:$0x1FAE0] =	vst v26  }
0x1a1: {  	v28 =	vsel vm4, $0xC00, v25;
	[tilespmem:$0x1FAF0] =	vst v27  }
0x1a2: {  	v29 =	vsel vm14, $0xC00, v25;
	[tilespmem:$0x1FB00] =	vst v28  }
0x1a3: {  	v30 =	vsel vm15, $0xC00, v25;
	[tilespmem:$0x1FB10] =	vst v29  }
0x1a4: {  	v32 =	vsel vm0, $0xC00, v25;
	[tilespmem:$0x1FB20] =	vst v30  }
0x1a5: {  	v35 =	vimm.s32 $0x400;
	v33 =	vsel vm1, $0xC00, v25;
	[tilespmem:$0x1FB30] =	vst v32  }
0x1a6: {  	v38 =	vsel vm5, $0x0, v35;
	[tilespmem:$0x1FB40] =	vst v33  }
0x1a7: {  	v39 =	vsel vm3, $0x0, v35;
	[tilespmem:$0x1FB50] =	vst v38  }
0x1a8: {  	v40 =	vsel vm4, $0x0, v35;
	[tilespmem:$0x1FB60] =	vst v39  }
0x1a9: {  	v62 =	vimm.s32 $0xCBA98765;
	v41 =	vsel vm14, $0x0, v35;
	[tilespmem:$0x1FB70] =	vst v40  }
0x1aa: {  	v3 =	vunpack.c.l.s4.s8 v62;
	v42 =	vsel vm15, $0x0, v35;
	[tilespmem:$0x1FB80] =	vst v41  }
0x1ab: {  	v44 =	vimm.s32 $0x98765432;
	v31 =	vimm.s32 $0xFEDCBA9;
	v43 =	vsel vm0, $0x0, v35;
	[tilespmem:$0x1FB90] =	vst v42  }
0x1ac: {  	v45 =	vsel vm1, $0x0, v35;
	v13 =	vimm.s32 $0x1C1B1A19;
	[tilespmem:$0x1FBA0] =	vst v43;
	v8 =	vunpack.c.0.s8.s32 v3  }
0x1ad: {  	v51 =	vld [tilespmem:$0x1F930];
	v37 =	vimm.s32 $0x10FEDCBA;
	v16 =	vimm.s32 $0x101F1E1D;
	[tilespmem:$0x1FBB0] =	vst v45;
	v15 =	vunpack.c.0.s8.s32 v13  }
0x1ae: {  	v47 =	vunpack.c.l.s4.s8 v44;
	v35 =	vimm.s32 $0x1211101F;
	v17 =	vunpack.c.0.s8.s32 v16;
	[tilespmem:$0x1FC50] =	vst v8  }
0x1af: {  	v44 =	vimm.s32 $0x13121110;
	v25 =	vunpack.c.l.s4.s8 v37;
	v37 =	vunpack.c.0.s8.s32 v35;
	[tilespmem:$0x1FCA0] =	vst v15  }
0x1b0: {  	v34 =	vunpack.c.l.s4.s8 v31;
	v45 =	vunpack.c.0.s8.s32 v44;
	[tilespmem:$0x1FCB0] =	vst v17  }
0x1b1: {  	v56 =	vimm.s32 $0x43210FED;
	v53 =	vimm.s32 $0xA9876543;
	[tilespmem:$0x1FD30] =	vst v37  }
0x1b2: {  	v23 =	vunpack.c.l.s4.s8 v53;
	v46 =	vunpack.c.0.s8.s32 v34;
	v0 =	vsel vm2, $0x25E, v51;
	[tilespmem:$0x1FD70] =	vst v45  }
0x1b3: {  	v59 =	vunpack.c.l.s4.s8 v56;
	v49 =	vunpack.c.0.s8.s32 v25;
	[tilespmem:$0x1F940] =	vst v0  }
0x1b4: {  	v58 =	vunpack.c.0.s8.s32 v23;
	[tilespmem:$0x1FBC0] =	vst v46  }
0x1b5: {  	v26 =	vimm.s32 $0x1D1C1B1A;
	v63 =	vunpack.c.0.s8.s32 v59;
	[tilespmem:$0x1FBE0] =	vst v49  }
0x1b6: {  	v28 =	vimm.s32 $0x11101F1E;
	v27 =	vunpack.c.0.s8.s32 v26;
	[tilespmem:$0x1FC10] =	vst v58  }
0x1b7: {  	v29 =	vimm.s32 $0x15141312;
	v30 =	vunpack.c.0.s8.s32 v28;
	[tilespmem:$0x1FC40] =	vst v63  }
0x1b8: {  	v32 =	vimm.s32 $0x19181716;
	v31 =	vunpack.c.0.s8.s32 v29;
	[tilespmem:$0x1FCE0] =	vst v27  }
0x1b9: {  	v38 =	vimm.s32 $0x16151413;
	v33 =	vunpack.c.0.s8.s32 v32;
	[tilespmem:$0x1FCF0] =	vst v30  }
0x1ba: {  	v52 =	vld [tilespmem:$0x1F950];
	v40 =	vimm.s32 $0x1A191817;
	v39 =	vunpack.c.0.s8.s32 v38;
	[tilespmem:$0x1FD00] =	vst v31  }
0x1bb: {  	v55 =	vimm.s32 $0xBA987654;
	v41 =	vimm.s32 $0x1F1E1D1C;
	v42 =	vunpack.c.0.s8.s32 v40;
	[tilespmem:$0x1FD10] =	vst v33  }
0x1bc: {  	v36 =	vimm.s32 $0x87654321;
	v53 =	vimm.s32 $0x24232221;
	v43 =	vunpack.c.0.s8.s32 v41;
	[tilespmem:$0x1FD40] =	vst v39  }
0x1bd: {  	v24 =	vunpack.c.l.s4.s8 v36;
	v25 =	vunpack.c.l.s4.s8 v55;
	v55 =	vunpack.c.0.s8.s32 v53;
	[tilespmem:$0x1FD50] =	vst v42  }
0x1be: {  	v7 =	vimm.s32 $0xEDCBA987;
	[tilespmem:$0x1FD60] =	vst v43  }
0x1bf: {  	v10 =	vunpack.c.l.s4.s8 v7;
	v48 =	vunpack.c.0.s8.s32 v24;
	v0 =	vsel vm2, $0x26E, v52;
	[tilespmem:$0x1FDC0] =	vst v55  }
0x1c0: {  	v51 =	vunpack.c.0.s8.s32 v47;
	[tilespmem:$0x1F960] =	vst v0  }
0x1c1: {  	v34 =	vimm.s32 $0x1E1D1C1B;
	v14 =	vunpack.c.0.s8.s32 v10;
	[tilespmem:$0x1FBD0] =	vst v48  }
0x1c2: {  	v7 =	vimm.s32 $0x2221202F;
	v36 =	vunpack.c.0.s8.s32 v34;
	[tilespmem:$0x1FBF0] =	vst v51  }
0x1c3: {  	v26 =	vimm.s32 $0x303F3E3D;
	v8 =	vunpack.c.0.s8.s32 v7;
	[tilespmem:$0x1FC90] =	vst v14  }
0x1c4: {  	v4 =	vimm.s32 $0x543210FE;
	v32 =	vimm.s32 $0x3D3C3B3A;
	v28 =	vunpack.c.0.s8.s32 v26;
	[tilespmem:$0x1FD20] =	vst v36  }
0x1c5: {  	v23 =	vunpack.c.l.s4.s8 v4;
	v34 =	vunpack.c.0.s8.s32 v32;
	[tilespmem:$0x1FE30] =	vst v8  }
0x1c6: {  	v61 =	vunpack.c.0.s8.s32 v25;
	[tilespmem:$0x1FEB0] =	vst v28  }
0x1c7: {  	v47 =	vimm.s32 $0x1B1A1918;
	v9 =	vunpack.c.0.s8.s32 v23;
	[tilespmem:$0x1FEE0] =	vst v34  }
0x1c8: {  	v54 =	vimm.s32 $0x3210FEDC;
	v62 =	vimm.s32 $0x25242322;
	v49 =	vunpack.c.0.s8.s32 v47;
	[tilespmem:$0x1FC30] =	vst v61  }
0x1c9: {  	v6 =	vimm.s32 $0x6543210F;
	v4 =	vimm.s32 $0x2E2D2C2B;
	v63 =	vunpack.c.0.s8.s32 v62;
	[tilespmem:$0x1FC60] =	vst v9  }
0x1ca: {  	v15 =	vimm.s32 $0x23222120;
	v25 =	vunpack.c.l.s4.s8 v6;
	v6 =	vunpack.c.0.s8.s32 v4;
	[tilespmem:$0x1FD90] =	vst v49  }
0x1cb: {  	v29 =	vimm.s32 $0x34333231;
	v24 =	vunpack.c.l.s4.s8 v54;
	v17 =	vunpack.c.0.s8.s32 v15;
	[tilespmem:$0x1FE00] =	vst v63  }
0x1cc: {  	v30 =	vunpack.c.0.s8.s32 v29;
	[tilespmem:$0x1FE20] =	vst v6  }
0x1cd: {  	v50 =	vimm.s32 $0x210FEDCB;
	v46 =	vimm.s32 $0x17161514;
	v60 =	vunpack.c.0.s8.s32 v24;
	[tilespmem:$0x1FE70] =	vst v17  }
0x1ce: {  	v52 =	vunpack.c.l.s4.s8 v50;
	v50 =	vimm.s32 $0x2C2B2A29;
	v48 =	vunpack.c.0.s8.s32 v46;
	[tilespmem:$0x1FEC0] =	vst v30  }
0x1cf: {  	v5 =	vimm.s32 $0xDCBA9876;
	v3 =	vimm.s32 $0x29282726;
	v51 =	vunpack.c.0.s8.s32 v50;
	[tilespmem:$0x1FC20] =	vst v60  }
0x1d0: {  	v13 =	vimm.s32 $0x2F2E2D2C;
	v24 =	vunpack.c.l.s4.s8 v5;
	v5 =	vunpack.c.0.s8.s32 v3;
	[tilespmem:$0x1FD80] =	vst v48  }
0x1d1: {  	v31 =	vimm.s32 $0x38373635;
	v14 =	vunpack.c.0.s8.s32 v13;
	[tilespmem:$0x1FDA0] =	vst v51  }
0x1d2: {  	v33 =	vunpack.c.0.s8.s32 v31;
	[tilespmem:$0x1FE10] =	vst v5  }
0x1d3: {  	v57 =	vunpack.c.0.s8.s32 v52;
	[tilespmem:$0x1FE60] =	vst v14  }
0x1d4: {  	v19 =	vimm.s32 $0x18171615;
	v12 =	vunpack.c.0.s8.s32 v25;
	[tilespmem:$0x1FED0] =	vst v33  }
0x1d5: {  	v59 =	vimm.s32 $0x21202F2E;
	v25 =	vunpack.c.0.s8.s32 v19;
	[tilespmem:$0x1FC00] =	vst v57  }
0x1d6: {  	v61 =	vunpack.c.0.s8.s32 v59;
	[tilespmem:$0x1FC80] =	vst v12  }
0x1d7: {  	v18 =	vimm.s32 $0x14131211;
	v11 =	vunpack.c.0.s8.s32 v24;
	[tilespmem:$0x1FCD0] =	vst v25  }
0x1d8: {  	v52 =	vimm.s32 $0x202F2E2D;
	v24 =	vunpack.c.0.s8.s32 v18;
	[tilespmem:$0x1FDF0] =	vst v61  }
0x1d9: {  	v58 =	vimm.s32 $0x2D2C2B2A;
	v54 =	vunpack.c.0.s8.s32 v52;
	[tilespmem:$0x1FC70] =	vst v11  }
0x1da: {  	v16 =	vimm.s32 $0x27262524;
	v60 =	vunpack.c.0.s8.s32 v58;
	[tilespmem:$0x1FCC0] =	vst v24  }
0x1db: {  	v56 =	vimm.s32 $0x28272625;
	v18 =	vunpack.c.0.s8.s32 v16;
	[tilespmem:$0x1FDB0] =	vst v54  }
0x1dc: {  	v10 =	vimm.s32 $0x2A292827;
	v57 =	vunpack.c.0.s8.s32 v56;
	[tilespmem:$0x1FDE0] =	vst v60  }
0x1dd: {  	v9 =	vimm.s32 $0x26252423;
	v12 =	vunpack.c.0.s8.s32 v10;
	[tilespmem:$0x1FE80] =	vst v18  }
0x1de: {  	v19 =	vimm.s32 $0x2B2A2928;
	v11 =	vunpack.c.0.s8.s32 v9;
	[tilespmem:$0x1FDD0] =	vst v57  }
0x1df: {  	v25 =	vimm.s32 $0x3C3B3A39;
	v24 =	vunpack.c.0.s8.s32 v19;
	[tilespmem:$0x1FE50] =	vst v12  }
0x1e0: {  	v35 =	vimm.s32 $0x31303F3E;
	v27 =	vunpack.c.0.s8.s32 v25;
	[tilespmem:$0x1FE40] =	vst v11  }
0x1e1: {  	s4 =	rddreg [dreg:$0x0];
	s2 =	simm.s32 $0x0;
	v37 =	vimm.s32 $0x35343332;
	v36 =	vunpack.c.0.s8.s32 v35;
	[tilespmem:$0x1FE90] =	vst v24  }
0x1e2: {  	[smem:$0x7FF] =	sst s2;
	v38 =	vimm.s32 $0x39383736;
	v39 =	vunpack.c.0.s8.s32 v37;
	[tilespmem:$0x1FEA0] =	vst v27  }
0x1e3: {  	s6 =	rddreg [dreg:$0x1];
	v41 =	vimm.s32 $0x3E3D3C3B;
	v40 =	vunpack.c.0.s8.s32 v38;
	_ =	strace $0x80000047;
	[tilespmem:$0x1FEF0] =	vst v36  }
0x1e4: {  	v42 =	vunpack.c.0.s8.s32 v41;
	v43 =	vimm.s32 $0x3231303F;
	[tilespmem:$0x1FF00] =	vst v39  }
0x1e5: {  	v44 =	vimm.s32 $0x36353433;
	v45 =	vunpack.c.0.s8.s32 v43;
	[tilespmem:$0x1FF10] =	vst v40  }
0x1e6: {  	v47 =	vimm.s32 $0x3A393837;
	v46 =	vunpack.c.0.s8.s32 v44;
	[tilespmem:$0x1FF20] =	vst v42  }
0x1e7: {  	v49 =	vimm.s32 $0x3F3E3D3C;
	v48 =	vunpack.c.0.s8.s32 v47;
	[tilespmem:$0x1FF30] =	vst v45  }
0x1e8: {  	s3 =	srdreg.scid;
	s11 =	simm.s32 $0x1000;
	v50 =	vimm.s32 $0x33323130;
	v51 =	vunpack.c.0.s8.s32 v49;
	[tilespmem:$0x1FF40] =	vst v46  }
0x1e9: {  	s0 =	stileid.u32;
	s12 =	simm.s32 $0x6400;
	s13 =	simm.s32 $0x8400;
	v53 =	vimm.s32 $0x37363534;
	v52 =	vunpack.c.0.s8.s32 v50;
	[tilespmem:$0x1FF50] =	vst v48  }
0x1ea: {  	s14 =	simm.s32 $0x100;
	s15 =	simm.s32 $0xA400;
	s16 =	simm.s32 $0x180;
	v56 =	vimm.s32 $0x3B3A3938;
	v54 =	vunpack.c.0.s8.s32 v53;
	[tilespmem:$0x1FF60] =	vst v51  }
0x1eb: {  	s17 =	simm.s32 $0xC400;
	s18 =	simm.s32 $0x1;
	s19 =	simm.s32 $0x2;
	v57 =	vunpack.c.0.s8.s32 v56;
	[tilespmem:$0x1FF70] =	vst v52  }
0x1ec: {  	s20 =	simm.s32 $0x16400;
	s21 =	simm.s32 $0x400;
	s22 =	simm.s32 $0x8000;
	v55 =	vimm.s32 $0x0;
	[tilespmem:$0x1FF80] =	vst v54  }
0x1ed: {  	s23 =	simm.s32 $0x0;
	s7 =	sand.u32 $0x1, s3;
	s29 =	sshll.u32 s0, $0x5;
	v58 =	vsel vm5, $0x400, v55;
	[tilespmem:$0x1FF90] =	vst v57  }
0x1ee: {  	s10 =	sshll.u32 s0, $0x8;
	s5 =	sshll.u32 s7, $0x4;
	s30 =	ssub.s32 $0x2, s7;
	v59 =	vsel vm3, $0x400, v55;
	[tilespmem:$0x1FFA0] =	vst v58  }
.Ltmp0:
0x1ef: {  	s31 =	sadd.s32 s10, s6;
	s7 =	sshll.u32 s7, $0x7;
	v60 =	vsel vm4, $0x400, v55;
	[tilespmem:$0x1FFB0] =	vst v59;
	(pc) =	sbr.rel .LBB2_1-.Ltmp0, $4  }
0x1f0: {  	s10 =	simm.s32 $0x80;
	s3 =	sor.u32 s5, s29;
	s9 =	sshrl.u32 s30, $0x1;
	v62 =	vsel vm14, $0x400, v55;
	v61 =	vlaneseq.u32;
	[tilespmem:$0x1FFC0] =	vst v60  }
0x1f1: {  	s7 =	sadd.s32 s7, s31;
	s8 =	sadd.s32 s3, s4;
	s3 =	sadd.s32 $0x19C00, s4;
	v0 =	vsel vm15, $0x400, v55;
	v63 =	vmul.u32 $0x40, v61;
	[tilespmem:$0x1FFD0] =	vst v62  }
0x1f2: {  	s4 =	sadd.s32 $0x400, s4;
	s9 =	ssub.s32 s30, s9;
	s5 =	sadd.s32 $0xC00, s8;
	[tilespmem:$0x1FFE0] =	vst v0  }
0x1f3: {  	s6 =	smax.u32 s9, $0x1;
	s8 =	simm.s32 $0x1A400;
	s9 =	simm.s32 $0x3;
	vm2 =	vcmask $0x1F10;
	[tilespmem:$0x1FFF0] =	vst v63  }
.LBB2_8:
0x1f4: {  	s23 =	sadd.s32 $0x1, s23  }
0x1f5: {  	_ =	swait.ge [sflag:s19], $0x2000;
	p0 =	sne.s32 s23, s6  }
.Ltmp1:
0x1f6: {  	[sflag:s19] =	ssyncset.done $0x0;
	(pc) =	sbr.rel @!p0 .LBB2_9-.Ltmp1, $4  }
0x1f7: {  	[sflag:s19] =	ssyncadd.s32 $0xFFFFE000  }
0x1f8: {  	_ =	swait.ge [sflag:s19], $0x2000  }
0x1f9: {  	[sflag:s19] =	ssyncset.done $0x0  }
0x1fa: {  	[sflag:s19] =	ssyncadd.s32 $0xFFFFE000  }
.LBB2_1:
0x1fb: {  	[tilespmem:s8], [sflag:$0x3] =	stream.linear.gather [hbm4b:s4+s2], $0x3200, $0x38;
	[tilespmem:$0x1D600] =	vst v63  }
0x1fc: {  	_ =	swait.ge [sflag:s9], $0x3200  }
0x1fd: {  	[sflag:s9] =	ssyncset.done $0x0  }
0x1fe: {  	[sflag:s9] =	ssyncadd.s32 $0xFFFFCE00  }
0x1ff: {  	[tilespmem:s2], [sflag:$0x3] =	stream.strided.gather [hbm4b:s5+s10], $0x6400, s11, s10, $0x38;
	[tilespmem:$0x1D600] =	vst v63  }
0x200: {  	_ =	swait.ge [sflag:s9], $0x6400  }
0x201: {  	[sflag:s9] =	ssyncset.done $0x0  }
0x202: {  	[sflag:s9] =	ssyncadd.s32 $0xFFFF9C00  }
0x203: {  	[tilespmem:s12], [sflag:$0x1] =	stream.indirect.gather [hbm4b:s3+s10], $0x40, s2, s10, $0xb8;
	[tilespmem:$0x1D600] =	vst v63  }
0x204: {  	_ = 	snop  }
0x205: {  	[tilespmem:s13], [sflag:$0x1] =	stream.indirect.gather [hbm4b:s3+s10], $0x40, s10, s10, $0xb8;
	[tilespmem:$0x1D600] =	vst v63  }
.Ltmp2:
0x206: {  	_ = 	snop;
	(pc) =	sbr.rel .LBB2_2-.Ltmp2, $4  }
0x207: {  	s24 =	simm.s32 $0x0;
	s25 =	simm.s32 $0x0  }
0x208: {  	[tilespmem:s15], [sflag:$0x1] =	stream.indirect.gather [hbm4b:s3+s10], $0x40, s14, s10, $0xb8;
	[tilespmem:$0x1D600] =	vst v63  }
0x209: {  	s26 =	smov.u32 s7;
	s28 =	simm.s32 $0x0;
	s29 =	simm.s32 $0x0  }
0x20a: {  	[tilespmem:s17], [sflag:$0x1] =	stream.indirect.gather [hbm4b:s3+s10], $0x40, s16, s10, $0xb8;
	[tilespmem:$0x1D600] =	vst v63  }
.LBB2_6:
0x20b: {  	_ =	swait.ge [sflag:s19], $0x2000  }
0x20c: {  	[sflag:s19] =	ssyncset.done $0x0  }
0x20d: {  	[sflag:s19] =	ssyncadd.s32 $0xFFFFE000  }
.LBB2_7:
0x20e: {  	s0 =	sand.u32 $0x380, s24  }
0x20f: {  	v0 =	vld [tilespmem:$0x1FFF0];
	v1 =	vlaneseq.u32;
	s1 =	sor.u32 $0x10, s0  }
0x210: {  	v53 =	vld [tilespmem:$0x1F5E0];
	s30 =	sor.u32 $0x20, s0;
	v24 =	vmov s0;
	s31 =	sor.u32 $0x40, s0;
	v33 =	vshrl.u32 v1, $0x3;
	v23 =	vmov s1  }
0x211: {  	v52 =	vld [tilespmem:$0x1F5F0];
	v25 =	vmov s30;
	s30 =	sor.u32 $0x30, s0;
	v24 =	vshll.u32 v24, $0x6;
	v55 =	vmov s31  }
0x212: {  	v12 =	vld [tilespmem:$0x1F600];
	s31 =	sor.u32 $0x60, s0;
	v16 =	vmul.u32 $0x400, v33;
	v26 =	vshll.u32 v23, $0x6;
	v54 =	vmov s30  }
0x213: {  	v49 =	vld [tilespmem:$0x1F610];
	s1 =	sand.u32 $0x8, s25;
	v25 =	vshll.u32 v25, $0x6;
	s30 =	sor.u32 $0x50, s0;
	v28 =	vshll.u32 v55, $0x6;
	v30 =	vmov s31  }
0x214: {  	v48 =	vld [tilespmem:$0x1F630];
	s31 =	sshll.u32 s29, $0x6;
	v38 =	vmov s1;
	v27 =	vshll.u32 v54, $0x6;
	v29 =	vmov s30  }
0x215: {  	v2 =	vld [tilespmem:$0x1FBC0];
	s0 =	sor.u32 $0x70, s0;
	v32 =	vshll.u32 v30, $0x6;
	v35 =	vor.u32 s31, v1;
	v23 =	vor.u32 v0, v24  }
0x216: {  	v3 =	vld [tilespmem:$0x1FBD0];
	v56 =	vmov s0;
	v24 =	vor.u32 v0, v26;
	v31 =	vor.u32 v1, v23  }
0x217: {  	v13 =	vld [tilespmem:$0x1F640];
	v29 =	vshll.u32 v29, $0x6;
	v30 =	vor.u32 v0, v25;
	v34 =	vor.u32 v1, v24  }
0x218: {  	v51 =	vld [tilespmem:$0x1F650];
	v26 =	vor.u32 v0, v27;
	v27 =	vor.u32 v0, v28;
	v37 =	vor.u32 v1, v30  }
0x219: {  	v39 =	vor.u32 v1, v26;
	v25 =	vor.u32 v0, v29;
	v29 =	vor.u32 v0, v32;
	v32 =	vld [tilespmem:$0x1F620]  }
0x21a: {  	v36 =	vshll.u32 v56, $0x6;
	v28 =	vshll.u32 v38, $0xA;
	v41 =	vor.u32 v1, v27;
	v35 =	vld.idx.msk [tilespmem:v35+s8+$0x0], $0xffff  }
0x21b: {  	v46 =	vcombine.low v3, v2;
	v38 =	vor.u32 v16, v28;
	v42 =	vor.u32 v1, v25;
	v40 =	vld.idx.msk [tilespmem:v31+s12+$0x0], $0xffff  }
0x21c: {  	v43 =	vor.u32 v1, v29;
	v44 =	vor.u32 v53, v38;
	v34 =	vld.idx.msk [tilespmem:v34+s12+$0x0], $0xffff;
	v31 =	vor.u32 v0, v36  }
0x21d: {  	v45 =	vor.u32 v52, v38;
	v59 =	vor.u32 v12, v38;
	v57 =	vld.idx.msk [tilespmem:v37+s12+$0x0], $0xffff;
	v58 =	vor.u32 v1, v31  }
0x21e: {  	v61 =	vor.u32 v49, v38;
	v63 =	vor.u32 v48, v38;
	v4 =	vand.u32 $0xF, v46;
	v39 =	vld.idx.msk [tilespmem:v39+s12+$0x0], $0xffff  }
0x21f: {  	v47 =	vor.u32 v13, v38;
	v7 =	vor.u32 v4, v23;
	v9 =	vor.u32 v4, v24;
	v41 =	vld.idx.msk [tilespmem:v41+s12+$0x0], $0xffff  }
0x220: {  	v10 =	vor.u32 v4, v30;
	v11 =	vor.u32 v4, v26;
	v42 =	vld.idx.msk [tilespmem:v42+s12+$0x0], $0xffff;
	v40 =	vadd.f32 v40, v40  }
0x221: {  	v14 =	vor.u32 v4, v27;
	v15 =	vor.u32 v4, v25;
	v43 =	vld.idx.msk [tilespmem:v43+s12+$0x0], $0xffff;
	v34 =	vadd.f32 v34, v34  }
0x222: {  	v62 =	vor.u32 v32, v38;
	v36 =	vadd.f32 v57, v57;
	v37 =	vld.idx.msk [tilespmem:v58+s12+$0x0], $0xffff;
	v40 =	vadd.f32 v40, v35  }
0x223: {  	v38 =	vor.u32 v51, v38;
	v60 =	vadd.f32 v39, v39;
	v34 =	vadd.f32 v34, v35  }
0x224: {  	v41 =	vadd.f32 v41, v41;
	v36 =	vadd.f32 v36, v35;
	[tilespmem:v44+s20+$0x0] =	vst.idx.msk $0xffff, v40  }
0x225: {  	v42 =	vadd.f32 v42, v42;
	[tilespmem:v45+s20+$0x0] =	vst.idx.msk $0xffff, v34;
	v34 =	vadd.f32 v60, v35  }
0x226: {  	v1 =	vadd.f32 v43, v43;
	v41 =	vadd.f32 v41, v35;
	[tilespmem:v59+s20+$0x0] =	vst.idx.msk $0xffff, v36  }
0x227: {  	v6 =	vor.u32 s31, v4;
	v5 =	vadd.f32 v42, v35;
	v37 =	vadd.f32 v37, v37;
	[tilespmem:v61+s20+$0x0] =	vst.idx.msk $0xffff, v34  }
0x228: {  	v54 =	vld [tilespmem:$0x1F6B0];
	v19 =	vor.u32 v4, v29;
	v36 =	vadd.f32 v1, v35;
	[tilespmem:v62+s20+$0x0] =	vst.idx.msk $0xffff, v41  }
0x229: {  	v40 =	vor.u32 v4, v31;
	v4 =	vld [tilespmem:$0x1F690];
	v8 =	vadd.f32 v37, v35;
	[tilespmem:v63+s20+$0x0] =	vst.idx.msk $0xffff, v5  }
0x22a: {  	v5 =	vld [tilespmem:$0x1FBF0];
	[tilespmem:v47+s20+$0x0] =	vst.idx.msk $0xffff, v36  }
0x22b: {  	[tilespmem:v38+s20+$0x0] =	vst.idx.msk $0xffff, v8;
	v8 =	vld [tilespmem:$0x1F6D0]  }
0x22c: {  	v34 =	vld.idx.msk [tilespmem:v6+s8+$0x0], $0xffff  }
0x22d: {  	v38 =	vld.idx.msk [tilespmem:v7+s12+$0x0], $0xffff  }
0x22e: {  	v35 =	vld.idx.msk [tilespmem:v9+s12+$0x0], $0xffff  }
0x22f: {  	v36 =	vld.idx.msk [tilespmem:v10+s12+$0x0], $0xffff  }
0x230: {  	v37 =	vld.idx.msk [tilespmem:v11+s12+$0x0], $0xffff  }
0x231: {  	v11 =	vld [tilespmem:$0x1F660]  }
0x232: {  	v39 =	vld.idx.msk [tilespmem:v14+s12+$0x0], $0xffff  }
0x233: {  	v10 =	vld [tilespmem:$0x1F670]  }
0x234: {  	v0 =	vimm.s32 $0x0;
	v41 =	vld.idx.msk [tilespmem:v15+s12+$0x0], $0xffff  }
0x235: {  	v18 =	vsel vm1, $0x400, v0;
	v9 =	vld [tilespmem:$0x1F680]  }
0x236: {  	v42 =	vor.u32 v18, v28;
	v7 =	vld [tilespmem:$0x1F6A0]  }
0x237: {  	v59 =	vor.u32 v54, v42;
	v6 =	vld [tilespmem:$0x1FBE0]  }
0x238: {  	v50 =	vor.u32 v4, v42;
	v14 =	vld [tilespmem:$0x1F6C0];
	v63 =	vor.u32 v8, v42;
	v20 =	vor.u32 v11, v42  }
0x239: {  	v43 =	vld.idx.msk [tilespmem:v19+s12+$0x0], $0xffff;
	v38 =	vadd.f32 v38, v38;
	v21 =	vor.u32 v10, v42;
	v35 =	vadd.f32 v35, v35  }
0x23a: {  	v40 =	vld.idx.msk [tilespmem:v40+s12+$0x0], $0xffff;
	v22 =	vor.u32 v9, v42;
	v36 =	vadd.f32 v36, v36;
	v56 =	vadd.f32 v37, v37  }
0x23b: {  	v57 =	vadd.f32 v39, v39;
	v58 =	vor.u32 v7, v42;
	v38 =	vadd.f32 v38, v34  }
0x23c: {  	v60 =	vcombine.low v5, v6;
	v41 =	vadd.f32 v41, v41;
	v35 =	vadd.f32 v35, v34  }
0x23d: {  	v61 =	vor.u32 v14, v42;
	v36 =	vadd.f32 v36, v34;
	[tilespmem:v20+s20+$0x0] =	vst.idx.msk $0xffff, v38  }
0x23e: {  	v62 =	vadd.f32 v43, v43;
	[tilespmem:v21+s20+$0x0] =	vst.idx.msk $0xffff, v35;
	v35 =	vadd.f32 v56, v34  }
0x23f: {  	v40 =	vadd.f32 v40, v40;
	v1 =	vand.u32 $0xF, v60;
	[tilespmem:v22+s20+$0x0] =	vst.idx.msk $0xffff, v36;
	v36 =	vadd.f32 v57, v34  }
0x240: {  	v41 =	vadd.f32 v41, v34;
	v15 =	vor.u32 v1, v23;
	[tilespmem:v50+s20+$0x0] =	vst.idx.msk $0xffff, v35  }
0x241: {  	v18 =	vor.u32 v1, v24;
	v35 =	vadd.f32 v62, v34;
	[tilespmem:v58+s20+$0x0] =	vst.idx.msk $0xffff, v36  }
0x242: {  	v19 =	vor.u32 s31, v1;
	v56 =	vld [tilespmem:$0x1F6E0];
	v34 =	vadd.f32 v40, v34;
	[tilespmem:v59+s20+$0x0] =	vst.idx.msk $0xffff, v41  }
0x243: {  	v20 =	vor.u32 v1, v30;
	v58 =	vld [tilespmem:$0x1FC00];
	[tilespmem:v61+s20+$0x0] =	vst.idx.msk $0xffff, v35  }
0x244: {  	v21 =	vor.u32 v1, v26;
	v59 =	vld [tilespmem:$0x1FC10];
	[tilespmem:v63+s20+$0x0] =	vst.idx.msk $0xffff, v34  }
0x245: {  	v22 =	vor.u32 v1, v27;
	v38 =	vld.idx.msk [tilespmem:v15+s12+$0x0], $0xffff  }
0x246: {  	v36 =	vld.idx.msk [tilespmem:v18+s12+$0x0], $0xffff  }
0x247: {  	v50 =	vor.u32 v1, v25;
	v37 =	vld.idx.msk [tilespmem:v19+s8+$0x0], $0xffff  }
0x248: {  	v35 =	vld.idx.msk [tilespmem:v20+s12+$0x0], $0xffff  }
0x249: {  	v34 =	vld.idx.msk [tilespmem:v21+s12+$0x0], $0xffff  }
0x24a: {  	v39 =	vld.idx.msk [tilespmem:v22+s12+$0x0], $0xffff  }
0x24b: {  	v15 =	vld [tilespmem:$0x1F6F0]  }
0x24c: {  	v40 =	vld.idx.msk [tilespmem:v50+s12+$0x0], $0xffff  }
0x24d: {  	v61 =	vor.u32 v1, v29;
	v20 =	vld [tilespmem:$0x1F700]  }
0x24e: {  	v19 =	vld [tilespmem:$0x1F710]  }
0x24f: {  	v60 =	vsel vm0, $0x400, v0;
	v42 =	vor.u32 v1, v31;
	v18 =	vld [tilespmem:$0x1F720]  }
0x250: {  	v41 =	vor.u32 v60, v28;
	v21 =	vld [tilespmem:$0x1F730]  }
0x251: {  	v62 =	vor.u32 v56, v41;
	v22 =	vld [tilespmem:$0x1F740];
	v50 =	vcombine.low v59, v58;
	v38 =	vadd.f32 v38, v38  }
0x252: {  	v43 =	vld.idx.msk [tilespmem:v61+s12+$0x0], $0xffff;
	v63 =	vor.u32 v15, v41;
	v36 =	vadd.f32 v36, v36;
	v35 =	vadd.f32 v35, v35  }
0x253: {  	v61 =	vld [tilespmem:$0x1F750];
	v0 =	vor.u32 v20, v41;
	v34 =	vadd.f32 v34, v34;
	v1 =	vor.u32 v19, v41  }
0x254: {  	v42 =	vld.idx.msk [tilespmem:v42+s12+$0x0], $0xffff;
	v39 =	vadd.f32 v39, v39;
	v44 =	vor.u32 v18, v41;
	v38 =	vadd.f32 v38, v37  }
0x255: {  	v45 =	vor.u32 v21, v41;
	v40 =	vadd.f32 v40, v40;
	v36 =	vadd.f32 v36, v37  }
0x256: {  	v55 =	vor.u32 v22, v41;
	v35 =	vadd.f32 v35, v37;
	[tilespmem:v62+s20+$0x0] =	vst.idx.msk $0xffff, v38  }
0x257: {  	v34 =	vadd.f32 v34, v37;
	v39 =	vadd.f32 v39, v37;
	[tilespmem:v63+s20+$0x0] =	vst.idx.msk $0xffff, v36  }
0x258: {  	v57 =	vadd.f32 v43, v43;
	v60 =	vor.u32 v61, v41;
	v62 =	vand.u32 $0xF, v50;
	[tilespmem:v0+s20+$0x0] =	vst.idx.msk $0xffff, v35  }
0x259: {  	v63 =	vadd.f32 v40, v37;
	v0 =	vadd.f32 v42, v42;
	[tilespmem:v1+s20+$0x0] =	vst.idx.msk $0xffff, v34;
	v1 =	vor.u32 s31, v62  }
0x25a: {  	v46 =	vor.u32 v62, v24;
	v35 =	vadd.f32 v57, v37;
	[tilespmem:v44+s20+$0x0] =	vst.idx.msk $0xffff, v39  }
0x25b: {  	v47 =	vor.u32 v62, v30;
	[tilespmem:v45+s20+$0x0] =	vst.idx.msk $0xffff, v63;
	v45 =	vadd.f32 v0, v37  }
0x25c: {  	[tilespmem:v55+s20+$0x0] =	vst.idx.msk $0xffff, v35  }
0x25d: {  	v50 =	vor.u32 v62, v26;
	[tilespmem:v60+s20+$0x0] =	vst.idx.msk $0xffff, v45;
	v60 =	vld [tilespmem:$0x1F760]  }
0x25e: {  	v44 =	vor.u32 v62, v23;
	v34 =	vld.idx.msk [tilespmem:v1+s8+$0x0], $0xffff  }
0x25f: {  	v55 =	vor.u32 v62, v27;
	v36 =	vld.idx.msk [tilespmem:v46+s12+$0x0], $0xffff  }
0x260: {  	v35 =	vld.idx.msk [tilespmem:v47+s12+$0x0], $0xffff  }
0x261: {  	v57 =	vor.u32 v62, v25;
	v47 =	vld [tilespmem:$0x1FFE0]  }
0x262: {  	v37 =	vld.idx.msk [tilespmem:v50+s12+$0x0], $0xffff  }
0x263: {  	[tilespmem:$0x1F2D0] =	vst v16;
	v38 =	vld.idx.msk [tilespmem:v44+s12+$0x0], $0xffff  }
0x264: {  	v39 =	vld.idx.msk [tilespmem:v55+s12+$0x0], $0xffff  }
0x265: {  	v41 =	vor.u32 v62, v31;
	v42 =	vor.u32 v62, v29;
	v62 =	vld [tilespmem:$0x1F770]  }
0x266: {  	v40 =	vld.idx.msk [tilespmem:v57+s12+$0x0], $0xffff  }
0x267: {  	v57 =	vld [tilespmem:$0x1F780];
	_ =	sdelay $0x1  }
0x268: {  	v43 =	vor.u32 v47, v28  }
0x269: {  	v50 =	vor.u32 v60, v43  }
0x26a: {  	v42 =	vld.idx.msk [tilespmem:v42+s12+$0x0], $0xffff;
	v38 =	vadd.f32 v38, v38;
	v55 =	vor.u32 v62, v43  }
0x26b: {  	v41 =	vld.idx.msk [tilespmem:v41+s12+$0x0], $0xffff;
	v36 =	vadd.f32 v36, v36;
	v63 =	vor.u32 v57, v43  }
0x26c: {  	v35 =	vadd.f32 v35, v35;
	v47 =	vld [tilespmem:$0x1F790];
	v38 =	vadd.f32 v38, v34  }
0x26d: {  	v44 =	vld [tilespmem:$0x1F7A0];
	v36 =	vadd.f32 v36, v34  }
0x26e: {  	v45 =	vld [tilespmem:$0x1F7B0];
	v35 =	vadd.f32 v35, v34;
	[tilespmem:v50+s20+$0x0] =	vst.idx.msk $0xffff, v38  }
0x26f: {  	v46 =	vld [tilespmem:$0x1FC20];
	[tilespmem:v55+s20+$0x0] =	vst.idx.msk $0xffff, v36  }
0x270: {  	v55 =	vadd.f32 v37, v37;
	[tilespmem:v63+s20+$0x0] =	vst.idx.msk $0xffff, v35;
	v63 =	vld [tilespmem:$0x1FC30]  }
0x271: {  	v50 =	vor.u32 v47, v43;
	v47 =	vld [tilespmem:$0x1F7C0]  }
0x272: {  	v36 =	vadd.f32 v55, v34;
	v55 =	vld [tilespmem:$0x1F7D0];
	_ =	sdelay $0x1  }
0x273: {  	v57 =	vadd.f32 v39, v39;
	v37 =	vor.u32 v44, v43  }
0x274: {  	v39 =	vor.u32 v45, v43;
	v44 =	vcombine.low v63, v46  }
0x275: {  	v40 =	vadd.f32 v40, v40;
	v35 =	vadd.f32 v57, v34;
	v45 =	vor.u32 v47, v43  }
0x276: {  	[tilespmem:v50+s20+$0x0] =	vst.idx.msk $0xffff, v36;
	v50 =	vadd.f32 v42, v42;
	v57 =	vor.u32 v55, v43;
	v0 =	vand.u32 $0xF, v44  }
0x277: {  	v41 =	vadd.f32 v41, v41;
	v40 =	vadd.f32 v40, v34;
	v1 =	vor.u32 v0, v23  }
0x278: {  	[tilespmem:v37+s20+$0x0] =	vst.idx.msk $0xffff, v35;
	v44 =	vadd.f32 v50, v34;
	v46 =	vor.u32 v0, v24  }
0x279: {  	[tilespmem:v39+s20+$0x0] =	vst.idx.msk $0xffff, v40;
	v34 =	vadd.f32 v41, v34;
	v47 =	vor.u32 s31, v0  }
0x27a: {  	[tilespmem:v45+s20+$0x0] =	vst.idx.msk $0xffff, v44;
	v44 =	vld [tilespmem:$0x1F800]  }
0x27b: {  	v45 =	vld [tilespmem:$0x1F810];
	[tilespmem:v57+s20+$0x0] =	vst.idx.msk $0xffff, v34  }
0x27c: {  	v50 =	vor.u32 v0, v30;
	v38 =	vld.idx.msk [tilespmem:v1+s12+$0x0], $0xffff  }
0x27d: {  	v55 =	vor.u32 v0, v26;
	v36 =	vld.idx.msk [tilespmem:v46+s12+$0x0], $0xffff  }
0x27e: {  	v37 =	vld.idx.msk [tilespmem:v47+s8+$0x0], $0xffff  }
0x27f: {  	v40 =	vor.u32 v0, v25;
	v46 =	vld [tilespmem:$0x1FFD0]  }
0x280: {  	v41 =	vor.u32 v0, v29;
	v47 =	vld [tilespmem:$0x1F7E0]  }
0x281: {  	v42 =	vor.u32 v0, v31;
	v35 =	vld.idx.msk [tilespmem:v50+s12+$0x0], $0xffff  }
0x282: {  	v57 =	vor.u32 v0, v27;
	v34 =	vld.idx.msk [tilespmem:v55+s12+$0x0], $0xffff  }
0x283: {  	v55 =	vld [tilespmem:$0x1F7F0]  }
0x284: {  	v40 =	vld.idx.msk [tilespmem:v40+s12+$0x0], $0xffff;
	v43 =	vor.u32 v46, v28  }
0x285: {  	v41 =	vld.idx.msk [tilespmem:v41+s12+$0x0], $0xffff;
	v50 =	vor.u32 v47, v43  }
0x286: {  	v42 =	vld.idx.msk [tilespmem:v42+s12+$0x0], $0xffff;
	v38 =	vadd.f32 v38, v38  }
0x287: {  	v39 =	vld.idx.msk [tilespmem:v57+s12+$0x0], $0xffff  }
0x288: {  	v57 =	vor.u32 v55, v43;
	v47 =	vld [tilespmem:$0x1F830];
	v38 =	vadd.f32 v38, v37  }
0x289: {  	v36 =	vadd.f32 v36, v36;
	v55 =	vld [tilespmem:$0x1FC50]  }
0x28a: {  	[tilespmem:v50+s20+$0x0] =	vst.idx.msk $0xffff, v38;
	v50 =	vld [tilespmem:$0x1FC40]  }
0x28b: {  	v46 =	vld [tilespmem:$0x1F820];
	v36 =	vadd.f32 v36, v37;
	_ =	sdelay $0x1  }
0x28c: {  	[tilespmem:v57+s20+$0x0] =	vst.idx.msk $0xffff, v36;
	v36 =	vor.u32 v45, v43;
	v45 =	vor.u32 v47, v43;
	v47 =	vld [tilespmem:$0x1F840]  }
0x28d: {  	v38 =	vor.u32 v44, v43  }
0x28e: {  	v35 =	vadd.f32 v35, v35;
	v57 =	vcombine.low v55, v50;
	v50 =	vld [tilespmem:$0x1F850]  }
0x28f: {  	v34 =	vadd.f32 v34, v34;
	v40 =	vadd.f32 v40, v40;
	v44 =	vor.u32 v46, v43  }
0x290: {  	v35 =	vadd.f32 v35, v37;
	v39 =	vadd.f32 v39, v39  }
0x291: {  	v0 =	vadd.f32 v42, v42;
	v34 =	vadd.f32 v34, v37;
	v47 =	vor.u32 v47, v43  }
0x292: {  	v39 =	vadd.f32 v39, v37;
	[tilespmem:v38+s20+$0x0] =	vst.idx.msk $0xffff, v35;
	v35 =	vadd.f32 v41, v41  }
0x293: {  	[tilespmem:v36+s20+$0x0] =	vst.idx.msk $0xffff, v34;
	v41 =	vand.u32 $0xF, v57;
	v57 =	vadd.f32 v40, v37;
	v55 =	vor.u32 v50, v43  }
0x294: {  	[tilespmem:v44+s20+$0x0] =	vst.idx.msk $0xffff, v39;
	v35 =	vadd.f32 v35, v37;
	v44 =	vor.u32 v41, v23  }
0x295: {  	v46 =	vor.u32 v41, v24;
	[tilespmem:v45+s20+$0x0] =	vst.idx.msk $0xffff, v57  }
0x296: {  	v45 =	vadd.f32 v0, v37;
	[tilespmem:v47+s20+$0x0] =	vst.idx.msk $0xffff, v35;
	v47 =	vor.u32 v41, v30;
	_ =	sdelay $0x1  }
0x297: {  	v50 =	vor.u32 v41, v26;
	[tilespmem:v55+s20+$0x0] =	vst.idx.msk $0xffff, v45  }
0x298: {  	v38 =	vld.idx.msk [tilespmem:v44+s12+$0x0], $0xffff  }
0x299: {  	v36 =	vld.idx.msk [tilespmem:v46+s12+$0x0], $0xffff  }
0x29a: {  	v55 =	vor.u32 v41, v27;
	v35 =	vld.idx.msk [tilespmem:v47+s12+$0x0], $0xffff  }
0x29b: {  	v46 =	vld [tilespmem:$0x1FFC0]  }
0x29c: {  	v1 =	vor.u32 s31, v41;
	v37 =	vld.idx.msk [tilespmem:v50+s12+$0x0], $0xffff  }
0x29d: {  	v47 =	vld [tilespmem:$0x1F860]  }
0x29e: {  	v50 =	vld [tilespmem:$0x1F870]  }
0x29f: {  	v57 =	vor.u32 v41, v25;
	v39 =	vld.idx.msk [tilespmem:v55+s12+$0x0], $0xffff  }
0x2a0: {  	v42 =	vor.u32 v41, v29;
	v55 =	vld [tilespmem:$0x1F880]  }
0x2a1: {  	v41 =	vor.u32 v41, v31;
	v34 =	vld.idx.msk [tilespmem:v1+s8+$0x0], $0xffff  }
0x2a2: {  	v43 =	vor.u32 v46, v28  }
0x2a3: {  	v44 =	vor.u32 v47, v43  }
0x2a4: {  	v40 =	vld.idx.msk [tilespmem:v57+s12+$0x0], $0xffff;
	v38 =	vadd.f32 v38, v38;
	v45 =	vor.u32 v50, v43  }
0x2a5: {  	v42 =	vld.idx.msk [tilespmem:v42+s12+$0x0], $0xffff;
	v36 =	vadd.f32 v36, v36;
	v57 =	vor.u32 v55, v43  }
0x2a6: {  	v41 =	vld.idx.msk [tilespmem:v41+s12+$0x0], $0xffff;
	v35 =	vadd.f32 v35, v35;
	v38 =	vadd.f32 v38, v34  }
0x2a7: {  	v47 =	vld [tilespmem:$0x1F890];
	v36 =	vadd.f32 v36, v34  }
0x2a8: {  	v46 =	vld [tilespmem:$0x1FC70];
	v35 =	vadd.f32 v35, v34;
	[tilespmem:v44+s20+$0x0] =	vst.idx.msk $0xffff, v38  }
0x2a9: {  	v44 =	vld [tilespmem:$0x1F8B0];
	[tilespmem:v45+s20+$0x0] =	vst.idx.msk $0xffff, v36  }
0x2aa: {  	[tilespmem:v57+s20+$0x0] =	vst.idx.msk $0xffff, v35;
	v57 =	vadd.f32 v39, v39;
	v39 =	vld [tilespmem:$0x1F8A0]  }
0x2ab: {  	v55 =	vadd.f32 v37, v37;
	v45 =	vld [tilespmem:$0x1FC60]  }
0x2ac: {  	v50 =	vor.u32 v47, v43;
	v47 =	vld [tilespmem:$0x1F8C0]  }
0x2ad: {  	v36 =	vadd.f32 v55, v34;
	v55 =	vld [tilespmem:$0x1F8D0];
	_ =	sdelay $0x1  }
0x2ae: {  	v37 =	vor.u32 v39, v43  }
0x2af: {  	v39 =	vor.u32 v44, v43;
	v44 =	vcombine.low v46, v45  }
0x2b0: {  	v40 =	vadd.f32 v40, v40;
	v35 =	vadd.f32 v57, v34;
	v45 =	vor.u32 v47, v43  }
0x2b1: {  	[tilespmem:v50+s20+$0x0] =	vst.idx.msk $0xffff, v36;
	v50 =	vadd.f32 v42, v42;
	v57 =	vor.u32 v55, v43;
	v0 =	vand.u32 $0xF, v44  }
0x2b2: {  	v40 =	vadd.f32 v40, v34;
	v41 =	vadd.f32 v41, v41;
	v1 =	vor.u32 v0, v23  }
0x2b3: {  	v44 =	vadd.f32 v50, v34;
	v46 =	vor.u32 v0, v24;
	[tilespmem:v37+s20+$0x0] =	vst.idx.msk $0xffff, v35  }
0x2b4: {  	v34 =	vadd.f32 v41, v34;
	v47 =	vor.u32 s31, v0;
	[tilespmem:v39+s20+$0x0] =	vst.idx.msk $0xffff, v40  }
0x2b5: {  	[tilespmem:v45+s20+$0x0] =	vst.idx.msk $0xffff, v44;
	v44 =	vld [tilespmem:$0x1F900]  }
0x2b6: {  	v45 =	vld [tilespmem:$0x1F910];
	[tilespmem:v57+s20+$0x0] =	vst.idx.msk $0xffff, v34  }
0x2b7: {  	v50 =	vor.u32 v0, v30;
	v38 =	vld.idx.msk [tilespmem:v1+s12+$0x0], $0xffff  }
0x2b8: {  	v55 =	vor.u32 v0, v26;
	v36 =	vld.idx.msk [tilespmem:v46+s12+$0x0], $0xffff  }
0x2b9: {  	v37 =	vld.idx.msk [tilespmem:v47+s8+$0x0], $0xffff  }
0x2ba: {  	v41 =	vor.u32 v0, v29;
	v46 =	vld [tilespmem:$0x1FFB0]  }
0x2bb: {  	v42 =	vor.u32 v0, v31;
	v47 =	vld [tilespmem:$0x1F8E0]  }
0x2bc: {  	v40 =	vor.u32 v0, v25;
	v35 =	vld.idx.msk [tilespmem:v50+s12+$0x0], $0xffff  }
0x2bd: {  	v57 =	vor.u32 v0, v27;
	v34 =	vld.idx.msk [tilespmem:v55+s12+$0x0], $0xffff  }
0x2be: {  	v55 =	vld [tilespmem:$0x1F8F0]  }
0x2bf: {  	v41 =	vld.idx.msk [tilespmem:v41+s12+$0x0], $0xffff;
	v43 =	vor.u32 v46, v28  }
0x2c0: {  	v42 =	vld.idx.msk [tilespmem:v42+s12+$0x0], $0xffff;
	v50 =	vor.u32 v47, v43  }
0x2c1: {  	v40 =	vld.idx.msk [tilespmem:v40+s12+$0x0], $0xffff;
	v38 =	vadd.f32 v38, v38  }
0x2c2: {  	v39 =	vld.idx.msk [tilespmem:v57+s12+$0x0], $0xffff  }
0x2c3: {  	v47 =	vld [tilespmem:$0x1F940];
	v38 =	vadd.f32 v38, v37  }
0x2c4: {  	v57 =	vor.u32 v55, v43;
	v55 =	vld [tilespmem:$0x1FC90]  }
0x2c5: {  	v36 =	vadd.f32 v36, v36;
	[tilespmem:v50+s20+$0x0] =	vst.idx.msk $0xffff, v38;
	v50 =	vld [tilespmem:$0x1FC80];
	_ =	sdelay $0x1  }
0x2c6: {  	v46 =	vld [tilespmem:$0x1F920];
	v36 =	vadd.f32 v36, v37;
	_ =	sdelay $0x1  }
0x2c7: {  	[tilespmem:v57+s20+$0x0] =	vst.idx.msk $0xffff, v36;
	v36 =	vor.u32 v45, v43;
	v45 =	vor.u32 v47, v43;
	v47 =	vld [tilespmem:$0x1F960]  }
0x2c8: {  	v38 =	vor.u32 v44, v43;
	v57 =	vcombine.low v55, v50;
	v50 =	vld [tilespmem:$0x1F970]  }
0x2c9: {  	v35 =	vadd.f32 v35, v35;
	v34 =	vadd.f32 v34, v34  }
0x2ca: {  	v39 =	vadd.f32 v39, v39;
	v44 =	vor.u32 v46, v43  }
0x2cb: {  	v35 =	vadd.f32 v35, v37;
	v34 =	vadd.f32 v34, v37  }
0x2cc: {  	v40 =	vadd.f32 v40, v40;
	v39 =	vadd.f32 v39, v37;
	v47 =	vor.u32 v47, v43  }
0x2cd: {  	[tilespmem:v38+s20+$0x0] =	vst.idx.msk $0xffff, v35;
	v35 =	vadd.f32 v41, v41;
	v41 =	vand.u32 $0xF, v57;
	v55 =	vor.u32 v50, v43  }
0x2ce: {  	v0 =	vadd.f32 v42, v42;
	[tilespmem:v36+s20+$0x0] =	vst.idx.msk $0xffff, v34;
	v57 =	vadd.f32 v40, v37;
	v1 =	vor.u32 s31, v41  }
0x2cf: {  	[tilespmem:v44+s20+$0x0] =	vst.idx.msk $0xffff, v39;
	v35 =	vadd.f32 v35, v37;
	v43 =	vor.u32 v41, v23  }
0x2d0: {  	v44 =	vadd.f32 v0, v37;
	[tilespmem:v45+s20+$0x0] =	vst.idx.msk $0xffff, v57;
	v45 =	vor.u32 v41, v24  }
0x2d1: {  	[tilespmem:v47+s20+$0x0] =	vst.idx.msk $0xffff, v35  }
0x2d2: {  	v46 =	vor.u32 v41, v30;
	[tilespmem:v55+s20+$0x0] =	vst.idx.msk $0xffff, v44;
	v44 =	vld [tilespmem:$0x1FFA0]  }
0x2d3: {  	v47 =	vor.u32 v41, v26;
	v37 =	vld.idx.msk [tilespmem:v1+s8+$0x0], $0xffff  }
0x2d4: {  	v50 =	vor.u32 v41, v27;
	v38 =	vld.idx.msk [tilespmem:v43+s12+$0x0], $0xffff  }
0x2d5: {  	v36 =	vld.idx.msk [tilespmem:v45+s12+$0x0], $0xffff  }
0x2d6: {  	v45 =	vld [tilespmem:$0x1F980]  }
0x2d7: {  	v57 =	vor.u32 v41, v29;
	v35 =	vld.idx.msk [tilespmem:v46+s12+$0x0], $0xffff  }
0x2d8: {  	v55 =	vor.u32 v41, v25;
	v34 =	vld.idx.msk [tilespmem:v47+s12+$0x0], $0xffff  }
0x2d9: {  	v39 =	vld.idx.msk [tilespmem:v50+s12+$0x0], $0xffff  }
0x2da: {  	v41 =	vor.u32 v41, v31;
	v46 =	vld [tilespmem:$0x1F990];
	v43 =	vor.u32 v44, v28  }
0x2db: {  	v47 =	vld [tilespmem:$0x1F9A0];
	v44 =	vor.u32 v45, v43  }
0x2dc: {  	v42 =	vld.idx.msk [tilespmem:v57+s12+$0x0], $0xffff;
	v38 =	vadd.f32 v38, v38  }
0x2dd: {  	v40 =	vld.idx.msk [tilespmem:v55+s12+$0x0], $0xffff  }
0x2de: {  	v55 =	vld [tilespmem:$0x1F9B0];
	v38 =	vadd.f32 v38, v37  }
0x2df: {  	v41 =	vld.idx.msk [tilespmem:v41+s12+$0x0], $0xffff  }
0x2e0: {  	v45 =	vor.u32 v46, v43;
	[tilespmem:v44+s20+$0x0] =	vst.idx.msk $0xffff, v38;
	v44 =	vld [tilespmem:$0x1F9C0]  }
0x2e1: {  	v36 =	vadd.f32 v36, v36;
	_ =	sdelay $0x1  }
0x2e2: {  	v50 =	vor.u32 v47, v43;
	v46 =	vld [tilespmem:$0x1F9D0];
	v36 =	vadd.f32 v36, v37  }
0x2e3: {  	v35 =	vadd.f32 v35, v35;
	v57 =	vor.u32 v55, v43;
	v55 =	vld [tilespmem:$0x1F9E0]  }
0x2e4: {  	[tilespmem:v45+s20+$0x0] =	vst.idx.msk $0xffff, v36;
	v36 =	vor.u32 v44, v43;
	v44 =	vld [tilespmem:$0x1F9F0]  }
0x2e5: {  	v1 =	vld [tilespmem:$0x1F420];
	v34 =	vadd.f32 v34, v34;
	v35 =	vadd.f32 v35, v37  }
0x2e6: {  	v45 =	vadd.f32 v39, v39  }
0x2e7: {  	v34 =	vadd.f32 v34, v37;
	v38 =	vor.u32 v46, v43;
	[tilespmem:v50+s20+$0x0] =	vst.idx.msk $0xffff, v35  }
0x2e8: {  	v50 =	vadd.f32 v40, v40;
	v35 =	vadd.f32 v45, v37;
	v39 =	vor.u32 v55, v43  }
0x2e9: {  	[tilespmem:v57+s20+$0x0] =	vst.idx.msk $0xffff, v34;
	v57 =	vadd.f32 v42, v42;
	v45 =	vor.u32 v44, v43  }
0x2ea: {  	v41 =	vadd.f32 v41, v41;
	v46 =	vor.u32 v1, v23;
	v34 =	vadd.f32 v50, v37  }
0x2eb: {  	v50 =	vor.u32 v1, v24;
	v47 =	vadd.f32 v57, v37;
	[tilespmem:v36+s20+$0x0] =	vst.idx.msk $0xffff, v35  }
0x2ec: {  	v55 =	vadd.f32 v41, v37;
	v57 =	vor.u32 s31, v1;
	[tilespmem:v38+s20+$0x0] =	vst.idx.msk $0xffff, v34  }
0x2ed: {  	[tilespmem:v39+s20+$0x0] =	vst.idx.msk $0xffff, v47  }
0x2ee: {  	v44 =	vor.u32 v1, v30;
	[tilespmem:v45+s20+$0x0] =	vst.idx.msk $0xffff, v55  }
0x2ef: {  	v34 =	vor.u32 v1, v26;
	v45 =	vmul.u32 $0xFFFFFC00, v33;
	v46 =	vld.idx.msk [tilespmem:v46+s12+$0x0], $0xffff  }
0x2f0: {  	v47 =	vor.u32 v1, v27;
	v36 =	vld.idx.msk [tilespmem:v50+s12+$0x0], $0xffff  }
0x2f1: {  	v39 =	vor.u32 v1, v25;
	v37 =	vld.idx.msk [tilespmem:v57+s8+$0x0], $0xffff;
	v50 =	vadd.s32 $0x400, v45  }
0x2f2: {  	v55 =	vor.u32 v1, v29;
	v40 =	vor.u32 v50, v28  }
0x2f3: {  	v35 =	vld.idx.msk [tilespmem:v44+s12+$0x0], $0xffff;
	v57 =	vor.u32 v1, v31;
	v0 =	vor.u32 v53, v40  }
0x2f4: {  	v34 =	vld.idx.msk [tilespmem:v34+s12+$0x0], $0xffff;
	v1 =	vor.u32 v52, v40;
	v33 =	vadd.f32 v46, v46  }
0x2f5: {  	v38 =	vld.idx.msk [tilespmem:v47+s12+$0x0], $0xffff;
	v36 =	vadd.f32 v36, v36  }
0x2f6: {  	v39 =	vld.idx.msk [tilespmem:v39+s12+$0x0], $0xffff;
	v33 =	vadd.f32 v33, v37  }
0x2f7: {  	v50 =	vor.u32 v12, v40;
	v41 =	vld.idx.msk [tilespmem:v55+s12+$0x0], $0xffff;
	v36 =	vadd.f32 v36, v37  }
0x2f8: {  	v43 =	vor.u32 v32, v40;
	v44 =	vor.u32 v48, v40;
	v42 =	vld.idx.msk [tilespmem:v57+s12+$0x0], $0xffff;
	[tilespmem:v0+s20+$0x0] =	vst.idx.msk $0xffff, v33  }
0x2f9: {  	v47 =	vadd.f32 v35, v35;
	[tilespmem:v1+s20+$0x0] =	vst.idx.msk $0xffff, v36;
	v36 =	vor.u32 v49, v40  }
0x2fa: {  	[tilespmem:$0x1F340] =	vst v45;
	v34 =	vadd.f32 v34, v34;
	v57 =	vmovc v32;
	v32 =	vmov v51;
	v51 =	vor.u32 v51, v40  }
0x2fb: {  	v38 =	vadd.f32 v38, v38;
	v33 =	vadd.f32 v47, v37;
	v0 =	vmovc v48;
	v48 =	vcombine.low v2, v3  }
0x2fc: {  	v55 =	vmovc v49;
	v39 =	vadd.f32 v39, v39;
	v34 =	vadd.f32 v34, v37;
	v49 =	vor.u32 v13, v40  }
0x2fd: {  	v38 =	vadd.f32 v38, v37;
	[tilespmem:v50+s20+$0x0] =	vst.idx.msk $0xffff, v33;
	v50 =	vadd.f32 v41, v41;
	v1 =	vand.u32 $0xF, v48  }
0x2fe: {  	v2 =	vadd.f32 v39, v37;
	v3 =	vadd.f32 v42, v42;
	v42 =	vor.u32 s31, v1;
	[tilespmem:v36+s20+$0x0] =	vst.idx.msk $0xffff, v34  }
0x2ff: {  	v45 =	vor.u32 v1, v24;
	v33 =	vadd.f32 v50, v37;
	[tilespmem:v43+s20+$0x0] =	vst.idx.msk $0xffff, v38  }
0x300: {  	v43 =	vor.u32 v1, v23;
	[tilespmem:v44+s20+$0x0] =	vst.idx.msk $0xffff, v2;
	v44 =	vadd.f32 v3, v37  }
0x301: {  	v46 =	vor.u32 v1, v30;
	[tilespmem:v49+s20+$0x0] =	vst.idx.msk $0xffff, v33  }
0x302: {  	v47 =	vor.u32 v1, v26;
	[tilespmem:v51+s20+$0x0] =	vst.idx.msk $0xffff, v44;
	v51 =	vld [tilespmem:$0x1FBB0]  }
0x303: {  	v48 =	vor.u32 v1, v27;
	v35 =	vld.idx.msk [tilespmem:v42+s8+$0x0], $0xffff  }
0x304: {  	v50 =	vor.u32 v1, v29;
	v36 =	vld.idx.msk [tilespmem:v45+s12+$0x0], $0xffff  }
0x305: {  	v38 =	vld.idx.msk [tilespmem:v43+s12+$0x0], $0xffff  }
0x306: {  	v40 =	vor.u32 v1, v31;
	v33 =	vld.idx.msk [tilespmem:v46+s12+$0x0], $0xffff  }
0x307: {  	v49 =	vor.u32 v1, v25;
	v34 =	vld.idx.msk [tilespmem:v47+s12+$0x0], $0xffff  }
0x308: {  	v37 =	vld.idx.msk [tilespmem:v48+s12+$0x0], $0xffff;
	v42 =	vor.u32 v51, v28  }
0x309: {  	v41 =	vld.idx.msk [tilespmem:v50+s12+$0x0], $0xffff;
	v1 =	vor.u32 v11, v42  }
0x30a: {  	v2 =	vor.u32 v10, v42;
	v38 =	vadd.f32 v38, v38  }
0x30b: {  	v40 =	vld.idx.msk [tilespmem:v40+s12+$0x0], $0xffff;
	v36 =	vadd.f32 v36, v36;
	v3 =	vor.u32 v9, v42;
	v33 =	vadd.f32 v33, v33  }
0x30c: {  	v39 =	vld.idx.msk [tilespmem:v49+s12+$0x0], $0xffff;
	v34 =	vadd.f32 v34, v34;
	v38 =	vadd.f32 v38, v35  }
0x30d: {  	v37 =	vadd.f32 v37, v37;
	v36 =	vadd.f32 v36, v35  }
0x30e: {  	v17 =	vlaneseq.u32;
	v41 =	vadd.f32 v41, v41;
	v33 =	vadd.f32 v33, v35;
	[tilespmem:v1+s20+$0x0] =	vst.idx.msk $0xffff, v38  }
0x30f: {  	v38 =	vor.u32 v4, v42;
	[tilespmem:v2+s20+$0x0] =	vst.idx.msk $0xffff, v36;
	v36 =	vadd.f32 v37, v35;
	v37 =	vor.u32 $0x10, v17  }
0x310: {  	v40 =	vadd.f32 v40, v40;
	[tilespmem:v3+s20+$0x0] =	vst.idx.msk $0xffff, v33;
	v33 =	vor.u32 v7, v42;
	v43 =	vor.u32 s31, v37  }
0x311: {  	v39 =	vadd.f32 v39, v39;
	v17 =	vor.u32 v54, v42;
	v1 =	vor.u32 v37, v23  }
0x312: {  	v34 =	vadd.f32 v34, v35;
	v2 =	vmovc v54;
	v54 =	vcombine.low v6, v5;
	v6 =	vor.u32 v37, v24  }
0x313: {  	v39 =	vadd.f32 v39, v35;
	v5 =	vor.u32 v14, v42;
	v49 =	vor.u32 v37, v30  }
0x314: {  	v48 =	vld [tilespmem:$0x1FBA0];
	v3 =	vmov v7;
	v7 =	vor.u32 v8, v42;
	v51 =	vor.u32 v37, v26;
	[tilespmem:v38+s20+$0x0] =	vst.idx.msk $0xffff, v34  }
0x315: {  	v50 =	vadd.f32 v41, v35;
	v38 =	vand.u32 $0xF, v54;
	[tilespmem:v33+s20+$0x0] =	vst.idx.msk $0xffff, v36;
	v41 =	vld.idx.msk [tilespmem:v43+s8+$0x0], $0xffff  }
0x316: {  	v45 =	vor.u32 v38, v23;
	[tilespmem:v17+s20+$0x0] =	vst.idx.msk $0xffff, v39;
	v39 =	vld.idx.msk [tilespmem:v1+s12+$0x0], $0xffff  }
0x317: {  	v35 =	vadd.f32 v40, v35;
	v54 =	vld.idx.msk [tilespmem:v6+s12+$0x0], $0xffff;
	v17 =	vor.u32 v37, v27  }
0x318: {  	v6 =	vld.idx.msk [tilespmem:v49+s12+$0x0], $0xffff;
	v1 =	vor.u32 v37, v25;
	[tilespmem:v5+s20+$0x0] =	vst.idx.msk $0xffff, v50;
	v5 =	vor.u32 $0x800, v16  }
0x319: {  	v36 =	vld.idx.msk [tilespmem:v51+s12+$0x0], $0xffff;
	[tilespmem:v7+s20+$0x0] =	vst.idx.msk $0xffff, v35;
	v7 =	vor.u32 v37, v29;
	v44 =	vor.u32 v5, v28  }
0x31a: {  	v37 =	vor.u32 v37, v31;
	v5 =	vld [tilespmem:$0x1FCC0];
	v16 =	vor.u32 v53, v44  }
0x31b: {  	v45 =	vld.idx.msk [tilespmem:v45+s12+$0x0], $0xffff;
	v50 =	vor.u32 v52, v44;
	v39 =	vadd.f32 v39, v39  }
0x31c: {  	v33 =	vadd.f32 v54, v54;
	v40 =	vld.idx.msk [tilespmem:v17+s12+$0x0], $0xffff;
	v17 =	vor.u32 v12, v44  }
0x31d: {  	v34 =	vadd.f32 v6, v6;
	v43 =	vld.idx.msk [tilespmem:v1+s12+$0x0], $0xffff;
	v39 =	vadd.f32 v39, v41  }
0x31e: {  	v42 =	vor.u32 s31, v38;
	v33 =	vadd.f32 v33, v41;
	v35 =	vld.idx.msk [tilespmem:v7+s12+$0x0], $0xffff  }
0x31f: {  	v46 =	vor.u32 v38, v24;
	v34 =	vadd.f32 v34, v41;
	v37 =	vld.idx.msk [tilespmem:v37+s12+$0x0], $0xffff;
	[tilespmem:v16+s20+$0x0] =	vst.idx.msk $0xffff, v39  }
0x320: {  	v47 =	vor.u32 v38, v30;
	v1 =	vadd.f32 v36, v36;
	v36 =	vld [tilespmem:$0x1FCA0];
	[tilespmem:v50+s20+$0x0] =	vst.idx.msk $0xffff, v33  }
0x321: {  	v49 =	vor.u32 v38, v26;
	v51 =	vor.u32 v38, v27;
	[tilespmem:v17+s20+$0x0] =	vst.idx.msk $0xffff, v34;
	v17 =	vld [tilespmem:$0x1FCB0]  }
0x322: {  	v53 =	vor.u32 v38, v25;
	v52 =	vor.u32 v57, v44;
	v50 =	vor.u32 v55, v44;
	v34 =	vld [tilespmem:$0x1FCD0]  }
0x323: {  	v42 =	vld.idx.msk [tilespmem:v42+s8+$0x0], $0xffff;
	v54 =	vor.u32 v38, v29;
	v38 =	vor.u32 v38, v31;
	v6 =	vor.u32 v13, v44  }
0x324: {  	v45 =	vadd.f32 v45, v45;
	v39 =	vor.u32 v48, v28;
	v40 =	vadd.f32 v40, v40  }
0x325: {  	v47 =	vld.idx.msk [tilespmem:v47+s12+$0x0], $0xffff;
	v48 =	vor.u32 v56, v39;
	v33 =	vadd.f32 v1, v41;
	v55 =	vor.u32 v0, v44  }
0x326: {  	v46 =	vld.idx.msk [tilespmem:v46+s12+$0x0], $0xffff;
	v43 =	vadd.f32 v43, v43;
	v44 =	vor.u32 v32, v44;
	v40 =	vadd.f32 v40, v41  }
0x327: {  	v49 =	vld.idx.msk [tilespmem:v49+s12+$0x0], $0xffff;
	[tilespmem:v50+s20+$0x0] =	vst.idx.msk $0xffff, v33;
	v12 =	vsel vm2, v17, v36;
	v16 =	vsel vm2, v34, v5  }
0x328: {  	v1 =	vadd.f32 v45, v42;
	v50 =	vld.idx.msk [tilespmem:v51+s12+$0x0], $0xffff;
	[tilespmem:v52+s20+$0x0] =	vst.idx.msk $0xffff, v40;
	v57 =	vcombine.low v16, v12  }
0x329: {  	v35 =	vadd.f32 v35, v35;
	v37 =	vadd.f32 v37, v37;
	v51 =	vld.idx.msk [tilespmem:v53+s12+$0x0], $0xffff;
	[tilespmem:$0x1F200] =	vst v12  }
0x32a: {  	v47 =	vadd.f32 v47, v47;
	v52 =	vld.idx.msk [tilespmem:v38+s12+$0x0], $0xffff;
	[tilespmem:$0x1F1F0] =	vst v16;
	v12 =	vadd.f32 v43, v41;
	v13 =	vor.u32 s31, v57  }
0x32b: {  	v35 =	vadd.f32 v35, v41;
	v16 =	vadd.f32 v37, v41;
	v41 =	vld.idx.msk [tilespmem:v54+s12+$0x0], $0xffff;
	[tilespmem:v48+s20+$0x0] =	vst.idx.msk $0xffff, v1  }
0x32c: {  	v48 =	vor.u32 v20, v39;
	v40 =	vor.u32 v57, v23;
	[tilespmem:v55+s20+$0x0] =	vst.idx.msk $0xffff, v12  }
0x32d: {  	v54 =	vor.u32 v19, v39;
	v37 =	vor.u32 v57, v24;
	[tilespmem:v6+s20+$0x0] =	vst.idx.msk $0xffff, v35  }
0x32e: {  	v0 =	vor.u32 v57, v30;
	v12 =	vor.u32 v15, v39;
	[tilespmem:v44+s20+$0x0] =	vst.idx.msk $0xffff, v16  }
0x32f: {  	v38 =	vor.u32 v57, v25;
	v53 =	vor.u32 v57, v29;
	v6 =	vadd.f32 v46, v46;
	v43 =	vld.idx.msk [tilespmem:v13+s8+$0x0], $0xffff  }
0x330: {  	v55 =	vor.u32 v57, v31;
	v16 =	vor.u32 v57, v27;
	v13 =	vor.u32 v57, v26;
	v57 =	vld [tilespmem:$0x1FB40]  }
0x331: {  	v33 =	vadd.f32 v6, v42;
	v6 =	vadd.f32 v49, v49;
	v40 =	vld.idx.msk [tilespmem:v40+s12+$0x0], $0xffff  }
0x332: {  	v47 =	vadd.f32 v47, v42;
	v37 =	vld.idx.msk [tilespmem:v37+s12+$0x0], $0xffff  }
0x333: {  	v35 =	vld.idx.msk [tilespmem:v0+s12+$0x0], $0xffff;
	[tilespmem:v12+s20+$0x0] =	vst.idx.msk $0xffff, v33;
	v33 =	vadd.f32 v6, v42  }
0x334: {  	v7 =	vmov v56;
	v1 =	vor.u32 v22, v39;
	v6 =	vld.idx.msk [tilespmem:v38+s12+$0x0], $0xffff;
	[tilespmem:v48+s20+$0x0] =	vst.idx.msk $0xffff, v47  }
0x335: {  	v46 =	vld.idx.msk [tilespmem:v16+s12+$0x0], $0xffff;
	[tilespmem:v54+s20+$0x0] =	vst.idx.msk $0xffff, v33;
	v33 =	vadd.f32 v50, v50;
	v56 =	vor.u32 v57, v28  }
0x336: {  	v44 =	vor.u32 v21, v39;
	v50 =	vor.u32 v18, v39;
	v12 =	vld.idx.msk [tilespmem:v13+s12+$0x0], $0xffff;
	v13 =	vor.u32 v11, v56  }
0x337: {  	v33 =	vadd.f32 v33, v42;
	v40 =	vadd.f32 v40, v40;
	v16 =	vor.u32 v10, v56  }
0x338: {  	v39 =	vor.u32 v61, v39;
	v37 =	vadd.f32 v37, v37;
	v35 =	vadd.f32 v35, v35  }
0x339: {  	v32 =	vld [tilespmem:$0x1FCE0];
	v6 =	vadd.f32 v6, v6;
	v9 =	vor.u32 v9, v56;
	v40 =	vadd.f32 v40, v43  }
0x33a: {  	v48 =	vld.idx.msk [tilespmem:v55+s12+$0x0], $0xffff;
	v11 =	vor.u32 v4, v56;
	v37 =	vadd.f32 v37, v43;
	v35 =	vadd.f32 v35, v43  }
0x33b: {  	v47 =	vld.idx.msk [tilespmem:v53+s12+$0x0], $0xffff;
	v46 =	vadd.f32 v46, v46;
	v10 =	vadd.f32 v12, v12;
	[tilespmem:v13+s20+$0x0] =	vst.idx.msk $0xffff, v40  }
0x33c: {  	v0 =	vmov v18;
	v18 =	vld [tilespmem:$0x1FD10];
	v40 =	vadd.f32 v51, v51;
	v13 =	vor.u32 v3, v56;
	[tilespmem:v16+s20+$0x0] =	vst.idx.msk $0xffff, v37  }
0x33d: {  	v3 =	vld [tilespmem:$0x1FD00];
	v12 =	vadd.f32 v10, v43;
	v37 =	vor.u32 v2, v56;
	v10 =	vadd.f32 v6, v43  }
0x33e: {  	v16 =	vld [tilespmem:$0x1FCF0];
	v2 =	vadd.f32 v41, v41;
	v6 =	vadd.f32 v52, v52;
	[tilespmem:v9+s20+$0x0] =	vst.idx.msk $0xffff, v35  }
0x33f: {  	v40 =	vadd.f32 v40, v42;
	[tilespmem:v11+s20+$0x0] =	vst.idx.msk $0xffff, v12;
	v11 =	vadd.f32 v48, v48  }
0x340: {  	[tilespmem:v50+s20+$0x0] =	vst.idx.msk $0xffff, v33;
	v35 =	vadd.f32 v2, v42;
	v33 =	vadd.f32 v6, v42  }
0x341: {  	[tilespmem:v44+s20+$0x0] =	vst.idx.msk $0xffff, v40;
	v51 =	vadd.f32 v11, v43;
	v11 =	vcombine.low v58, v59  }
0x342: {  	v46 =	vadd.f32 v46, v43;
	[tilespmem:v1+s20+$0x0] =	vst.idx.msk $0xffff, v35  }
0x343: {  	v4 =	vsel vm2, v18, v3;
	v38 =	vsel vm2, v16, v32;
	[tilespmem:v39+s20+$0x0] =	vst.idx.msk $0xffff, v33;
	v39 =	vand.u32 $0xF, v11  }
0x344: {  	v9 =	vor.u32 v14, v56;
	v55 =	vcombine.low v4, v38;
	v2 =	vor.u32 s31, v39  }
0x345: {  	v47 =	vadd.f32 v47, v47;
	v56 =	vor.u32 v8, v56;
	v6 =	vor.u32 v39, v23  }
0x346: {  	[tilespmem:v13+s20+$0x0] =	vst.idx.msk $0xffff, v46;
	v12 =	vor.u32 s31, v55  }
0x347: {  	v13 =	vadd.f32 v47, v43;
	[tilespmem:$0x1F210] =	vst v4;
	v14 =	vor.u32 v55, v23  }
0x348: {  	[tilespmem:v37+s20+$0x0] =	vst.idx.msk $0xffff, v10;
	v37 =	vld [tilespmem:$0x1FB30];
	v53 =	vor.u32 v55, v24  }
0x349: {  	[tilespmem:v9+s20+$0x0] =	vst.idx.msk $0xffff, v13;
	v57 =	vor.u32 v55, v30;
	v33 =	vld.idx.msk [tilespmem:v2+s8+$0x0], $0xffff  }
0x34a: {  	[tilespmem:v56+s20+$0x0] =	vst.idx.msk $0xffff, v51;
	v4 =	vor.u32 v55, v26;
	v51 =	vld.idx.msk [tilespmem:v6+s12+$0x0], $0xffff  }
0x34b: {  	v8 =	vor.u32 v55, v27;
	v41 =	vld.idx.msk [tilespmem:v12+s8+$0x0], $0xffff  }
0x34c: {  	v10 =	vor.u32 v55, v25;
	v47 =	vld.idx.msk [tilespmem:v14+s12+$0x0], $0xffff  }
0x34d: {  	v13 =	vor.u32 v55, v29;
	v9 =	vld.idx.msk [tilespmem:v53+s12+$0x0], $0xffff  }
0x34e: {  	v12 =	vld.idx.msk [tilespmem:v57+s12+$0x0], $0xffff  }
0x34f: {  	[tilespmem:$0x1F220] =	vst v38;
	v46 =	vor.u32 v37, v28;
	v14 =	vor.u32 v55, v31;
	v38 =	vld.idx.msk [tilespmem:v4+s12+$0x0], $0xffff  }
0x350: {  	v1 =	vor.u32 v7, v46;
	v49 =	vld.idx.msk [tilespmem:v8+s12+$0x0], $0xffff  }
0x351: {  	v4 =	vor.u32 v15, v46;
	v52 =	vld.idx.msk [tilespmem:v10+s12+$0x0], $0xffff;
	v47 =	vadd.f32 v47, v47  }
0x352: {  	v7 =	vor.u32 v20, v46;
	v45 =	vld.idx.msk [tilespmem:v13+s12+$0x0], $0xffff;
	v40 =	vadd.f32 v9, v9  }
0x353: {  	v8 =	vor.u32 v39, v24;
	v15 =	vld [tilespmem:$0x1FD30];
	v44 =	vadd.f32 v12, v12;
	v47 =	vadd.f32 v47, v41  }
0x354: {  	v11 =	vor.u32 v39, v27;
	v35 =	vld.idx.msk [tilespmem:v14+s12+$0x0], $0xffff;
	v40 =	vadd.f32 v40, v41  }
0x355: {  	v10 =	vor.u32 v39, v26;
	v14 =	vld [tilespmem:$0x1FD40];
	v20 =	vadd.f32 v44, v41;
	[tilespmem:v1+s20+$0x0] =	vst.idx.msk $0xffff, v47  }
0x356: {  	v9 =	vor.u32 v39, v30;
	v1 =	vor.u32 v19, v46;
	v19 =	vld [tilespmem:$0x1FD50];
	[tilespmem:v4+s20+$0x0] =	vst.idx.msk $0xffff, v40  }
0x357: {  	[tilespmem:v7+s20+$0x0] =	vst.idx.msk $0xffff, v20;
	v20 =	vld [tilespmem:$0x1FD20]  }
0x358: {  	v37 =	vadd.f32 v38, v38;
	v53 =	vld.idx.msk [tilespmem:v8+s12+$0x0], $0xffff;
	v52 =	vadd.f32 v52, v52  }
0x359: {  	v38 =	vor.u32 v39, v29;
	v2 =	vadd.f32 v49, v49;
	v49 =	vld.idx.msk [tilespmem:v11+s12+$0x0], $0xffff;
	v4 =	vor.u32 v0, v46  }
0x35a: {  	v8 =	vadd.f32 v52, v41;
	v52 =	vld.idx.msk [tilespmem:v10+s12+$0x0], $0xffff;
	v47 =	vor.u32 v39, v25;
	v39 =	vor.u32 v39, v31  }
0x35b: {  	v6 =	vor.u32 v21, v46;
	v48 =	vadd.f32 v2, v41;
	v40 =	vadd.f32 v37, v41;
	v54 =	vld.idx.msk [tilespmem:v9+s12+$0x0], $0xffff  }
0x35c: {  	v0 =	vld [tilespmem:$0x1F7A0];
	v7 =	vor.u32 v22, v46;
	v44 =	vsel vm2, v19, v14;
	v43 =	vsel vm2, v15, v20  }
0x35d: {  	v45 =	vadd.f32 v45, v45;
	v37 =	vld [tilespmem:$0x1FD80];
	[tilespmem:v1+s20+$0x0] =	vst.idx.msk $0xffff, v40;
	v59 =	vcombine.low v44, v43  }
0x35e: {  	v46 =	vor.u32 v61, v46;
	[tilespmem:v4+s20+$0x0] =	vst.idx.msk $0xffff, v48;
	v4 =	vld [tilespmem:$0x1FB90]  }
0x35f: {  	v45 =	vadd.f32 v45, v41;
	v35 =	vadd.f32 v35, v35;
	v57 =	vld.idx.msk [tilespmem:v39+s12+$0x0], $0xffff;
	v9 =	vor.u32 s31, v59  }
0x360: {  	v1 =	vld [tilespmem:$0x1F780];
	[tilespmem:v6+s20+$0x0] =	vst.idx.msk $0xffff, v8  }
0x361: {  	v35 =	vadd.f32 v35, v41;
	[tilespmem:v7+s20+$0x0] =	vst.idx.msk $0xffff, v45;
	v45 =	vld.idx.msk [tilespmem:v38+s12+$0x0], $0xffff;
	v10 =	vor.u32 v59, v23  }
0x362: {  	v38 =	vld [tilespmem:$0x1FD70];
	v11 =	vor.u32 v59, v24  }
0x363: {  	[tilespmem:v46+s20+$0x0] =	vst.idx.msk $0xffff, v35;
	v12 =	vor.u32 v59, v30;
	v55 =	vor.u32 v4, v28;
	v4 =	vld [tilespmem:$0x1F7D0]  }
0x364: {  	v13 =	vor.u32 v59, v26;
	v35 =	vld.idx.msk [tilespmem:v9+s8+$0x0], $0xffff  }
0x365: {  	v21 =	vor.u32 v59, v27;
	v9 =	vld [tilespmem:$0x1FB20]  }
0x366: {  	v22 =	vor.u32 v59, v25;
	v46 =	vld.idx.msk [tilespmem:v10+s12+$0x0], $0xffff  }
0x367: {  	v6 =	vor.u32 v59, v29;
	v40 =	vld.idx.msk [tilespmem:v11+s12+$0x0], $0xffff  }
0x368: {  	v8 =	vor.u32 v59, v31;
	v41 =	vld.idx.msk [tilespmem:v12+s12+$0x0], $0xffff  }
0x369: {  	v42 =	vld.idx.msk [tilespmem:v13+s12+$0x0], $0xffff  }
0x36a: {  	v48 =	vld.idx.msk [tilespmem:v21+s12+$0x0], $0xffff;
	v59 =	vor.u32 v9, v28  }
0x36b: {  	v7 =	vor.u32 v60, v55;
	v50 =	vld.idx.msk [tilespmem:v22+s12+$0x0], $0xffff;
	v60 =	vor.u32 v60, v59  }
0x36c: {  	v56 =	vld.idx.msk [tilespmem:v6+s12+$0x0], $0xffff;
	v46 =	vadd.f32 v46, v46;
	v11 =	vor.u32 v62, v59  }
0x36d: {  	v39 =	vld.idx.msk [tilespmem:v8+s12+$0x0], $0xffff;
	v40 =	vadd.f32 v40, v40;
	v12 =	vor.u32 v1, v59  }
0x36e: {  	v6 =	vld [tilespmem:$0x1F790];
	v41 =	vadd.f32 v41, v41;
	v46 =	vadd.f32 v46, v35  }
0x36f: {  	v51 =	vadd.f32 v51, v51;
	v8 =	vld [tilespmem:$0x1F7B0];
	v40 =	vadd.f32 v40, v35  }
0x370: {  	v13 =	vadd.f32 v42, v42;
	v42 =	vld [tilespmem:$0x1FD60];
	v41 =	vadd.f32 v41, v35;
	[tilespmem:v60+s20+$0x0] =	vst.idx.msk $0xffff, v46  }
0x371: {  	v51 =	vadd.f32 v51, v33;
	v9 =	vld [tilespmem:$0x1F7C0];
	[tilespmem:v11+s20+$0x0] =	vst.idx.msk $0xffff, v40  }
0x372: {  	[tilespmem:v12+s20+$0x0] =	vst.idx.msk $0xffff, v41;
	v41 =	vld [tilespmem:$0x1FD90]  }
0x373: {  	v47 =	vld.idx.msk [tilespmem:v47+s12+$0x0], $0xffff;
	v10 =	vmov v62;
	[tilespmem:v7+s20+$0x0] =	vst.idx.msk $0xffff, v51;
	v21 =	vor.u32 v6, v59  }
0x374: {  	v51 =	vor.u32 v10, v55;
	v48 =	vadd.f32 v48, v48;
	v58 =	vor.u32 v0, v59  }
0x375: {  	v50 =	vadd.f32 v50, v50;
	v56 =	vadd.f32 v56, v56;
	v60 =	vor.u32 v8, v59  }
0x376: {  	v22 =	vsel vm2, v38, v42;
	v40 =	vadd.f32 v13, v35;
	v13 =	vor.u32 v9, v59  }
0x377: {  	v48 =	vadd.f32 v48, v35;
	[tilespmem:$0x1F240] =	vst v22;
	v59 =	vor.u32 v4, v59;
	v12 =	vsel vm2, v41, v37  }
0x378: {  	[tilespmem:v21+s20+$0x0] =	vst.idx.msk $0xffff, v40;
	v21 =	vadd.f32 v50, v35;
	v62 =	vcombine.low v12, v22  }
0x379: {  	v39 =	vadd.f32 v39, v39;
	[tilespmem:v58+s20+$0x0] =	vst.idx.msk $0xffff, v48;
	v58 =	vadd.f32 v56, v35  }
0x37a: {  	v46 =	vadd.f32 v53, v53;
	[tilespmem:v60+s20+$0x0] =	vst.idx.msk $0xffff, v21;
	v22 =	vor.u32 s31, v62  }
0x37b: {  	v35 =	vadd.f32 v39, v35;
	[tilespmem:v13+s20+$0x0] =	vst.idx.msk $0xffff, v58;
	v2 =	vor.u32 v62, v23  }
0x37c: {  	[tilespmem:$0x1F230] =	vst v12;
	v12 =	vadd.f32 v46, v33;
	v7 =	vor.u32 v62, v24  }
0x37d: {  	[tilespmem:v59+s20+$0x0] =	vst.idx.msk $0xffff, v35  }
0x37e: {  	v10 =	vor.u32 v1, v55;
	v21 =	vor.u32 v62, v26;
	[tilespmem:v51+s20+$0x0] =	vst.idx.msk $0xffff, v12;
	v12 =	vld [tilespmem:$0x1F7E0]  }
0x37f: {  	v54 =	vadd.f32 v54, v54;
	v50 =	vld.idx.msk [tilespmem:v22+s8+$0x0], $0xffff  }
0x380: {  	v13 =	vor.u32 v6, v55;
	v53 =	vld.idx.msk [tilespmem:v2+s12+$0x0], $0xffff;
	v22 =	vor.u32 v62, v27  }
0x381: {  	v52 =	vadd.f32 v52, v52;
	v54 =	vadd.f32 v54, v33;
	v60 =	vld.idx.msk [tilespmem:v7+s12+$0x0], $0xffff  }
0x382: {  	v11 =	vor.u32 v62, v30;
	v7 =	vld [tilespmem:$0x1FB10]  }
0x383: {  	v6 =	vadd.f32 v52, v33;
	[tilespmem:v10+s20+$0x0] =	vst.idx.msk $0xffff, v54;
	v10 =	vld.idx.msk [tilespmem:v21+s12+$0x0], $0xffff  }
0x384: {  	v21 =	vld [tilespmem:$0x1F7F0]  }
0x385: {  	[tilespmem:v13+s20+$0x0] =	vst.idx.msk $0xffff, v6;
	v13 =	vld.idx.msk [tilespmem:v22+s12+$0x0], $0xffff  }
0x386: {  	v61 =	vor.u32 v62, v25;
	v22 =	vld [tilespmem:$0x1F800]  }
0x387: {  	v51 =	vor.u32 v62, v29;
	v48 =	vld.idx.msk [tilespmem:v11+s12+$0x0], $0xffff  }
0x388: {  	v52 =	vor.u32 v62, v31;
	v54 =	vor.u32 v7, v28  }
0x389: {  	v11 =	vor.u32 v12, v54  }
0x38a: {  	v53 =	vadd.f32 v53, v53;
	v6 =	vor.u32 v21, v54  }
0x38b: {  	v59 =	vld.idx.msk [tilespmem:v61+s12+$0x0], $0xffff;
	v35 =	vadd.f32 v60, v60;
	v7 =	vor.u32 v22, v54  }
0x38c: {  	v51 =	vld.idx.msk [tilespmem:v51+s12+$0x0], $0xffff;
	v48 =	vadd.f32 v48, v48;
	v53 =	vadd.f32 v53, v50  }
0x38d: {  	v61 =	vor.u32 v8, v55;
	v52 =	vld.idx.msk [tilespmem:v52+s12+$0x0], $0xffff;
	v35 =	vadd.f32 v35, v50  }
0x38e: {  	v60 =	vor.u32 v0, v55;
	v0 =	vld [tilespmem:$0x1F810];
	v8 =	vadd.f32 v48, v50;
	[tilespmem:v11+s20+$0x0] =	vst.idx.msk $0xffff, v53  }
0x38f: {  	[tilespmem:v6+s20+$0x0] =	vst.idx.msk $0xffff, v35;
	v6 =	vld [tilespmem:$0x1F820]  }
0x390: {  	[tilespmem:v7+s20+$0x0] =	vst.idx.msk $0xffff, v8;
	v8 =	vld [tilespmem:$0x1F830]  }
0x391: {  	v40 =	vld [tilespmem:$0x1F840]  }
0x392: {  	v17 =	vsel vm2, v5, v17;
	v48 =	vor.u32 v9, v55;
	v9 =	vld [tilespmem:$0x1F850]  }
0x393: {  	v34 =	vsel vm2, v36, v34;
	v49 =	vadd.f32 v49, v49;
	v46 =	vor.u32 v0, v54  }
0x394: {  	v1 =	vcombine.low v34, v17;
	v10 =	vadd.f32 v10, v10;
	v58 =	vor.u32 v6, v54  }
0x395: {  	v59 =	vadd.f32 v59, v59;
	v56 =	vadd.f32 v13, v13;
	v11 =	vld [tilespmem:$0x1FC20];
	v13 =	vor.u32 v8, v54  }
0x396: {  	v51 =	vadd.f32 v51, v51;
	v36 =	vor.u32 v40, v54;
	v35 =	vadd.f32 v10, v50  }
0x397: {  	v2 =	vadd.f32 v52, v52;
	v56 =	vadd.f32 v56, v50;
	v54 =	vor.u32 v9, v54  }
0x398: {  	v5 =	vor.u32 s31, v1;
	v39 =	vadd.f32 v59, v50;
	v51 =	vadd.f32 v51, v50;
	[tilespmem:v46+s20+$0x0] =	vst.idx.msk $0xffff, v35  }
0x399: {  	v10 =	vadd.f32 v2, v50;
	v7 =	vor.u32 v1, v23;
	[tilespmem:v58+s20+$0x0] =	vst.idx.msk $0xffff, v56  }
0x39a: {  	v53 =	vcombine.low v11, v63;
	v11 =	vor.u32 v1, v24;
	[tilespmem:v13+s20+$0x0] =	vst.idx.msk $0xffff, v39  }
0x39b: {  	v49 =	vadd.f32 v49, v33;
	[tilespmem:v36+s20+$0x0] =	vst.idx.msk $0xffff, v51  }
0x39c: {  	v46 =	vld [tilespmem:$0x1F890];
	[tilespmem:v54+s20+$0x0] =	vst.idx.msk $0xffff, v10  }
0x39d: {  	v47 =	vadd.f32 v47, v47;
	[tilespmem:v60+s20+$0x0] =	vst.idx.msk $0xffff, v49;
	v60 =	vor.u32 v1, v26;
	v49 =	vld.idx.msk [tilespmem:v5+s8+$0x0], $0xffff  }
0x39e: {  	v45 =	vadd.f32 v45, v45;
	v13 =	vor.u32 v4, v55;
	v36 =	vadd.f32 v57, v57;
	v62 =	vld.idx.msk [tilespmem:v7+s12+$0x0], $0xffff  }
0x39f: {  	[tilespmem:$0x1F260] =	vst v17;
	v47 =	vadd.f32 v47, v33;
	v17 =	vor.u32 v1, v30;
	v53 =	vand.u32 $0xF, v53;
	v10 =	vld.idx.msk [tilespmem:v11+s12+$0x0], $0xffff  }
0x3a0: {  	v59 =	vadd.f32 v45, v33;
	v39 =	vor.u32 v53, v23;
	v33 =	vadd.f32 v36, v33;
	v36 =	vld [tilespmem:$0x1FB00]  }
0x3a1: {  	[tilespmem:v61+s20+$0x0] =	vst.idx.msk $0xffff, v47;
	v7 =	vld [tilespmem:$0x1F860]  }
0x3a2: {  	[tilespmem:v48+s20+$0x0] =	vst.idx.msk $0xffff, v59;
	v63 =	vor.u32 v1, v27;
	v45 =	vld.idx.msk [tilespmem:v60+s12+$0x0], $0xffff  }
0x3a3: {  	v48 =	vor.u32 v1, v29;
	[tilespmem:v13+s20+$0x0] =	vst.idx.msk $0xffff, v33;
	v13 =	vld [tilespmem:$0x1F870]  }
0x3a4: {  	v11 =	vor.u32 v1, v25;
	v33 =	vld.idx.msk [tilespmem:v17+s12+$0x0], $0xffff  }
0x3a5: {  	v17 =	vld.idx.msk [tilespmem:v39+s12+$0x0], $0xffff;
	v54 =	vor.u32 v36, v28  }
0x3a6: {  	v1 =	vor.u32 v1, v31;
	v35 =	vadd.f32 v10, v10;
	v10 =	vld [tilespmem:$0x1FB80];
	v39 =	vor.u32 v7, v54  }
0x3a7: {  	v52 =	vld.idx.msk [tilespmem:v63+s12+$0x0], $0xffff;
	v47 =	vadd.f32 v62, v62  }
0x3a8: {  	v48 =	vld.idx.msk [tilespmem:v48+s12+$0x0], $0xffff;
	v4 =	vor.u32 v13, v54  }
0x3a9: {  	v61 =	vld.idx.msk [tilespmem:v11+s12+$0x0], $0xffff;
	v47 =	vadd.f32 v47, v49  }
0x3aa: {  	v50 =	vor.u32 s31, v53;
	v11 =	vld [tilespmem:$0x1F880];
	v35 =	vadd.f32 v35, v49;
	v51 =	vadd.f32 v17, v17  }
0x3ab: {  	v1 =	vld.idx.msk [tilespmem:v1+s12+$0x0], $0xffff;
	v17 =	vadd.f32 v45, v45;
	[tilespmem:v39+s20+$0x0] =	vst.idx.msk $0xffff, v47;
	v47 =	vor.u32 v10, v28  }
0x3ac: {  	v55 =	vor.u32 v53, v24;
	v57 =	vor.u32 v12, v47;
	v12 =	vld [tilespmem:$0x1F8A0]  }
0x3ad: {  	v56 =	vor.u32 v53, v30;
	[tilespmem:v4+s20+$0x0] =	vst.idx.msk $0xffff, v35;
	v35 =	vadd.f32 v17, v49;
	v17 =	vld [tilespmem:$0x1F8B0]  }
0x3ae: {  	v58 =	vor.u32 v53, v26;
	v60 =	vor.u32 v53, v27;
	v39 =	vsel vm2, v3, v16;
	v16 =	vld [tilespmem:$0x1F8C0]  }
0x3af: {  	v63 =	vor.u32 v53, v29;
	v45 =	vsel vm2, v32, v18;
	v18 =	vld [tilespmem:$0x1F8D0];
	v5 =	vor.u32 v11, v54  }
0x3b0: {  	v50 =	vld.idx.msk [tilespmem:v50+s8+$0x0], $0xffff;
	v62 =	vor.u32 v53, v25;
	v36 =	vor.u32 v46, v54;
	v33 =	vadd.f32 v33, v33  }
0x3b1: {  	v55 =	vld.idx.msk [tilespmem:v55+s12+$0x0], $0xffff;
	v53 =	vor.u32 v53, v31;
	v52 =	vadd.f32 v52, v52;
	v59 =	vor.u32 v12, v54  }
0x3b2: {  	v56 =	vld.idx.msk [tilespmem:v56+s12+$0x0], $0xffff;
	v48 =	vadd.f32 v48, v48;
	v33 =	vadd.f32 v33, v49;
	v2 =	vor.u32 v17, v54  }
0x3b3: {  	v61 =	vadd.f32 v61, v61;
	[tilespmem:$0x1F280] =	vst v39;
	v4 =	vcombine.low v45, v39;
	v10 =	vor.u32 v16, v54  }
0x3b4: {  	v58 =	vld.idx.msk [tilespmem:v58+s12+$0x0], $0xffff;
	v52 =	vadd.f32 v52, v49;
	[tilespmem:v5+s20+$0x0] =	vst.idx.msk $0xffff, v33;
	v54 =	vor.u32 v18, v54  }
0x3b5: {  	v1 =	vadd.f32 v1, v1;
	v39 =	vor.u32 s31, v4;
	[tilespmem:v36+s20+$0x0] =	vst.idx.msk $0xffff, v35;
	v36 =	vadd.f32 v61, v49  }
0x3b6: {  	v60 =	vld.idx.msk [tilespmem:v60+s12+$0x0], $0xffff;
	v48 =	vadd.f32 v48, v49;
	v61 =	vor.u32 v4, v24;
	[tilespmem:v59+s20+$0x0] =	vst.idx.msk $0xffff, v52  }
0x3b7: {  	v1 =	vadd.f32 v1, v49;
	v49 =	vld.idx.msk [tilespmem:v63+s12+$0x0], $0xffff;
	[tilespmem:v2+s20+$0x0] =	vst.idx.msk $0xffff, v36  }
0x3b8: {  	v59 =	vld.idx.msk [tilespmem:v62+s12+$0x0], $0xffff;
	[tilespmem:v10+s20+$0x0] =	vst.idx.msk $0xffff, v48;
	v10 =	vor.u32 v21, v47;
	v21 =	vor.u32 v4, v26  }
0x3b9: {  	v48 =	vld.idx.msk [tilespmem:v53+s12+$0x0], $0xffff;
	[tilespmem:v54+s20+$0x0] =	vst.idx.msk $0xffff, v1  }
0x3ba: {  	[tilespmem:$0x1F270] =	vst v45;
	v45 =	vor.u32 v4, v23;
	v53 =	vld.idx.msk [tilespmem:v39+s8+$0x0], $0xffff  }
0x3bb: {  	v62 =	vor.u32 v4, v30;
	v2 =	vld.idx.msk [tilespmem:v61+s12+$0x0], $0xffff  }
0x3bc: {  	v61 =	vor.u32 v0, v47;
	v0 =	vld [tilespmem:$0x1FAF0]  }
0x3bd: {  	v5 =	vadd.f32 v55, v55;
	v39 =	vor.u32 v4, v25;
	v35 =	vld.idx.msk [tilespmem:v21+s12+$0x0], $0xffff  }
0x3be: {  	v63 =	vadd.f32 v51, v50;
	v21 =	vld [tilespmem:$0x1F8E0]  }
0x3bf: {  	v1 =	vadd.f32 v5, v50;
	v52 =	vld.idx.msk [tilespmem:v45+s12+$0x0], $0xffff  }
0x3c0: {  	v36 =	vor.u32 v4, v27;
	[tilespmem:v57+s20+$0x0] =	vst.idx.msk $0xffff, v63;
	v57 =	vor.u32 v4, v29;
	v3 =	vld.idx.msk [tilespmem:v62+s12+$0x0], $0xffff  }
0x3c1: {  	v45 =	vadd.f32 v56, v56;
	v56 =	vor.u32 v22, v47;
	[tilespmem:v10+s20+$0x0] =	vst.idx.msk $0xffff, v1;
	v10 =	vld [tilespmem:$0x1F8F0]  }
0x3c2: {  	v4 =	vor.u32 v4, v31;
	v62 =	vor.u32 v0, v28;
	v63 =	vld.idx.msk [tilespmem:v39+s12+$0x0], $0xffff  }
0x3c3: {  	v39 =	vld [tilespmem:$0x1F900];
	v51 =	vor.u32 v21, v62  }
0x3c4: {  	v32 =	vld [tilespmem:$0x1F920];
	v55 =	vadd.f32 v45, v50;
	v52 =	vadd.f32 v52, v52  }
0x3c5: {  	v54 =	vld.idx.msk [tilespmem:v36+s12+$0x0], $0xffff  }
0x3c6: {  	[tilespmem:v56+s20+$0x0] =	vst.idx.msk $0xffff, v55;
	v55 =	vld.idx.msk [tilespmem:v57+s12+$0x0], $0xffff;
	v52 =	vadd.f32 v52, v53  }
0x3c7: {  	v5 =	vadd.f32 v58, v58;
	v2 =	vadd.f32 v2, v2;
	v4 =	vld.idx.msk [tilespmem:v4+s12+$0x0], $0xffff;
	v22 =	vor.u32 v10, v62  }
0x3c8: {  	v45 =	vor.u32 v39, v62;
	[tilespmem:v51+s20+$0x0] =	vst.idx.msk $0xffff, v52;
	v52 =	vor.u32 v8, v47;
	v8 =	vld [tilespmem:$0x1F910]  }
0x3c9: {  	v33 =	vld [tilespmem:$0x1F940];
	v1 =	vadd.f32 v5, v50;
	v3 =	vadd.f32 v3, v3  }
0x3ca: {  	v2 =	vadd.f32 v2, v53  }
0x3cb: {  	[tilespmem:v61+s20+$0x0] =	vst.idx.msk $0xffff, v1;
	v3 =	vadd.f32 v3, v53;
	v61 =	vadd.f32 v35, v35;
	v35 =	vld [tilespmem:$0x1F960]  }
0x3cc: {  	v15 =	vsel vm2, v14, v15;
	v14 =	vld [tilespmem:$0x1F970];
	[tilespmem:v22+s20+$0x0] =	vst.idx.msk $0xffff, v2  }
0x3cd: {  	v54 =	vadd.f32 v54, v54;
	[tilespmem:v45+s20+$0x0] =	vst.idx.msk $0xffff, v3;
	v3 =	vor.u32 v8, v62  }
0x3ce: {  	v56 =	vor.u32 v6, v47;
	v57 =	vor.u32 v32, v62;
	v58 =	vor.u32 v33, v62  }
0x3cf: {  	[tilespmem:$0x1F250] =	vst v34;
	v54 =	vadd.f32 v54, v53;
	v36 =	vadd.f32 v63, v63;
	v22 =	vsel vm2, v20, v19  }
0x3d0: {  	[tilespmem:$0x1F2A0] =	vst v15;
	v2 =	vadd.f32 v61, v53;
	v45 =	vor.u32 v35, v62;
	v61 =	vcombine.low v22, v15  }
0x3d1: {  	v55 =	vadd.f32 v55, v55;
	v63 =	vadd.f32 v4, v4;
	[tilespmem:$0x1F290] =	vst v22;
	v62 =	vor.u32 v14, v62  }
0x3d2: {  	v51 =	vadd.f32 v59, v59;
	v59 =	vadd.f32 v36, v53;
	v15 =	vor.u32 s31, v61;
	[tilespmem:v3+s20+$0x0] =	vst.idx.msk $0xffff, v2  }
0x3d3: {  	v1 =	vadd.f32 v60, v60;
	v19 =	vadd.f32 v55, v53;
	[tilespmem:v57+s20+$0x0] =	vst.idx.msk $0xffff, v54  }
0x3d4: {  	v0 =	vld [tilespmem:$0x1FAE0];
	v22 =	vadd.f32 v63, v53;
	v20 =	vor.u32 v61, v23;
	[tilespmem:v58+s20+$0x0] =	vst.idx.msk $0xffff, v59  }
0x3d5: {  	v6 =	vld [tilespmem:$0x1F980];
	v1 =	vadd.f32 v1, v50;
	v34 =	vor.u32 v61, v24;
	[tilespmem:v45+s20+$0x0] =	vst.idx.msk $0xffff, v19  }
0x3d6: {  	v57 =	vor.u32 v40, v47;
	v58 =	vld [tilespmem:$0x1FC50];
	[tilespmem:v62+s20+$0x0] =	vst.idx.msk $0xffff, v22;
	v22 =	vor.u32 v61, v27  }
0x3d7: {  	v63 =	vadd.f32 v49, v49;
	v47 =	vor.u32 v9, v47;
	v4 =	vld.idx.msk [tilespmem:v15+s8+$0x0], $0xffff;
	v15 =	vor.u32 v61, v26  }
0x3d8: {  	v51 =	vadd.f32 v51, v50;
	v59 =	vld [tilespmem:$0x1FC40];
	v19 =	vadd.f32 v48, v48  }
0x3d9: {  	[tilespmem:v56+s20+$0x0] =	vst.idx.msk $0xffff, v1;
	v2 =	vadd.f32 v63, v50;
	v20 =	vld.idx.msk [tilespmem:v20+s12+$0x0], $0xffff  }
0x3da: {  	v36 =	vor.u32 v61, v30;
	[tilespmem:v52+s20+$0x0] =	vst.idx.msk $0xffff, v51;
	v3 =	vld.idx.msk [tilespmem:v34+s12+$0x0], $0xffff;
	v1 =	vadd.f32 v19, v50  }
0x3db: {  	[tilespmem:v57+s20+$0x0] =	vst.idx.msk $0xffff, v2;
	v55 =	vld.idx.msk [tilespmem:v22+s12+$0x0], $0xffff  }
0x3dc: {  	[tilespmem:v47+s20+$0x0] =	vst.idx.msk $0xffff, v1;
	v47 =	vld.idx.msk [tilespmem:v15+s12+$0x0], $0xffff  }
0x3dd: {  	v15 =	vld [tilespmem:$0x1F990]  }
0x3de: {  	v34 =	vor.u32 v61, v25;
	v22 =	vld [tilespmem:$0x1F9A0]  }
0x3df: {  	v62 =	vld.idx.msk [tilespmem:v36+s12+$0x0], $0xffff;
	v60 =	vcombine.low v59, v58  }
0x3e0: {  	v63 =	vor.u32 v61, v29;
	v54 =	vor.u32 v0, v28  }
0x3e1: {  	v45 =	vmovc v9;
	v9 =	vor.u32 v6, v54;
	v36 =	vor.u32 v61, v31;
	v1 =	vand.u32 $0xF, v60  }
0x3e2: {  	v48 =	vadd.f32 v20, v20;
	v20 =	vor.u32 v1, v23;
	v19 =	vor.u32 v15, v54  }
0x3e3: {  	v51 =	vld.idx.msk [tilespmem:v34+s12+$0x0], $0xffff;
	v3 =	vadd.f32 v3, v3;
	v34 =	vor.u32 v22, v54  }
0x3e4: {  	v6 =	vld [tilespmem:$0x1F9B0];
	v52 =	vadd.f32 v62, v62;
	v48 =	vadd.f32 v48, v4  }
0x3e5: {  	v53 =	vld.idx.msk [tilespmem:v63+s12+$0x0], $0xffff;
	v3 =	vadd.f32 v3, v4  }
0x3e6: {  	v2 =	vld.idx.msk [tilespmem:v36+s12+$0x0], $0xffff;
	v36 =	vadd.f32 v52, v4;
	[tilespmem:v9+s20+$0x0] =	vst.idx.msk $0xffff, v48  }
0x3e7: {  	[tilespmem:v19+s20+$0x0] =	vst.idx.msk $0xffff, v3;
	v19 =	vld.idx.msk [tilespmem:v20+s12+$0x0], $0xffff  }
0x3e8: {  	v50 =	vor.u32 s31, v1;
	[tilespmem:v34+s20+$0x0] =	vst.idx.msk $0xffff, v36;
	v34 =	vld [tilespmem:$0x1F9C0]  }
0x3e9: {  	v38 =	vsel vm2, v37, v38;
	v42 =	vsel vm2, v42, v41;
	v59 =	vor.u32 v1, v24;
	v20 =	vld [tilespmem:$0x1F9D0]  }
0x3ea: {  	v5 =	vld [tilespmem:$0x1F9E0];
	v58 =	vcombine.low v42, v38;
	v60 =	vor.u32 v1, v30  }
0x3eb: {  	v61 =	vor.u32 v1, v26;
	v62 =	vor.u32 v1, v27;
	v9 =	vor.u32 v6, v54;
	v6 =	vld [tilespmem:$0x1F9F0]  }
0x3ec: {  	v38 =	vld [tilespmem:$0x1FB70];
	v49 =	vor.u32 v1, v25;
	v52 =	vor.u32 v1, v29;
	v1 =	vor.u32 v1, v31  }
0x3ed: {  	v63 =	vadd.f32 v47, v47;
	v47 =	vld.idx.msk [tilespmem:v50+s8+$0x0], $0xffff;
	v36 =	vor.u32 v34, v54  }
0x3ee: {  	v53 =	vadd.f32 v53, v53;
	v15 =	vadd.f32 v55, v55;
	v59 =	vld.idx.msk [tilespmem:v59+s12+$0x0], $0xffff;
	v22 =	vor.u32 v20, v54  }
0x3ef: {  	v5 =	vor.u32 v5, v54;
	v51 =	vadd.f32 v51, v51;
	v60 =	vld.idx.msk [tilespmem:v60+s12+$0x0], $0xffff;
	v3 =	vadd.f32 v63, v4  }
0x3f0: {  	v2 =	vadd.f32 v2, v2;
	v55 =	vld.idx.msk [tilespmem:v62+s12+$0x0], $0xffff;
	v50 =	vadd.f32 v15, v4;
	v54 =	vor.u32 v6, v54  }
0x3f1: {  	v15 =	vor.u32 s31, v58;
	v1 =	vld.idx.msk [tilespmem:v1+s12+$0x0], $0xffff;
	[tilespmem:v9+s20+$0x0] =	vst.idx.msk $0xffff, v3;
	v9 =	vadd.f32 v51, v4  }
0x3f2: {  	v51 =	vld.idx.msk [tilespmem:v61+s12+$0x0], $0xffff;
	v34 =	vadd.f32 v53, v4;
	[tilespmem:v36+s20+$0x0] =	vst.idx.msk $0xffff, v50  }
0x3f3: {  	v37 =	vor.u32 v58, v24;
	v2 =	vadd.f32 v2, v4;
	v4 =	vld.idx.msk [tilespmem:v49+s12+$0x0], $0xffff;
	[tilespmem:v22+s20+$0x0] =	vst.idx.msk $0xffff, v9  }
0x3f4: {  	v49 =	vld.idx.msk [tilespmem:v52+s12+$0x0], $0xffff;
	v36 =	vor.u32 v58, v23;
	v50 =	vor.u32 v38, v28;
	[tilespmem:v5+s20+$0x0] =	vst.idx.msk $0xffff, v34  }
0x3f5: {  	v20 =	vmov v7;
	v38 =	vor.u32 v58, v29;
	v42 =	vor.u32 v7, v50;
	v7 =	vld [tilespmem:$0x1F5E0];
	[tilespmem:v54+s20+$0x0] =	vst.idx.msk $0xffff, v2  }
0x3f6: {  	v48 =	vld.idx.msk [tilespmem:v15+s8+$0x0], $0xffff  }
0x3f7: {  	v9 =	vor.u32 v58, v26;
	v15 =	vld [tilespmem:$0x1F340]  }
0x3f8: {  	v41 =	vadd.f32 v19, v19;
	v3 =	vld.idx.msk [tilespmem:v37+s12+$0x0], $0xffff  }
0x3f9: {  	v34 =	vor.u32 v13, v50;
	v53 =	vld.idx.msk [tilespmem:v36+s12+$0x0], $0xffff  }
0x3fa: {  	v59 =	vadd.f32 v59, v59;
	v5 =	vor.u32 v58, v30;
	v2 =	vadd.f32 v41, v47;
	v6 =	vld.idx.msk [tilespmem:v38+s12+$0x0], $0xffff  }
0x3fb: {  	v22 =	vor.u32 v58, v27;
	v38 =	vld [tilespmem:$0x1F610]  }
0x3fc: {  	v41 =	vadd.f32 v59, v47;
	[tilespmem:v42+s20+$0x0] =	vst.idx.msk $0xffff, v2;
	v42 =	vld.idx.msk [tilespmem:v9+s12+$0x0], $0xffff  }
0x3fd: {  	v37 =	vor.u32 v11, v50;
	v19 =	vadd.s32 $0xC00, v15;
	v15 =	vld [tilespmem:$0x1F5F0]  }
0x3fe: {  	v60 =	vadd.f32 v60, v60;
	v36 =	vor.u32 v58, v25;
	[tilespmem:v34+s20+$0x0] =	vst.idx.msk $0xffff, v41;
	v34 =	vld [tilespmem:$0x1F600]  }
0x3ff: {  	v58 =	vor.u32 v58, v31;
	v5 =	vld.idx.msk [tilespmem:v5+s12+$0x0], $0xffff  }
0x400: {  	v11 =	vadd.f32 v60, v47;
	v57 =	vld.idx.msk [tilespmem:v22+s12+$0x0], $0xffff;
	v56 =	vor.u32 v19, v28  }
0x401: {  	v41 =	vld [tilespmem:$0x1F620];
	v9 =	vor.u32 v7, v56  }
0x402: {  	[tilespmem:v37+s20+$0x0] =	vst.idx.msk $0xffff, v11;
	v11 =	vld [tilespmem:$0x1F640];
	v53 =	vadd.f32 v53, v53;
	v19 =	vor.u32 v15, v56  }
0x403: {  	v3 =	vadd.f32 v3, v3;
	v22 =	vld.idx.msk [tilespmem:v36+s12+$0x0], $0xffff;
	v36 =	vor.u32 v34, v56  }
0x404: {  	v58 =	vld.idx.msk [tilespmem:v58+s12+$0x0], $0xffff;
	v53 =	vadd.f32 v53, v48;
	v5 =	vadd.f32 v5, v5  }
0x405: {  	v3 =	vadd.f32 v3, v48;
	v7 =	vld [tilespmem:$0x1F630]  }
0x406: {  	v5 =	vadd.f32 v5, v48;
	v15 =	vld [tilespmem:$0x1F200];
	[tilespmem:v9+s20+$0x0] =	vst.idx.msk $0xffff, v53  }
0x407: {  	v53 =	vor.u32 v12, v50;
	[tilespmem:v19+s20+$0x0] =	vst.idx.msk $0xffff, v3;
	v19 =	vmov v12;
	v12 =	vld [tilespmem:$0x1F1F0]  }
0x408: {  	v52 =	vor.u32 v38, v56;
	[tilespmem:v36+s20+$0x0] =	vst.idx.msk $0xffff, v5;
	v5 =	vor.u32 v41, v56;
	v41 =	vld [tilespmem:$0x1F650]  }
0x409: {  	v51 =	vadd.f32 v51, v51;
	v37 =	vadd.f32 v42, v42  }
0x40a: {  	v6 =	vadd.f32 v6, v6;
	v42 =	vadd.f32 v57, v57;
	v9 =	vor.u32 v7, v56  }
0x40b: {  	v59 =	vor.u32 v46, v50;
	v2 =	vadd.f32 v22, v22;
	v3 =	vadd.f32 v37, v48  }
0x40c: {  	v60 =	vor.u32 v11, v56;
	v22 =	vadd.f32 v42, v48;
	v34 =	vcombine.low v15, v12  }
0x40d: {  	v2 =	vadd.f32 v2, v48;
	[tilespmem:v52+s20+$0x0] =	vst.idx.msk $0xffff, v3;
	v42 =	vor.u32 v41, v56  }
0x40e: {  	v54 =	vld [tilespmem:$0x1FC60];
	v58 =	vadd.f32 v58, v58;
	v15 =	vadd.f32 v51, v47;
	[tilespmem:v5+s20+$0x0] =	vst.idx.msk $0xffff, v22;
	v61 =	vor.u32 s31, v34  }
0x40f: {  	v38 =	vld [tilespmem:$0x1F680];
	v62 =	vadd.f32 v6, v48;
	v63 =	vor.u32 v34, v23;
	[tilespmem:v9+s20+$0x0] =	vst.idx.msk $0xffff, v2  }
0x410: {  	v9 =	vadd.f32 v58, v48;
	v11 =	vor.u32 v34, v24;
	[tilespmem:v59+s20+$0x0] =	vst.idx.msk $0xffff, v15;
	v15 =	vld [tilespmem:$0x1F670]  }
0x411: {  	v12 =	vor.u32 v34, v30;
	[tilespmem:v60+s20+$0x0] =	vst.idx.msk $0xffff, v62;
	v62 =	vld [tilespmem:$0x1FAD0]  }
0x412: {  	v55 =	vadd.f32 v55, v55;
	v1 =	vadd.f32 v1, v1;
	[tilespmem:v42+s20+$0x0] =	vst.idx.msk $0xffff, v9;
	v9 =	vld [tilespmem:$0x1F660]  }
0x413: {  	v49 =	vadd.f32 v49, v49;
	v57 =	vor.u32 v34, v26;
	v51 =	vld.idx.msk [tilespmem:v61+s8+$0x0], $0xffff  }
0x414: {  	v1 =	vadd.f32 v1, v47;
	v22 =	vadd.f32 v55, v47;
	v58 =	vor.u32 v34, v27;
	v6 =	vld.idx.msk [tilespmem:v63+s12+$0x0], $0xffff  }
0x415: {  	v49 =	vadd.f32 v49, v47;
	v59 =	vor.u32 v34, v25;
	v42 =	vor.u32 v17, v50;
	v3 =	vld.idx.msk [tilespmem:v11+s12+$0x0], $0xffff  }
0x416: {  	v41 =	vadd.f32 v4, v4;
	[tilespmem:v53+s20+$0x0] =	vst.idx.msk $0xffff, v22;
	v60 =	vor.u32 v16, v50;
	v5 =	vld.idx.msk [tilespmem:v12+s12+$0x0], $0xffff  }
0x417: {  	v53 =	vld [tilespmem:$0x1FC70];
	v50 =	vor.u32 v18, v50;
	v61 =	vor.u32 v34, v29;
	v55 =	vor.u32 v62, v28  }
0x418: {  	v2 =	vadd.f32 v41, v47;
	v34 =	vor.u32 v34, v31;
	v63 =	vld.idx.msk [tilespmem:v57+s12+$0x0], $0xffff;
	v11 =	vor.u32 v9, v55  }
0x419: {  	v12 =	vmov v18;
	v36 =	vld.idx.msk [tilespmem:v58+s12+$0x0], $0xffff;
	v18 =	vor.u32 v15, v55;
	v6 =	vadd.f32 v6, v6  }
0x41a: {  	v22 =	vld.idx.msk [tilespmem:v59+s12+$0x0], $0xffff;
	v41 =	vor.u32 v38, v55;
	[tilespmem:v42+s20+$0x0] =	vst.idx.msk $0xffff, v2;
	v3 =	vadd.f32 v3, v3  }
0x41b: {  	v59 =	vld [tilespmem:$0x1F6A0];
	[tilespmem:v60+s20+$0x0] =	vst.idx.msk $0xffff, v49;
	v5 =	vadd.f32 v5, v5;
	v6 =	vadd.f32 v6, v51  }
0x41c: {  	v42 =	vld.idx.msk [tilespmem:v61+s12+$0x0], $0xffff;
	[tilespmem:v50+s20+$0x0] =	vst.idx.msk $0xffff, v1;
	v3 =	vadd.f32 v3, v51  }
0x41d: {  	v34 =	vld.idx.msk [tilespmem:v34+s12+$0x0], $0xffff;
	v56 =	vadd.f32 v5, v51;
	[tilespmem:v11+s20+$0x0] =	vst.idx.msk $0xffff, v6  }
0x41e: {  	v1 =	vcombine.low v54, v53;
	[tilespmem:v18+s20+$0x0] =	vst.idx.msk $0xffff, v3  }
0x41f: {  	v57 =	vld [tilespmem:$0x1F690];
	[tilespmem:v41+s20+$0x0] =	vst.idx.msk $0xffff, v56  }
0x420: {  	v1 =	vand.u32 $0xF, v1;
	v62 =	vld [tilespmem:$0x1F6B0]  }
0x421: {  	v5 =	vor.u32 v1, v23;
	v7 =	vld [tilespmem:$0x1F6C0]  }
0x422: {  	v60 =	vor.u32 v59, v55;
	v59 =	vor.u32 v1, v24;
	v11 =	vld [tilespmem:$0x1F210]  }
0x423: {  	v48 =	vor.u32 s31, v1;
	v15 =	vld [tilespmem:$0x1F220]  }
0x424: {  	v49 =	vor.u32 v1, v30;
	v41 =	vld [tilespmem:$0x1F6D0]  }
0x425: {  	v2 =	vadd.f32 v63, v63;
	v58 =	vor.u32 v57, v55  }
0x426: {  	v61 =	vadd.f32 v36, v36;
	v47 =	vadd.f32 v22, v22;
	v5 =	vld.idx.msk [tilespmem:v5+s12+$0x0], $0xffff  }
0x427: {  	v2 =	vadd.f32 v2, v51;
	v22 =	vadd.f32 v42, v42;
	v36 =	vld.idx.msk [tilespmem:v59+s12+$0x0], $0xffff;
	v63 =	vor.u32 v62, v55  }
0x428: {  	v52 =	vadd.f32 v34, v34;
	v48 =	vld.idx.msk [tilespmem:v48+s8+$0x0], $0xffff;
	v9 =	vor.u32 v7, v55;
	v18 =	vcombine.low v15, v11  }
0x429: {  	v50 =	vadd.f32 v47, v51;
	v6 =	vadd.f32 v61, v51;
	v49 =	vld.idx.msk [tilespmem:v49+s12+$0x0], $0xffff;
	v42 =	vor.u32 v41, v55  }
0x42a: {  	[tilespmem:v58+s20+$0x0] =	vst.idx.msk $0xffff, v2;
	v54 =	vadd.f32 v22, v51;
	v56 =	vadd.f32 v52, v51;
	v15 =	vld [tilespmem:$0x1FAC0];
	v53 =	vor.u32 s31, v18  }
0x42b: {  	[tilespmem:v60+s20+$0x0] =	vst.idx.msk $0xffff, v6;
	v41 =	vld [tilespmem:$0x1F6F0];
	v55 =	vor.u32 v18, v23;
	v57 =	vor.u32 v18, v24  }
0x42c: {  	v7 =	vld [tilespmem:$0x1F700];
	v58 =	vor.u32 v18, v30;
	v60 =	vor.u32 v18, v26;
	[tilespmem:v63+s20+$0x0] =	vst.idx.msk $0xffff, v50  }
0x42d: {  	v11 =	vld [tilespmem:$0x1FB60];
	v61 =	vor.u32 v18, v27;
	v62 =	vor.u32 v18, v25;
	[tilespmem:v9+s20+$0x0] =	vst.idx.msk $0xffff, v54  }
0x42e: {  	v37 =	vor.u32 v18, v31;
	v63 =	vor.u32 v18, v29;
	v18 =	vld [tilespmem:$0x1F6E0];
	[tilespmem:v42+s20+$0x0] =	vst.idx.msk $0xffff, v56  }
0x42f: {  	v2 =	vld.idx.msk [tilespmem:v53+s8+$0x0], $0xffff  }
0x430: {  	v6 =	vld.idx.msk [tilespmem:v55+s12+$0x0], $0xffff  }
0x431: {  	v3 =	vld.idx.msk [tilespmem:v57+s12+$0x0], $0xffff  }
0x432: {  	v4 =	vld.idx.msk [tilespmem:v58+s12+$0x0], $0xffff  }
0x433: {  	v34 =	vld.idx.msk [tilespmem:v60+s12+$0x0], $0xffff  }
0x434: {  	v52 =	vor.u32 v15, v28;
	v38 =	vld.idx.msk [tilespmem:v61+s12+$0x0], $0xffff  }
0x435: {  	v43 =	vcombine.low v43, v44;
	v47 =	vld.idx.msk [tilespmem:v62+s12+$0x0], $0xffff;
	v22 =	vor.u32 v18, v52  }
0x436: {  	v51 =	vor.u32 v1, v26;
	v42 =	vor.u32 v41, v52;
	v37 =	vld.idx.msk [tilespmem:v37+s12+$0x0], $0xffff;
	v6 =	vadd.f32 v6, v6  }
0x437: {  	v54 =	vor.u32 v1, v25;
	v9 =	vor.u32 v7, v52;
	v50 =	vld.idx.msk [tilespmem:v63+s12+$0x0], $0xffff;
	v3 =	vadd.f32 v3, v3  }
0x438: {  	v56 =	vor.u32 v1, v29;
	v18 =	vld [tilespmem:$0x1F710];
	v4 =	vadd.f32 v4, v4;
	v6 =	vadd.f32 v6, v2  }
0x439: {  	v53 =	vor.u32 v1, v27;
	v1 =	vor.u32 v1, v31;
	v57 =	vld [tilespmem:$0x1F720];
	v3 =	vadd.f32 v3, v2  }
0x43a: {  	v5 =	vadd.f32 v5, v5;
	v58 =	vld [tilespmem:$0x1F730];
	v4 =	vadd.f32 v4, v2;
	[tilespmem:v22+s20+$0x0] =	vst.idx.msk $0xffff, v6  }
0x43b: {  	v36 =	vadd.f32 v36, v36;
	v59 =	vor.u32 v11, v28;
	v62 =	vld [tilespmem:$0x1F740];
	[tilespmem:v42+s20+$0x0] =	vst.idx.msk $0xffff, v3  }
0x43c: {  	v5 =	vadd.f32 v5, v48;
	v60 =	vor.u32 v21, v59;
	[tilespmem:v9+s20+$0x0] =	vst.idx.msk $0xffff, v4;
	v9 =	vld [tilespmem:$0x1F750]  }
0x43d: {  	v44 =	vld.idx.msk [tilespmem:v51+s12+$0x0], $0xffff;
	v55 =	vor.u32 v43, v24;
	v50 =	vadd.f32 v50, v50;
	v22 =	vor.u32 v18, v52  }
0x43e: {  	v15 =	vadd.f32 v34, v34;
	v38 =	vadd.f32 v38, v38;
	v1 =	vld.idx.msk [tilespmem:v1+s12+$0x0], $0xffff;
	v4 =	vor.u32 v57, v52  }
0x43f: {  	v61 =	vor.u32 v58, v52;
	v47 =	vadd.f32 v47, v47;
	v41 =	vadd.f32 v50, v2;
	v50 =	vld.idx.msk [tilespmem:v54+s12+$0x0], $0xffff  }
0x440: {  	v63 =	vor.u32 v62, v52;
	v38 =	vadd.f32 v38, v2;
	v6 =	vld.idx.msk [tilespmem:v56+s12+$0x0], $0xffff;
	v3 =	vadd.f32 v15, v2  }
0x441: {  	v15 =	vadd.f32 v47, v2;
	v47 =	vld.idx.msk [tilespmem:v53+s12+$0x0], $0xffff;
	[tilespmem:v60+s20+$0x0] =	vst.idx.msk $0xffff, v5;
	v11 =	vor.u32 v9, v52  }
0x442: {  	v7 =	vld [tilespmem:$0x1F760];
	v34 =	vor.u32 v10, v59;
	v18 =	vadd.f32 v37, v37;
	[tilespmem:v22+s20+$0x0] =	vst.idx.msk $0xffff, v3;
	v22 =	vor.u32 s31, v43  }
0x443: {  	v42 =	vor.u32 v43, v23;
	v60 =	vor.u32 v32, v59;
	[tilespmem:v4+s20+$0x0] =	vst.idx.msk $0xffff, v38;
	v9 =	vmov v32;
	v32 =	vld [tilespmem:$0x1F790]  }
0x444: {  	v2 =	vadd.f32 v18, v2;
	[tilespmem:v61+s20+$0x0] =	vst.idx.msk $0xffff, v15;
	v61 =	vadd.f32 v49, v49;
	v49 =	vld [tilespmem:$0x1F7D0]  }
0x445: {  	v18 =	vor.u32 v43, v27;
	[tilespmem:v63+s20+$0x0] =	vst.idx.msk $0xffff, v41;
	v41 =	vld [tilespmem:$0x1F780]  }
0x446: {  	v36 =	vadd.f32 v36, v48;
	[tilespmem:v11+s20+$0x0] =	vst.idx.msk $0xffff, v2;
	v2 =	vadd.f32 v61, v48;
	v61 =	vld [tilespmem:$0x1FAB0]  }
0x447: {  	v58 =	vor.u32 v43, v30;
	v37 =	vld.idx.msk [tilespmem:v22+s8+$0x0], $0xffff  }
0x448: {  	v62 =	vor.u32 v39, v59;
	[tilespmem:v34+s20+$0x0] =	vst.idx.msk $0xffff, v36;
	v34 =	vor.u32 v43, v25;
	v5 =	vld.idx.msk [tilespmem:v42+s12+$0x0], $0xffff  }
0x449: {  	v63 =	vor.u32 v43, v26;
	v3 =	vld.idx.msk [tilespmem:v55+s12+$0x0], $0xffff  }
0x44a: {  	v57 =	vor.u32 v8, v59;
	v38 =	vld.idx.msk [tilespmem:v18+s12+$0x0], $0xffff  }
0x44b: {  	v22 =	vadd.f32 v44, v44;
	v18 =	vld [tilespmem:$0x1F770]  }
0x44c: {  	v4 =	vld.idx.msk [tilespmem:v58+s12+$0x0], $0xffff;
	v58 =	vor.u32 v43, v29;
	v43 =	vor.u32 v43, v31  }
0x44d: {  	v34 =	vld.idx.msk [tilespmem:v34+s12+$0x0], $0xffff;
	[tilespmem:v62+s20+$0x0] =	vst.idx.msk $0xffff, v2;
	v62 =	vadd.f32 v47, v47;
	v36 =	vadd.f32 v22, v48  }
0x44e: {  	v63 =	vld.idx.msk [tilespmem:v63+s12+$0x0], $0xffff;
	v54 =	vor.u32 v61, v28  }
0x44f: {  	v2 =	vadd.f32 v62, v48;
	v62 =	vld [tilespmem:$0x1F7C0];
	[tilespmem:v57+s20+$0x0] =	vst.idx.msk $0xffff, v36;
	v11 =	vor.u32 v7, v54  }
0x450: {  	v61 =	vld [tilespmem:$0x1F7A0];
	v5 =	vadd.f32 v5, v5;
	v22 =	vor.u32 v18, v54;
	v3 =	vadd.f32 v3, v3  }
0x451: {  	v42 =	vor.u32 v41, v54;
	v52 =	vld.idx.msk [tilespmem:v58+s12+$0x0], $0xffff;
	v4 =	vadd.f32 v4, v4;
	v38 =	vadd.f32 v38, v38  }
0x452: {  	[tilespmem:v60+s20+$0x0] =	vst.idx.msk $0xffff, v2;
	v56 =	vld.idx.msk [tilespmem:v43+s12+$0x0], $0xffff;
	v34 =	vadd.f32 v34, v34;
	v5 =	vadd.f32 v5, v37  }
0x453: {  	v58 =	vor.u32 v32, v54;
	v57 =	vadd.f32 v63, v63;
	v63 =	vld [tilespmem:$0x1F7B0];
	v3 =	vadd.f32 v3, v37  }
0x454: {  	v51 =	vor.u32 v49, v54;
	v4 =	vadd.f32 v4, v37;
	[tilespmem:v11+s20+$0x0] =	vst.idx.msk $0xffff, v5  }
0x455: {  	v47 =	vld [tilespmem:$0x1F240];
	v60 =	vadd.f32 v50, v50;
	v38 =	vadd.f32 v38, v37;
	[tilespmem:v22+s20+$0x0] =	vst.idx.msk $0xffff, v3  }
0x456: {  	v36 =	vadd.f32 v52, v52;
	v52 =	vadd.f32 v34, v37;
	[tilespmem:v42+s20+$0x0] =	vst.idx.msk $0xffff, v4;
	v42 =	vld [tilespmem:$0x1F230]  }
0x457: {  	v11 =	vor.u32 v61, v54;
	v2 =	vadd.f32 v56, v56;
	v3 =	vadd.f32 v57, v37  }
0x458: {  	v18 =	vor.u32 v63, v54;
	v22 =	vor.u32 v62, v54;
	v54 =	vadd.f32 v36, v37  }
0x459: {  	v2 =	vadd.f32 v2, v37;
	v37 =	vadd.f32 v60, v48;
	v60 =	vld [tilespmem:$0x1FAA0];
	_ =	sdelay $0x1  }
0x45a: {  	[tilespmem:v58+s20+$0x0] =	vst.idx.msk $0xffff, v3;
	v41 =	vcombine.low v47, v42  }
0x45b: {  	v15 =	vmov v39;
	v39 =	vld [tilespmem:$0x1F250];
	[tilespmem:v11+s20+$0x0] =	vst.idx.msk $0xffff, v38  }
0x45c: {  	v57 =	vor.u32 v33, v59;
	v11 =	vor.u32 v35, v59;
	[tilespmem:v18+s20+$0x0] =	vst.idx.msk $0xffff, v52;
	v52 =	vld [tilespmem:$0x1FC80];
	v53 =	vor.u32 s31, v41  }
0x45d: {  	v18 =	vadd.f32 v6, v6;
	v38 =	vor.u32 v60, v28;
	v60 =	vld [tilespmem:$0x1F7E0];
	v55 =	vor.u32 v41, v23  }
0x45e: {  	[tilespmem:v22+s20+$0x0] =	vst.idx.msk $0xffff, v54;
	v22 =	vor.u32 v14, v59;
	v59 =	vld [tilespmem:$0x1F7F0];
	v56 =	vor.u32 v41, v24  }
0x45f: {  	[tilespmem:v51+s20+$0x0] =	vst.idx.msk $0xffff, v2;
	v51 =	vld [tilespmem:$0x1FC90];
	v58 =	vor.u32 v41, v30  }
0x460: {  	v2 =	vadd.f32 v18, v48;
	v18 =	vld [tilespmem:$0x1F800]  }
0x461: {  	v49 =	vor.u32 v41, v26;
	v5 =	vld.idx.msk [tilespmem:v53+s8+$0x0], $0xffff  }
0x462: {  	v50 =	vor.u32 v41, v27;
	v34 =	vld.idx.msk [tilespmem:v55+s12+$0x0], $0xffff  }
0x463: {  	v1 =	vadd.f32 v1, v1;
	v54 =	vor.u32 v41, v25;
	v3 =	vld.idx.msk [tilespmem:v56+s12+$0x0], $0xffff  }
0x464: {  	[tilespmem:v57+s20+$0x0] =	vst.idx.msk $0xffff, v37;
	v37 =	vor.u32 v41, v31;
	v4 =	vld.idx.msk [tilespmem:v58+s12+$0x0], $0xffff  }
0x465: {  	v0 =	vmov v14;
	v1 =	vadd.f32 v1, v48;
	v57 =	vld [tilespmem:$0x1F820]  }
0x466: {  	[tilespmem:v11+s20+$0x0] =	vst.idx.msk $0xffff, v2;
	v55 =	vor.u32 v41, v29;
	v6 =	vld.idx.msk [tilespmem:v49+s12+$0x0], $0xffff;
	v41 =	vor.u32 v60, v38  }
0x467: {  	v14 =	vor.u32 v59, v38;
	v53 =	vcombine.low v52, v51;
	v43 =	vld.idx.msk [tilespmem:v50+s12+$0x0], $0xffff;
	v34 =	vadd.f32 v34, v34  }
0x468: {  	[tilespmem:v22+s20+$0x0] =	vst.idx.msk $0xffff, v1;
	v22 =	vor.u32 v18, v38;
	v47 =	vld.idx.msk [tilespmem:v54+s12+$0x0], $0xffff;
	v3 =	vadd.f32 v3, v3  }
0x469: {  	v37 =	vld.idx.msk [tilespmem:v37+s12+$0x0], $0xffff;
	v2 =	vand.u32 $0xF, v53;
	v4 =	vadd.f32 v4, v4;
	v34 =	vadd.f32 v34, v5  }
0x46a: {  	v58 =	vld [tilespmem:$0x1F810];
	v48 =	vor.u32 v2, v24;
	v3 =	vadd.f32 v3, v5  }
0x46b: {  	v1 =	vor.u32 s31, v2;
	v36 =	vld.idx.msk [tilespmem:v55+s12+$0x0], $0xffff;
	v4 =	vadd.f32 v4, v5;
	[tilespmem:v41+s20+$0x0] =	vst.idx.msk $0xffff, v34  }
0x46c: {  	v11 =	vor.u32 v2, v23;
	[tilespmem:v14+s20+$0x0] =	vst.idx.msk $0xffff, v3;
	v14 =	vld [tilespmem:$0x1F830]  }
0x46d: {  	v51 =	vor.u32 v2, v26;
	[tilespmem:v22+s20+$0x0] =	vst.idx.msk $0xffff, v4;
	v22 =	vor.u32 v40, v38;
	v40 =	vld [tilespmem:$0x1F260]  }
0x46e: {  	v53 =	vor.u32 v2, v25  }
0x46f: {  	v50 =	vor.u32 v2, v30;
	v55 =	vadd.f32 v6, v6;
	v56 =	vor.u32 v58, v38;
	v44 =	vld.idx.msk [tilespmem:v48+s12+$0x0], $0xffff  }
0x470: {  	v47 =	vadd.f32 v47, v47;
	v34 =	vld.idx.msk [tilespmem:v1+s8+$0x0], $0xffff;
	v1 =	vor.u32 v2, v29;
	v4 =	vor.u32 v57, v38  }
0x471: {  	v52 =	vor.u32 v2, v27;
	v41 =	vld.idx.msk [tilespmem:v11+s12+$0x0], $0xffff;
	v11 =	vadd.f32 v43, v43;
	v18 =	vor.u32 v14, v38  }
0x472: {  	v49 =	vadd.f32 v47, v5;
	v47 =	vld.idx.msk [tilespmem:v51+s12+$0x0], $0xffff;
	v3 =	vadd.f32 v55, v5;
	v39 =	vcombine.low v40, v39  }
0x473: {  	v6 =	vld.idx.msk [tilespmem:v53+s12+$0x0], $0xffff;
	v36 =	vadd.f32 v36, v36;
	v42 =	vadd.f32 v11, v5;
	v38 =	vor.u32 v45, v38  }
0x474: {  	[tilespmem:v56+s20+$0x0] =	vst.idx.msk $0xffff, v3;
	v40 =	vld.idx.msk [tilespmem:v50+s12+$0x0], $0xffff;
	v50 =	vadd.f32 v37, v37;
	v54 =	vor.u32 s31, v39  }
0x475: {  	v55 =	vadd.f32 v36, v5;
	v1 =	vld.idx.msk [tilespmem:v1+s12+$0x0], $0xffff;
	[tilespmem:v4+s20+$0x0] =	vst.idx.msk $0xffff, v42;
	v56 =	vor.u32 v39, v23  }
0x476: {  	v42 =	vld.idx.msk [tilespmem:v52+s12+$0x0], $0xffff;
	v57 =	vadd.f32 v50, v5;
	v11 =	vor.u32 v39, v24;
	[tilespmem:v18+s20+$0x0] =	vst.idx.msk $0xffff, v49  }
0x477: {  	v14 =	vor.u32 v39, v30;
	v18 =	vld [tilespmem:$0x1F980];
	[tilespmem:v22+s20+$0x0] =	vst.idx.msk $0xffff, v55  }
0x478: {  	[tilespmem:v38+s20+$0x0] =	vst.idx.msk $0xffff, v57;
	v57 =	vld [tilespmem:$0x1FB50]  }
0x479: {  	v3 =	vld.idx.msk [tilespmem:v54+s8+$0x0], $0xffff  }
0x47a: {  	v48 =	vor.u32 v39, v25;
	v38 =	vld.idx.msk [tilespmem:v56+s12+$0x0], $0xffff  }
0x47b: {  	v56 =	vor.u32 v39, v27;
	v5 =	vld.idx.msk [tilespmem:v11+s12+$0x0], $0xffff  }
0x47c: {  	v4 =	vld.idx.msk [tilespmem:v14+s12+$0x0], $0xffff  }
0x47d: {  	v22 =	vor.u32 v39, v26;
	v11 =	vld [tilespmem:$0x1FA90]  }
0x47e: {  	v2 =	vor.u32 v2, v31;
	v14 =	vld [tilespmem:$0x1F990]  }
0x47f: {  	v48 =	vld.idx.msk [tilespmem:v48+s12+$0x0], $0xffff  }
0x480: {  	v44 =	vadd.f32 v44, v44;
	v36 =	vor.u32 v57, v28;
	v43 =	vld.idx.msk [tilespmem:v56+s12+$0x0], $0xffff  }
0x481: {  	v41 =	vadd.f32 v41, v41;
	v50 =	vor.u32 v39, v29;
	v49 =	vor.u32 v18, v36;
	v56 =	vld [tilespmem:$0x1F880]  }
0x482: {  	v44 =	vadd.f32 v44, v34;
	v39 =	vor.u32 v39, v31;
	v37 =	vld.idx.msk [tilespmem:v22+s12+$0x0], $0xffff;
	v52 =	vor.u32 v11, v28  }
0x483: {  	v2 =	vld.idx.msk [tilespmem:v2+s12+$0x0], $0xffff;
	v41 =	vadd.f32 v41, v34;
	v51 =	vor.u32 v14, v36;
	v20 =	vor.u32 v20, v52  }
0x484: {  	v55 =	vld [tilespmem:$0x1F280];
	v38 =	vadd.f32 v38, v38;
	v5 =	vadd.f32 v5, v5;
	v22 =	vor.u32 v13, v52  }
0x485: {  	v54 =	vld [tilespmem:$0x1F270];
	v4 =	vadd.f32 v4, v4;
	v48 =	vadd.f32 v48, v48;
	v53 =	vor.u32 v16, v52  }
0x486: {  	v38 =	vadd.f32 v38, v3;
	v45 =	vor.u32 v56, v52;
	[tilespmem:v49+s20+$0x0] =	vst.idx.msk $0xffff, v41;
	v41 =	vld.idx.msk [tilespmem:v50+s12+$0x0], $0xffff  }
0x487: {  	v39 =	vld.idx.msk [tilespmem:v39+s12+$0x0], $0xffff;
	v5 =	vadd.f32 v5, v3;
	v11 =	vadd.f32 v37, v37;
	v37 =	vor.u32 v46, v52  }
0x488: {  	v43 =	vadd.f32 v43, v43;
	[tilespmem:v20+s20+$0x0] =	vst.idx.msk $0xffff, v38;
	v20 =	vor.u32 v19, v52  }
0x489: {  	v4 =	vadd.f32 v4, v3;
	[tilespmem:v22+s20+$0x0] =	vst.idx.msk $0xffff, v5;
	v22 =	vor.u32 v17, v52  }
0x48a: {  	v57 =	vmovc v13;
	v13 =	vld [tilespmem:$0x1F9A0];
	v5 =	vadd.f32 v11, v3;
	v43 =	vadd.f32 v43, v3;
	v11 =	vor.u32 v12, v52  }
0x48b: {  	[tilespmem:v45+s20+$0x0] =	vst.idx.msk $0xffff, v4;
	v45 =	vcombine.low v55, v54;
	v41 =	vadd.f32 v41, v41  }
0x48c: {  	v16 =	vadd.f32 v39, v39;
	v12 =	vadd.f32 v48, v3;
	[tilespmem:v37+s20+$0x0] =	vst.idx.msk $0xffff, v5  }
0x48d: {  	[tilespmem:v20+s20+$0x0] =	vst.idx.msk $0xffff, v43;
	v19 =	vadd.f32 v41, v3;
	v20 =	vor.u32 v45, v23  }
0x48e: {  	v3 =	vadd.f32 v16, v3;
	[tilespmem:v22+s20+$0x0] =	vst.idx.msk $0xffff, v12;
	v22 =	vor.u32 v45, v24  }
0x48f: {  	v38 =	vor.u32 v13, v36;
	v12 =	vld [tilespmem:$0x1F9C0];
	[tilespmem:v53+s20+$0x0] =	vst.idx.msk $0xffff, v19;
	v53 =	vadd.f32 v47, v47  }
0x490: {  	v48 =	vadd.f32 v40, v40;
	v50 =	vor.u32 v45, v30;
	[tilespmem:v11+s20+$0x0] =	vst.idx.msk $0xffff, v3;
	v11 =	vld [tilespmem:$0x1F9B0]  }
0x491: {  	[tilespmem:v51+s20+$0x0] =	vst.idx.msk $0xffff, v44;
	v51 =	vor.u32 v45, v26;
	v16 =	vadd.f32 v53, v34;
	v53 =	vld [tilespmem:$0x1FA80]  }
0x492: {  	v37 =	vadd.f32 v48, v34;
	v17 =	vor.u32 s31, v45;
	v41 =	vld.idx.msk [tilespmem:v20+s12+$0x0], $0xffff  }
0x493: {  	v55 =	vor.u32 v45, v27;
	v5 =	vld.idx.msk [tilespmem:v22+s12+$0x0], $0xffff  }
0x494: {  	v6 =	vadd.f32 v6, v6;
	v42 =	vadd.f32 v42, v42;
	[tilespmem:v38+s20+$0x0] =	vst.idx.msk $0xffff, v37;
	v47 =	vlaneseq.u32;
	v22 =	vld [tilespmem:$0x1F9D0]  }
0x495: {  	v37 =	vor.u32 v45, v25;
	v38 =	vor.u32 $0x20, v47;
	v4 =	vld.idx.msk [tilespmem:v50+s12+$0x0], $0xffff;
	v54 =	vor.u32 v11, v36  }
0x496: {  	v6 =	vadd.f32 v6, v34;
	v3 =	vld.idx.msk [tilespmem:v51+s12+$0x0], $0xffff;
	v50 =	vor.u32 s31, v38  }
0x497: {  	v19 =	vor.u32 v45, v29;
	v45 =	vor.u32 v45, v31;
	v39 =	vld.idx.msk [tilespmem:v17+s8+$0x0], $0xffff;
	v17 =	vadd.f32 v42, v34  }
0x498: {  	v55 =	vld.idx.msk [tilespmem:v55+s12+$0x0], $0xffff;
	v51 =	vor.u32 v38, v23;
	v44 =	vor.u32 v12, v36;
	v48 =	vor.u32 v53, v28  }
0x499: {  	v20 =	vld [tilespmem:$0x1F2D0];
	v53 =	vor.u32 v38, v24;
	v41 =	vadd.f32 v41, v41;
	v52 =	vor.u32 v22, v36  }
0x49a: {  	v37 =	vld.idx.msk [tilespmem:v37+s12+$0x0], $0xffff;
	v10 =	vor.u32 v10, v48;
	[tilespmem:v54+s20+$0x0] =	vst.idx.msk $0xffff, v16;
	v54 =	vor.u32 v21, v48  }
0x49b: {  	v4 =	vadd.f32 v4, v4;
	v3 =	vadd.f32 v3, v3;
	v40 =	vld.idx.msk [tilespmem:v50+s8+$0x0], $0xffff;
	v50 =	vor.u32 v38, v25  }
0x49c: {  	v42 =	vld.idx.msk [tilespmem:v19+s12+$0x0], $0xffff;
	v19 =	vor.u32 v9, v48;
	v5 =	vadd.f32 v5, v5;
	v16 =	vor.u32 v15, v48  }
0x49d: {  	v49 =	vadd.f32 v55, v55;
	v41 =	vadd.f32 v41, v39;
	v15 =	vld [tilespmem:$0x1F9E0];
	[tilespmem:v44+s20+$0x0] =	vst.idx.msk $0xffff, v17  }
0x49e: {  	v5 =	vadd.f32 v5, v39;
	v17 =	vor.u32 v8, v48;
	[tilespmem:v52+s20+$0x0] =	vst.idx.msk $0xffff, v6;
	v6 =	vld.idx.msk [tilespmem:v45+s12+$0x0], $0xffff  }
0x49f: {  	v55 =	vor.u32 v38, v30;
	v4 =	vadd.f32 v4, v39;
	v8 =	vld [tilespmem:$0x1FDB0];
	[tilespmem:v54+s20+$0x0] =	vst.idx.msk $0xffff, v41  }
0x4a0: {  	v37 =	vadd.f32 v37, v37;
	v3 =	vadd.f32 v3, v39;
	v46 =	vld.idx.msk [tilespmem:v50+s12+$0x0], $0xffff;
	[tilespmem:v10+s20+$0x0] =	vst.idx.msk $0xffff, v5  }
0x4a1: {  	v52 =	vor.u32 v33, v48;
	[tilespmem:v16+s20+$0x0] =	vst.idx.msk $0xffff, v4;
	v4 =	vadd.f32 v49, v39;
	v49 =	vld.idx.msk [tilespmem:v53+s12+$0x0], $0xffff  }
0x4a2: {  	v9 =	vadd.f32 v42, v42;
	v54 =	vor.u32 v35, v48;
	v16 =	vor.u32 v0, v48;
	v53 =	vld [tilespmem:$0x1F290]  }
0x4a3: {  	v0 =	vld [tilespmem:$0x1FDA0];
	[tilespmem:v17+s20+$0x0] =	vst.idx.msk $0xffff, v3;
	v17 =	vor.u32 v38, v26;
	v6 =	vadd.f32 v6, v6  }
0x4a4: {  	v10 =	vadd.f32 v37, v39;
	v3 =	vld.idx.msk [tilespmem:v51+s12+$0x0], $0xffff  }
0x4a5: {  	[tilespmem:v19+s20+$0x0] =	vst.idx.msk $0xffff, v4;
	v4 =	vadd.f32 v9, v39;
	v51 =	vadd.f32 v6, v39;
	v6 =	vld.idx.msk [tilespmem:v55+s12+$0x0], $0xffff  }
0x4a6: {  	[tilespmem:v52+s20+$0x0] =	vst.idx.msk $0xffff, v10;
	v10 =	vld [tilespmem:$0x1F5E0]  }
0x4a7: {  	v19 =	vor.u32 v38, v27;
	[tilespmem:v54+s20+$0x0] =	vst.idx.msk $0xffff, v4;
	v54 =	vld [tilespmem:$0x1F2A0]  }
0x4a8: {  	v52 =	vor.u32 v38, v29;
	v4 =	vld.idx.msk [tilespmem:v17+s12+$0x0], $0xffff  }
0x4a9: {  	v55 =	vor.u32 v38, v31;
	v17 =	vld [tilespmem:$0x1F5F0]  }
0x4aa: {  	v21 =	vor.u32 $0x1000, v20;
	v9 =	vld [tilespmem:$0x1F600]  }
0x4ab: {  	v38 =	vor.u32 v21, v28;
	v21 =	vld [tilespmem:$0x1F9F0]  }
0x4ac: {  	v43 =	vld.idx.msk [tilespmem:v19+s12+$0x0], $0xffff  }
0x4ad: {  	[tilespmem:v16+s20+$0x0] =	vst.idx.msk $0xffff, v51;
	v16 =	vor.u32 v10, v38;
	v39 =	vld.idx.msk [tilespmem:v52+s12+$0x0], $0xffff;
	v35 =	vcombine.low v54, v53  }
0x4ae: {  	v3 =	vadd.f32 v3, v3;
	v51 =	vld.idx.msk [tilespmem:v55+s12+$0x0], $0xffff;
	v19 =	vor.u32 v17, v38  }
0x4af: {  	v5 =	vadd.f32 v49, v49;
	v10 =	vor.u32 v9, v38;
	v9 =	vld [tilespmem:$0x1FDC0];
	v20 =	vor.u32 v35, v23  }
0x4b0: {  	v47 =	vor.u32 v15, v36;
	v3 =	vadd.f32 v3, v40;
	v55 =	vld [tilespmem:$0x1F650]  }
0x4b1: {  	v1 =	vadd.f32 v1, v1;
	v5 =	vadd.f32 v5, v40;
	v54 =	vld [tilespmem:$0x1F640]  }
0x4b2: {  	v2 =	vadd.f32 v2, v2;
	v6 =	vadd.f32 v6, v6;
	v42 =	vor.u32 s31, v35;
	v17 =	vld [tilespmem:$0x1F610];
	[tilespmem:v16+s20+$0x0] =	vst.idx.msk $0xffff, v3  }
0x4b3: {  	v1 =	vadd.f32 v1, v34;
	v48 =	vor.u32 v35, v24;
	[tilespmem:v19+s20+$0x0] =	vst.idx.msk $0xffff, v5;
	v19 =	vld [tilespmem:$0x1F620]  }
0x4b4: {  	v49 =	vor.u32 v35, v30;
	v16 =	vadd.f32 v6, v40;
	v44 =	vld.idx.msk [tilespmem:v20+s12+$0x0], $0xffff  }
0x4b5: {  	v2 =	vadd.f32 v2, v34;
	[tilespmem:v47+s20+$0x0] =	vst.idx.msk $0xffff, v1;
	v20 =	vld [tilespmem:$0x1F630]  }
0x4b6: {  	v46 =	vadd.f32 v46, v46;
	v50 =	vor.u32 v35, v26;
	[tilespmem:v10+s20+$0x0] =	vst.idx.msk $0xffff, v16;
	v10 =	vld [tilespmem:$0x1FDD0]  }
0x4b7: {  	v41 =	vsel vm2, v8, v0;
	v52 =	vor.u32 v35, v27;
	v6 =	vor.u32 v35, v25;
	v33 =	vld.idx.msk [tilespmem:v42+s8+$0x0], $0xffff  }
0x4b8: {  	v4 =	vadd.f32 v4, v4;
	v5 =	vor.u32 v35, v29;
	v3 =	vor.u32 v17, v38;
	v48 =	vld.idx.msk [tilespmem:v48+s12+$0x0], $0xffff  }
0x4b9: {  	v37 =	vadd.f32 v43, v43;
	v53 =	vor.u32 v54, v38;
	v49 =	vld.idx.msk [tilespmem:v49+s12+$0x0], $0xffff;
	v35 =	vor.u32 v35, v31  }
0x4ba: {  	v43 =	vor.u32 v19, v38;
	v45 =	vor.u32 v20, v38;
	v38 =	vor.u32 v55, v38;
	v55 =	vld [tilespmem:$0x1FA70]  }
0x4bb: {  	v36 =	vor.u32 v21, v36;
	v4 =	vadd.f32 v4, v40;
	v50 =	vld.idx.msk [tilespmem:v50+s12+$0x0], $0xffff;
	v42 =	vsel vm2, v10, v9  }
0x4bc: {  	v39 =	vadd.f32 v39, v39;
	v37 =	vadd.f32 v37, v40;
	v6 =	vld.idx.msk [tilespmem:v6+s12+$0x0], $0xffff;
	v54 =	vcombine.low v42, v41  }
0x4bd: {  	v17 =	vadd.f32 v51, v51;
	v16 =	vadd.f32 v46, v40;
	[tilespmem:v3+s20+$0x0] =	vst.idx.msk $0xffff, v4;
	v5 =	vld.idx.msk [tilespmem:v5+s12+$0x0], $0xffff  }
0x4be: {  	v19 =	vadd.f32 v39, v40;
	v35 =	vld.idx.msk [tilespmem:v35+s12+$0x0], $0xffff;
	v46 =	vor.u32 s31, v54;
	v20 =	vor.u32 v54, v23  }
0x4bf: {  	v4 =	vor.u32 v54, v24;
	[tilespmem:v43+s20+$0x0] =	vst.idx.msk $0xffff, v37;
	v43 =	vld.idx.msk [tilespmem:v52+s12+$0x0], $0xffff;
	v37 =	vor.u32 v55, v28  }
0x4c0: {  	v52 =	vadd.f32 v17, v40;
	[tilespmem:v45+s20+$0x0] =	vst.idx.msk $0xffff, v16;
	v45 =	vor.u32 v14, v37;
	v14 =	vld [tilespmem:$0x1FA60]  }
0x4c1: {  	v34 =	vor.u32 v54, v30;
	v47 =	vor.u32 v13, v37;
	v13 =	vld [tilespmem:$0x1F680];
	[tilespmem:v53+s20+$0x0] =	vst.idx.msk $0xffff, v19  }
0x4c2: {  	v17 =	vor.u32 v18, v37;
	[tilespmem:v38+s20+$0x0] =	vst.idx.msk $0xffff, v52;
	v52 =	vld [tilespmem:$0x1F6B0]  }
0x4c3: {  	v16 =	vadd.f32 v44, v44;
	v40 =	vld.idx.msk [tilespmem:v46+s8+$0x0], $0xffff  }
0x4c4: {  	v55 =	vadd.f32 v48, v48;
	v19 =	vld.idx.msk [tilespmem:v20+s12+$0x0], $0xffff  }
0x4c5: {  	[tilespmem:$0x1F2B0] =	vst v42;
	v53 =	vmov v18;
	v18 =	vor.u32 v54, v26;
	v42 =	vadd.f32 v16, v33;
	v3 =	vld.idx.msk [tilespmem:v4+s12+$0x0], $0xffff  }
0x4c6: {  	[tilespmem:v36+s20+$0x0] =	vst.idx.msk $0xffff, v2;
	v48 =	vor.u32 v54, v31;
	v34 =	vld.idx.msk [tilespmem:v34+s12+$0x0], $0xffff  }
0x4c7: {  	v36 =	vadd.f32 v55, v33;
	[tilespmem:v17+s20+$0x0] =	vst.idx.msk $0xffff, v42;
	v17 =	vld [tilespmem:$0x1F660]  }
0x4c8: {  	v20 =	vor.u32 v54, v27;
	v4 =	vor.u32 v54, v25;
	v46 =	vor.u32 v54, v29;
	v54 =	vld [tilespmem:$0x1F6C0]  }
0x4c9: {  	v16 =	vadd.f32 v49, v49;
	v1 =	vadd.f32 v19, v19;
	v19 =	vld [tilespmem:$0x1F670]  }
0x4ca: {  	v38 =	vld.idx.msk [tilespmem:v18+s12+$0x0], $0xffff  }
0x4cb: {  	v2 =	vadd.f32 v16, v33;
	v51 =	vor.u32 v14, v28;
	[tilespmem:v45+s20+$0x0] =	vst.idx.msk $0xffff, v36;
	v45 =	vld.idx.msk [tilespmem:v48+s12+$0x0], $0xffff  }
0x4cc: {  	v14 =	vor.u32 v13, v51;
	v13 =	vld [tilespmem:$0x1FE00];
	v18 =	vor.u32 v17, v51  }
0x4cd: {  	v42 =	vmov v11;
	[tilespmem:v47+s20+$0x0] =	vst.idx.msk $0xffff, v2;
	v47 =	vor.u32 v11, v37;
	v11 =	vld [tilespmem:$0x1FDE0]  }
0x4ce: {  	v39 =	vld.idx.msk [tilespmem:v20+s12+$0x0], $0xffff;
	v20 =	vor.u32 v19, v51  }
0x4cf: {  	v4 =	vld.idx.msk [tilespmem:v4+s12+$0x0], $0xffff;
	v3 =	vadd.f32 v3, v3;
	v1 =	vadd.f32 v1, v40  }
0x4d0: {  	v36 =	vld.idx.msk [tilespmem:v46+s12+$0x0], $0xffff;
	v34 =	vadd.f32 v34, v34  }
0x4d1: {  	v3 =	vadd.f32 v3, v40;
	[tilespmem:v18+s20+$0x0] =	vst.idx.msk $0xffff, v1;
	v18 =	vld [tilespmem:$0x1F690]  }
0x4d2: {  	[tilespmem:$0x1F2C0] =	vst v41;
	v16 =	vadd.f32 v34, v40;
	v19 =	vld [tilespmem:$0x1F6A0]  }
0x4d3: {  	v41 =	vmov v12;
	v17 =	vadd.f32 v38, v38;
	v38 =	vor.u32 v12, v37;
	v12 =	vld [tilespmem:$0x1FDF0];
	[tilespmem:v20+s20+$0x0] =	vst.idx.msk $0xffff, v3  }
0x4d4: {  	[tilespmem:v14+s20+$0x0] =	vst.idx.msk $0xffff, v16;
	v14 =	vld [tilespmem:$0x1FE10]  }
0x4d5: {  	v2 =	vadd.f32 v50, v50  }
0x4d6: {  	v48 =	vor.u32 v52, v51;
	v16 =	vld [tilespmem:$0x1F6D0];
	v1 =	vor.u32 v18, v51  }
0x4d7: {  	v2 =	vadd.f32 v2, v33;
	v34 =	vadd.f32 v43, v43;
	v20 =	vor.u32 v19, v51  }
0x4d8: {  	v55 =	vor.u32 v54, v51;
	v39 =	vadd.f32 v39, v39;
	v4 =	vadd.f32 v4, v4  }
0x4d9: {  	v43 =	vsel vm2, v12, v11;
	v3 =	vadd.f32 v17, v40;
	v46 =	vsel vm2, v14, v13  }
0x4da: {  	v36 =	vadd.f32 v36, v36;
	v39 =	vadd.f32 v39, v40;
	v50 =	vcombine.low v46, v43  }
0x4db: {  	v17 =	vadd.f32 v4, v40;
	v51 =	vor.u32 v16, v51;
	[tilespmem:v1+s20+$0x0] =	vst.idx.msk $0xffff, v3  }
0x4dc: {  	v18 =	vadd.f32 v45, v45;
	[tilespmem:v20+s20+$0x0] =	vst.idx.msk $0xffff, v39;
	v20 =	vor.u32 v50, v23  }
0x4dd: {  	[tilespmem:v47+s20+$0x0] =	vst.idx.msk $0xffff, v2;
	v36 =	vadd.f32 v36, v40  }
0x4de: {  	v40 =	vadd.f32 v18, v40;
	[tilespmem:v48+s20+$0x0] =	vst.idx.msk $0xffff, v17  }
0x4df: {  	v47 =	vld [tilespmem:$0x1FA50];
	v19 =	vor.u32 s31, v50;
	[tilespmem:v55+s20+$0x0] =	vst.idx.msk $0xffff, v36  }
0x4e0: {  	v34 =	vadd.f32 v34, v33;
	v18 =	vld [tilespmem:$0x1F700];
	v44 =	vor.u32 v50, v24;
	[tilespmem:v51+s20+$0x0] =	vst.idx.msk $0xffff, v40  }
0x4e1: {  	v45 =	vor.u32 v50, v30;
	v54 =	vor.u32 v50, v27;
	v16 =	vor.u32 v50, v29;
	v52 =	vld.idx.msk [tilespmem:v20+s12+$0x0], $0xffff  }
0x4e2: {  	v17 =	vor.u32 v50, v31;
	v55 =	vor.u32 v50, v25;
	v51 =	vor.u32 v50, v26;
	v50 =	vld [tilespmem:$0x1F6E0]  }
0x4e3: {  	v49 =	vor.u32 v22, v37;
	v40 =	vld [tilespmem:$0x1F710]  }
0x4e4: {  	[tilespmem:v38+s20+$0x0] =	vst.idx.msk $0xffff, v34;
	v38 =	vor.u32 v15, v37;
	v48 =	vadd.f32 v6, v6;
	v4 =	vld.idx.msk [tilespmem:v19+s8+$0x0], $0xffff  }
0x4e5: {  	v5 =	vadd.f32 v5, v5;
	v3 =	vld.idx.msk [tilespmem:v44+s12+$0x0], $0xffff  }
0x4e6: {  	v1 =	vadd.f32 v48, v33;
	v2 =	vadd.f32 v52, v52;
	v52 =	vld [tilespmem:$0x1F6F0]  }
0x4e7: {  	v5 =	vadd.f32 v5, v33;
	v36 =	vld.idx.msk [tilespmem:v45+s12+$0x0], $0xffff  }
0x4e8: {  	[tilespmem:v49+s20+$0x0] =	vst.idx.msk $0xffff, v1;
	v39 =	vld.idx.msk [tilespmem:v54+s12+$0x0], $0xffff  }
0x4e9: {  	v37 =	vor.u32 v21, v37;
	v47 =	vor.u32 v47, v28;
	[tilespmem:v38+s20+$0x0] =	vst.idx.msk $0xffff, v5;
	v5 =	vld.idx.msk [tilespmem:v16+s12+$0x0], $0xffff  }
0x4ea: {  	v48 =	vadd.f32 v35, v35;
	v49 =	vld.idx.msk [tilespmem:v51+s12+$0x0], $0xffff;
	v51 =	vor.u32 v50, v47  }
0x4eb: {  	v20 =	vmov v15;
	v15 =	vld [tilespmem:$0x1FE20];
	v54 =	vor.u32 v52, v47  }
0x4ec: {  	v1 =	vadd.f32 v48, v33;
	v19 =	vor.u32 v18, v47;
	v16 =	vld [tilespmem:$0x1FE30];
	v3 =	vadd.f32 v3, v3  }
0x4ed: {  	v18 =	vld [tilespmem:$0x1FE50];
	v36 =	vadd.f32 v36, v36;
	v2 =	vadd.f32 v2, v4  }
0x4ee: {  	v55 =	vld.idx.msk [tilespmem:v55+s12+$0x0], $0xffff;
	[tilespmem:v37+s20+$0x0] =	vst.idx.msk $0xffff, v1;
	v3 =	vadd.f32 v3, v4  }
0x4ef: {  	v1 =	vld.idx.msk [tilespmem:v17+s12+$0x0], $0xffff;
	v44 =	vadd.f32 v36, v4;
	[tilespmem:v51+s20+$0x0] =	vst.idx.msk $0xffff, v2  }
0x4f0: {  	v17 =	vld [tilespmem:$0x1FE40];
	v45 =	vadd.f32 v49, v49;
	[tilespmem:v54+s20+$0x0] =	vst.idx.msk $0xffff, v3  }
0x4f1: {  	[tilespmem:v19+s20+$0x0] =	vst.idx.msk $0xffff, v44;
	v44 =	vld [tilespmem:$0x1F720]  }
0x4f2: {  	v3 =	vadd.f32 v45, v4;
	v45 =	vld [tilespmem:$0x1F730]  }
0x4f3: {  	v33 =	vadd.f32 v55, v55;
	v55 =	vld [tilespmem:$0x1F740]  }
0x4f4: {  	v49 =	vadd.f32 v39, v39;
	v39 =	vld [tilespmem:$0x1F750]  }
0x4f5: {  	v48 =	vor.u32 v40, v47  }
0x4f6: {  	v50 =	vor.u32 v44, v47  }
0x4f7: {  	v52 =	vsel vm2, v16, v15;
	v54 =	vsel vm2, v18, v17;
	v51 =	vor.u32 v45, v47  }
0x4f8: {  	v36 =	vor.u32 v55, v47;
	v37 =	vcombine.low v54, v52  }
0x4f9: {  	v5 =	vadd.f32 v5, v5;
	v6 =	vadd.f32 v49, v4;
	[tilespmem:$0x1F2F0] =	vst v52;
	v47 =	vor.u32 v39, v47  }
0x4fa: {  	v1 =	vadd.f32 v1, v1;
	[tilespmem:v48+s20+$0x0] =	vst.idx.msk $0xffff, v3;
	v48 =	vadd.f32 v33, v4;
	v49 =	vor.u32 s31, v37  }
0x4fb: {  	v5 =	vadd.f32 v5, v4;
	v52 =	vor.u32 v37, v30;
	[tilespmem:v50+s20+$0x0] =	vst.idx.msk $0xffff, v6  }
0x4fc: {  	v1 =	vadd.f32 v1, v4;
	[tilespmem:v51+s20+$0x0] =	vst.idx.msk $0xffff, v48  }
0x4fd: {  	v55 =	vor.u32 v37, v27;
	[tilespmem:v36+s20+$0x0] =	vst.idx.msk $0xffff, v5  }
0x4fe: {  	[tilespmem:v47+s20+$0x0] =	vst.idx.msk $0xffff, v1  }
0x4ff: {  	v50 =	vor.u32 v37, v23;
	v1 =	vld.idx.msk [tilespmem:v49+s8+$0x0], $0xffff  }
0x500: {  	v4 =	vld.idx.msk [tilespmem:v52+s12+$0x0], $0xffff  }
0x501: {  	v49 =	vld [tilespmem:$0x1FA40]  }
0x502: {  	v51 =	vor.u32 v37, v24;
	v6 =	vld.idx.msk [tilespmem:v55+s12+$0x0], $0xffff  }
0x503: {  	v52 =	vld [tilespmem:$0x1F770]  }
0x504: {  	[tilespmem:$0x1F2E0] =	vst v54;
	v54 =	vor.u32 v37, v26;
	v5 =	vld.idx.msk [tilespmem:v50+s12+$0x0], $0xffff  }
0x505: {  	v50 =	vld [tilespmem:$0x1F760]  }
0x506: {  	v19 =	vor.u32 v37, v25;
	v55 =	vld [tilespmem:$0x1F780]  }
0x507: {  	v48 =	vor.u32 v37, v31;
	v2 =	vld.idx.msk [tilespmem:v51+s12+$0x0], $0xffff  }
0x508: {  	v47 =	vor.u32 v37, v29  }
0x509: {  	v3 =	vld.idx.msk [tilespmem:v54+s12+$0x0], $0xffff;
	v36 =	vor.u32 v49, v28  }
0x50a: {  	v51 =	vor.u32 v50, v36  }
0x50b: {  	v33 =	vld.idx.msk [tilespmem:v19+s12+$0x0], $0xffff;
	v5 =	vadd.f32 v5, v5;
	v54 =	vor.u32 v52, v36  }
0x50c: {  	v35 =	vld.idx.msk [tilespmem:v48+s12+$0x0], $0xffff;
	v19 =	vor.u32 v55, v36;
	v2 =	vadd.f32 v2, v2  }
0x50d: {  	v34 =	vld.idx.msk [tilespmem:v47+s12+$0x0], $0xffff;
	v4 =	vadd.f32 v4, v4;
	v5 =	vadd.f32 v5, v1  }
0x50e: {  	v38 =	vadd.f32 v3, v3;
	v3 =	vor.u32 v32, v36;
	v32 =	vld [tilespmem:$0x1FE70];
	v2 =	vadd.f32 v2, v1  }
0x50f: {  	v55 =	vld [tilespmem:$0x1FE90];
	v4 =	vadd.f32 v4, v1;
	[tilespmem:v51+s20+$0x0] =	vst.idx.msk $0xffff, v5  }
0x510: {  	[tilespmem:v54+s20+$0x0] =	vst.idx.msk $0xffff, v2;
	v54 =	vld [tilespmem:$0x1FE80]  }
0x511: {  	[tilespmem:v19+s20+$0x0] =	vst.idx.msk $0xffff, v4;
	v19 =	vld [tilespmem:$0x1FE60];
	_ =	sdelay $0x1  }
0x512: {  	v39 =	vld [tilespmem:$0x1F7D0];
	_ =	sdelay $0x1  }
0x513: {  	v47 =	vadd.f32 v6, v6;
	v33 =	vadd.f32 v33, v33;
	v48 =	vor.u32 v61, v36  }
0x514: {  	v49 =	vor.u32 v63, v36;
	v51 =	vsel vm2, v55, v54;
	v50 =	vsel vm2, v32, v19  }
0x515: {  	v52 =	vor.u32 v62, v36;
	v2 =	vadd.f32 v38, v1;
	v38 =	vcombine.low v51, v50  }
0x516: {  	v36 =	vor.u32 v39, v36;
	v34 =	vadd.f32 v34, v34;
	v4 =	vadd.f32 v47, v1  }
0x517: {  	v61 =	vadd.f32 v33, v1;
	v62 =	vadd.f32 v35, v35;
	[tilespmem:v3+s20+$0x0] =	vst.idx.msk $0xffff, v2;
	v63 =	vor.u32 s31, v38  }
0x518: {  	v34 =	vadd.f32 v34, v1;
	[tilespmem:v48+s20+$0x0] =	vst.idx.msk $0xffff, v4;
	v35 =	vor.u32 v38, v23  }
0x519: {  	v1 =	vadd.f32 v62, v1;
	[tilespmem:v49+s20+$0x0] =	vst.idx.msk $0xffff, v61;
	v47 =	vor.u32 v38, v24  }
0x51a: {  	[tilespmem:v52+s20+$0x0] =	vst.idx.msk $0xffff, v34;
	v49 =	vor.u32 v38, v26  }
0x51b: {  	v62 =	vld [tilespmem:$0x1FA30];
	[tilespmem:v36+s20+$0x0] =	vst.idx.msk $0xffff, v1  }
0x51c: {  	v48 =	vor.u32 v38, v30;
	v1 =	vld.idx.msk [tilespmem:v63+s8+$0x0], $0xffff  }
0x51d: {  	v5 =	vld.idx.msk [tilespmem:v35+s12+$0x0], $0xffff  }
0x51e: {  	v2 =	vld.idx.msk [tilespmem:v47+s12+$0x0], $0xffff  }
0x51f: {  	v4 =	vld.idx.msk [tilespmem:v49+s12+$0x0], $0xffff  }
0x520: {  	[tilespmem:$0x1F310] =	vst v50;
	v50 =	vor.u32 v38, v27;
	v49 =	vld [tilespmem:$0x1F800]  }
0x521: {  	[tilespmem:$0x1F300] =	vst v51;
	v51 =	vor.u32 v38, v25;
	v3 =	vld.idx.msk [tilespmem:v48+s12+$0x0], $0xffff  }
0x522: {  	v36 =	vor.u32 v62, v28;
	v52 =	vor.u32 v38, v29  }
0x523: {  	v61 =	vor.u32 v38, v31;
	v63 =	vor.u32 v60, v36  }
0x524: {  	v48 =	vor.u32 v59, v36;
	v5 =	vadd.f32 v5, v5  }
0x525: {  	v6 =	vld.idx.msk [tilespmem:v50+s12+$0x0], $0xffff;
	v2 =	vadd.f32 v2, v2;
	v50 =	vor.u32 v49, v36  }
0x526: {  	v33 =	vld.idx.msk [tilespmem:v51+s12+$0x0], $0xffff;
	v3 =	vadd.f32 v3, v3;
	v5 =	vadd.f32 v5, v1  }
0x527: {  	v34 =	vld.idx.msk [tilespmem:v52+s12+$0x0], $0xffff;
	v2 =	vadd.f32 v2, v1  }
0x528: {  	v35 =	vld.idx.msk [tilespmem:v61+s12+$0x0], $0xffff;
	v3 =	vadd.f32 v3, v1;
	[tilespmem:v63+s20+$0x0] =	vst.idx.msk $0xffff, v5  }
0x529: {  	v62 =	vld [tilespmem:$0x1F840];
	[tilespmem:v48+s20+$0x0] =	vst.idx.msk $0xffff, v2  }
0x52a: {  	[tilespmem:v50+s20+$0x0] =	vst.idx.msk $0xffff, v3;
	v3 =	vor.u32 v58, v36;
	v58 =	vld [tilespmem:$0x1F820]  }
0x52b: {  	v59 =	vld [tilespmem:$0x1F830];
	v60 =	vsel vm2, v9, v8;
	v61 =	vsel vm2, v0, v10  }
0x52c: {  	v10 =	vld [tilespmem:$0x1F850];
	v9 =	vcombine.low v61, v60  }
0x52d: {  	v0 =	vld [tilespmem:$0x1FA20];
	[tilespmem:$0x1F330] =	vst v60  }
0x52e: {  	[tilespmem:$0x1F320] =	vst v61;
	v60 =	vor.u32 v9, v27;
	v61 =	vor.u32 v9, v25  }
0x52f: {  	v51 =	vadd.f32 v4, v4;
	v52 =	vadd.f32 v6, v6;
	v5 =	vor.u32 v58, v36  }
0x530: {  	v6 =	vor.u32 v59, v36;
	v33 =	vadd.f32 v33, v33;
	v34 =	vadd.f32 v34, v34  }
0x531: {  	v38 =	vadd.f32 v35, v35;
	v63 =	vor.u32 v62, v36;
	v2 =	vadd.f32 v51, v1  }
0x532: {  	v47 =	vor.u32 v0, v28;
	v4 =	vadd.f32 v52, v1;
	v36 =	vor.u32 v10, v36  }
0x533: {  	v49 =	vor.u32 s31, v9;
	v37 =	vadd.f32 v33, v1;
	v52 =	vor.u32 v9, v24;
	[tilespmem:v3+s20+$0x0] =	vst.idx.msk $0xffff, v2  }
0x534: {  	v51 =	vor.u32 v9, v23;
	v50 =	vadd.f32 v34, v1;
	[tilespmem:v5+s20+$0x0] =	vst.idx.msk $0xffff, v4  }
0x535: {  	v1 =	vadd.f32 v38, v1;
	v38 =	vor.u32 v57, v47;
	v57 =	vld [tilespmem:$0x1F890];
	[tilespmem:v6+s20+$0x0] =	vst.idx.msk $0xffff, v37  }
0x536: {  	v59 =	vor.u32 v9, v26;
	v58 =	vor.u32 v9, v30;
	v37 =	vld [tilespmem:$0x1F8C0];
	[tilespmem:v63+s20+$0x0] =	vst.idx.msk $0xffff, v50  }
0x537: {  	v62 =	vor.u32 v9, v29;
	v63 =	vor.u32 v9, v31;
	v9 =	vld [tilespmem:$0x1F860];
	[tilespmem:v36+s20+$0x0] =	vst.idx.msk $0xffff, v1  }
0x538: {  	v1 =	vld.idx.msk [tilespmem:v49+s8+$0x0], $0xffff  }
0x539: {  	v5 =	vld.idx.msk [tilespmem:v51+s12+$0x0], $0xffff  }
0x53a: {  	v2 =	vld.idx.msk [tilespmem:v52+s12+$0x0], $0xffff  }
0x53b: {  	v3 =	vld.idx.msk [tilespmem:v58+s12+$0x0], $0xffff  }
0x53c: {  	v4 =	vld.idx.msk [tilespmem:v59+s12+$0x0], $0xffff  }
0x53d: {  	v6 =	vld.idx.msk [tilespmem:v60+s12+$0x0], $0xffff;
	v10 =	vor.u32 v9, v47  }
0x53e: {  	v33 =	vld.idx.msk [tilespmem:v61+s12+$0x0], $0xffff;
	v5 =	vadd.f32 v5, v5  }
0x53f: {  	v34 =	vld.idx.msk [tilespmem:v62+s12+$0x0], $0xffff;
	v2 =	vadd.f32 v2, v2  }
0x540: {  	v60 =	vld [tilespmem:$0x1F8A0];
	v5 =	vadd.f32 v5, v1  }
0x541: {  	v52 =	vor.u32 v56, v47;
	v62 =	vld [tilespmem:$0x1F8B0];
	v56 =	vadd.f32 v4, v4;
	v2 =	vadd.f32 v2, v1  }
0x542: {  	v50 =	vld.idx.msk [tilespmem:v63+s12+$0x0], $0xffff;
	[tilespmem:v10+s20+$0x0] =	vst.idx.msk $0xffff, v5  }
0x543: {  	v3 =	vadd.f32 v3, v3;
	[tilespmem:v38+s20+$0x0] =	vst.idx.msk $0xffff, v2;
	v2 =	vadd.f32 v56, v1;
	v56 =	vld [tilespmem:$0x1F8D0]  }
0x544: {  	v13 =	vsel vm2, v13, v12;
	v58 =	vor.u32 v57, v47  }
0x545: {  	v36 =	vsel vm2, v11, v14;
	v61 =	vor.u32 v60, v47;
	v3 =	vadd.f32 v3, v1  }
0x546: {  	v59 =	vadd.f32 v6, v6;
	v63 =	vor.u32 v62, v47;
	v33 =	vadd.f32 v33, v33  }
0x547: {  	v38 =	vor.u32 v37, v47;
	[tilespmem:v52+s20+$0x0] =	vst.idx.msk $0xffff, v3;
	v52 =	vcombine.low v36, v13  }
0x548: {  	v34 =	vadd.f32 v34, v34;
	v4 =	vadd.f32 v59, v1;
	v47 =	vor.u32 v56, v47  }
0x549: {  	v57 =	vadd.f32 v33, v1;
	[tilespmem:v58+s20+$0x0] =	vst.idx.msk $0xffff, v2;
	v58 =	vadd.f32 v50, v50;
	v59 =	vor.u32 s31, v52  }
0x54a: {  	v35 =	vld [tilespmem:$0x1F8E0];
	v60 =	vadd.f32 v34, v1;
	[tilespmem:v61+s20+$0x0] =	vst.idx.msk $0xffff, v4;
	v61 =	vor.u32 v52, v23  }
0x54b: {  	v14 =	vld [tilespmem:$0x1FA10];
	v62 =	vor.u32 v52, v24;
	[tilespmem:v63+s20+$0x0] =	vst.idx.msk $0xffff, v57;
	v1 =	vadd.f32 v58, v1  }
0x54c: {  	v37 =	vld [tilespmem:$0x1F8F0];
	v63 =	vor.u32 v52, v30;
	[tilespmem:v38+s20+$0x0] =	vst.idx.msk $0xffff, v60  }
0x54d: {  	v9 =	vor.u32 v52, v26;
	v56 =	vld [tilespmem:$0x1F900];
	[tilespmem:v47+s20+$0x0] =	vst.idx.msk $0xffff, v1  }
0x54e: {  	v10 =	vor.u32 v52, v27;
	v1 =	vld.idx.msk [tilespmem:v59+s8+$0x0], $0xffff  }
0x54f: {  	v11 =	vor.u32 v52, v25;
	v5 =	vld.idx.msk [tilespmem:v61+s12+$0x0], $0xffff  }
0x550: {  	[tilespmem:$0x1F390] =	vst v13;
	v13 =	vor.u32 v52, v31;
	v2 =	vld.idx.msk [tilespmem:v62+s12+$0x0], $0xffff  }
0x551: {  	v3 =	vld.idx.msk [tilespmem:v63+s12+$0x0], $0xffff  }
0x552: {  	v4 =	vld.idx.msk [tilespmem:v9+s12+$0x0], $0xffff  }
0x553: {  	v6 =	vld.idx.msk [tilespmem:v10+s12+$0x0], $0xffff  }
0x554: {  	v51 =	vld.idx.msk [tilespmem:v11+s12+$0x0], $0xffff  }
0x555: {  	v12 =	vor.u32 v52, v29;
	v47 =	vld.idx.msk [tilespmem:v13+s12+$0x0], $0xffff  }
0x556: {  	v59 =	vld [tilespmem:$0x1F910]  }
0x557: {  	v48 =	vor.u32 v14, v28;
	v62 =	vld [tilespmem:$0x1F920]  }
0x558: {  	[tilespmem:$0x1F380] =	vst v36;
	v14 =	vsel vm2, v15, v18;
	v36 =	vor.u32 v35, v48;
	v11 =	vld [tilespmem:$0x1F940]  }
0x559: {  	v38 =	vor.u32 v37, v48;
	v57 =	vor.u32 v56, v48;
	v13 =	vsel vm2, v17, v16;
	v16 =	vld [tilespmem:$0x1F960]  }
0x55a: {  	v52 =	vld.idx.msk [tilespmem:v12+s12+$0x0], $0xffff;
	v18 =	vcombine.low v14, v13;
	v5 =	vadd.f32 v5, v5;
	v2 =	vadd.f32 v2, v2  }
0x55b: {  	v33 =	vld [tilespmem:$0x1F970];
	v3 =	vadd.f32 v3, v3;
	v58 =	vadd.f32 v4, v4;
	v60 =	vor.u32 v59, v48  }
0x55c: {  	v61 =	vadd.f32 v6, v6;
	v63 =	vor.u32 v62, v48;
	v5 =	vadd.f32 v5, v1  }
0x55d: {  	v12 =	vor.u32 v11, v48;
	v15 =	vadd.f32 v51, v51;
	v2 =	vadd.f32 v2, v1  }
0x55e: {  	v17 =	vor.u32 v16, v48;
	v3 =	vadd.f32 v3, v1;
	[tilespmem:v36+s20+$0x0] =	vst.idx.msk $0xffff, v5  }
0x55f: {  	v52 =	vadd.f32 v52, v52;
	[tilespmem:v38+s20+$0x0] =	vst.idx.msk $0xffff, v2;
	v2 =	vadd.f32 v58, v1  }
0x560: {  	v48 =	vor.u32 v33, v48;
	v4 =	vadd.f32 v61, v1;
	[tilespmem:v57+s20+$0x0] =	vst.idx.msk $0xffff, v3  }
0x561: {  	v35 =	vadd.f32 v47, v47;
	v34 =	vadd.f32 v15, v1;
	v36 =	vor.u32 s31, v18;
	[tilespmem:v60+s20+$0x0] =	vst.idx.msk $0xffff, v2  }
0x562: {  	v37 =	vadd.f32 v52, v1;
	v38 =	vor.u32 v18, v23;
	[tilespmem:v63+s20+$0x0] =	vst.idx.msk $0xffff, v4  }
0x563: {  	v9 =	vld [tilespmem:$0x1F990];
	v49 =	vor.u32 v18, v24;
	v1 =	vadd.f32 v35, v1;
	[tilespmem:v12+s20+$0x0] =	vst.idx.msk $0xffff, v34  }
0x564: {  	v11 =	vld [tilespmem:$0x1F9A0];
	v52 =	vor.u32 v18, v30;
	[tilespmem:v17+s20+$0x0] =	vst.idx.msk $0xffff, v37  }
0x565: {  	v56 =	vor.u32 v18, v26;
	v61 =	vld [tilespmem:$0x1FA00];
	[tilespmem:v48+s20+$0x0] =	vst.idx.msk $0xffff, v1  }
0x566: {  	v57 =	vor.u32 v18, v27;
	v1 =	vld.idx.msk [tilespmem:v36+s8+$0x0], $0xffff  }
0x567: {  	v58 =	vor.u32 v18, v25;
	v5 =	vld.idx.msk [tilespmem:v38+s12+$0x0], $0xffff  }
0x568: {  	v59 =	vor.u32 v18, v29;
	v2 =	vld.idx.msk [tilespmem:v49+s12+$0x0], $0xffff  }
0x569: {  	v60 =	vor.u32 v18, v31;
	v3 =	vld.idx.msk [tilespmem:v52+s12+$0x0], $0xffff  }
0x56a: {  	v19 =	vsel vm2, v19, v55;
	v62 =	vor.u32 v61, v28;
	v4 =	vld.idx.msk [tilespmem:v56+s12+$0x0], $0xffff  }
0x56b: {  	[tilespmem:$0x1F3C0] =	vst v14;
	v18 =	vsel vm2, v54, v32;
	v63 =	vor.u32 v53, v62;
	v6 =	vld.idx.msk [tilespmem:v57+s12+$0x0], $0xffff  }
0x56c: {  	v10 =	vor.u32 v9, v62;
	v14 =	vor.u32 v42, v62;
	v16 =	vor.u32 v41, v62;
	v47 =	vld.idx.msk [tilespmem:v58+s12+$0x0], $0xffff  }
0x56d: {  	v20 =	vor.u32 v20, v62;
	v51 =	vcombine.low v19, v18;
	v48 =	vld.idx.msk [tilespmem:v59+s12+$0x0], $0xffff;
	v5 =	vadd.f32 v5, v5  }
0x56e: {  	v12 =	vor.u32 v11, v62;
	v49 =	vld.idx.msk [tilespmem:v60+s12+$0x0], $0xffff;
	v2 =	vadd.f32 v2, v2;
	v3 =	vadd.f32 v3, v3  }
0x56f: {  	v55 =	vld [tilespmem:$0x1F340];
	[tilespmem:$0x1F3D0] =	vst v13;
	v50 =	vor.u32 v21, v62;
	v13 =	vadd.f32 v4, v4;
	v5 =	vadd.f32 v5, v1  }
0x570: {  	v8 =	vld [tilespmem:$0x1F630];
	v17 =	vor.u32 v22, v62;
	v15 =	vadd.f32 v6, v6;
	v2 =	vadd.f32 v2, v1  }
0x571: {  	v0 =	vld [tilespmem:$0x1F650];
	v47 =	vadd.f32 v47, v47;
	v3 =	vadd.f32 v3, v1;
	[tilespmem:v63+s20+$0x0] =	vst.idx.msk $0xffff, v5  }
0x572: {  	v18 =	vld [tilespmem:$0x1F600];
	v48 =	vadd.f32 v48, v48;
	[tilespmem:v10+s20+$0x0] =	vst.idx.msk $0xffff, v2;
	v2 =	vadd.f32 v13, v1  }
0x573: {  	v9 =	vld [tilespmem:$0x1F620];
	v32 =	vadd.f32 v49, v49;
	v4 =	vadd.f32 v15, v1;
	[tilespmem:v12+s20+$0x0] =	vst.idx.msk $0xffff, v3  }
0x574: {  	v33 =	vor.u32 s31, v51;
	v35 =	vor.u32 v51, v23;
	v22 =	vadd.f32 v47, v1;
	v15 =	vld [tilespmem:$0x1F5F0];
	[tilespmem:v14+s20+$0x0] =	vst.idx.msk $0xffff, v2  }
0x575: {  	v34 =	vadd.f32 v48, v1;
	v1 =	vadd.f32 v32, v1;
	v32 =	vld [tilespmem:$0x1F2B0];
	[tilespmem:v16+s20+$0x0] =	vst.idx.msk $0xffff, v4  }
0x576: {  	v36 =	vor.u32 v51, v24;
	v14 =	vld [tilespmem:$0x1F640];
	[tilespmem:v17+s20+$0x0] =	vst.idx.msk $0xffff, v22  }
0x577: {  	v37 =	vor.u32 v51, v30;
	v16 =	vld [tilespmem:$0x1F610];
	[tilespmem:v20+s20+$0x0] =	vst.idx.msk $0xffff, v34  }
0x578: {  	v38 =	vor.u32 v51, v26;
	v17 =	vld [tilespmem:$0x1F5E0];
	[tilespmem:v50+s20+$0x0] =	vst.idx.msk $0xffff, v1  }
0x579: {  	v41 =	vor.u32 v51, v27;
	v1 =	vld.idx.msk [tilespmem:v33+s8+$0x0], $0xffff  }
0x57a: {  	v42 =	vor.u32 v51, v25;
	v5 =	vld.idx.msk [tilespmem:v35+s12+$0x0], $0xffff  }
0x57b: {  	v2 =	vld.idx.msk [tilespmem:v36+s12+$0x0], $0xffff  }
0x57c: {  	v57 =	vor.u32 v51, v29;
	v3 =	vld.idx.msk [tilespmem:v37+s12+$0x0], $0xffff  }
0x57d: {  	v56 =	vadd.s32 $0x1400, v55;
	v58 =	vor.u32 v51, v31;
	v4 =	vld.idx.msk [tilespmem:v38+s12+$0x0], $0xffff  }
0x57e: {  	v48 =	vor.u32 v56, v28;
	v6 =	vld.idx.msk [tilespmem:v41+s12+$0x0], $0xffff  }
0x57f: {  	v61 =	vor.u32 v18, v48;
	v19 =	vor.u32 v9, v48;
	v47 =	vld.idx.msk [tilespmem:v42+s12+$0x0], $0xffff;
	v59 =	vor.u32 v17, v48  }
0x580: {  	v21 =	vor.u32 v8, v48;
	v60 =	vor.u32 v15, v48;
	v33 =	vld [tilespmem:$0x1F2C0];
	v5 =	vadd.f32 v5, v5  }
0x581: {  	v49 =	vld.idx.msk [tilespmem:v57+s12+$0x0], $0xffff;
	v22 =	vor.u32 v14, v48;
	v2 =	vadd.f32 v2, v2;
	v3 =	vadd.f32 v3, v3  }
0x582: {  	v50 =	vld.idx.msk [tilespmem:v58+s12+$0x0], $0xffff;
	v63 =	vor.u32 v16, v48;
	v62 =	vadd.f32 v4, v4;
	v5 =	vadd.f32 v5, v1  }
0x583: {  	v48 =	vor.u32 v0, v48;
	v20 =	vadd.f32 v6, v6;
	v2 =	vadd.f32 v2, v1  }
0x584: {  	v47 =	vadd.f32 v47, v47;
	v3 =	vadd.f32 v3, v1;
	[tilespmem:v59+s20+$0x0] =	vst.idx.msk $0xffff, v5  }
0x585: {  	v34 =	vcombine.low v33, v32;
	[tilespmem:v60+s20+$0x0] =	vst.idx.msk $0xffff, v2;
	v2 =	vadd.f32 v62, v1  }
0x586: {  	v11 =	vld [tilespmem:$0x1F690];
	v35 =	vadd.f32 v49, v49;
	v5 =	vadd.f32 v20, v1;
	[tilespmem:v61+s20+$0x0] =	vst.idx.msk $0xffff, v3  }
0x587: {  	v10 =	vld [tilespmem:$0x1F6B0];
	v37 =	vadd.f32 v50, v50;
	v36 =	vadd.f32 v47, v1;
	v38 =	vor.u32 s31, v34;
	[tilespmem:v63+s20+$0x0] =	vst.idx.msk $0xffff, v2  }
0x588: {  	v57 =	vld [tilespmem:$0x1F5B0];
	v42 =	vadd.f32 v35, v1;
	v49 =	vor.u32 v34, v23;
	[tilespmem:v19+s20+$0x0] =	vst.idx.msk $0xffff, v5  }
0x589: {  	v33 =	vld [tilespmem:$0x1F660];
	v50 =	vor.u32 v34, v24;
	v1 =	vadd.f32 v37, v1;
	[tilespmem:v21+s20+$0x0] =	vst.idx.msk $0xffff, v36  }
0x58a: {  	v52 =	vor.u32 v34, v30;
	v21 =	vld [tilespmem:$0x1F680];
	[tilespmem:v22+s20+$0x0] =	vst.idx.msk $0xffff, v42  }
0x58b: {  	v22 =	vld [tilespmem:$0x1F670];
	[tilespmem:v48+s20+$0x0] =	vst.idx.msk $0xffff, v1  }
0x58c: {  	v54 =	vor.u32 v34, v27;
	v1 =	vld.idx.msk [tilespmem:v38+s8+$0x0], $0xffff  }
0x58d: {  	v5 =	vld.idx.msk [tilespmem:v49+s12+$0x0], $0xffff  }
0x58e: {  	v53 =	vor.u32 v34, v26;
	v2 =	vld.idx.msk [tilespmem:v50+s12+$0x0], $0xffff  }
0x58f: {  	v55 =	vor.u32 v34, v25;
	v3 =	vld.idx.msk [tilespmem:v52+s12+$0x0], $0xffff  }
0x590: {  	v13 =	vld [tilespmem:$0x1F6C0];
	v58 =	vor.u32 v57, v28;
	v56 =	vor.u32 v34, v29  }
0x591: {  	v41 =	vor.u32 v34, v31;
	v59 =	vor.u32 v33, v58;
	v6 =	vld.idx.msk [tilespmem:v54+s12+$0x0], $0xffff  }
0x592: {  	v12 =	vld [tilespmem:$0x1F6A0];
	v60 =	vor.u32 v22, v58;
	v5 =	vadd.f32 v5, v5  }
0x593: {  	v4 =	vld.idx.msk [tilespmem:v53+s12+$0x0], $0xffff;
	v61 =	vor.u32 v21, v58;
	v2 =	vadd.f32 v2, v2  }
0x594: {  	v42 =	vld.idx.msk [tilespmem:v55+s12+$0x0], $0xffff;
	v3 =	vadd.f32 v3, v3;
	v5 =	vadd.f32 v5, v1  }
0x595: {  	v47 =	vld.idx.msk [tilespmem:v56+s12+$0x0], $0xffff;
	v2 =	vadd.f32 v2, v1  }
0x596: {  	v41 =	vld.idx.msk [tilespmem:v41+s12+$0x0], $0xffff;
	v20 =	vadd.f32 v6, v6;
	v3 =	vadd.f32 v3, v1;
	[tilespmem:v59+s20+$0x0] =	vst.idx.msk $0xffff, v5  }
0x597: {  	v51 =	vlaneseq.u32;
	[tilespmem:v60+s20+$0x0] =	vst.idx.msk $0xffff, v2  }
0x598: {  	v52 =	vor.u32 $0x30, v51;
	[tilespmem:v61+s20+$0x0] =	vst.idx.msk $0xffff, v3;
	v3 =	vadd.f32 v20, v1;
	v20 =	vld [tilespmem:$0x1F6D0]  }
0x599: {  	v32 =	vor.u32 v12, v58;
	v63 =	vor.u32 v11, v58;
	v54 =	vor.u32 s31, v52  }
0x59a: {  	v35 =	vor.u32 v10, v58;
	v55 =	vor.u32 v52, v23;
	v62 =	vadd.f32 v4, v4  }
0x59b: {  	v36 =	vor.u32 v13, v58;
	v56 =	vor.u32 v52, v24;
	v57 =	vor.u32 v52, v30  }
0x59c: {  	v34 =	vadd.f32 v42, v42;
	v59 =	vor.u32 v52, v26;
	v2 =	vadd.f32 v62, v1;
	v62 =	vld [tilespmem:$0x1F2D0]  }
0x59d: {  	v37 =	vadd.f32 v47, v47;
	v48 =	vadd.f32 v41, v41;
	v38 =	vor.u32 v20, v58  }
0x59e: {  	v6 =	vadd.f32 v34, v1;
	v5 =	vld.idx.msk [tilespmem:v54+s8+$0x0], $0xffff;
	v60 =	vor.u32 v52, v27;
	[tilespmem:v63+s20+$0x0] =	vst.idx.msk $0xffff, v2  }
0x59f: {  	v19 =	vor.u32 v52, v29;
	v53 =	vadd.f32 v37, v1;
	v2 =	vld.idx.msk [tilespmem:v55+s12+$0x0], $0xffff;
	[tilespmem:v32+s20+$0x0] =	vst.idx.msk $0xffff, v3  }
0x5a0: {  	v41 =	vor.u32 v52, v31;
	v1 =	vadd.f32 v48, v1;
	v3 =	vld.idx.msk [tilespmem:v56+s12+$0x0], $0xffff;
	[tilespmem:v35+s20+$0x0] =	vst.idx.msk $0xffff, v6  }
0x5a1: {  	v61 =	vor.u32 v52, v25;
	v32 =	vld.idx.msk [tilespmem:v59+s12+$0x0], $0xffff;
	[tilespmem:v36+s20+$0x0] =	vst.idx.msk $0xffff, v53;
	v63 =	vor.u32 $0x1800, v62  }
0x5a2: {  	v51 =	vor.u32 v63, v28;
	[tilespmem:v38+s20+$0x0] =	vst.idx.msk $0xffff, v1;
	v1 =	vld.idx.msk [tilespmem:v57+s12+$0x0], $0xffff  }
0x5a3: {  	v43 =	vcombine.low v43, v46;
	v46 =	vld.idx.msk [tilespmem:v60+s12+$0x0], $0xffff;
	v36 =	vor.u32 v17, v51  }
0x5a4: {  	v49 =	vld.idx.msk [tilespmem:v19+s12+$0x0], $0xffff;
	v2 =	vadd.f32 v2, v2;
	v37 =	vor.u32 v15, v51  }
0x5a5: {  	v59 =	vld.idx.msk [tilespmem:v41+s12+$0x0], $0xffff;
	v3 =	vadd.f32 v3, v3  }
0x5a6: {  	v47 =	vld.idx.msk [tilespmem:v61+s12+$0x0], $0xffff;
	v2 =	vadd.f32 v2, v5;
	v15 =	vadd.f32 v32, v32;
	v38 =	vor.u32 v18, v51  }
0x5a7: {  	v63 =	vld [tilespmem:$0x1F5A0];
	v3 =	vadd.f32 v3, v5;
	v1 =	vadd.f32 v1, v1  }
0x5a8: {  	v42 =	vadd.f32 v46, v46;
	v46 =	vor.u32 v9, v51;
	v9 =	vld [tilespmem:$0x1FEC0];
	[tilespmem:v36+s20+$0x0] =	vst.idx.msk $0xffff, v2  }
0x5a9: {  	v50 =	vor.u32 v43, v23;
	[tilespmem:v37+s20+$0x0] =	vst.idx.msk $0xffff, v3;
	v37 =	vld [tilespmem:$0x1FEA0];
	v1 =	vadd.f32 v1, v5  }
0x5aa: {  	v58 =	vor.u32 v43, v24;
	v3 =	vadd.f32 v15, v5;
	v15 =	vld [tilespmem:$0x1FED0]  }
0x5ab: {  	v48 =	vor.u32 s31, v43;
	[tilespmem:v38+s20+$0x0] =	vst.idx.msk $0xffff, v1;
	v1 =	vor.u32 v16, v51;
	v16 =	vld [tilespmem:$0x1FEB0]  }
0x5ac: {  	v19 =	vld [tilespmem:$0x1F6F0];
	v54 =	vor.u32 v43, v25;
	v52 =	vor.u32 v43, v26  }
0x5ad: {  	v49 =	vadd.f32 v49, v49;
	v56 =	vor.u32 v43, v29;
	v53 =	vor.u32 v43, v27;
	v17 =	vld [tilespmem:$0x1F6E0]  }
0x5ae: {  	v55 =	vor.u32 v8, v51;
	v35 =	vor.u32 v14, v51;
	v4 =	vld.idx.msk [tilespmem:v50+s12+$0x0], $0xffff;
	v50 =	vor.u32 v43, v30  }
0x5af: {  	v47 =	vadd.f32 v47, v47;
	v6 =	vld.idx.msk [tilespmem:v58+s12+$0x0], $0xffff;
	v43 =	vor.u32 v43, v31;
	v34 =	vsel vm2, v15, v9  }
0x5b0: {  	v58 =	vor.u32 v63, v28;
	v48 =	vld.idx.msk [tilespmem:v48+s8+$0x0], $0xffff;
	[tilespmem:$0x1F350] =	vst v34;
	v32 =	vsel vm2, v16, v37  }
0x5b1: {  	v52 =	vld.idx.msk [tilespmem:v52+s12+$0x0], $0xffff;
	v42 =	vadd.f32 v42, v5;
	[tilespmem:v1+s20+$0x0] =	vst.idx.msk $0xffff, v3;
	v61 =	vcombine.low v34, v32  }
0x5b2: {  	v53 =	vld.idx.msk [tilespmem:v53+s12+$0x0], $0xffff;
	v36 =	vadd.f32 v47, v5;
	v51 =	vor.u32 v0, v51;
	[tilespmem:$0x1F360] =	vst v32  }
0x5b3: {  	v50 =	vld.idx.msk [tilespmem:v50+s12+$0x0], $0xffff;
	v38 =	vadd.f32 v59, v59;
	[tilespmem:v46+s20+$0x0] =	vst.idx.msk $0xffff, v42;
	v32 =	vor.u32 v61, v30  }
0x5b4: {  	v62 =	vadd.f32 v49, v5;
	v60 =	vor.u32 v17, v58;
	v49 =	vld.idx.msk [tilespmem:v54+s12+$0x0], $0xffff  }
0x5b5: {  	v4 =	vadd.f32 v4, v4;
	v14 =	vadd.f32 v38, v5;
	[tilespmem:v55+s20+$0x0] =	vst.idx.msk $0xffff, v36;
	v8 =	vld [tilespmem:$0x1F700];
	v59 =	vor.u32 s31, v61  }
0x5b6: {  	v2 =	vadd.f32 v6, v6;
	v5 =	vld.idx.msk [tilespmem:v56+s12+$0x0], $0xffff;
	v63 =	vor.u32 v61, v23;
	[tilespmem:v35+s20+$0x0] =	vst.idx.msk $0xffff, v62  }
0x5b7: {  	v6 =	vor.u32 v19, v58;
	v54 =	vld.idx.msk [tilespmem:v43+s12+$0x0], $0xffff;
	v18 =	vor.u32 v61, v24;
	[tilespmem:v51+s20+$0x0] =	vst.idx.msk $0xffff, v14  }
0x5b8: {  	v38 =	vor.u32 v61, v27;
	v42 =	vld.idx.msk [tilespmem:v32+s12+$0x0], $0xffff  }
0x5b9: {  	v4 =	vadd.f32 v4, v48;
	v3 =	vor.u32 v61, v25;
	v32 =	vld [tilespmem:$0x1F520]  }
0x5ba: {  	v2 =	vadd.f32 v2, v48;
	v36 =	vor.u32 v61, v26;
	v35 =	vor.u32 v8, v58;
	v47 =	vld.idx.msk [tilespmem:v59+s8+$0x0], $0xffff  }
0x5bb: {  	v34 =	vadd.f32 v50, v50;
	[tilespmem:v60+s20+$0x0] =	vst.idx.msk $0xffff, v4;
	v62 =	vor.u32 v61, v29;
	v4 =	vld.idx.msk [tilespmem:v63+s12+$0x0], $0xffff  }
0x5bc: {  	v60 =	vadd.f32 v52, v52;
	[tilespmem:v6+s20+$0x0] =	vst.idx.msk $0xffff, v2;
	v51 =	vor.u32 v40, v58;
	v2 =	vld.idx.msk [tilespmem:v18+s12+$0x0], $0xffff  }
0x5bd: {  	v1 =	vadd.f32 v34, v48;
	v63 =	vor.u32 v44, v58;
	v18 =	vor.u32 v61, v31;
	v46 =	vld.idx.msk [tilespmem:v38+s12+$0x0], $0xffff  }
0x5be: {  	v34 =	vadd.f32 v53, v53;
	v3 =	vld.idx.msk [tilespmem:v3+s12+$0x0], $0xffff;
	v57 =	vor.u32 v32, v28  }
0x5bf: {  	v6 =	vadd.f32 v60, v48;
	[tilespmem:v35+s20+$0x0] =	vst.idx.msk $0xffff, v1;
	v35 =	vld.idx.msk [tilespmem:v36+s12+$0x0], $0xffff;
	v36 =	vor.u32 v33, v57  }
0x5c0: {  	v61 =	vld.idx.msk [tilespmem:v62+s12+$0x0], $0xffff;
	v1 =	vadd.f32 v34, v48;
	v4 =	vadd.f32 v4, v4;
	v38 =	vor.u32 v22, v57  }
0x5c1: {  	v2 =	vadd.f32 v2, v2;
	[tilespmem:v51+s20+$0x0] =	vst.idx.msk $0xffff, v6;
	v32 =	vld [tilespmem:$0x1FEF0]  }
0x5c2: {  	[tilespmem:v63+s20+$0x0] =	vst.idx.msk $0xffff, v1;
	v1 =	vld.idx.msk [tilespmem:v18+s12+$0x0], $0xffff;
	v4 =	vadd.f32 v4, v47  }
0x5c3: {  	v60 =	vor.u32 v21, v57;
	v21 =	vor.u32 v12, v57;
	v12 =	vld [tilespmem:$0x1FF00];
	v2 =	vadd.f32 v2, v47  }
0x5c4: {  	[tilespmem:v36+s20+$0x0] =	vst.idx.msk $0xffff, v4;
	v36 =	vld [tilespmem:$0x1FF10]  }
0x5c5: {  	[tilespmem:v38+s20+$0x0] =	vst.idx.msk $0xffff, v2;
	v38 =	vld [tilespmem:$0x1FEE0];
	_ =	sdelay $0x1  }
0x5c6: {  	v42 =	vadd.f32 v42, v42;
	v46 =	vadd.f32 v46, v46  }
0x5c7: {  	v3 =	vadd.f32 v3, v3;
	v6 =	vadd.f32 v61, v61;
	v18 =	vor.u32 v11, v57  }
0x5c8: {  	v22 =	vor.u32 v10, v57;
	v41 =	vor.u32 v13, v57;
	v63 =	vadd.f32 v35, v35  }
0x5c9: {  	v62 =	vadd.f32 v42, v47;
	v43 =	vsel vm2, v36, v12;
	v35 =	vsel vm2, v32, v38  }
0x5ca: {  	v46 =	vadd.f32 v46, v47;
	v2 =	vadd.f32 v63, v47;
	v42 =	vcombine.low v43, v35  }
0x5cb: {  	v61 =	vadd.f32 v3, v47;
	[tilespmem:v60+s20+$0x0] =	vst.idx.msk $0xffff, v62;
	v60 =	vor.u32 v20, v57  }
0x5cc: {  	v1 =	vadd.f32 v1, v1;
	[tilespmem:v18+s20+$0x0] =	vst.idx.msk $0xffff, v2;
	v18 =	vor.u32 v42, v24  }
0x5cd: {  	v11 =	vld [tilespmem:$0x1F740];
	v63 =	vadd.f32 v6, v47;
	[tilespmem:v21+s20+$0x0] =	vst.idx.msk $0xffff, v46;
	v21 =	vor.u32 v42, v30  }
0x5ce: {  	v1 =	vadd.f32 v1, v47;
	[tilespmem:v22+s20+$0x0] =	vst.idx.msk $0xffff, v61  }
0x5cf: {  	v10 =	vld [tilespmem:$0x1F750];
	[tilespmem:v41+s20+$0x0] =	vst.idx.msk $0xffff, v63  }
0x5d0: {  	v63 =	vld [tilespmem:$0x1F2E0];
	[tilespmem:v60+s20+$0x0] =	vst.idx.msk $0xffff, v1  }
0x5d1: {  	v50 =	vor.u32 v45, v58;
	v13 =	vor.u32 v42, v23;
	v56 =	vld.idx.msk [tilespmem:v18+s12+$0x0], $0xffff  }
0x5d2: {  	v49 =	vadd.f32 v49, v49;
	v20 =	vor.u32 v11, v58;
	v62 =	vor.u32 s31, v42;
	v4 =	vld.idx.msk [tilespmem:v21+s12+$0x0], $0xffff  }
0x5d3: {  	v5 =	vadd.f32 v5, v5;
	v34 =	vor.u32 v42, v26;
	v18 =	vld [tilespmem:$0x1F2F0]  }
0x5d4: {  	v22 =	vadd.f32 v49, v48;
	v41 =	vor.u32 v42, v27;
	v21 =	vld [tilespmem:$0x1F510]  }
0x5d5: {  	v5 =	vadd.f32 v5, v48;
	v33 =	vor.u32 v10, v58;
	[tilespmem:$0x1F370] =	vst v35;
	v57 =	vor.u32 v42, v25  }
0x5d6: {  	v35 =	vadd.f32 v54, v54;
	[tilespmem:v50+s20+$0x0] =	vst.idx.msk $0xffff, v22;
	v59 =	vor.u32 v42, v29;
	v6 =	vld.idx.msk [tilespmem:v13+s12+$0x0], $0xffff  }
0x5d7: {  	[tilespmem:v20+s20+$0x0] =	vst.idx.msk $0xffff, v5;
	v20 =	vor.u32 v42, v31;
	v3 =	vld.idx.msk [tilespmem:v62+s8+$0x0], $0xffff  }
0x5d8: {  	v58 =	vadd.f32 v35, v48;
	v22 =	vld.idx.msk [tilespmem:v34+s12+$0x0], $0xffff  }
0x5d9: {  	v42 =	vld.idx.msk [tilespmem:v41+s12+$0x0], $0xffff;
	v48 =	vcombine.low v18, v63;
	v50 =	vor.u32 v21, v28  }
0x5da: {  	[tilespmem:v33+s20+$0x0] =	vst.idx.msk $0xffff, v58;
	v2 =	vld.idx.msk [tilespmem:v57+s12+$0x0], $0xffff;
	v33 =	vor.u32 v17, v50  }
0x5db: {  	v55 =	vld.idx.msk [tilespmem:v59+s12+$0x0], $0xffff;
	v6 =	vadd.f32 v6, v6;
	v34 =	vor.u32 s31, v48  }
0x5dc: {  	v58 =	vld.idx.msk [tilespmem:v20+s12+$0x0], $0xffff  }
0x5dd: {  	v21 =	vld [tilespmem:$0x1FF30];
	v6 =	vadd.f32 v6, v3  }
0x5de: {  	v1 =	vadd.f32 v56, v56;
	v4 =	vadd.f32 v4, v4;
	v17 =	vld [tilespmem:$0x1FF40]  }
0x5df: {  	v0 =	vmov v45;
	v35 =	vadd.f32 v22, v22;
	v2 =	vadd.f32 v2, v2;
	[tilespmem:v33+s20+$0x0] =	vst.idx.msk $0xffff, v6;
	v33 =	vld [tilespmem:$0x1FF50]  }
0x5e0: {  	v55 =	vadd.f32 v55, v55;
	v60 =	vor.u32 v19, v50;
	v61 =	vor.u32 v48, v23;
	v46 =	vld.idx.msk [tilespmem:v34+s8+$0x0], $0xffff  }
0x5e1: {  	v14 =	vmovc v44;
	v62 =	vor.u32 v8, v50;
	v41 =	vor.u32 v40, v50;
	v63 =	vor.u32 v48, v24;
	v34 =	vld [tilespmem:$0x1FF20]  }
0x5e2: {  	v7 =	vld [tilespmem:$0x1F790];
	v13 =	vor.u32 v14, v50;
	v14 =	vor.u32 v0, v50;
	v56 =	vor.u32 v48, v30  }
0x5e3: {  	v22 =	vor.u32 v11, v50;
	v50 =	vor.u32 v10, v50;
	v10 =	vld [tilespmem:$0x1F500];
	v57 =	vor.u32 v48, v26  }
0x5e4: {  	v8 =	vadd.f32 v42, v42;
	v40 =	vadd.f32 v58, v58;
	v0 =	vld [tilespmem:$0x1F780];
	v59 =	vor.u32 v48, v27  }
0x5e5: {  	v1 =	vadd.f32 v1, v3;
	v4 =	vadd.f32 v4, v3;
	v5 =	vor.u32 v48, v29;
	v51 =	vld.idx.msk [tilespmem:v61+s12+$0x0], $0xffff  }
0x5e6: {  	v6 =	vor.u32 v48, v25;
	v53 =	vld.idx.msk [tilespmem:v63+s12+$0x0], $0xffff;
	v45 =	vsel vm2, v33, v17;
	v44 =	vsel vm2, v21, v34  }
0x5e7: {  	[tilespmem:v60+s20+$0x0] =	vst.idx.msk $0xffff, v1;
	v1 =	vadd.f32 v35, v3;
	v56 =	vld.idx.msk [tilespmem:v56+s12+$0x0], $0xffff;
	v60 =	vcombine.low v45, v44  }
0x5e8: {  	v42 =	vadd.f32 v55, v3;
	v47 =	vadd.f32 v8, v3;
	v57 =	vld.idx.msk [tilespmem:v57+s12+$0x0], $0xffff;
	[tilespmem:v62+s20+$0x0] =	vst.idx.msk $0xffff, v4  }
0x5e9: {  	v35 =	vadd.f32 v2, v3;
	v55 =	vld.idx.msk [tilespmem:v59+s12+$0x0], $0xffff;
	[tilespmem:v41+s20+$0x0] =	vst.idx.msk $0xffff, v1;
	v41 =	vor.u32 s31, v60  }
0x5ea: {  	v8 =	vld.idx.msk [tilespmem:v5+s12+$0x0], $0xffff;
	[tilespmem:v13+s20+$0x0] =	vst.idx.msk $0xffff, v47;
	v58 =	vor.u32 v60, v23  }
0x5eb: {  	v61 =	vadd.f32 v40, v3;
	v40 =	vld [tilespmem:$0x1F760];
	[tilespmem:v14+s20+$0x0] =	vst.idx.msk $0xffff, v35;
	v62 =	vor.u32 v60, v24  }
0x5ec: {  	v3 =	vld.idx.msk [tilespmem:v6+s12+$0x0], $0xffff;
	[tilespmem:v22+s20+$0x0] =	vst.idx.msk $0xffff, v42;
	v63 =	vor.u32 v60, v30  }
0x5ed: {  	v13 =	vor.u32 v48, v31;
	v22 =	vld [tilespmem:$0x1F590];
	[tilespmem:v50+s20+$0x0] =	vst.idx.msk $0xffff, v61  }
0x5ee: {  	v14 =	vor.u32 v60, v26;
	v1 =	vld.idx.msk [tilespmem:v41+s8+$0x0], $0xffff  }
0x5ef: {  	v18 =	vld.idx.msk [tilespmem:v58+s12+$0x0], $0xffff  }
0x5f0: {  	v19 =	vor.u32 v60, v27;
	v2 =	vld.idx.msk [tilespmem:v62+s12+$0x0], $0xffff  }
0x5f1: {  	v35 =	vor.u32 v60, v29;
	v6 =	vld.idx.msk [tilespmem:v63+s12+$0x0], $0xffff  }
0x5f2: {  	v58 =	vld.idx.msk [tilespmem:v13+s12+$0x0], $0xffff  }
0x5f3: {  	v4 =	vld.idx.msk [tilespmem:v14+s12+$0x0], $0xffff  }
0x5f4: {  	v20 =	vor.u32 v60, v25;
	v52 =	vor.u32 v22, v28;
	v13 =	vld [tilespmem:$0x1F770]  }
0x5f5: {  	v42 =	vor.u32 v60, v31;
	v41 =	vor.u32 v40, v52;
	v49 =	vld.idx.msk [tilespmem:v19+s12+$0x0], $0xffff  }
0x5f6: {  	v51 =	vadd.f32 v51, v51;
	v60 =	vor.u32 v10, v28;
	v54 =	vld.idx.msk [tilespmem:v35+s12+$0x0], $0xffff  }
0x5f7: {  	v11 =	vor.u32 v40, v60;
	v40 =	vld [tilespmem:$0x1FF70]  }
0x5f8: {  	v51 =	vadd.f32 v51, v46;
	v35 =	vld [tilespmem:$0x1FF80]  }
0x5f9: {  	v48 =	vadd.f32 v18, v18;
	v14 =	vor.u32 v13, v60;
	v18 =	vld.idx.msk [tilespmem:v20+s12+$0x0], $0xffff  }
0x5fa: {  	v2 =	vadd.f32 v2, v2;
	[tilespmem:v41+s20+$0x0] =	vst.idx.msk $0xffff, v51;
	v51 =	vld.idx.msk [tilespmem:v42+s12+$0x0], $0xffff  }
0x5fb: {  	v42 =	vld [tilespmem:$0x1FF60];
	v48 =	vadd.f32 v48, v1  }
0x5fc: {  	v41 =	vld [tilespmem:$0x1FF90];
	v2 =	vadd.f32 v2, v1  }
0x5fd: {  	[tilespmem:v11+s20+$0x0] =	vst.idx.msk $0xffff, v48;
	v11 =	vld [tilespmem:$0x1F7A0]  }
0x5fe: {  	v19 =	vor.u32 v0, v60;
	v6 =	vadd.f32 v6, v6;
	[tilespmem:v14+s20+$0x0] =	vst.idx.msk $0xffff, v2;
	v14 =	vld [tilespmem:$0x1F7B0]  }
0x5ff: {  	v20 =	vadd.f32 v4, v4;
	v4 =	vor.u32 v13, v52;
	v13 =	vadd.f32 v18, v18;
	v18 =	vld [tilespmem:$0x1F7C0];
	_ =	sdelay $0x1  }
0x600: {  	v22 =	vor.u32 v7, v60;
	v49 =	vadd.f32 v49, v49;
	v6 =	vadd.f32 v6, v1  }
0x601: {  	v48 =	vadd.f32 v53, v53;
	v2 =	vadd.f32 v20, v1;
	v53 =	vor.u32 v11, v60  }
0x602: {  	v47 =	vsel vm2, v40, v42;
	v50 =	vsel vm2, v41, v35;
	v10 =	vor.u32 v14, v60  }
0x603: {  	[tilespmem:v19+s20+$0x0] =	vst.idx.msk $0xffff, v6;
	v63 =	vcombine.low v50, v47;
	v19 =	vor.u32 v18, v60  }
0x604: {  	v54 =	vadd.f32 v54, v54;
	v49 =	vadd.f32 v49, v1;
	v60 =	vor.u32 v39, v60  }
0x605: {  	[tilespmem:v22+s20+$0x0] =	vst.idx.msk $0xffff, v2;
	v20 =	vadd.f32 v13, v1;
	v22 =	vadd.f32 v51, v51;
	v51 =	vor.u32 s31, v63  }
0x606: {  	v5 =	vmov v39;
	v61 =	vor.u32 v63, v24;
	v39 =	vadd.f32 v54, v1;
	[tilespmem:v53+s20+$0x0] =	vst.idx.msk $0xffff, v49  }
0x607: {  	v13 =	vor.u32 v63, v30;
	v1 =	vadd.f32 v22, v1;
	[tilespmem:v10+s20+$0x0] =	vst.idx.msk $0xffff, v20  }
0x608: {  	[tilespmem:v19+s20+$0x0] =	vst.idx.msk $0xffff, v39  }
0x609: {  	v59 =	vld [tilespmem:$0x1F300];
	v62 =	vor.u32 v63, v25;
	v10 =	vor.u32 v0, v52;
	[tilespmem:v60+s20+$0x0] =	vst.idx.msk $0xffff, v1  }
0x60a: {  	v22 =	vor.u32 v7, v52;
	v19 =	vadd.f32 v56, v56;
	v51 =	vld.idx.msk [tilespmem:v51+s8+$0x0], $0xffff  }
0x60b: {  	v57 =	vadd.f32 v57, v57;
	v53 =	vor.u32 v63, v23;
	v20 =	vadd.f32 v48, v46;
	v61 =	vld.idx.msk [tilespmem:v61+s12+$0x0], $0xffff  }
0x60c: {  	v39 =	vor.u32 v63, v26;
	v54 =	vadd.f32 v19, v46;
	v6 =	vld.idx.msk [tilespmem:v13+s12+$0x0], $0xffff  }
0x60d: {  	v0 =	vadd.f32 v57, v46;
	[tilespmem:v4+s20+$0x0] =	vst.idx.msk $0xffff, v20;
	v13 =	vld [tilespmem:$0x1F4F0]  }
0x60e: {  	v2 =	vld.idx.msk [tilespmem:v62+s12+$0x0], $0xffff;
	[tilespmem:v10+s20+$0x0] =	vst.idx.msk $0xffff, v54  }
0x60f: {  	v49 =	vor.u32 v63, v29;
	[tilespmem:v22+s20+$0x0] =	vst.idx.msk $0xffff, v0;
	v0 =	vld [tilespmem:$0x1F7E0]  }
0x610: {  	v53 =	vld.idx.msk [tilespmem:v53+s12+$0x0], $0xffff  }
0x611: {  	v60 =	vor.u32 v63, v27;
	v10 =	vadd.f32 v55, v55;
	v19 =	vld.idx.msk [tilespmem:v39+s12+$0x0], $0xffff  }
0x612: {  	v55 =	vor.u32 v63, v31;
	v57 =	vor.u32 v13, v28;
	v13 =	vld [tilespmem:$0x1F7F0]  }
0x613: {  	v54 =	vadd.f32 v10, v46;
	v10 =	vld [tilespmem:$0x1F800]  }
0x614: {  	v49 =	vld.idx.msk [tilespmem:v49+s12+$0x0], $0xffff;
	v20 =	vor.u32 v0, v57  }
0x615: {  	v63 =	vld [tilespmem:$0x1F310];
	v53 =	vadd.f32 v53, v53  }
0x616: {  	v56 =	vld.idx.msk [tilespmem:v60+s12+$0x0], $0xffff  }
0x617: {  	v55 =	vld.idx.msk [tilespmem:v55+s12+$0x0], $0xffff;
	v53 =	vadd.f32 v53, v51;
	v22 =	vor.u32 v13, v57  }
0x618: {  	v1 =	vadd.f32 v61, v61;
	v48 =	vadd.f32 v19, v19;
	v19 =	vld [tilespmem:$0x1F810];
	v39 =	vor.u32 v10, v57  }
0x619: {  	v6 =	vadd.f32 v6, v6;
	[tilespmem:v20+s20+$0x0] =	vst.idx.msk $0xffff, v53;
	v20 =	vld [tilespmem:$0x1F820]  }
0x61a: {  	v61 =	vor.u32 v11, v52;
	v11 =	vld [tilespmem:$0x1F830];
	v1 =	vadd.f32 v1, v51  }
0x61b: {  	v6 =	vadd.f32 v6, v51;
	v53 =	vor.u32 v18, v52;
	v18 =	vld [tilespmem:$0x1F840]  }
0x61c: {  	[tilespmem:v22+s20+$0x0] =	vst.idx.msk $0xffff, v1;
	v1 =	vadd.f32 v48, v51;
	v48 =	vsel vm2, v37, v15;
	v37 =	vld [tilespmem:$0x1F850]  }
0x61d: {  	v3 =	vadd.f32 v3, v3;
	[tilespmem:v39+s20+$0x0] =	vst.idx.msk $0xffff, v6;
	v6 =	vor.u32 v19, v57  }
0x61e: {  	v62 =	vor.u32 v14, v52;
	v14 =	vadd.f32 v56, v56;
	v56 =	vor.u32 v20, v57  }
0x61f: {  	v2 =	vadd.f32 v2, v2;
	v4 =	vcombine.low v63, v59;
	v59 =	vor.u32 v11, v57  }
0x620: {  	v49 =	vadd.f32 v49, v49;
	v22 =	vsel vm2, v9, v16;
	v60 =	vor.u32 v18, v57  }
0x621: {  	[tilespmem:$0x1F3B0] =	vst v22;
	v63 =	vcombine.low v48, v22;
	v39 =	vadd.f32 v14, v51;
	v57 =	vor.u32 v37, v57  }
0x622: {  	v9 =	vadd.f32 v2, v51;
	v14 =	vadd.f32 v55, v55;
	[tilespmem:v6+s20+$0x0] =	vst.idx.msk $0xffff, v1  }
0x623: {  	v3 =	vadd.f32 v3, v46;
	v15 =	vadd.f32 v49, v51;
	v6 =	vor.u32 s31, v63;
	[tilespmem:v56+s20+$0x0] =	vst.idx.msk $0xffff, v39  }
0x624: {  	v49 =	vor.u32 v63, v23;
	v16 =	vadd.f32 v14, v51;
	[tilespmem:v59+s20+$0x0] =	vst.idx.msk $0xffff, v9  }
0x625: {  	v7 =	vadd.f32 v8, v8;
	v22 =	vor.u32 v5, v52;
	[tilespmem:v60+s20+$0x0] =	vst.idx.msk $0xffff, v15  }
0x626: {  	v9 =	vadd.f32 v58, v58;
	[tilespmem:v57+s20+$0x0] =	vst.idx.msk $0xffff, v16;
	v16 =	vor.u32 v63, v26  }
0x627: {  	[tilespmem:v61+s20+$0x0] =	vst.idx.msk $0xffff, v54;
	v15 =	vadd.f32 v7, v46  }
0x628: {  	[tilespmem:v62+s20+$0x0] =	vst.idx.msk $0xffff, v3;
	v2 =	vor.u32 v63, v24;
	v60 =	vadd.f32 v9, v46;
	v5 =	vld.idx.msk [tilespmem:v6+s8+$0x0], $0xffff  }
0x629: {  	v62 =	vor.u32 v63, v27;
	v61 =	vld.idx.msk [tilespmem:v49+s12+$0x0], $0xffff;
	[tilespmem:v53+s20+$0x0] =	vst.idx.msk $0xffff, v15  }
0x62a: {  	v14 =	vor.u32 v4, v23;
	[tilespmem:v22+s20+$0x0] =	vst.idx.msk $0xffff, v60;
	v22 =	vld [tilespmem:$0x1F4E0]  }
0x62b: {  	v6 =	vld.idx.msk [tilespmem:v16+s12+$0x0], $0xffff  }
0x62c: {  	v16 =	vld [tilespmem:$0x1F860]  }
0x62d: {  	v1 =	vld.idx.msk [tilespmem:v2+s12+$0x0], $0xffff  }
0x62e: {  	v59 =	vor.u32 v63, v30;
	v49 =	vld.idx.msk [tilespmem:v62+s12+$0x0], $0xffff  }
0x62f: {  	v39 =	vor.u32 v63, v29;
	v52 =	vld.idx.msk [tilespmem:v14+s12+$0x0], $0xffff  }
0x630: {  	v9 =	vor.u32 v63, v31;
	v14 =	vld [tilespmem:$0x1F870];
	v54 =	vor.u32 v22, v28  }
0x631: {  	v2 =	vor.u32 v63, v25;
	v15 =	vld [tilespmem:$0x1F580];
	v57 =	vor.u32 v16, v54  }
0x632: {  	v46 =	vadd.f32 v61, v61;
	v22 =	vld [tilespmem:$0x1F880]  }
0x633: {  	v3 =	vld.idx.msk [tilespmem:v59+s12+$0x0], $0xffff  }
0x634: {  	[tilespmem:$0x1F3A0] =	vst v48;
	v63 =	vld.idx.msk [tilespmem:v39+s12+$0x0], $0xffff;
	v48 =	vadd.f32 v46, v5  }
0x635: {  	v12 =	vsel vm2, v12, v32;
	v55 =	vor.u32 v4, v24;
	v53 =	vld.idx.msk [tilespmem:v9+s12+$0x0], $0xffff;
	v59 =	vor.u32 v14, v54  }
0x636: {  	v2 =	vld.idx.msk [tilespmem:v2+s12+$0x0], $0xffff;
	v1 =	vadd.f32 v1, v1;
	[tilespmem:v57+s20+$0x0] =	vst.idx.msk $0xffff, v48;
	v57 =	vor.u32 v15, v28  }
0x637: {  	v39 =	vadd.f32 v6, v6;
	v61 =	vor.u32 v22, v54;
	v6 =	vor.u32 v0, v57;
	v0 =	vld [tilespmem:$0x1F890]  }
0x638: {  	v56 =	vor.u32 v4, v30;
	v3 =	vadd.f32 v3, v3;
	v1 =	vadd.f32 v1, v5;
	v15 =	vld [tilespmem:$0x1F8A0]  }
0x639: {  	v58 =	vor.u32 v4, v26;
	v7 =	vor.u32 v4, v29;
	v62 =	vor.u32 v4, v25  }
0x63a: {  	v51 =	vor.u32 s31, v4;
	v3 =	vadd.f32 v3, v5;
	[tilespmem:v59+s20+$0x0] =	vst.idx.msk $0xffff, v1;
	v1 =	vadd.f32 v39, v5;
	v39 =	vld [tilespmem:$0x1F8B0]  }
0x63b: {  	[tilespmem:$0x1F3F0] =	vst v12;
	v60 =	vor.u32 v4, v27;
	v4 =	vor.u32 v4, v31;
	v48 =	vsel vm2, v38, v36;
	v36 =	vld [tilespmem:$0x1F8C0]  }
0x63c: {  	v9 =	vcombine.low v48, v12;
	v12 =	vld [tilespmem:$0x1F8D0];
	[tilespmem:v61+s20+$0x0] =	vst.idx.msk $0xffff, v3;
	v3 =	vor.u32 v0, v54  }
0x63d: {  	v55 =	vld.idx.msk [tilespmem:v55+s12+$0x0], $0xffff;
	v46 =	vor.u32 v15, v54  }
0x63e: {  	v56 =	vld.idx.msk [tilespmem:v56+s12+$0x0], $0xffff;
	v49 =	vadd.f32 v49, v49  }
0x63f: {  	v58 =	vld.idx.msk [tilespmem:v58+s12+$0x0], $0xffff;
	v63 =	vadd.f32 v63, v63;
	v2 =	vadd.f32 v2, v2;
	v59 =	vor.u32 v39, v54  }
0x640: {  	v4 =	vld.idx.msk [tilespmem:v4+s12+$0x0], $0xffff;
	v8 =	vadd.f32 v52, v52;
	v49 =	vadd.f32 v49, v5;
	v61 =	vor.u32 v36, v54  }
0x641: {  	v52 =	vld.idx.msk [tilespmem:v51+s8+$0x0], $0xffff;
	v54 =	vor.u32 v12, v54;
	[tilespmem:v3+s20+$0x0] =	vst.idx.msk $0xffff, v1;
	v1 =	vadd.f32 v2, v5  }
0x642: {  	v2 =	vadd.f32 v53, v53;
	v53 =	vld.idx.msk [tilespmem:v60+s12+$0x0], $0xffff;
	[tilespmem:v46+s20+$0x0] =	vst.idx.msk $0xffff, v49;
	v46 =	vor.u32 v9, v23  }
0x643: {  	v38 =	vadd.f32 v63, v5;
	[tilespmem:$0x1F3E0] =	vst v48;
	v60 =	vld.idx.msk [tilespmem:v62+s12+$0x0], $0xffff  }
0x644: {  	v32 =	vor.u32 s31, v9;
	[tilespmem:v59+s20+$0x0] =	vst.idx.msk $0xffff, v1;
	v48 =	vadd.f32 v2, v5;
	v5 =	vld.idx.msk [tilespmem:v7+s12+$0x0], $0xffff  }
0x645: {  	v59 =	vor.u32 v9, v24;
	[tilespmem:v61+s20+$0x0] =	vst.idx.msk $0xffff, v38;
	v61 =	vor.u32 v19, v57;
	v19 =	vld [tilespmem:$0x1F8F0]  }
0x646: {  	[tilespmem:v54+s20+$0x0] =	vst.idx.msk $0xffff, v48;
	v48 =	vld [tilespmem:$0x1F4D0]  }
0x647: {  	v8 =	vadd.f32 v8, v52;
	v62 =	vor.u32 v9, v30;
	v49 =	vor.u32 v13, v57;
	v51 =	vld.idx.msk [tilespmem:v46+s12+$0x0], $0xffff  }
0x648: {  	v13 =	vor.u32 v9, v26;
	v46 =	vadd.f32 v56, v56;
	v56 =	vor.u32 v10, v57;
	v10 =	vld [tilespmem:$0x1F8E0]  }
0x649: {  	v63 =	vadd.f32 v55, v55;
	v38 =	vor.u32 v9, v25;
	v3 =	vld.idx.msk [tilespmem:v32+s8+$0x0], $0xffff  }
0x64a: {  	[tilespmem:v6+s20+$0x0] =	vst.idx.msk $0xffff, v8;
	v32 =	vor.u32 v9, v27;
	v2 =	vld.idx.msk [tilespmem:v59+s12+$0x0], $0xffff  }
0x64b: {  	v1 =	vadd.f32 v63, v52;
	v59 =	vor.u32 v9, v29;
	v8 =	vadd.f32 v46, v52;
	v46 =	vld [tilespmem:$0x1F900]  }
0x64c: {  	v7 =	vld.idx.msk [tilespmem:v62+s12+$0x0], $0xffff;
	v9 =	vor.u32 v9, v31;
	v62 =	vor.u32 v48, v28  }
0x64d: {  	v63 =	vadd.f32 v58, v58;
	[tilespmem:v49+s20+$0x0] =	vst.idx.msk $0xffff, v1;
	v49 =	vld.idx.msk [tilespmem:v13+s12+$0x0], $0xffff;
	v13 =	vor.u32 v10, v62  }
0x64e: {  	v6 =	vld.idx.msk [tilespmem:v38+s12+$0x0], $0xffff;
	v51 =	vadd.f32 v51, v51  }
0x64f: {  	v1 =	vadd.f32 v63, v52;
	v55 =	vld.idx.msk [tilespmem:v32+s12+$0x0], $0xffff;
	v32 =	vor.u32 v19, v62;
	[tilespmem:v56+s20+$0x0] =	vst.idx.msk $0xffff, v8  }
0x650: {  	v2 =	vadd.f32 v2, v2;
	v8 =	vld.idx.msk [tilespmem:v59+s12+$0x0], $0xffff;
	v38 =	vor.u32 v46, v62;
	v51 =	vadd.f32 v51, v3  }
0x651: {  	v7 =	vadd.f32 v7, v7;
	[tilespmem:v61+s20+$0x0] =	vst.idx.msk $0xffff, v1;
	v1 =	vld.idx.msk [tilespmem:v9+s12+$0x0], $0xffff  }
0x652: {  	v2 =	vadd.f32 v2, v3;
	[tilespmem:v13+s20+$0x0] =	vst.idx.msk $0xffff, v51;
	v13 =	vld [tilespmem:$0x1F910]  }
0x653: {  	v7 =	vadd.f32 v7, v3;
	v9 =	vor.u32 v20, v57;
	v20 =	vld [tilespmem:$0x1F920]  }
0x654: {  	v48 =	vld [tilespmem:$0x1F940];
	[tilespmem:v32+s20+$0x0] =	vst.idx.msk $0xffff, v2  }
0x655: {  	[tilespmem:v38+s20+$0x0] =	vst.idx.msk $0xffff, v7;
	v38 =	vsel vm2, v34, v33;
	v33 =	vld [tilespmem:$0x1F960]  }
0x656: {  	v17 =	vsel vm2, v17, v21;
	v21 =	vld [tilespmem:$0x1F970]  }
0x657: {  	v7 =	vor.u32 v13, v62  }
0x658: {  	v61 =	vadd.f32 v49, v49;
	v63 =	vadd.f32 v55, v55;
	v55 =	vor.u32 v20, v62  }
0x659: {  	v6 =	vadd.f32 v6, v6;
	v56 =	vor.u32 v48, v62  }
0x65a: {  	[tilespmem:$0x1F410] =	vst v17;
	v2 =	vadd.f32 v61, v3;
	v59 =	vcombine.low v38, v17;
	v49 =	vor.u32 v33, v62  }
0x65b: {  	v51 =	vor.u32 v21, v62;
	v54 =	vadd.f32 v63, v3;
	v8 =	vadd.f32 v8, v8;
	[tilespmem:$0x1F400] =	vst v38  }
0x65c: {  	v1 =	vadd.f32 v1, v1;
	v17 =	vadd.f32 v6, v3;
	v32 =	vor.u32 s31, v59;
	[tilespmem:v7+s20+$0x0] =	vst.idx.msk $0xffff, v2  }
0x65d: {  	v63 =	vor.u32 v59, v23;
	v62 =	vadd.f32 v8, v3;
	[tilespmem:v55+s20+$0x0] =	vst.idx.msk $0xffff, v54  }
0x65e: {  	v1 =	vadd.f32 v1, v3;
	v38 =	vor.u32 v59, v30;
	[tilespmem:v56+s20+$0x0] =	vst.idx.msk $0xffff, v17  }
0x65f: {  	v56 =	vld [tilespmem:$0x1F320];
	[tilespmem:v49+s20+$0x0] =	vst.idx.msk $0xffff, v62;
	v49 =	vor.u32 v59, v26  }
0x660: {  	[tilespmem:v51+s20+$0x0] =	vst.idx.msk $0xffff, v1;
	v51 =	vld [tilespmem:$0x1F4C0]  }
0x661: {  	v34 =	vadd.f32 v53, v53;
	v17 =	vor.u32 v59, v24;
	v6 =	vld.idx.msk [tilespmem:v32+s8+$0x0], $0xffff  }
0x662: {  	v61 =	vor.u32 v11, v57;
	v8 =	vld.idx.msk [tilespmem:v63+s12+$0x0], $0xffff  }
0x663: {  	v60 =	vadd.f32 v60, v60;
	v62 =	vor.u32 v18, v57;
	v7 =	vld.idx.msk [tilespmem:v38+s12+$0x0], $0xffff  }
0x664: {  	v5 =	vadd.f32 v5, v5;
	v3 =	vadd.f32 v34, v52;
	v57 =	vor.u32 v37, v57;
	v1 =	vld.idx.msk [tilespmem:v49+s12+$0x0], $0xffff  }
0x665: {  	v4 =	vadd.f32 v4, v4;
	v34 =	vmovc v18;
	v18 =	vadd.f32 v60, v52;
	v63 =	vor.u32 v59, v27;
	v49 =	vld [tilespmem:$0x1F980]  }
0x666: {  	v5 =	vadd.f32 v5, v52;
	[tilespmem:v9+s20+$0x0] =	vst.idx.msk $0xffff, v3;
	v2 =	vld.idx.msk [tilespmem:v17+s12+$0x0], $0xffff;
	v17 =	vor.u32 v59, v25  }
0x667: {  	v4 =	vadd.f32 v4, v52;
	v32 =	vor.u32 v59, v29;
	[tilespmem:v61+s20+$0x0] =	vst.idx.msk $0xffff, v18;
	v18 =	vld [tilespmem:$0x1F9A0]  }
0x668: {  	v38 =	vor.u32 v59, v31;
	[tilespmem:v62+s20+$0x0] =	vst.idx.msk $0xffff, v5;
	v59 =	vor.u32 v51, v28;
	v51 =	vld [tilespmem:$0x1F990]  }
0x669: {  	[tilespmem:v57+s20+$0x0] =	vst.idx.msk $0xffff, v4;
	v57 =	vld [tilespmem:$0x1F330]  }
0x66a: {  	v61 =	vld.idx.msk [tilespmem:v63+s12+$0x0], $0xffff;
	v60 =	vor.u32 v49, v59  }
0x66b: {  	v8 =	vadd.f32 v8, v8;
	v3 =	vld.idx.msk [tilespmem:v17+s12+$0x0], $0xffff  }
0x66c: {  	v17 =	vld [tilespmem:$0x1F9B0]  }
0x66d: {  	v53 =	vld.idx.msk [tilespmem:v32+s12+$0x0], $0xffff;
	v8 =	vadd.f32 v8, v6;
	v62 =	vor.u32 v51, v59  }
0x66e: {  	v4 =	vld.idx.msk [tilespmem:v38+s12+$0x0], $0xffff;
	v2 =	vadd.f32 v2, v2  }
0x66f: {  	[tilespmem:v60+s20+$0x0] =	vst.idx.msk $0xffff, v8;
	v60 =	vld [tilespmem:$0x1F9C0]  }
0x670: {  	v63 =	vor.u32 v18, v59;
	v2 =	vadd.f32 v2, v6;
	v58 =	vadd.f32 v61, v61;
	v61 =	vld [tilespmem:$0x1F9D0]  }
0x671: {  	v7 =	vadd.f32 v7, v7;
	v1 =	vadd.f32 v1, v1;
	v32 =	vor.u32 v17, v59;
	v17 =	vld [tilespmem:$0x1F9E0]  }
0x672: {  	v37 =	vcombine.low v57, v56;
	[tilespmem:v62+s20+$0x0] =	vst.idx.msk $0xffff, v2;
	v62 =	vsel vm2, v35, v40;
	v40 =	vld [tilespmem:$0x1F9F0]  }
0x673: {  	v7 =	vadd.f32 v7, v6;
	v1 =	vadd.f32 v1, v6  }
0x674: {  	v3 =	vadd.f32 v3, v3;
	v2 =	vor.u32 v37, v23;
	v5 =	vor.u32 v60, v59  }
0x675: {  	[tilespmem:v63+s20+$0x0] =	vst.idx.msk $0xffff, v7;
	v7 =	vor.u32 v61, v59;
	v63 =	vsel vm2, v42, v41  }
0x676: {  	v8 =	vcombine.low v63, v62;
	[tilespmem:v32+s20+$0x0] =	vst.idx.msk $0xffff, v1;
	v32 =	vor.u32 v17, v59  }
0x677: {  	v35 =	vadd.f32 v53, v53;
	v1 =	vadd.f32 v58, v6;
	v41 =	vor.u32 v40, v59  }
0x678: {  	v4 =	vadd.f32 v4, v4;
	v3 =	vadd.f32 v3, v6;
	v42 =	vor.u32 v8, v23  }
0x679: {  	v56 =	vadd.f32 v35, v6;
	v57 =	vor.u32 s31, v8;
	[tilespmem:v5+s20+$0x0] =	vst.idx.msk $0xffff, v1  }
0x67a: {  	v58 =	vadd.f32 v4, v6;
	v59 =	vor.u32 v8, v24;
	v2 =	vld.idx.msk [tilespmem:v2+s12+$0x0], $0xffff;
	[tilespmem:v7+s20+$0x0] =	vst.idx.msk $0xffff, v3  }
0x67b: {  	v60 =	vor.u32 v8, v30;
	[tilespmem:v32+s20+$0x0] =	vst.idx.msk $0xffff, v56;
	v32 =	vld [tilespmem:$0x1F340]  }
0x67c: {  	v61 =	vor.u32 v8, v26;
	[tilespmem:v41+s20+$0x0] =	vst.idx.msk $0xffff, v58;
	v41 =	vld [tilespmem:$0x1F5E0]  }
0x67d: {  	v63 =	vor.u32 v8, v27;
	v62 =	vld.idx.msk [tilespmem:v42+s12+$0x0], $0xffff  }
0x67e: {  	v5 =	vld.idx.msk [tilespmem:v57+s8+$0x0], $0xffff  }
0x67f: {  	v4 =	vld.idx.msk [tilespmem:v59+s12+$0x0], $0xffff  }
0x680: {  	v17 =	vor.u32 v8, v25;
	v1 =	vld.idx.msk [tilespmem:v60+s12+$0x0], $0xffff  }
0x681: {  	v40 =	vor.u32 v8, v29;
	v3 =	vld.idx.msk [tilespmem:v61+s12+$0x0], $0xffff  }
0x682: {  	v8 =	vor.u32 v8, v31;
	v7 =	vld.idx.msk [tilespmem:v63+s12+$0x0], $0xffff  }
0x683: {  	v63 =	vld [tilespmem:$0x1F5F0];
	v35 =	vadd.s32 $0x1C00, v32  }
0x684: {  	v32 =	vld [tilespmem:$0x1F600];
	v38 =	vor.u32 v35, v28  }
0x685: {  	v9 =	vld.idx.msk [tilespmem:v17+s12+$0x0], $0xffff;
	v42 =	vor.u32 v41, v38  }
0x686: {  	v52 =	vld.idx.msk [tilespmem:v40+s12+$0x0], $0xffff;
	v40 =	vor.u32 s31, v37;
	v6 =	vadd.f32 v62, v62  }
0x687: {  	v8 =	vld.idx.msk [tilespmem:v8+s12+$0x0], $0xffff  }
0x688: {  	v17 =	vor.u32 v63, v38;
	v41 =	vld [tilespmem:$0x1F610];
	v6 =	vadd.f32 v6, v5  }
0x689: {  	v60 =	vld [tilespmem:$0x1F620];
	v4 =	vadd.f32 v4, v4;
	v35 =	vor.u32 v32, v38  }
0x68a: {  	v1 =	vadd.f32 v1, v1;
	[tilespmem:v42+s20+$0x0] =	vst.idx.msk $0xffff, v6;
	v42 =	vld [tilespmem:$0x1F570]  }
0x68b: {  	v58 =	vld.idx.msk [tilespmem:v40+s8+$0x0], $0xffff;
	v4 =	vadd.f32 v4, v5  }
0x68c: {  	v54 =	vor.u32 v37, v24;
	v40 =	vld [tilespmem:$0x1F640];
	v1 =	vadd.f32 v1, v5  }
0x68d: {  	v57 =	vor.u32 v37, v27;
	v6 =	vor.u32 v41, v38;
	v41 =	vld [tilespmem:$0x1F350];
	[tilespmem:v17+s20+$0x0] =	vst.idx.msk $0xffff, v4  }
0x68e: {  	v55 =	vor.u32 v37, v30;
	[tilespmem:v35+s20+$0x0] =	vst.idx.msk $0xffff, v1;
	v35 =	vld [tilespmem:$0x1F630]  }
0x68f: {  	v59 =	vor.u32 v37, v25;
	v3 =	vadd.f32 v3, v3;
	v62 =	vor.u32 v42, v28;
	v42 =	vld [tilespmem:$0x1F360]  }
0x690: {  	v53 =	vor.u32 v37, v29;
	v63 =	vadd.f32 v7, v7;
	v1 =	vor.u32 v60, v38;
	v60 =	vld [tilespmem:$0x1F650]  }
0x691: {  	v56 =	vor.u32 v37, v26;
	v7 =	vld.idx.msk [tilespmem:v54+s12+$0x0], $0xffff;
	v9 =	vadd.f32 v9, v9;
	v3 =	vadd.f32 v3, v5  }
0x692: {  	v37 =	vor.u32 v37, v31;
	v52 =	vadd.f32 v52, v52;
	v8 =	vadd.f32 v8, v8;
	v57 =	vld.idx.msk [tilespmem:v57+s12+$0x0], $0xffff  }
0x693: {  	v54 =	vor.u32 v40, v38;
	v40 =	vld [tilespmem:$0x1F690];
	[tilespmem:v6+s20+$0x0] =	vst.idx.msk $0xffff, v3;
	v6 =	vor.u32 v35, v38  }
0x694: {  	v3 =	vadd.f32 v63, v5;
	v63 =	vadd.f32 v52, v5;
	v52 =	vld.idx.msk [tilespmem:v59+s12+$0x0], $0xffff;
	v32 =	vcombine.low v42, v41  }
0x695: {  	v9 =	vadd.f32 v9, v5;
	v5 =	vadd.f32 v8, v5;
	v8 =	vld.idx.msk [tilespmem:v53+s12+$0x0], $0xffff;
	v38 =	vor.u32 v60, v38  }
0x696: {  	v4 =	vor.u32 v16, v62;
	v60 =	vld [tilespmem:$0x1F660];
	v61 =	vor.u32 v32, v23  }
0x697: {  	v2 =	vadd.f32 v2, v2;
	[tilespmem:v1+s20+$0x0] =	vst.idx.msk $0xffff, v3;
	v41 =	vld.idx.msk [tilespmem:v55+s12+$0x0], $0xffff;
	v16 =	vor.u32 v32, v24  }
0x698: {  	v55 =	vld.idx.msk [tilespmem:v56+s12+$0x0], $0xffff;
	v17 =	vor.u32 s31, v32;
	[tilespmem:v6+s20+$0x0] =	vst.idx.msk $0xffff, v9  }
0x699: {  	v2 =	vadd.f32 v2, v58;
	v42 =	vld [tilespmem:$0x1F490];
	v35 =	vor.u32 v32, v30;
	[tilespmem:v54+s20+$0x0] =	vst.idx.msk $0xffff, v63  }
0x69a: {  	v9 =	vld.idx.msk [tilespmem:v37+s12+$0x0], $0xffff;
	[tilespmem:v38+s20+$0x0] =	vst.idx.msk $0xffff, v5  }
0x69b: {  	[tilespmem:v4+s20+$0x0] =	vst.idx.msk $0xffff, v2;
	v2 =	vld.idx.msk [tilespmem:v61+s12+$0x0], $0xffff  }
0x69c: {  	v4 =	vor.u32 v32, v27;
	v3 =	vld.idx.msk [tilespmem:v16+s12+$0x0], $0xffff  }
0x69d: {  	v11 =	vor.u32 v14, v62;
	v63 =	vmov v14;
	v14 =	vor.u32 v32, v25;
	v6 =	vld.idx.msk [tilespmem:v17+s8+$0x0], $0xffff  }
0x69e: {  	v54 =	vor.u32 v32, v29;
	v1 =	vld.idx.msk [tilespmem:v35+s12+$0x0], $0xffff  }
0x69f: {  	v7 =	vadd.f32 v7, v7;
	v53 =	vor.u32 v22, v62;
	v61 =	vld [tilespmem:$0x1F670]  }
0x6a0: {  	v5 =	vor.u32 v32, v26;
	v41 =	vadd.f32 v41, v41;
	v17 =	vld [tilespmem:$0x1F680]  }
0x6a1: {  	v7 =	vadd.f32 v7, v58;
	v32 =	vor.u32 v32, v31;
	v4 =	vld.idx.msk [tilespmem:v4+s12+$0x0], $0xffff  }
0x6a2: {  	v56 =	vor.u32 v0, v62;
	v59 =	vor.u32 v42, v28;
	v41 =	vadd.f32 v41, v58;
	v14 =	vld.idx.msk [tilespmem:v14+s12+$0x0], $0xffff  }
0x6a3: {  	[tilespmem:v11+s20+$0x0] =	vst.idx.msk $0xffff, v7;
	v55 =	vadd.f32 v55, v55;
	v60 =	vor.u32 v60, v59;
	v38 =	vld.idx.msk [tilespmem:v54+s12+$0x0], $0xffff  }
0x6a4: {  	[tilespmem:v53+s20+$0x0] =	vst.idx.msk $0xffff, v41;
	v53 =	vld [tilespmem:$0x1F6A0];
	v2 =	vadd.f32 v2, v2;
	v61 =	vor.u32 v61, v59  }
0x6a5: {  	v11 =	vadd.f32 v55, v58;
	v5 =	vld.idx.msk [tilespmem:v5+s12+$0x0], $0xffff;
	v3 =	vadd.f32 v3, v3  }
0x6a6: {  	v7 =	vld.idx.msk [tilespmem:v32+s12+$0x0], $0xffff;
	v2 =	vadd.f32 v2, v6  }
0x6a7: {  	[tilespmem:v56+s20+$0x0] =	vst.idx.msk $0xffff, v11;
	v56 =	vld [tilespmem:$0x1F6B0];
	v3 =	vadd.f32 v3, v6  }
0x6a8: {  	v11 =	vld [tilespmem:$0x1F370];
	v35 =	vor.u32 v17, v59;
	[tilespmem:v60+s20+$0x0] =	vst.idx.msk $0xffff, v2  }
0x6a9: {  	v1 =	vadd.f32 v1, v1;
	[tilespmem:v61+s20+$0x0] =	vst.idx.msk $0xffff, v3;
	v61 =	vadd.f32 v14, v14;
	v14 =	vld [tilespmem:$0x1F6C0]  }
0x6aa: {  	v42 =	vadd.f32 v5, v5;
	v5 =	vor.u32 v53, v59;
	v53 =	vld [tilespmem:$0x1F6D0];
	v2 =	vor.u32 v40, v59  }
0x6ab: {  	v4 =	vadd.f32 v4, v4  }
0x6ac: {  	v1 =	vadd.f32 v1, v6  }
0x6ad: {  	v55 =	vadd.f32 v4, v6;
	v60 =	vor.u32 v56, v59;
	v54 =	vadd.f32 v42, v6  }
0x6ae: {  	v37 =	vcombine.low v11, v43;
	[tilespmem:v35+s20+$0x0] =	vst.idx.msk $0xffff, v1;
	v17 =	vor.u32 v14, v59  }
0x6af: {  	v43 =	vadd.f32 v38, v38;
	v40 =	vld [tilespmem:$0x1F480];
	[tilespmem:v2+s20+$0x0] =	vst.idx.msk $0xffff, v54;
	v54 =	vor.u32 v53, v59  }
0x6b0: {  	v56 =	vadd.f32 v7, v7;
	[tilespmem:v5+s20+$0x0] =	vst.idx.msk $0xffff, v55;
	v55 =	vadd.f32 v61, v6;
	v59 =	vor.u32 s31, v37  }
0x6b1: {  	v32 =	vor.u32 v15, v62;
	v11 =	vadd.f32 v57, v57;
	v1 =	vadd.f32 v43, v6  }
0x6b2: {  	v61 =	vor.u32 v37, v24;
	[tilespmem:v60+s20+$0x0] =	vst.idx.msk $0xffff, v55;
	v60 =	vadd.f32 v56, v6  }
0x6b3: {  	v57 =	vor.u32 v39, v62;
	v38 =	vor.u32 v37, v23;
	v43 =	vld [tilespmem:$0x1F390];
	[tilespmem:v17+s20+$0x0] =	vst.idx.msk $0xffff, v1  }
0x6b4: {  	v35 =	vadd.f32 v52, v52;
	v52 =	vor.u32 v40, v28;
	v40 =	vld [tilespmem:$0x1F380];
	[tilespmem:v54+s20+$0x0] =	vst.idx.msk $0xffff, v60  }
0x6b5: {  	v7 =	vld.idx.msk [tilespmem:v59+s8+$0x0], $0xffff;
	v59 =	vor.u32 v36, v62  }
0x6b6: {  	v8 =	vadd.f32 v8, v8;
	v14 =	vor.u32 v37, v30;
	v17 =	vadd.f32 v11, v58;
	v11 =	vld [tilespmem:$0x1F710]  }
0x6b7: {  	v5 =	vadd.f32 v35, v58;
	v3 =	vld.idx.msk [tilespmem:v61+s12+$0x0], $0xffff;
	v61 =	vor.u32 v37, v25  }
0x6b8: {  	v8 =	vadd.f32 v8, v58;
	v54 =	vld [tilespmem:$0x1F6E0];
	[tilespmem:v32+s20+$0x0] =	vst.idx.msk $0xffff, v17  }
0x6b9: {  	v2 =	vor.u32 v37, v26;
	v38 =	vld.idx.msk [tilespmem:v38+s12+$0x0], $0xffff;
	[tilespmem:v57+s20+$0x0] =	vst.idx.msk $0xffff, v5  }
0x6ba: {  	v60 =	vor.u32 v37, v27;
	[tilespmem:v59+s20+$0x0] =	vst.idx.msk $0xffff, v8;
	v59 =	vld [tilespmem:$0x1F6F0]  }
0x6bb: {  	v1 =	vld.idx.msk [tilespmem:v14+s12+$0x0], $0xffff  }
0x6bc: {  	v4 =	vld.idx.msk [tilespmem:v61+s12+$0x0], $0xffff  }
0x6bd: {  	v14 =	vor.u32 v37, v29;
	v17 =	vor.u32 v12, v62;
	v61 =	vld [tilespmem:$0x1F700]  }
0x6be: {  	v53 =	vadd.f32 v9, v9;
	v2 =	vld.idx.msk [tilespmem:v2+s12+$0x0], $0xffff;
	v37 =	vor.u32 v37, v31;
	v56 =	vor.u32 v54, v52  }
0x6bf: {  	v8 =	vld.idx.msk [tilespmem:v60+s12+$0x0], $0xffff;
	v57 =	vadd.f32 v38, v38;
	v60 =	vor.u32 v59, v52  }
0x6c0: {  	v5 =	vadd.f32 v53, v58;
	v53 =	vld [tilespmem:$0x1F720];
	v3 =	vadd.f32 v3, v3  }
0x6c1: {  	v58 =	vld [tilespmem:$0x1F730];
	v9 =	vadd.f32 v57, v7  }
0x6c2: {  	v32 =	vld.idx.msk [tilespmem:v14+s12+$0x0], $0xffff;
	[tilespmem:v17+s20+$0x0] =	vst.idx.msk $0xffff, v5;
	v3 =	vadd.f32 v3, v7;
	v62 =	vor.u32 v61, v52  }
0x6c3: {  	v1 =	vadd.f32 v1, v1;
	v14 =	vor.u32 v11, v52;
	v17 =	vld.idx.msk [tilespmem:v37+s12+$0x0], $0xffff;
	[tilespmem:v56+s20+$0x0] =	vst.idx.msk $0xffff, v9  }
0x6c4: {  	v2 =	vadd.f32 v2, v2;
	[tilespmem:v60+s20+$0x0] =	vst.idx.msk $0xffff, v3;
	v60 =	vld [tilespmem:$0x1F740]  }
0x6c5: {  	v35 =	vcombine.low v43, v40;
	v11 =	vld [tilespmem:$0x1F750];
	v1 =	vadd.f32 v1, v7  }
0x6c6: {  	v2 =	vadd.f32 v2, v7;
	v57 =	vadd.f32 v8, v8  }
0x6c7: {  	v54 =	vor.u32 v53, v52;
	v56 =	vor.u32 s31, v35;
	v59 =	vor.u32 v58, v52;
	[tilespmem:v62+s20+$0x0] =	vst.idx.msk $0xffff, v1  }
0x6c8: {  	v4 =	vadd.f32 v4, v4;
	[tilespmem:v14+s20+$0x0] =	vst.idx.msk $0xffff, v2;
	v2 =	vadd.f32 v57, v7;
	v57 =	vld [tilespmem:$0x1F470]  }
0x6c9: {  	v32 =	vadd.f32 v32, v32;
	v62 =	vcombine.low v44, v45;
	v61 =	vor.u32 v60, v52  }
0x6ca: {  	v5 =	vadd.f32 v17, v17;
	v14 =	vor.u32 v11, v52  }
0x6cb: {  	v58 =	vld [tilespmem:$0x1F760];
	v4 =	vadd.f32 v4, v7;
	v40 =	vadd.f32 v32, v7;
	v17 =	vor.u32 v62, v23  }
0x6cc: {  	v42 =	vadd.f32 v5, v7;
	v32 =	vld.idx.msk [tilespmem:v56+s8+$0x0], $0xffff;
	v41 =	vor.u32 s31, v62;
	[tilespmem:v54+s20+$0x0] =	vst.idx.msk $0xffff, v2  }
0x6cd: {  	v43 =	vor.u32 v62, v24;
	[tilespmem:v59+s20+$0x0] =	vst.idx.msk $0xffff, v4;
	v37 =	vor.u32 v57, v28;
	v57 =	vld [tilespmem:$0x1F560]  }
0x6ce: {  	v44 =	vor.u32 v62, v30;
	[tilespmem:v61+s20+$0x0] =	vst.idx.msk $0xffff, v40;
	v61 =	vld [tilespmem:$0x1F770]  }
0x6cf: {  	v45 =	vor.u32 v62, v26;
	[tilespmem:v14+s20+$0x0] =	vst.idx.msk $0xffff, v42;
	v14 =	vld [tilespmem:$0x1F780]  }
0x6d0: {  	v54 =	vor.u32 v62, v25;
	v52 =	vld.idx.msk [tilespmem:v17+s12+$0x0], $0xffff  }
0x6d1: {  	v56 =	vor.u32 v62, v29;
	v2 =	vld.idx.msk [tilespmem:v41+s8+$0x0], $0xffff  }
0x6d2: {  	v55 =	vmov v36;
	v36 =	vor.u32 v62, v31;
	v5 =	vld.idx.msk [tilespmem:v43+s12+$0x0], $0xffff  }
0x6d3: {  	v1 =	vld.idx.msk [tilespmem:v44+s12+$0x0], $0xffff  }
0x6d4: {  	v4 =	vld.idx.msk [tilespmem:v45+s12+$0x0], $0xffff  }
0x6d5: {  	v53 =	vor.u32 v62, v27;
	v8 =	vld.idx.msk [tilespmem:v54+s12+$0x0], $0xffff  }
0x6d6: {  	v9 =	vld.idx.msk [tilespmem:v56+s12+$0x0], $0xffff  }
0x6d7: {  	v3 =	vor.u32 v35, v23;
	v11 =	vor.u32 v35, v30;
	v36 =	vld.idx.msk [tilespmem:v36+s12+$0x0], $0xffff  }
0x6d8: {  	v60 =	vor.u32 v35, v24;
	v59 =	vor.u32 v58, v37;
	v44 =	vor.u32 v35, v26;
	v54 =	vld [tilespmem:$0x1F790]  }
0x6d9: {  	v58 =	vld [tilespmem:$0x1F7A0];
	v45 =	vor.u32 v35, v27;
	v42 =	vor.u32 v57, v28;
	v6 =	vadd.f32 v52, v52  }
0x6da: {  	v7 =	vld.idx.msk [tilespmem:v53+s12+$0x0], $0xffff;
	v43 =	vcombine.low v47, v50;
	v5 =	vadd.f32 v5, v5;
	v1 =	vadd.f32 v1, v1  }
0x6db: {  	v62 =	vor.u32 v61, v37;
	v61 =	vld [tilespmem:$0x1F7B0];
	v4 =	vadd.f32 v4, v4;
	v8 =	vadd.f32 v8, v8  }
0x6dc: {  	v17 =	vor.u32 v14, v37;
	v14 =	vld [tilespmem:$0x1F7C0];
	v9 =	vadd.f32 v9, v9;
	v36 =	vadd.f32 v36, v36  }
0x6dd: {  	v53 =	vld [tilespmem:$0x1F7D0];
	v56 =	vor.u32 v54, v37;
	v6 =	vadd.f32 v6, v2;
	v5 =	vadd.f32 v5, v2  }
0x6de: {  	v3 =	vld.idx.msk [tilespmem:v3+s12+$0x0], $0xffff;
	v52 =	vor.u32 v35, v25;
	v1 =	vadd.f32 v1, v2;
	v4 =	vadd.f32 v4, v2  }
0x6df: {  	[tilespmem:v59+s20+$0x0] =	vst.idx.msk $0xffff, v6;
	v59 =	vor.u32 v58, v37;
	v6 =	vld.idx.msk [tilespmem:v60+s12+$0x0], $0xffff;
	v60 =	vadd.f32 v7, v7  }
0x6e0: {  	v50 =	vld [tilespmem:$0x1F3A0];
	[tilespmem:v62+s20+$0x0] =	vst.idx.msk $0xffff, v5;
	v5 =	vor.u32 v35, v29;
	v62 =	vor.u32 v61, v37  }
0x6e1: {  	v44 =	vld.idx.msk [tilespmem:v44+s12+$0x0], $0xffff;
	v35 =	vor.u32 v35, v31;
	[tilespmem:v17+s20+$0x0] =	vst.idx.msk $0xffff, v1;
	v17 =	vor.u32 v14, v37  }
0x6e2: {  	v45 =	vld.idx.msk [tilespmem:v45+s12+$0x0], $0xffff;
	v37 =	vor.u32 v53, v37;
	[tilespmem:v56+s20+$0x0] =	vst.idx.msk $0xffff, v4;
	v4 =	vadd.f32 v60, v2  }
0x6e3: {  	v47 =	vor.u32 v43, v23;
	v8 =	vadd.f32 v8, v2;
	v57 =	vadd.f32 v9, v2;
	v9 =	vld.idx.msk [tilespmem:v52+s12+$0x0], $0xffff  }
0x6e4: {  	v3 =	vadd.f32 v3, v3;
	v54 =	vor.u32 v10, v42;
	v58 =	vor.u32 s31, v43;
	v53 =	vld [tilespmem:$0x1F7F0];
	[tilespmem:v59+s20+$0x0] =	vst.idx.msk $0xffff, v4  }
0x6e5: {  	v56 =	vld.idx.msk [tilespmem:v11+s12+$0x0], $0xffff;
	v2 =	vadd.f32 v36, v2;
	v60 =	vor.u32 v43, v30;
	[tilespmem:v62+s20+$0x0] =	vst.idx.msk $0xffff, v8  }
0x6e6: {  	v5 =	vld.idx.msk [tilespmem:v5+s12+$0x0], $0xffff;
	[tilespmem:v17+s20+$0x0] =	vst.idx.msk $0xffff, v57  }
0x6e7: {  	v3 =	vadd.f32 v3, v32;
	v59 =	vor.u32 v43, v24;
	v8 =	vld.idx.msk [tilespmem:v35+s12+$0x0], $0xffff;
	[tilespmem:v37+s20+$0x0] =	vst.idx.msk $0xffff, v2  }
0x6e8: {  	v62 =	vor.u32 v43, v26;
	v17 =	vld.idx.msk [tilespmem:v47+s12+$0x0], $0xffff  }
0x6e9: {  	[tilespmem:v54+s20+$0x0] =	vst.idx.msk $0xffff, v3;
	v3 =	vld.idx.msk [tilespmem:v58+s8+$0x0], $0xffff  }
0x6ea: {  	v61 =	vor.u32 v19, v42;
	v57 =	vor.u32 v43, v25;
	v1 =	vld.idx.msk [tilespmem:v60+s12+$0x0], $0xffff  }
0x6eb: {  	v14 =	vor.u32 v46, v42;
	v6 =	vadd.f32 v6, v6;
	v60 =	vld [tilespmem:$0x1F460]  }
0x6ec: {  	v11 =	vmov v10;
	v10 =	vadd.f32 v56, v56;
	v56 =	vor.u32 v43, v27;
	v7 =	vld.idx.msk [tilespmem:v59+s12+$0x0], $0xffff  }
0x6ed: {  	v6 =	vadd.f32 v6, v32;
	v58 =	vor.u32 v43, v29;
	v2 =	vld.idx.msk [tilespmem:v62+s12+$0x0], $0xffff  }
0x6ee: {  	v59 =	vor.u32 v13, v42;
	v62 =	vld [tilespmem:$0x1F7E0]  }
0x6ef: {  	[tilespmem:v61+s20+$0x0] =	vst.idx.msk $0xffff, v6;
	v61 =	vadd.f32 v44, v44;
	v36 =	vadd.f32 v10, v32;
	v4 =	vld.idx.msk [tilespmem:v57+s12+$0x0], $0xffff  }
0x6f0: {  	v57 =	vld [tilespmem:$0x1F800]  }
0x6f1: {  	v6 =	vadd.f32 v61, v32;
	[tilespmem:v14+s20+$0x0] =	vst.idx.msk $0xffff, v36;
	v36 =	vld.idx.msk [tilespmem:v56+s12+$0x0], $0xffff  }
0x6f2: {  	v56 =	vld.idx.msk [tilespmem:v58+s12+$0x0], $0xffff  }
0x6f3: {  	v43 =	vor.u32 v43, v31;
	v14 =	vadd.f32 v17, v17;
	[tilespmem:v59+s20+$0x0] =	vst.idx.msk $0xffff, v6;
	v59 =	vld [tilespmem:$0x1F810]  }
0x6f4: {  	v61 =	vld [tilespmem:$0x1F820];
	v52 =	vor.u32 v60, v28;
	v17 =	vadd.f32 v45, v45  }
0x6f5: {  	v1 =	vadd.f32 v1, v1;
	v10 =	vor.u32 v62, v52;
	v37 =	vadd.f32 v14, v3;
	v14 =	vld [tilespmem:$0x1F830]  }
0x6f6: {  	v54 =	vor.u32 v53, v52;
	v7 =	vadd.f32 v7, v7;
	v53 =	vld [tilespmem:$0x1F3B0];
	v35 =	vadd.f32 v17, v32  }
0x6f7: {  	v2 =	vadd.f32 v2, v2;
	v58 =	vor.u32 v57, v52;
	v44 =	vadd.f32 v56, v56;
	v56 =	vld [tilespmem:$0x1F850]  }
0x6f8: {  	v6 =	vld.idx.msk [tilespmem:v43+s12+$0x0], $0xffff;
	v1 =	vadd.f32 v1, v3;
	v7 =	vadd.f32 v7, v3;
	v60 =	vor.u32 v59, v52  }
0x6f9: {  	v62 =	vor.u32 v61, v52;
	v4 =	vadd.f32 v4, v4;
	v2 =	vadd.f32 v2, v3  }
0x6fa: {  	v36 =	vadd.f32 v36, v36;
	[tilespmem:v10+s20+$0x0] =	vst.idx.msk $0xffff, v37;
	v17 =	vor.u32 v14, v52  }
0x6fb: {  	v40 =	vcombine.low v53, v50;
	[tilespmem:v54+s20+$0x0] =	vst.idx.msk $0xffff, v7;
	v54 =	vor.u32 v34, v52  }
0x6fc: {  	v36 =	vadd.f32 v36, v3;
	[tilespmem:v58+s20+$0x0] =	vst.idx.msk $0xffff, v1;
	v57 =	vor.u32 v56, v52  }
0x6fd: {  	v59 =	vadd.f32 v6, v6;
	v58 =	vadd.f32 v4, v3;
	[tilespmem:v60+s20+$0x0] =	vst.idx.msk $0xffff, v2;
	v60 =	vor.u32 s31, v40  }
0x6fe: {  	v61 =	vadd.f32 v44, v3;
	v14 =	vor.u32 v40, v24;
	[tilespmem:v62+s20+$0x0] =	vst.idx.msk $0xffff, v36  }
0x6ff: {  	v53 =	vld [tilespmem:$0x1F3D0];
	v10 =	vadd.f32 v59, v3;
	v41 =	vor.u32 v40, v30;
	[tilespmem:v17+s20+$0x0] =	vst.idx.msk $0xffff, v58  }
0x700: {  	v44 =	vor.u32 v40, v26;
	v52 =	vld [tilespmem:$0x1F3C0];
	[tilespmem:v54+s20+$0x0] =	vst.idx.msk $0xffff, v61  }
0x701: {  	[tilespmem:v57+s20+$0x0] =	vst.idx.msk $0xffff, v10;
	v57 =	vld [tilespmem:$0x1F450]  }
0x702: {  	v37 =	vor.u32 v20, v42;
	v45 =	vor.u32 v40, v27;
	v6 =	vld.idx.msk [tilespmem:v60+s8+$0x0], $0xffff  }
0x703: {  	v9 =	vadd.f32 v9, v9;
	v50 =	vor.u32 v40, v25;
	v3 =	vld.idx.msk [tilespmem:v14+s12+$0x0], $0xffff  }
0x704: {  	v38 =	vor.u32 v48, v42;
	v62 =	vor.u32 v40, v23;
	v1 =	vld.idx.msk [tilespmem:v41+s12+$0x0], $0xffff  }
0x705: {  	v43 =	vadd.f32 v9, v32;
	v56 =	vor.u32 v40, v31;
	v17 =	vor.u32 v33, v42;
	v9 =	vld.idx.msk [tilespmem:v44+s12+$0x0], $0xffff  }
0x706: {  	v5 =	vadd.f32 v5, v5;
	v8 =	vadd.f32 v8, v8;
	v42 =	vor.u32 v21, v42;
	v60 =	vld [tilespmem:$0x1F860]  }
0x707: {  	[tilespmem:v37+s20+$0x0] =	vst.idx.msk $0xffff, v35;
	v54 =	vor.u32 v40, v29;
	v4 =	vcombine.low v53, v52;
	v35 =	vld.idx.msk [tilespmem:v45+s12+$0x0], $0xffff  }
0x708: {  	v16 =	vmovc v0;
	v0 =	vmov v33;
	v5 =	vadd.f32 v5, v32;
	v47 =	vadd.f32 v8, v32;
	v8 =	vld.idx.msk [tilespmem:v50+s12+$0x0], $0xffff  }
0x709: {  	[tilespmem:v38+s20+$0x0] =	vst.idx.msk $0xffff, v43;
	v7 =	vld.idx.msk [tilespmem:v62+s12+$0x0], $0xffff;
	v59 =	vor.u32 v4, v23;
	v62 =	vor.u32 v4, v24  }
0x70a: {  	v2 =	vld.idx.msk [tilespmem:v56+s12+$0x0], $0xffff;
	v50 =	vor.u32 v4, v26;
	v52 =	vor.u32 v4, v27;
	[tilespmem:v17+s20+$0x0] =	vst.idx.msk $0xffff, v5  }
0x70b: {  	v58 =	vor.u32 s31, v4;
	v53 =	vor.u32 v4, v25;
	v17 =	vor.u32 v4, v30;
	[tilespmem:v42+s20+$0x0] =	vst.idx.msk $0xffff, v47  }
0x70c: {  	v5 =	vld.idx.msk [tilespmem:v54+s12+$0x0], $0xffff;
	v54 =	vor.u32 v4, v29;
	v4 =	vor.u32 v4, v31;
	v33 =	vor.u32 v57, v28  }
0x70d: {  	v61 =	vor.u32 v60, v33;
	v14 =	vor.u32 v63, v33;
	v3 =	vadd.f32 v3, v3  }
0x70e: {  	v10 =	vld [tilespmem:$0x1F3F0];
	v22 =	vor.u32 v22, v33;
	v1 =	vadd.f32 v1, v1;
	v7 =	vadd.f32 v7, v7  }
0x70f: {  	v56 =	vadd.f32 v9, v9;
	v57 =	vor.u32 v16, v33;
	v35 =	vadd.f32 v35, v35;
	v63 =	vld [tilespmem:$0x1F3E0]  }
0x710: {  	v60 =	vor.u32 v39, v33;
	v8 =	vadd.f32 v8, v8;
	v32 =	vld.idx.msk [tilespmem:v58+s8+$0x0], $0xffff;
	v7 =	vadd.f32 v7, v6  }
0x711: {  	v2 =	vadd.f32 v2, v2;
	v34 =	vld.idx.msk [tilespmem:v59+s12+$0x0], $0xffff;
	v58 =	vor.u32 v15, v33;
	v3 =	vadd.f32 v3, v6  }
0x712: {  	v59 =	vld.idx.msk [tilespmem:v62+s12+$0x0], $0xffff;
	v62 =	vor.u32 v55, v33;
	v1 =	vadd.f32 v1, v6;
	[tilespmem:v61+s20+$0x0] =	vst.idx.msk $0xffff, v7  }
0x713: {  	v41 =	vld.idx.msk [tilespmem:v50+s12+$0x0], $0xffff;
	v35 =	vadd.f32 v35, v6;
	v5 =	vadd.f32 v5, v5;
	[tilespmem:v14+s20+$0x0] =	vst.idx.msk $0xffff, v3  }
0x714: {  	v9 =	vld.idx.msk [tilespmem:v52+s12+$0x0], $0xffff;
	v3 =	vadd.f32 v56, v6;
	[tilespmem:v22+s20+$0x0] =	vst.idx.msk $0xffff, v1;
	v22 =	vcombine.low v10, v63  }
0x715: {  	v33 =	vor.u32 v12, v33;
	v42 =	vadd.f32 v8, v6;
	v2 =	vadd.f32 v2, v6;
	v4 =	vld.idx.msk [tilespmem:v4+s12+$0x0], $0xffff  }
0x716: {  	v47 =	vadd.f32 v5, v6;
	v6 =	vld.idx.msk [tilespmem:v54+s12+$0x0], $0xffff;
	[tilespmem:v57+s20+$0x0] =	vst.idx.msk $0xffff, v3;
	v45 =	vor.u32 s31, v22  }
0x717: {  	v54 =	vld [tilespmem:$0x1F550];
	[tilespmem:v58+s20+$0x0] =	vst.idx.msk $0xffff, v35;
	v50 =	vor.u32 v22, v23  }
0x718: {  	v61 =	vld.idx.msk [tilespmem:v17+s12+$0x0], $0xffff;
	v52 =	vor.u32 v22, v24;
	[tilespmem:v60+s20+$0x0] =	vst.idx.msk $0xffff, v42  }
0x719: {  	v35 =	vld.idx.msk [tilespmem:v53+s12+$0x0], $0xffff;
	v53 =	vor.u32 v22, v30;
	[tilespmem:v62+s20+$0x0] =	vst.idx.msk $0xffff, v47  }
0x71a: {  	v55 =	vor.u32 v22, v26;
	v62 =	vld [tilespmem:$0x1F440];
	[tilespmem:v33+s20+$0x0] =	vst.idx.msk $0xffff, v2  }
0x71b: {  	v34 =	vadd.f32 v34, v34;
	v36 =	vadd.f32 v59, v59;
	v57 =	vor.u32 v22, v27;
	v8 =	vld.idx.msk [tilespmem:v45+s8+$0x0], $0xffff  }
0x71c: {  	v9 =	vadd.f32 v9, v9;
	v39 =	vor.u32 v22, v31;
	v7 =	vor.u32 v54, v28;
	v5 =	vld.idx.msk [tilespmem:v50+s12+$0x0], $0xffff  }
0x71d: {  	v34 =	vadd.f32 v34, v32;
	v36 =	vadd.f32 v36, v32;
	v56 =	vor.u32 v49, v7;
	v3 =	vld.idx.msk [tilespmem:v52+s12+$0x0], $0xffff  }
0x71e: {  	v9 =	vadd.f32 v9, v32;
	v4 =	vadd.f32 v4, v4;
	v1 =	vld.idx.msk [tilespmem:v53+s12+$0x0], $0xffff  }
0x71f: {  	v60 =	vor.u32 v22, v25;
	v38 =	vadd.f32 v61, v61;
	v61 =	vor.u32 v22, v29;
	v2 =	vld.idx.msk [tilespmem:v55+s12+$0x0], $0xffff  }
0x720: {  	v54 =	vadd.f32 v41, v41;
	v6 =	vadd.f32 v6, v6;
	v58 =	vor.u32 v51, v7;
	v10 =	vld.idx.msk [tilespmem:v57+s12+$0x0], $0xffff  }
0x721: {  	v59 =	vor.u32 v18, v7;
	v63 =	vadd.f32 v38, v32;
	v39 =	vld.idx.msk [tilespmem:v39+s12+$0x0], $0xffff;
	v45 =	vor.u32 v62, v28  }
0x722: {  	v50 =	vld [tilespmem:$0x1F400];
	[tilespmem:v56+s20+$0x0] =	vst.idx.msk $0xffff, v34;
	v12 =	vor.u32 v11, v45;
	v14 =	vor.u32 v19, v45  }
0x723: {  	v52 =	vld [tilespmem:$0x1F410];
	v16 =	vor.u32 v46, v45;
	v19 =	vor.u32 v13, v45;
	v5 =	vadd.f32 v5, v5  }
0x724: {  	v57 =	vld [tilespmem:$0x1F9B0];
	v22 =	vor.u32 v20, v45;
	v46 =	vor.u32 v48, v45;
	v3 =	vadd.f32 v3, v3  }
0x725: {  	v15 =	vld.idx.msk [tilespmem:v60+s12+$0x0], $0xffff;
	[tilespmem:v58+s20+$0x0] =	vst.idx.msk $0xffff, v36;
	v1 =	vadd.f32 v1, v1;
	v5 =	vadd.f32 v5, v8  }
0x726: {  	v17 =	vld.idx.msk [tilespmem:v61+s12+$0x0], $0xffff;
	[tilespmem:v59+s20+$0x0] =	vst.idx.msk $0xffff, v63;
	v2 =	vadd.f32 v2, v2;
	v3 =	vadd.f32 v3, v8  }
0x727: {  	v61 =	vld [tilespmem:$0x1F9C0];
	v53 =	vor.u32 v0, v45;
	v1 =	vadd.f32 v1, v8;
	[tilespmem:v12+s20+$0x0] =	vst.idx.msk $0xffff, v5  }
0x728: {  	v56 =	vor.u32 v21, v45;
	v2 =	vadd.f32 v2, v8;
	[tilespmem:v14+s20+$0x0] =	vst.idx.msk $0xffff, v3  }
0x729: {  	v37 =	vadd.f32 v10, v10;
	v59 =	vadd.f32 v39, v39;
	[tilespmem:v16+s20+$0x0] =	vst.idx.msk $0xffff, v1  }
0x72a: {  	v47 =	vadd.f32 v15, v15;
	[tilespmem:v19+s20+$0x0] =	vst.idx.msk $0xffff, v2;
	v2 =	vcombine.low v52, v50  }
0x72b: {  	v58 =	vor.u32 v57, v7;
	v55 =	vadd.f32 v17, v17;
	v44 =	vadd.f32 v37, v8  }
0x72c: {  	v62 =	vor.u32 v61, v7;
	v48 =	vadd.f32 v47, v8;
	v60 =	vor.u32 s31, v2  }
0x72d: {  	v34 =	vadd.f32 v55, v8;
	v47 =	vld [tilespmem:$0x1F430];
	[tilespmem:v22+s20+$0x0] =	vst.idx.msk $0xffff, v44;
	v23 =	vor.u32 v2, v23  }
0x72e: {  	v3 =	vadd.f32 v59, v8;
	v19 =	vld [tilespmem:$0x1F9D0];
	[tilespmem:v46+s20+$0x0] =	vst.idx.msk $0xffff, v48;
	v24 =	vor.u32 v2, v24  }
0x72f: {  	v17 =	vadd.f32 v35, v35;
	v44 =	vld [tilespmem:$0x1F9E0];
	v63 =	vor.u32 v2, v30;
	[tilespmem:v53+s20+$0x0] =	vst.idx.msk $0xffff, v34  }
0x730: {  	v16 =	vadd.f32 v54, v32;
	v26 =	vor.u32 v2, v26;
	v46 =	vld [tilespmem:$0x1F9F0];
	[tilespmem:v56+s20+$0x0] =	vst.idx.msk $0xffff, v3  }
0x731: {  	v4 =	vadd.f32 v4, v32;
	v6 =	vadd.f32 v6, v32;
	v39 =	vor.u32 v2, v27;
	v34 =	vld.idx.msk [tilespmem:v60+s8+$0x0], $0xffff  }
0x732: {  	v40 =	vadd.f32 v17, v32;
	[tilespmem:v58+s20+$0x0] =	vst.idx.msk $0xffff, v16;
	v42 =	vor.u32 v2, v25;
	v38 =	vld.idx.msk [tilespmem:v23+s12+$0x0], $0xffff  }
0x733: {  	[tilespmem:v62+s20+$0x0] =	vst.idx.msk $0xffff, v9;
	v43 =	vor.u32 v2, v29;
	v36 =	vor.u32 v19, v7;
	v41 =	vld.idx.msk [tilespmem:v24+s12+$0x0], $0xffff  }
0x734: {  	v2 =	vor.u32 v2, v31;
	v27 =	vor.u32 v47, v28;
	v45 =	vor.u32 v44, v7;
	v5 =	vld.idx.msk [tilespmem:v63+s12+$0x0], $0xffff  }
0x735: {  	v49 =	vor.u32 v49, v27;
	v28 =	vor.u32 v51, v27;
	v7 =	vor.u32 v46, v7;
	v48 =	vld.idx.msk [tilespmem:v26+s12+$0x0], $0xffff  }
0x736: {  	v50 =	vor.u32 v18, v27;
	v54 =	vor.u32 v57, v27;
	v56 =	vor.u32 v61, v27;
	v3 =	vld.idx.msk [tilespmem:v39+s12+$0x0], $0xffff  }
0x737: {  	v58 =	vor.u32 v19, v27;
	v23 =	vld.idx.msk [tilespmem:v42+s12+$0x0], $0xffff;
	v60 =	vor.u32 v44, v27;
	v1 =	vadd.f32 v38, v38  }
0x738: {  	v51 =	vld.idx.msk [tilespmem:v43+s12+$0x0], $0xffff;
	v61 =	vor.u32 v46, v27;
	[tilespmem:v36+s20+$0x0] =	vst.idx.msk $0xffff, v40;
	v9 =	vadd.f32 v41, v41  }
0x739: {  	v2 =	vld.idx.msk [tilespmem:v2+s12+$0x0], $0xffff;
	[tilespmem:v45+s20+$0x0] =	vst.idx.msk $0xffff, v6;
	v5 =	vadd.f32 v5, v5;
	v1 =	vadd.f32 v1, v34  }
0x73a: {  	[tilespmem:v7+s20+$0x0] =	vst.idx.msk $0xffff, v4;
	v55 =	vadd.f32 v48, v48;
	v52 =	vadd.f32 v9, v34  }
0x73b: {  	v57 =	vadd.f32 v3, v3;
	v53 =	vadd.f32 v5, v34;
	[tilespmem:v49+s20+$0x0] =	vst.idx.msk $0xffff, v1  }
0x73c: {  	v59 =	vadd.f32 v23, v23;
	v4 =	vadd.f32 v55, v34;
	[tilespmem:v28+s20+$0x0] =	vst.idx.msk $0xffff, v52  }
0x73d: {  	v6 =	vadd.f32 v51, v51;
	v1 =	vadd.f32 v57, v34;
	[tilespmem:v50+s20+$0x0] =	vst.idx.msk $0xffff, v53  }
0x73e: {  	s28 =	sadd.s32 $0x200, s28;
	v2 =	vadd.f32 v2, v2;
	v62 =	vadd.f32 v59, v34;
	[tilespmem:v54+s20+$0x0] =	vst.idx.msk $0xffff, v4  }
0x73f: {  	p0 =	sne.s32 s28, $0x19000;
	v63 =	vadd.f32 v6, v34;
	[tilespmem:v56+s20+$0x0] =	vst.idx.msk $0xffff, v1  }
.Ltmp3:
0x740: {  	v2 =	vadd.f32 v2, v34;
	[tilespmem:v58+s20+$0x0] =	vst.idx.msk $0xffff, v62;
	(pc) =	sbr.rel @!p0 .LBB2_8-.Ltmp3, $4  }
0x741: {  	s31 =	sshll.u32 s1, $0xA;
	[tilespmem:v60+s20+$0x0] =	vst.idx.msk $0xffff, v63  }
0x742: {  	s24 =	sadd.s32 $0x80, s24;
	s0 =	sadd.s32 $0x16400, s31;
	[tilespmem:v61+s20+$0x0] =	vst.idx.msk $0xffff, v2  }
0x743: {  	[hbm4b:s26+s21] =	stream.strided.scatter [tilespmem:s0], [sflag:$0x2], $0x2000, s22, s21, $0x38;
	[tilespmem:$0x1D600] =	vst v63  }
0x744: {  	s25 =	sadd.s32 $0x8, s25;
	s29 =	sadd.s32 $0x1, s29;
	s26 =	sadd.s32 $0x8000, s26  }
.LBB2_2:
0x745: {  	s30 =	sand.u32 $0x3, s29  }
0x746: {  	p0 =	sne.s32 s30, $0x0  }
.Ltmp4:
0x747: {  	_ = 	snop;
	(pc) =	sbr.rel @p0 .LBB2_5-.Ltmp4, $1  }
0x748: {  	_ =	sdelay $0x3  }
0x749: {  	_ =	swait.ge [sflag:s18], $0x2000  }
0x74a: {  	[sflag:s18] =	ssyncset.done $0x0  }
0x74b: {  	[sflag:s18] =	ssyncadd.s32 $0xFFFFE000  }
0x74c: {  	_ =	swait.ge [sflag:s18], $0x2000  }
0x74d: {  	[sflag:s18] =	ssyncset.done $0x0  }
0x74e: {  	[sflag:s18] =	ssyncadd.s32 $0xFFFFE000  }
0x74f: {  	p0 =	sgt.u32 s29, $0xC3;
	_ =	swait.ge [sflag:s18], $0x2000  }
.Ltmp5:
0x750: {  	[sflag:s18] =	ssyncset.done $0x0;
	(pc) =	sbr.rel @p0 .LBB2_6-.Ltmp5, $4  }
0x751: {  	[sflag:s18] =	ssyncadd.s32 $0xFFFFE000  }
0x752: {  	_ =	swait.ge [sflag:s18], $0x2000  }
0x753: {  	[sflag:s18] =	ssyncset.done $0x0  }
0x754: {  	[sflag:s18] =	ssyncadd.s32 $0xFFFFE000  }
0x755: {  	s30 =	sand.u32 $0x4, s29  }
0x756: {  	s30 =	sshll.u32 s30, $0xD  }
0x757: {  	s31 =	sshra.s32 s28, $0x2;
	s30 =	sxor.u32 $0x8000, s30  }
0x758: {  	s1 =	sadd.s32 $0x200, s31;
	s0 =	sor.u32 $0x6400, s30  }
0x759: {  	[tilespmem:s0], [sflag:$0x1] =	stream.indirect.gather [hbm4b:s3+s10], $0x40, s1, s10, $0xb8;
	[tilespmem:$0x1D600] =	vst v63  }
0x75a: {  	s0 =	sadd.s32 $0x8400, s30;
	s1 =	sadd.s32 $0x280, s31  }
0x75b: {  	[tilespmem:s0], [sflag:$0x1] =	stream.indirect.gather [hbm4b:s3+s10], $0x40, s1, s10, $0xb8;
	[tilespmem:$0x1D600] =	vst v63  }
0x75c: {  	s0 =	sadd.s32 $0xA400, s30;
	s1 =	sadd.s32 $0x300, s31  }
0x75d: {  	[tilespmem:s0], [sflag:$0x1] =	stream.indirect.gather [hbm4b:s3+s10], $0x40, s1, s10, $0xb8;
	[tilespmem:$0x1D600] =	vst v63  }
0x75e: {  	s30 =	sadd.s32 $0xC400, s30;
	s31 =	sadd.s32 $0x380, s31  }
0x75f: {  	[tilespmem:s30], [sflag:$0x1] =	stream.indirect.gather [hbm4b:s3+s10], $0x40, s31, s10, $0xb8;
	[tilespmem:$0x1D600] =	vst v63  }
.LBB2_5:
0x760: {  	p0 =	slt.u32 s29, $0x2  }
.Ltmp6:
0x761: {  	_ = 	snop;
	(pc) =	sbr.rel @p0 .LBB2_7-.Ltmp6, $4  }
.Ltmp7:
0x762: {  	_ = 	snop;
	(pc) =	sbr.rel @!p0 .LBB2_6-.Ltmp7, $4  }
0x763: {  	_ = 	snop  }
0x764: {  	_ = 	snop  }
0x765: {  	_ = 	snop  }
0x766: {  	_ = 	snop  }
.LBB2_9:
0x767: {  	_ =	sfence.sel $0x180000  }
0x768: {  	[bflag:$0x0] =	sbarrier.arrive $0xFFFF  }
0x769: {  	_ =	strace $0x90000047  }
0x76a: {  	s0 =	stileid.u32;
	[bflag:$0x2] =	sbarrier.arrive $0xFFFF  }
0x76b: {  	p0 =	sne.s32 s0, $0x0;
	s0 =	rddreg [dreg:$0x2]  }
0x76c: {  	s0 =	sadd.s32 @!p0 $0x100000, s0  }
0x76d: {  	[sflag:s0] =	ssyncadd.tile.s32 @!p0 $0x1;
	_ =	shalt  }
.Lfunc_end2:
_tile_overlayer_lowered:
.L_overlay_start_2:
0x76e: {  	(tag) =	ssettag $0x2  }
0x76f: {  	s0 =	rddreg [dreg:$0x0];
	s2 =	stileid.u32  }
0x770: {  	s1 =	rddreg [dreg:$0x1];
	p0 =	sne.s32 s2, $0x0  }
0x771: {  	s3 =	rddreg [dreg:$0x2];
	[bflag:$0x3] =	sbarrier.arrive $0xFFFF;
	s2 =	simm.s32 @!p0 $0x1C03  }
0x772: {  	[timem:s3], [sflag:s2] =	dma.local @!p0 [hbm:s0], s1  }
0x773: {  	s0 =	simm.s32 @!p0 $0x3  }
0x774: {  	_ =	swait.ge @!p0 [sflag:s0], s1  }
0x775: {  	s1 =	ssub.s32 @!p0 $0x0, s1;
	[sflag:s0] =	ssyncset.done @!p0 $0x0  }
0x776: {  	[sflag:s0] =	ssyncadd.s32 @!p0 s1  }
0x777: {  	[bflag:$0x3] =	sbarrier.arrive $0xFFFF  }
0x778: {  	_ =	shalt  }

</sc_bundles>
